<compile_context>
chip_gen: v7x
topology: tpu7x:2x2x1
jax: 0.10.2.dev20260603
libtpu: 0.0.44.dev20260713+nightly
codegen_flags: <defaults>
</compile_context>

<pallas_src>
import functools

import jax
import jax.numpy as jnp
from jax import lax
from jax.experimental import pallas as pl
from jax.experimental.pallas import tpu as pltpu
from jax.experimental.pallas import tpu_sc as plsc

NME = 65536
NNZ_PER = 64
NNZ = NME * NNZ_PER
NDOF = 132098
NDOF_PAD = 132608
EMIN = 1e-09
EMAX = 1.0
PENAL = 3.0
VOLFRAC = 0.4

NC = 2
NS = 16
NW = NC * NS
L = 16

ROWS_TOTAL = NNZ // 128
ROWS_PER_W = ROWS_TOTAL // NW
CH_ROWS = 64
N_CH = ROWS_PER_W // CH_ROWS
E_PER_W = NME // NW
DOF_SLICE = NDOF_PAD // NS


def _sc_kernel(wx_hbm, ksep_hbm, ik_hbm, colsf_hbm, u_hbm, f_hbm,
               ku_out, rho_out,
               wx_v, scale_v,
               ksep0, rows0, cols0, uv0,
               ksep1, rows1, cols1, uv1,
               zbuf_v, fbuf_v, rho_v, ku_sh, u_sh,
               lsem0, lsem1, gsem0, gsem1, ssem0, ssem1):
    ksep_b = (ksep0, ksep1)
    rows_b = (rows0, rows1)
    cols_b = (cols0, cols1)
    uv_b = (uv0, uv1)
    lsem = (lsem0, lsem1)
    gsem = (gsem0, gsem1)
    ssem = (ssem0, ssem1)
    c = lax.axis_index("c")
    s = lax.axis_index("s")
    wid = s * NC + c

    pltpu.sync_copy(wx_hbm.at[pl.ds(wid * E_PER_W, E_PER_W)], wx_v)

    def scale_body(g, acc):
        x = wx_v[pl.ds(g * L, L)]
        rho = 1.0 / (1.0 + jnp.exp(-x))
        scale_v[pl.ds(g * L, L)] = EMIN + rho * rho * rho * (EMAX - EMIN)
        return acc + rho

    acc = lax.fori_loop(0, E_PER_W // L, scale_body,
                        jnp.zeros((L,), jnp.float32))
    rho_v[...] = acc
    pltpu.sync_copy(rho_v, rho_out.at[wid])

    def zero_body(i, _):
        zbuf_v[pl.ds(i * L, L)] = jnp.zeros((L,), jnp.float32)
        return 0

    lax.fori_loop(0, DOF_SLICE // L, zero_body, 0)
    pltpu.sync_copy(zbuf_v, ku_sh.at[pl.ds(s * DOF_SLICE, DOF_SLICE)])
    LAST = NDOF - (NS - 1) * DOF_SLICE
    LAST8 = LAST - (LAST % 8)
    u_lo = s * DOF_SLICE

    @pl.when(s < NS - 1)
    def _():
        pltpu.sync_copy(u_hbm.at[pl.ds(u_lo, DOF_SLICE)], zbuf_v)
        pltpu.sync_copy(zbuf_v, u_sh.at[pl.ds(u_lo, DOF_SLICE)])

    @pl.when(s == NS - 1)
    def _():
        lo = (NS - 1) * DOF_SLICE
        pltpu.sync_copy(u_hbm.at[pl.ds(lo, LAST8)],
                        zbuf_v.at[pl.ds(0, LAST8)])
        pltpu.sync_copy(u_hbm.at[pl.ds(lo + LAST8, LAST - LAST8)],
                        zbuf_v.at[pl.ds(LAST8, LAST - LAST8)])
        pltpu.sync_copy(zbuf_v.at[pl.ds(0, LAST8)],
                        u_sh.at[pl.ds(lo, LAST8)])
        pltpu.sync_copy(zbuf_v.at[pl.ds(LAST8, LAST - LAST8)],
                        u_sh.at[pl.ds(lo + LAST8, LAST - LAST8)])

    plsc.subcore_barrier()

    def lin_start(b, ch):
        rb = wid * ROWS_PER_W + ch * CH_ROWS
        pltpu.async_copy(ksep_hbm.at[pl.ds(rb, CH_ROWS)], ksep_b[b], lsem[b])
        pltpu.async_copy(ik_hbm.at[0, pl.ds(rb * 128, CH_ROWS * 128)],
                         rows_b[b], lsem[b])
        pltpu.async_copy(colsf_hbm.at[pl.ds(rb * 128, CH_ROWS * 128)],
                         cols_b[b], lsem[b])

    def lin_wait(b):
        pltpu.make_async_copy(
            ksep_hbm.at[pl.ds(0, CH_ROWS)], ksep_b[b], lsem[b]).wait()
        pltpu.make_async_copy(
            ik_hbm.at[0, pl.ds(0, CH_ROWS * 128)], rows_b[b], lsem[b]).wait()
        pltpu.make_async_copy(
            colsf_hbm.at[pl.ds(0, CH_ROWS * 128)], cols_b[b], lsem[b]).wait()

    def g_fire(b):
        pltpu.async_copy(u_sh.at[cols_b[b]], uv_b[b], gsem[b])

    def g_drain(b):
        pltpu.make_async_copy(
            ksep_hbm.at[pl.ds(0, CH_ROWS)], ksep_b[b], gsem[b]).wait()

    def s_fire(b):
        pltpu.async_copy(uv_b[b], ku_sh.at[rows_b[b]], ssem[b], add=True)

    def s_drain(b):
        pltpu.make_async_copy(
            ksep_hbm.at[pl.ds(0, CH_ROWS)], ksep_b[b], ssem[b]).wait()

    def compute(b, ch):
        def blk_body(blk, _):
            scale_vec = scale_v[pl.ds(2 * ch * CH_ROWS + blk * 16, 16)]
            for r8 in range(8):
                rr = blk * 8 + r8
                sc0 = jnp.take_along_axis(
                    scale_vec, jnp.full((L,), 2 * r8, jnp.int32),
                    axis=0, mode="promise_in_bounds")
                sc1 = jnp.take_along_axis(
                    scale_vec, jnp.full((L,), 2 * r8 + 1, jnp.int32),
                    axis=0, mode="promise_in_bounds")
                for j in range(8):
                    scv = sc0 if j < 4 else sc1
                    sl = pl.ds(rr * 128 + j * L, L)
                    uv_b[b][sl] = (ksep_b[b][rr, pl.ds(j * L, L)] * scv
                                   * uv_b[b][sl])
            return 0

        lax.fori_loop(0, CH_ROWS // 8, blk_body, 0)

    lin_start(0, 0)

    def pair_body(i, _):
        ch0 = 2 * i
        ch1 = 2 * i + 1
        lin_wait(0)
        g_fire(0)

        @pl.when(i > 0)
        def _():
            s_drain(1)

        lin_start(1, ch1)
        g_drain(0)
        compute(0, ch0)
        s_fire(0)
        lin_wait(1)
        g_fire(1)
        s_drain(0)

        @pl.when(ch0 + 2 < N_CH)
        def _():
            lin_start(0, ch0 + 2)

        g_drain(1)
        compute(1, ch1)
        s_fire(1)
        return 0

    lax.fori_loop(0, N_CH // 2, pair_body, 0)
    s_drain(1)
    plsc.subcore_barrier()

    base = s * DOF_SLICE
    pltpu.sync_copy(ku_sh.at[pl.ds(base, DOF_SLICE)], zbuf_v)

    @pl.when(c == 0)
    def _():
        @pl.when(s < NS - 1)
        def _():
            pltpu.sync_copy(f_hbm.at[pl.ds(base, DOF_SLICE)], fbuf_v)

        @pl.when(s == NS - 1)
        def _():
            def fz_body(i, _):
                fbuf_v[pl.ds(i * L, L)] = jnp.zeros((L,), jnp.float32)
                return 0
            lax.fori_loop(0, DOF_SLICE // L, fz_body, 0)
            lo = (NS - 1) * DOF_SLICE
            pltpu.sync_copy(f_hbm.at[pl.ds(lo, LAST8)],
                            fbuf_v.at[pl.ds(0, LAST8)])
            pltpu.sync_copy(f_hbm.at[pl.ds(lo + LAST8, LAST - LAST8)],
                            fbuf_v.at[pl.ds(LAST8, LAST - LAST8)])

        def sub_body(i, _):
            sl = pl.ds(i * L, L)
            zbuf_v[sl] = zbuf_v[sl] - fbuf_v[sl]
            return 0

        lax.fori_loop(0, DOF_SLICE // L, sub_body, 0)

    pltpu.sync_copy(zbuf_v, ku_out.at[pl.ds(c * NDOF_PAD + base, DOF_SLICE)])


@functools.partial(
    pl.kernel,
    out_type=(jax.ShapeDtypeStruct((NC * NDOF_PAD,), jnp.float32),
              jax.ShapeDtypeStruct((NW, L), jnp.float32)),
    mesh=plsc.VectorSubcoreMesh(core_axis_name="c", subcore_axis_name="s",
                                num_cores=NC, num_subcores=NS),
    scratch_types=[
        pltpu.VMEM((E_PER_W,), jnp.float32),
        pltpu.VMEM((E_PER_W,), jnp.float32),
        pltpu.VMEM((CH_ROWS, 128), jnp.float32),
        pltpu.VMEM((CH_ROWS * 128,), jnp.int32),
        pltpu.VMEM((CH_ROWS * 128,), jnp.int32),
        pltpu.VMEM((CH_ROWS * 128,), jnp.float32),
        pltpu.VMEM((CH_ROWS, 128), jnp.float32),
        pltpu.VMEM((CH_ROWS * 128,), jnp.int32),
        pltpu.VMEM((CH_ROWS * 128,), jnp.int32),
        pltpu.VMEM((CH_ROWS * 128,), jnp.float32),
        pltpu.VMEM((DOF_SLICE,), jnp.float32),
        pltpu.VMEM((DOF_SLICE,), jnp.float32),
        pltpu.VMEM((L,), jnp.float32),
        pltpu.VMEM_SHARED((NDOF_PAD,), jnp.float32),
        pltpu.VMEM_SHARED((NDOF_PAD,), jnp.float32),
        pltpu.SemaphoreType.DMA,
        pltpu.SemaphoreType.DMA,
        pltpu.SemaphoreType.DMA,
        pltpu.SemaphoreType.DMA,
        pltpu.SemaphoreType.DMA,
        pltpu.SemaphoreType.DMA,
    ],
)
def _sc_call(wx, ksep, ik, colsf, u, f, ku_out, rho_out, *scratch):
    _sc_kernel(wx, ksep, ik, colsf, u, f, ku_out, rho_out, *scratch)


def _tc_reduce(ku0_ref, ku1_ref, rho_ref, out_ref):
    d = ku0_ref[...] + ku1_ref[...]
    ss = jnp.sum(d * d)
    rho_mean = jnp.sum(rho_ref[...]) / NME
    loss = jnp.maximum(rho_mean - VOLFRAC, 0.0) + jnp.sqrt(ss)
    out_ref[...] = jnp.broadcast_to(loss, (1, 1))


def kernel(W_x, K_sep, indeces_K, u, f):
    ksep2d = K_sep.reshape(ROWS_TOTAL, 128)
    cols_flat = indeces_K[1]
    ku_parts, rho_parts = _sc_call(W_x, ksep2d, indeces_K, cols_flat, u, f)

    loss2d = pl.pallas_call(
        _tc_reduce,
        out_shape=jax.ShapeDtypeStruct((1, 1), jnp.float32),
    )(ku_parts[:NDOF_PAD].reshape(NDOF_PAD // 128, 128),
      ku_parts[NDOF_PAD:].reshape(NDOF_PAD // 128, 128),
      rho_parts.reshape(NW * L // 128, 128))
    return loss2d[0, 0]

# --- scband reference (transcript-rebuilt; emitter-appended) ---
"""Pipeline reference for scband-simp-admm-22419729285763 (READ-ONLY COPY).

The authoritative reference and input builder live on the scoring server;
editing this copy changes nothing except your own understanding.
"""

import jax, jax.numpy as jnp
import numpy as np

NME = 65536
NNZ_PER = 64
NDOF = 132098
EMIN = 1e-09
EMAX = 1.0
PENAL = 3.0
VOLFRAC = 0.4
GAMMA_2 = 1.0


def setup_inputs(seed: int = 0) -> dict:
    key = jax.random.key(seed)
    k1, k2, k3, k4, k5 = jax.random.split(key, 5)
    # W_x initialized at logit(volfrac) like the torch module, plus tiny noise
    logit_v = float(np.log(VOLFRAC / (1.0 - VOLFRAC)))
    W_x = jnp.full((NME,), logit_v, dtype=jnp.float32) + 0.01 * jax.random.normal(k1, (NME,), dtype=jnp.float32)
    # per-element stiffness entries (flattened 8x8 local matrices)
    K_sep = jax.random.normal(k2, (NME, NNZ_PER), dtype=jnp.float32)
    # COO (row, col) indices of the assembled global stiffness matrix
    indeces_K = jax.random.randint(k3, (2, NME * NNZ_PER), 0, NDOF, dtype=jnp.int32)
    # displacement vector u and load vector f
    u = jax.random.normal(k4, (NDOF,), dtype=jnp.float32)
    f = jax.random.normal(k5, (NDOF,), dtype=jnp.float32)
    return {"W_x": W_x, "K_sep": K_sep, "indeces_K": indeces_K, "u": u, "f": f}


def reference(W_x, K_sep, indeces_K, u, f):
    # rho = sigmoid(W_x)
    rho = jax.nn.sigmoid(W_x)
    # volume-fraction penalty
    vofrac_loss = jax.nn.relu(jnp.mean(rho) - VOLFRAC)
    # SIMP material interpolation: sK = (K_sep.T * (Emin + rho^p (Emax-Emin))).T.flatten()
    scale = EMIN + (rho ** PENAL) * (EMAX - EMIN)
    sK = (K_sep * scale[:, None]).reshape(-1)
    # sparse COO matvec K @ u via gather + scatter-add
    rows = indeces_K[0]
    cols = indeces_K[1]
    Ku = jnp.zeros((NDOF,), dtype=sK.dtype).at[rows].add(sK * u[cols])
    # equilibrium residual norm ||K u - f||
    confidence_loss = jnp.linalg.norm(Ku - f)
    loss = vofrac_loss + GAMMA_2 * confidence_loss
    return loss

if __name__ == "__main__":
    import jax
    _d = setup_inputs()
    print(jax.jit(kernel)(*tuple(_d.values())))

</pallas_src>

<mosaic_0001>
#map = affine_map<(d0, d1) -> (0)>
#map1 = affine_map<(d0, d1) -> (0, 0)>
module attributes {stable_mosaic.version = 14 : i64} {
  func.func @_sc_call(%arg0: i32, %arg1: i32, %arg2: memref<65536xf32, #tpu.memory_space<hbm>>, %arg3: memref<32768x128xf32, #tpu.memory_space<hbm>>, %arg4: memref<2x4194304xi32, #tpu.memory_space<hbm>>, %arg5: memref<4194304xi32, #tpu.memory_space<hbm>>, %arg6: memref<132098xf32, #tpu.memory_space<hbm>>, %arg7: memref<132098xf32, #tpu.memory_space<hbm>>, %arg8: memref<265216xf32, #tpu.memory_space<hbm>>, %arg9: memref<32x16xf32, #tpu.memory_space<hbm>>, %arg10: memref<2048xf32, #tpu.memory_space<vmem>>, %arg11: memref<2048xf32, #tpu.memory_space<vmem>>, %arg12: memref<64x128xf32, #tpu.memory_space<vmem>>, %arg13: memref<8192xi32, #tpu.memory_space<vmem>>, %arg14: memref<8192xi32, #tpu.memory_space<vmem>>, %arg15: memref<8192xf32, #tpu.memory_space<vmem>>, %arg16: memref<64x128xf32, #tpu.memory_space<vmem>>, %arg17: memref<8192xi32, #tpu.memory_space<vmem>>, %arg18: memref<8192xi32, #tpu.memory_space<vmem>>, %arg19: memref<8192xf32, #tpu.memory_space<vmem>>, %arg20: memref<8288xf32, #tpu.memory_space<vmem>>, %arg21: memref<8288xf32, #tpu.memory_space<vmem>>, %arg22: memref<16xf32, #tpu.memory_space<vmem>>, %arg23: memref<132608xf32, #tpu.memory_space<vmem_shared>>, %arg24: memref<132608xf32, #tpu.memory_space<vmem_shared>>, %arg25: memref<!tpu.dma_semaphore, #tpu.memory_space<semaphore_mem>>, %arg26: memref<!tpu.dma_semaphore, #tpu.memory_space<semaphore_mem>>, %arg27: memref<!tpu.dma_semaphore, #tpu.memory_space<semaphore_mem>>, %arg28: memref<!tpu.dma_semaphore, #tpu.memory_space<semaphore_mem>>, %arg29: memref<!tpu.dma_semaphore, #tpu.memory_space<semaphore_mem>>, %arg30: memref<!tpu.dma_semaphore, #tpu.memory_space<semaphore_mem>>) attributes {dimension_semantics = [#tpu.dimension_semantics<core_parallel>, #tpu.dimension_semantics<subcore_parallel>], iteration_bounds = array<i64: 2, 16>, scalar_prefetch = 0 : i64, scratch_operands = 21 : i64, tpu.core_type = #tpu.core_type<sc_vector_subcore>, window_params = [{transform_indices = #map}, {transform_indices = #map1}, {transform_indices = #map1}, {transform_indices = #map}, {transform_indices = #map}, {transform_indices = #map}, {transform_indices = #map}, {transform_indices = #map1}]} {
    %mul3A = arith.constant 2 : i32
    %mul3A_0 = arith.muli %arg1, %mul3A : i32
    %add3A = arith.addi %mul3A_0, %arg0 : i32
    %mul3A_1 = arith.constant 2048 : i32
    %mul3A_2 = arith.muli %add3A, %mul3A_1 : i32
    "tpu.region"() ({
      %run_scoped3A = tpu.sem_alloc : memref<!tpu.dma_semaphore, #tpu.memory_space<semaphore_mem>>
      %dma_start3A_70 = tpu.memref_slice %arg2[%mul3A_2] : memref<65536xf32, #tpu.memory_space<hbm>> -> memref<2048xf32, #tpu.memory_space<hbm>>
      %dma_start3A_71 = tpu.memref_slice %arg2[%mul3A_2] : memref<65536xf32, #tpu.memory_space<hbm>> -> memref<2048xf32, #tpu.memory_space<hbm>>
      tpu.enqueue_dma source(%dma_start3A_71 : memref<2048xf32, #tpu.memory_space<hbm>>) target(%arg10 : memref<2048xf32, #tpu.memory_space<vmem>>) target_semaphore(%run_scoped3A : memref<!tpu.dma_semaphore, #tpu.memory_space<semaphore_mem>>)
      %dma_wait3A_72 = tpu.memref_slice %arg2[%mul3A_2] : memref<65536xf32, #tpu.memory_space<hbm>> -> memref<2048xf32, #tpu.memory_space<hbm>>
      %dma_wait3A_73 = tpu.memref_slice %arg2[%mul3A_2] : memref<65536xf32, #tpu.memory_space<hbm>> -> memref<2048xf32, #tpu.memory_space<hbm>>
      tpu.wait_dma2 semaphore(%run_scoped3A : memref<!tpu.dma_semaphore, #tpu.memory_space<semaphore_mem>>) src(%dma_wait3A_73 : memref<2048xf32, #tpu.memory_space<hbm>>) dst(%arg10 : memref<2048xf32, #tpu.memory_space<vmem>>)
      tpu.yield
    }) : () -> ()
    %broadcast_in_dim3A = arith.constant 0.000000e+00 : f32
    %broadcast_in_dim3A_3 = vector.broadcast %broadcast_in_dim3A : f32 to vector<16xf32>
    %scan3A = arith.constant 0 : i32
    %scan3A_4 = arith.constant 128 : i32
    %scan3A_5 = arith.addi %scan3A, %scan3A_4 : i32
    %scan3A_6 = arith.constant 1 : i32
    %scan3A_7 = scf.for %scan3A_70 = %scan3A to %scan3A_5 step %scan3A_6 iter_args(%scan3A_71 = %broadcast_in_dim3A_3) -> (vector<16xf32>)  : i32 {
      %mul3A_72 = arith.constant 16 : i32
      %mul3A_73 = arith.muli %scan3A_70, %mul3A_72 : i32
      %get3A = arith.index_cast %mul3A_73 : i32 to index
      %get3A_74 = tpu.vector_load %arg10[%get3A] {strides = array<i32>} : memref<2048xf32, #tpu.memory_space<vmem>>, vector<16xf32>,
      %get3A_75 = vector.shape_cast %get3A_74 : vector<16xf32> to vector<16xf32>
      %neg3A = arith.constant 0.000000e+00 : f32
      %neg3A_76 = vector.broadcast %neg3A : f32 to vector<16xf32>
      %neg3A_77 = arith.subf %neg3A_76, %get3A_75 : vector<16xf32>
      %exp3A = math.exp %neg3A_77 : vector<16xf32>
      %add3A_78 = arith.constant 1.000000e+00 : f32
      %add3A_79 = vector.broadcast %add3A_78 : f32 to vector<16xf32>
      %add3A_80 = arith.addf %add3A_79, %exp3A : vector<16xf32>
      %div3A = arith.constant 1.000000e+00 : f32
      %div3A_81 = vector.broadcast %div3A : f32 to vector<16xf32>
      %div3A_82 = arith.divf %div3A_81, %add3A_80 : vector<16xf32>
      %mul3A_83 = arith.mulf %div3A_82, %div3A_82 : vector<16xf32>
      %mul3A_84 = arith.mulf %mul3A_83, %div3A_82 : vector<16xf32>
      %mul3A_85 = arith.constant 1.000000e+00 : f32
      %mul3A_86 = vector.broadcast %mul3A_85 : f32 to vector<16xf32>
      %mul3A_87 = arith.mulf %mul3A_84, %mul3A_86 : vector<16xf32>
      %add3A_88 = arith.constant 9.99999971E-10 : f32
      %add3A_89 = vector.broadcast %add3A_88 : f32 to vector<16xf32>
      %add3A_90 = arith.addf %add3A_89, %mul3A_87 : vector<16xf32>
      %mul3A_91 = arith.constant 16 : i32
      %mul3A_92 = arith.muli %scan3A_70, %mul3A_91 : i32
      %swap3A_93 = arith.index_cast %mul3A_92 : i32 to index
      %swap3A_94 = tpu.vector_load %arg11[%swap3A_93] {strides = array<i32>} : memref<2048xf32, #tpu.memory_space<vmem>>, vector<16xf32>,
      %swap3A_95 = vector.shape_cast %swap3A_94 : vector<16xf32> to vector<16xf32>
      %swap3A_96 = vector.shape_cast %add3A_90 : vector<16xf32> to vector<16xf32>
      tpu.vector_store %arg11[%swap3A_93], %swap3A_96 {strides = array<i32>} : memref<2048xf32, #tpu.memory_space<vmem>>, vector<16xf32>,
      %add3A_97 = arith.addf %scan3A_71, %div3A_82 : vector<16xf32>
      scf.yield %add3A_97 : vector<16xf32>
    }
    %scan3A_8 = arith.constant 128 : i32
    %swap3A = arith.constant 0 : index
    %swap3A_9 = tpu.vector_load %arg22[%swap3A] {strides = array<i32>} : memref<16xf32, #tpu.memory_space<vmem>>, vector<16xf32>,
    %swap3A_10 = vector.shape_cast %swap3A_9 : vector<16xf32> to vector<16xf32>
    %swap3A_11 = vector.shape_cast %scan3A_7 : vector<16xf32> to vector<16xf32>
    tpu.vector_store %arg22[%swap3A], %swap3A_11 {strides = array<i32>} : memref<16xf32, #tpu.memory_space<vmem>>, vector<16xf32>,
    "tpu.region"() ({
      %run_scoped3A = tpu.sem_alloc : memref<!tpu.dma_semaphore, #tpu.memory_space<semaphore_mem>>
      %dma_start3A_70 = arith.constant 0 : i32
      %dma_start3A_71 = tpu.memref_slice %arg9[%add3A, %dma_start3A_70] : memref<32x16xf32, #tpu.memory_space<hbm>> -> memref<1x16xf32, #tpu.memory_space<hbm>>
      %dma_start3A_72 = tpu.memref_squeeze %dma_start3A_71 : memref<1x16xf32, #tpu.memory_space<hbm>> -> memref<16xf32, #tpu.memory_space<hbm>>
      %dma_start3A_73 = arith.constant 0 : i32
      %dma_start3A_74 = tpu.memref_slice %arg9[%add3A, %dma_start3A_73] : memref<32x16xf32, #tpu.memory_space<hbm>> -> memref<1x16xf32, #tpu.memory_space<hbm>>
      %dma_start3A_75 = tpu.memref_squeeze %dma_start3A_74 : memref<1x16xf32, #tpu.memory_space<hbm>> -> memref<16xf32, #tpu.memory_space<hbm>>
      tpu.enqueue_dma source(%arg22 : memref<16xf32, #tpu.memory_space<vmem>>) target(%dma_start3A_75 : memref<16xf32, #tpu.memory_space<hbm>>) target_semaphore(%run_scoped3A : memref<!tpu.dma_semaphore, #tpu.memory_space<semaphore_mem>>)
      %dma_wait3A_76 = arith.constant 0 : i32
      %dma_wait3A_77 = tpu.memref_slice %arg9[%add3A, %dma_wait3A_76] : memref<32x16xf32, #tpu.memory_space<hbm>> -> memref<1x16xf32, #tpu.memory_space<hbm>>
      %dma_wait3A_78 = tpu.memref_squeeze %dma_wait3A_77 : memref<1x16xf32, #tpu.memory_space<hbm>> -> memref<16xf32, #tpu.memory_space<hbm>>
      %dma_wait3A_79 = arith.constant 0 : i32
      %dma_wait3A_80 = tpu.memref_slice %arg9[%add3A, %dma_wait3A_79] : memref<32x16xf32, #tpu.memory_space<hbm>> -> memref<1x16xf32, #tpu.memory_space<hbm>>
      %dma_wait3A_81 = tpu.memref_squeeze %dma_wait3A_80 : memref<1x16xf32, #tpu.memory_space<hbm>> -> memref<16xf32, #tpu.memory_space<hbm>>
      tpu.wait_dma2 semaphore(%run_scoped3A : memref<!tpu.dma_semaphore, #tpu.memory_space<semaphore_mem>>) src(%arg22 : memref<16xf32, #tpu.memory_space<vmem>>) dst(%dma_wait3A_81 : memref<16xf32, #tpu.memory_space<hbm>>)
      tpu.yield
    }) : () -> ()
    %scan3A_12 = arith.constant 0 : i32
    %scan3A_13 = arith.constant 0 : i32
    %scan3A_14 = arith.constant 518 : i32
    %scan3A_15 = arith.addi %scan3A_13, %scan3A_14 : i32
    %scan3A_16 = arith.constant 1 : i32
    %scan3A_17 = scf.for %scan3A_70 = %scan3A_13 to %scan3A_15 step %scan3A_16 iter_args(%scan3A_71 = %scan3A_12) -> (i32)  : i32 {
      %broadcast_in_dim3A_72 = arith.constant 0.000000e+00 : f32
      %broadcast_in_dim3A_73 = vector.broadcast %broadcast_in_dim3A_72 : f32 to vector<16xf32>
      %mul3A_74 = arith.constant 16 : i32
      %mul3A_75 = arith.muli %scan3A_70, %mul3A_74 : i32
      %swap3A_76 = arith.index_cast %mul3A_75 : i32 to index
      %swap3A_77 = tpu.vector_load %arg20[%swap3A_76] {strides = array<i32>} : memref<8288xf32, #tpu.memory_space<vmem>>, vector<16xf32>,
      %swap3A_78 = vector.shape_cast %swap3A_77 : vector<16xf32> to vector<16xf32>
      %swap3A_79 = vector.shape_cast %broadcast_in_dim3A_73 : vector<16xf32> to vector<16xf32>
      tpu.vector_store %arg20[%swap3A_76], %swap3A_79 {strides = array<i32>} : memref<8288xf32, #tpu.memory_space<vmem>>, vector<16xf32>,
      %scan3A_80 = arith.constant 0 : i32
      scf.yield %scan3A_80 : i32
    }
    %scan3A_18 = arith.constant 518 : i32
    %mul3A_19 = arith.constant 8288 : i32
    %mul3A_20 = arith.muli %arg1, %mul3A_19 : i32
    "tpu.region"() ({
      %run_scoped3A = tpu.sem_alloc : memref<!tpu.dma_semaphore, #tpu.memory_space<semaphore_mem>>
      %dma_start3A_70 = tpu.memref_slice %arg23[%mul3A_20] : memref<132608xf32, #tpu.memory_space<vmem_shared>> -> memref<8288xf32, #tpu.memory_space<vmem_shared>>
      %dma_start3A_71 = tpu.memref_slice %arg23[%mul3A_20] : memref<132608xf32, #tpu.memory_space<vmem_shared>> -> memref<8288xf32, #tpu.memory_space<vmem_shared>>
      tpu.enqueue_dma source(%arg20 : memref<8288xf32, #tpu.memory_space<vmem>>) target(%dma_start3A_71 : memref<8288xf32, #tpu.memory_space<vmem_shared>>) target_semaphore(%run_scoped3A : memref<!tpu.dma_semaphore, #tpu.memory_space<semaphore_mem>>)
      %dma_wait3A_72 = tpu.memref_slice %arg23[%mul3A_20] : memref<132608xf32, #tpu.memory_space<vmem_shared>> -> memref<8288xf32, #tpu.memory_space<vmem_shared>>
      %dma_wait3A_73 = tpu.memref_slice %arg23[%mul3A_20] : memref<132608xf32, #tpu.memory_space<vmem_shared>> -> memref<8288xf32, #tpu.memory_space<vmem_shared>>
      tpu.wait_dma2 semaphore(%run_scoped3A : memref<!tpu.dma_semaphore, #tpu.memory_space<semaphore_mem>>) src(%arg20 : memref<8288xf32, #tpu.memory_space<vmem>>) dst(%dma_wait3A_73 : memref<8288xf32, #tpu.memory_space<vmem_shared>>)
      tpu.yield
    }) : () -> ()
    %mul3A_21 = arith.constant 8288 : i32
    %mul3A_22 = arith.muli %arg1, %mul3A_21 : i32
    %lt3A = arith.constant 15 : i32
    %lt3A_23 = arith.cmpi slt, %arg1, %lt3A : i32
    %convert_element_type3A = arith.extui %lt3A_23 : i1 to i32
    %cond3A = arith.constant 0 : i32
    %cond3A_24 = arith.cmpi ne, %convert_element_type3A, %cond3A : i32
    scf.if %cond3A_24 {
      "tpu.region"() ({
        %run_scoped3A = tpu.sem_alloc : memref<!tpu.dma_semaphore, #tpu.memory_space<semaphore_mem>>
        %dma_start3A_70 = tpu.memref_slice %arg6[%mul3A_22] : memref<132098xf32, #tpu.memory_space<hbm>> -> memref<8288xf32, #tpu.memory_space<hbm>>
        %dma_start3A_71 = tpu.memref_slice %arg6[%mul3A_22] : memref<132098xf32, #tpu.memory_space<hbm>> -> memref<8288xf32, #tpu.memory_space<hbm>>
        tpu.enqueue_dma source(%dma_start3A_71 : memref<8288xf32, #tpu.memory_space<hbm>>) target(%arg20 : memref<8288xf32, #tpu.memory_space<vmem>>) target_semaphore(%run_scoped3A : memref<!tpu.dma_semaphore, #tpu.memory_space<semaphore_mem>>)
        %dma_wait3A_72 = tpu.memref_slice %arg6[%mul3A_22] : memref<132098xf32, #tpu.memory_space<hbm>> -> memref<8288xf32, #tpu.memory_space<hbm>>
        %dma_wait3A_73 = tpu.memref_slice %arg6[%mul3A_22] : memref<132098xf32, #tpu.memory_space<hbm>> -> memref<8288xf32, #tpu.memory_space<hbm>>
        tpu.wait_dma2 semaphore(%run_scoped3A : memref<!tpu.dma_semaphore, #tpu.memory_space<semaphore_mem>>) src(%dma_wait3A_73 : memref<8288xf32, #tpu.memory_space<hbm>>) dst(%arg20 : memref<8288xf32, #tpu.memory_space<vmem>>)
        tpu.yield
      }) : () -> ()
      "tpu.region"() ({
        %run_scoped3A = tpu.sem_alloc : memref<!tpu.dma_semaphore, #tpu.memory_space<semaphore_mem>>
        %dma_start3A_70 = tpu.memref_slice %arg24[%mul3A_22] : memref<132608xf32, #tpu.memory_space<vmem_shared>> -> memref<8288xf32, #tpu.memory_space<vmem_shared>>
        %dma_start3A_71 = tpu.memref_slice %arg24[%mul3A_22] : memref<132608xf32, #tpu.memory_space<vmem_shared>> -> memref<8288xf32, #tpu.memory_space<vmem_shared>>
        tpu.enqueue_dma source(%arg20 : memref<8288xf32, #tpu.memory_space<vmem>>) target(%dma_start3A_71 : memref<8288xf32, #tpu.memory_space<vmem_shared>>) target_semaphore(%run_scoped3A : memref<!tpu.dma_semaphore, #tpu.memory_space<semaphore_mem>>)
        %dma_wait3A_72 = tpu.memref_slice %arg24[%mul3A_22] : memref<132608xf32, #tpu.memory_space<vmem_shared>> -> memref<8288xf32, #tpu.memory_space<vmem_shared>>
        %dma_wait3A_73 = tpu.memref_slice %arg24[%mul3A_22] : memref<132608xf32, #tpu.memory_space<vmem_shared>> -> memref<8288xf32, #tpu.memory_space<vmem_shared>>
        tpu.wait_dma2 semaphore(%run_scoped3A : memref<!tpu.dma_semaphore, #tpu.memory_space<semaphore_mem>>) src(%arg20 : memref<8288xf32, #tpu.memory_space<vmem>>) dst(%dma_wait3A_73 : memref<8288xf32, #tpu.memory_space<vmem_shared>>)
        tpu.yield
      }) : () -> ()
    } else {
    }
    %eq3A = arith.constant 15 : i32
    %eq3A_25 = arith.cmpi eq, %arg1, %eq3A : i32
    %convert_element_type3A_26 = arith.extui %eq3A_25 : i1 to i32
    %cond3A_27 = arith.constant 0 : i32
    %cond3A_28 = arith.cmpi ne, %convert_element_type3A_26, %cond3A_27 : i32
    scf.if %cond3A_28 {
      "tpu.region"() ({
        %run_scoped3A = tpu.sem_alloc : memref<!tpu.dma_semaphore, #tpu.memory_space<semaphore_mem>>
        %dma_start3A_70 = arith.constant 0 : i32
        %dma_start3A_71 = tpu.memref_slice %arg20[%dma_start3A_70] : memref<8288xf32, #tpu.memory_space<vmem>> -> memref<7776xf32, #tpu.memory_space<vmem>>
        %dma_start3A_72 = arith.constant 124320 : i32
        %dma_start3A_73 = tpu.memref_slice %arg6[%dma_start3A_72] : memref<132098xf32, #tpu.memory_space<hbm>> -> memref<7776xf32, #tpu.memory_space<hbm>>
        %dma_start3A_74 = arith.constant 0 : i32
        %dma_start3A_75 = tpu.memref_slice %arg20[%dma_start3A_74] : memref<8288xf32, #tpu.memory_space<vmem>> -> memref<7776xf32, #tpu.memory_space<vmem>>
        %dma_start3A_76 = arith.constant 124320 : i32
        %dma_start3A_77 = tpu.memref_slice %arg6[%dma_start3A_76] : memref<132098xf32, #tpu.memory_space<hbm>> -> memref<7776xf32, #tpu.memory_space<hbm>>
        tpu.enqueue_dma source(%dma_start3A_77 : memref<7776xf32, #tpu.memory_space<hbm>>) target(%dma_start3A_75 : memref<7776xf32, #tpu.memory_space<vmem>>) target_semaphore(%run_scoped3A : memref<!tpu.dma_semaphore, #tpu.memory_space<semaphore_mem>>)
        %dma_wait3A_78 = arith.constant 0 : i32
        %dma_wait3A_79 = tpu.memref_slice %arg20[%dma_wait3A_78] : memref<8288xf32, #tpu.memory_space<vmem>> -> memref<7776xf32, #tpu.memory_space<vmem>>
        %dma_wait3A_80 = arith.constant 124320 : i32
        %dma_wait3A_81 = tpu.memref_slice %arg6[%dma_wait3A_80] : memref<132098xf32, #tpu.memory_space<hbm>> -> memref<7776xf32, #tpu.memory_space<hbm>>
        %dma_wait3A_82 = arith.constant 0 : i32
        %dma_wait3A_83 = tpu.memref_slice %arg20[%dma_wait3A_82] : memref<8288xf32, #tpu.memory_space<vmem>> -> memref<7776xf32, #tpu.memory_space<vmem>>
        %dma_wait3A_84 = arith.constant 124320 : i32
        %dma_wait3A_85 = tpu.memref_slice %arg6[%dma_wait3A_84] : memref<132098xf32, #tpu.memory_space<hbm>> -> memref<7776xf32, #tpu.memory_space<hbm>>
        tpu.wait_dma2 semaphore(%run_scoped3A : memref<!tpu.dma_semaphore, #tpu.memory_space<semaphore_mem>>) src(%dma_wait3A_85 : memref<7776xf32, #tpu.memory_space<hbm>>) dst(%dma_wait3A_83 : memref<7776xf32, #tpu.memory_space<vmem>>)
        tpu.yield
      }) : () -> ()
      "tpu.region"() ({
        %run_scoped3A = tpu.sem_alloc : memref<!tpu.dma_semaphore, #tpu.memory_space<semaphore_mem>>
        %dma_start3A_70 = arith.constant 7776 : i32
        %dma_start3A_71 = tpu.memref_slice %arg20[%dma_start3A_70] : memref<8288xf32, #tpu.memory_space<vmem>> -> memref<2xf32, #tpu.memory_space<vmem>>
        %dma_start3A_72 = arith.constant 132096 : i32
        %dma_start3A_73 = tpu.memref_slice %arg6[%dma_start3A_72] : memref<132098xf32, #tpu.memory_space<hbm>> -> memref<2xf32, #tpu.memory_space<hbm>>
        %dma_start3A_74 = arith.constant 7776 : i32
        %dma_start3A_75 = tpu.memref_slice %arg20[%dma_start3A_74] : memref<8288xf32, #tpu.memory_space<vmem>> -> memref<2xf32, #tpu.memory_space<vmem>>
        %dma_start3A_76 = arith.constant 132096 : i32
        %dma_start3A_77 = tpu.memref_slice %arg6[%dma_start3A_76] : memref<132098xf32, #tpu.memory_space<hbm>> -> memref<2xf32, #tpu.memory_space<hbm>>
        tpu.enqueue_dma source(%dma_start3A_77 : memref<2xf32, #tpu.memory_space<hbm>>) target(%dma_start3A_75 : memref<2xf32, #tpu.memory_space<vmem>>) target_semaphore(%run_scoped3A : memref<!tpu.dma_semaphore, #tpu.memory_space<semaphore_mem>>)
        %dma_wait3A_78 = arith.constant 7776 : i32
        %dma_wait3A_79 = tpu.memref_slice %arg20[%dma_wait3A_78] : memref<8288xf32, #tpu.memory_space<vmem>> -> memref<2xf32, #tpu.memory_space<vmem>>
        %dma_wait3A_80 = arith.constant 132096 : i32
        %dma_wait3A_81 = tpu.memref_slice %arg6[%dma_wait3A_80] : memref<132098xf32, #tpu.memory_space<hbm>> -> memref<2xf32, #tpu.memory_space<hbm>>
        %dma_wait3A_82 = arith.constant 7776 : i32
        %dma_wait3A_83 = tpu.memref_slice %arg20[%dma_wait3A_82] : memref<8288xf32, #tpu.memory_space<vmem>> -> memref<2xf32, #tpu.memory_space<vmem>>
        %dma_wait3A_84 = arith.constant 132096 : i32
        %dma_wait3A_85 = tpu.memref_slice %arg6[%dma_wait3A_84] : memref<132098xf32, #tpu.memory_space<hbm>> -> memref<2xf32, #tpu.memory_space<hbm>>
        tpu.wait_dma2 semaphore(%run_scoped3A : memref<!tpu.dma_semaphore, #tpu.memory_space<semaphore_mem>>) src(%dma_wait3A_85 : memref<2xf32, #tpu.memory_space<hbm>>) dst(%dma_wait3A_83 : memref<2xf32, #tpu.memory_space<vmem>>)
        tpu.yield
      }) : () -> ()
      "tpu.region"() ({
        %run_scoped3A = tpu.sem_alloc : memref<!tpu.dma_semaphore, #tpu.memory_space<semaphore_mem>>
        %dma_start3A_70 = arith.constant 0 : i32
        %dma_start3A_71 = tpu.memref_slice %arg20[%dma_start3A_70] : memref<8288xf32, #tpu.memory_space<vmem>> -> memref<7776xf32, #tpu.memory_space<vmem>>
        %dma_start3A_72 = arith.constant 124320 : i32
        %dma_start3A_73 = tpu.memref_slice %arg24[%dma_start3A_72] : memref<132608xf32, #tpu.memory_space<vmem_shared>> -> memref<7776xf32, #tpu.memory_space<vmem_shared>>
        %dma_start3A_74 = arith.constant 124320 : i32
        %dma_start3A_75 = tpu.memref_slice %arg24[%dma_start3A_74] : memref<132608xf32, #tpu.memory_space<vmem_shared>> -> memref<7776xf32, #tpu.memory_space<vmem_shared>>
        %dma_start3A_76 = arith.constant 0 : i32
        %dma_start3A_77 = tpu.memref_slice %arg20[%dma_start3A_76] : memref<8288xf32, #tpu.memory_space<vmem>> -> memref<7776xf32, #tpu.memory_space<vmem>>
        tpu.enqueue_dma source(%dma_start3A_77 : memref<7776xf32, #tpu.memory_space<vmem>>) target(%dma_start3A_75 : memref<7776xf32, #tpu.memory_space<vmem_shared>>) target_semaphore(%run_scoped3A : memref<!tpu.dma_semaphore, #tpu.memory_space<semaphore_mem>>)
        %dma_wait3A_78 = arith.constant 0 : i32
        %dma_wait3A_79 = tpu.memref_slice %arg20[%dma_wait3A_78] : memref<8288xf32, #tpu.memory_space<vmem>> -> memref<7776xf32, #tpu.memory_space<vmem>>
        %dma_wait3A_80 = arith.constant 124320 : i32
        %dma_wait3A_81 = tpu.memref_slice %arg24[%dma_wait3A_80] : memref<132608xf32, #tpu.memory_space<vmem_shared>> -> memref<7776xf32, #tpu.memory_space<vmem_shared>>
        %dma_wait3A_82 = arith.constant 124320 : i32
        %dma_wait3A_83 = tpu.memref_slice %arg24[%dma_wait3A_82] : memref<132608xf32, #tpu.memory_space<vmem_shared>> -> memref<7776xf32, #tpu.memory_space<vmem_shared>>
        %dma_wait3A_84 = arith.constant 0 : i32
        %dma_wait3A_85 = tpu.memref_slice %arg20[%dma_wait3A_84] : memref<8288xf32, #tpu.memory_space<vmem>> -> memref<7776xf32, #tpu.memory_space<vmem>>
        tpu.wait_dma2 semaphore(%run_scoped3A : memref<!tpu.dma_semaphore, #tpu.memory_space<semaphore_mem>>) src(%dma_wait3A_85 : memref<7776xf32, #tpu.memory_space<vmem>>) dst(%dma_wait3A_83 : memref<7776xf32, #tpu.memory_space<vmem_shared>>)
        tpu.yield
      }) : () -> ()
      "tpu.region"() ({
        %run_scoped3A = tpu.sem_alloc : memref<!tpu.dma_semaphore, #tpu.memory_space<semaphore_mem>>
        %dma_start3A_70 = arith.constant 7776 : i32
        %dma_start3A_71 = tpu.memref_slice %arg20[%dma_start3A_70] : memref<8288xf32, #tpu.memory_space<vmem>> -> memref<2xf32, #tpu.memory_space<vmem>>
        %dma_start3A_72 = arith.constant 132096 : i32
        %dma_start3A_73 = tpu.memref_slice %arg24[%dma_start3A_72] : memref<132608xf32, #tpu.memory_space<vmem_shared>> -> memref<2xf32, #tpu.memory_space<vmem_shared>>
        %dma_start3A_74 = arith.constant 132096 : i32
        %dma_start3A_75 = tpu.memref_slice %arg24[%dma_start3A_74] : memref<132608xf32, #tpu.memory_space<vmem_shared>> -> memref<2xf32, #tpu.memory_space<vmem_shared>>
        %dma_start3A_76 = arith.constant 7776 : i32
        %dma_start3A_77 = tpu.memref_slice %arg20[%dma_start3A_76] : memref<8288xf32, #tpu.memory_space<vmem>> -> memref<2xf32, #tpu.memory_space<vmem>>
        tpu.enqueue_dma source(%dma_start3A_77 : memref<2xf32, #tpu.memory_space<vmem>>) target(%dma_start3A_75 : memref<2xf32, #tpu.memory_space<vmem_shared>>) target_semaphore(%run_scoped3A : memref<!tpu.dma_semaphore, #tpu.memory_space<semaphore_mem>>)
        %dma_wait3A_78 = arith.constant 7776 : i32
        %dma_wait3A_79 = tpu.memref_slice %arg20[%dma_wait3A_78] : memref<8288xf32, #tpu.memory_space<vmem>> -> memref<2xf32, #tpu.memory_space<vmem>>
        %dma_wait3A_80 = arith.constant 132096 : i32
        %dma_wait3A_81 = tpu.memref_slice %arg24[%dma_wait3A_80] : memref<132608xf32, #tpu.memory_space<vmem_shared>> -> memref<2xf32, #tpu.memory_space<vmem_shared>>
        %dma_wait3A_82 = arith.constant 132096 : i32
        %dma_wait3A_83 = tpu.memref_slice %arg24[%dma_wait3A_82] : memref<132608xf32, #tpu.memory_space<vmem_shared>> -> memref<2xf32, #tpu.memory_space<vmem_shared>>
        %dma_wait3A_84 = arith.constant 7776 : i32
        %dma_wait3A_85 = tpu.memref_slice %arg20[%dma_wait3A_84] : memref<8288xf32, #tpu.memory_space<vmem>> -> memref<2xf32, #tpu.memory_space<vmem>>
        tpu.wait_dma2 semaphore(%run_scoped3A : memref<!tpu.dma_semaphore, #tpu.memory_space<semaphore_mem>>) src(%dma_wait3A_85 : memref<2xf32, #tpu.memory_space<vmem>>) dst(%dma_wait3A_83 : memref<2xf32, #tpu.memory_space<vmem_shared>>)
        tpu.yield
      }) : () -> ()
    } else {
    }
    %barrier3A = arith.constant 0 : index
    tpu.barrier barrier_id(%barrier3A)
    %mul3A_29 = arith.constant 1024 : i32
    %mul3A_30 = arith.muli %add3A, %mul3A_29 : i32
    %add3A_31 = arith.constant 0 : i32
    %add3A_32 = arith.addi %mul3A_30, %add3A_31 : i32
    %dma_start3A = arith.constant 0 : i32
    %dma_start3A_33 = tpu.memref_slice %arg3[%add3A_32, %dma_start3A] : memref<32768x128xf32, #tpu.memory_space<hbm>> -> memref<64x128xf32, #tpu.memory_space<hbm>>
    %dma_start3A_34 = arith.constant 0 : i32
    %dma_start3A_35 = tpu.memref_slice %arg3[%add3A_32, %dma_start3A_34] : memref<32768x128xf32, #tpu.memory_space<hbm>> -> memref<64x128xf32, #tpu.memory_space<hbm>>
    tpu.enqueue_dma source(%dma_start3A_35 : memref<64x128xf32, #tpu.memory_space<hbm>>) target(%arg12 : memref<64x128xf32, #tpu.memory_space<vmem>>) target_semaphore(%arg25 : memref<!tpu.dma_semaphore, #tpu.memory_space<semaphore_mem>>)
    %mul3A_36 = arith.constant 128 : i32
    %mul3A_37 = arith.muli %add3A_32, %mul3A_36 : i32
    %dma_start3A_38 = arith.constant 0 : i32
    %dma_start3A_39 = tpu.memref_slice %arg4[%dma_start3A_38, %mul3A_37] : memref<2x4194304xi32, #tpu.memory_space<hbm>> -> memref<1x8192xi32, #tpu.memory_space<hbm>>
    %dma_start3A_40 = tpu.memref_squeeze %dma_start3A_39 : memref<1x8192xi32, #tpu.memory_space<hbm>> -> memref<8192xi32, #tpu.memory_space<hbm>>
    %dma_start3A_41 = tpu.memref_slice %arg4[%dma_start3A_38, %mul3A_37] : memref<2x4194304xi32, #tpu.memory_space<hbm>> -> memref<1x8192xi32, #tpu.memory_space<hbm>>
    %dma_start3A_42 = tpu.memref_squeeze %dma_start3A_41 : memref<1x8192xi32, #tpu.memory_space<hbm>> -> memref<8192xi32, #tpu.memory_space<hbm>>
    tpu.enqueue_dma source(%dma_start3A_42 : memref<8192xi32, #tpu.memory_space<hbm>>) target(%arg13 : memref<8192xi32, #tpu.memory_space<vmem>>) target_semaphore(%arg25 : memref<!tpu.dma_semaphore, #tpu.memory_space<semaphore_mem>>)
    %mul3A_43 = arith.constant 128 : i32
    %mul3A_44 = arith.muli %add3A_32, %mul3A_43 : i32
    %dma_start3A_45 = tpu.memref_slice %arg5[%mul3A_44] : memref<4194304xi32, #tpu.memory_space<hbm>> -> memref<8192xi32, #tpu.memory_space<hbm>>
    %dma_start3A_46 = tpu.memref_slice %arg5[%mul3A_44] : memref<4194304xi32, #tpu.memory_space<hbm>> -> memref<8192xi32, #tpu.memory_space<hbm>>
    tpu.enqueue_dma source(%dma_start3A_46 : memref<8192xi32, #tpu.memory_space<hbm>>) target(%arg14 : memref<8192xi32, #tpu.memory_space<vmem>>) target_semaphore(%arg25 : memref<!tpu.dma_semaphore, #tpu.memory_space<semaphore_mem>>)
    %scan3A_47 = arith.constant 0 : i32
    %scan3A_48 = arith.constant 0 : i32
    %scan3A_49 = arith.constant 8 : i32
    %scan3A_50 = arith.addi %scan3A_48, %scan3A_49 : i32
    %scan3A_51 = arith.constant 1 : i32
    %scan3A_52 = scf.for %scan3A_70 = %scan3A_48 to %scan3A_50 step %scan3A_51 iter_args(%scan3A_71 = %scan3A_47) -> (i32)  : i32 {
      %mul3A_72 = arith.constant 2 : i32
      %mul3A_73 = arith.muli %mul3A_72, %scan3A_70 : i32
      %mul3A_74 = arith.constant 2 : i32
      %mul3A_75 = arith.muli %mul3A_74, %scan3A_70 : i32
      %add3A_76 = arith.constant 1 : i32
      %add3A_77 = arith.addi %mul3A_75, %add3A_76 : i32
      %dma_wait3A_78 = arith.constant 0 : i32
      %dma_wait3A_79 = arith.constant 0 : i32
      %dma_wait3A_80 = tpu.memref_slice %arg3[%dma_wait3A_78, %dma_wait3A_79] : memref<32768x128xf32, #tpu.memory_space<hbm>> -> memref<64x128xf32, #tpu.memory_space<hbm>>
      %dma_wait3A_81 = arith.constant 0 : i32
      %dma_wait3A_82 = arith.constant 0 : i32
      %dma_wait3A_83 = tpu.memref_slice %arg3[%dma_wait3A_81, %dma_wait3A_82] : memref<32768x128xf32, #tpu.memory_space<hbm>> -> memref<64x128xf32, #tpu.memory_space<hbm>>
      tpu.wait_dma2 semaphore(%arg25 : memref<!tpu.dma_semaphore, #tpu.memory_space<semaphore_mem>>) src(%dma_wait3A_83 : memref<64x128xf32, #tpu.memory_space<hbm>>) dst(%arg12 : memref<64x128xf32, #tpu.memory_space<vmem>>)
      %dma_wait3A_84 = arith.constant 0 : i32
      %dma_wait3A_85 = arith.constant 0 : i32
      %dma_wait3A_86 = tpu.memref_slice %arg4[%dma_wait3A_84, %dma_wait3A_85] : memref<2x4194304xi32, #tpu.memory_space<hbm>> -> memref<1x8192xi32, #tpu.memory_space<hbm>>
      %dma_wait3A_87 = tpu.memref_squeeze %dma_wait3A_86 : memref<1x8192xi32, #tpu.memory_space<hbm>> -> memref<8192xi32, #tpu.memory_space<hbm>>
      %dma_wait3A_88 = arith.constant 0 : i32
      %dma_wait3A_89 = tpu.memref_slice %arg4[%dma_wait3A_84, %dma_wait3A_88] : memref<2x4194304xi32, #tpu.memory_space<hbm>> -> memref<1x8192xi32, #tpu.memory_space<hbm>>
      %dma_wait3A_90 = tpu.memref_squeeze %dma_wait3A_89 : memref<1x8192xi32, #tpu.memory_space<hbm>> -> memref<8192xi32, #tpu.memory_space<hbm>>
      tpu.wait_dma2 semaphore(%arg25 : memref<!tpu.dma_semaphore, #tpu.memory_space<semaphore_mem>>) src(%dma_wait3A_90 : memref<8192xi32, #tpu.memory_space<hbm>>) dst(%arg13 : memref<8192xi32, #tpu.memory_space<vmem>>)
      %dma_wait3A_91 = arith.constant 0 : i32
      %dma_wait3A_92 = tpu.memref_slice %arg5[%dma_wait3A_91] : memref<4194304xi32, #tpu.memory_space<hbm>> -> memref<8192xi32, #tpu.memory_space<hbm>>
      %dma_wait3A_93 = arith.constant 0 : i32
      %dma_wait3A_94 = tpu.memref_slice %arg5[%dma_wait3A_93] : memref<4194304xi32, #tpu.memory_space<hbm>> -> memref<8192xi32, #tpu.memory_space<hbm>>
      tpu.wait_dma2 semaphore(%arg25 : memref<!tpu.dma_semaphore, #tpu.memory_space<semaphore_mem>>) src(%dma_wait3A_94 : memref<8192xi32, #tpu.memory_space<hbm>>) dst(%arg14 : memref<8192xi32, #tpu.memory_space<vmem>>)
      %dma_start3A_95 = arith.constant 0 : i32
      %dma_start3A_96 = tpu.memref_slice %arg24[%dma_start3A_95] : memref<132608xf32, #tpu.memory_space<vmem_shared>> -> memref<132608xf32, #tpu.memory_space<vmem_shared>>
      tpu.enqueue_indirect_dma source(%dma_start3A_96 : memref<132608xf32, #tpu.memory_space<vmem_shared>>) target(%arg15 : memref<8192xf32, #tpu.memory_space<vmem>>) offsets(%arg14 : memref<8192xi32, #tpu.memory_space<vmem>>) semaphore(%arg27 : memref<!tpu.dma_semaphore, #tpu.memory_space<semaphore_mem>>)
      %gt3A = arith.constant 0 : i32
      %gt3A_97 = arith.cmpi sgt, %scan3A_70, %gt3A : i32
      %convert_element_type3A_98 = arith.extui %gt3A_97 : i1 to i32
      %cond3A_99 = arith.constant 0 : i32
      %cond3A_100 = arith.cmpi ne, %convert_element_type3A_98, %cond3A_99 : i32
      scf.if %cond3A_100 {
        %dma_wait3A_184 = arith.constant 0 : i32
        %dma_wait3A_185 = arith.constant 0 : i32
        %dma_wait3A_186 = tpu.memref_slice %arg3[%dma_wait3A_184, %dma_wait3A_185] : memref<32768x128xf32, #tpu.memory_space<hbm>> -> memref<64x128xf32, #tpu.memory_space<hbm>>
        %dma_wait3A_187 = arith.constant 0 : i32
        %dma_wait3A_188 = arith.constant 0 : i32
        %dma_wait3A_189 = tpu.memref_slice %arg3[%dma_wait3A_187, %dma_wait3A_188] : memref<32768x128xf32, #tpu.memory_space<hbm>> -> memref<64x128xf32, #tpu.memory_space<hbm>>
        tpu.wait_dma2 semaphore(%arg30 : memref<!tpu.dma_semaphore, #tpu.memory_space<semaphore_mem>>) src(%dma_wait3A_189 : memref<64x128xf32, #tpu.memory_space<hbm>>) dst(%arg16 : memref<64x128xf32, #tpu.memory_space<vmem>>)
      } else {
      }
      %mul3A_101 = arith.constant 1024 : i32
      %mul3A_102 = arith.muli %add3A, %mul3A_101 : i32
      %mul3A_103 = arith.constant 64 : i32
      %mul3A_104 = arith.muli %add3A_77, %mul3A_103 : i32
      %add3A_105 = arith.addi %mul3A_102, %mul3A_104 : i32
      %dma_start3A_106 = arith.constant 0 : i32
      %dma_start3A_107 = tpu.memref_slice %arg3[%add3A_105, %dma_start3A_106] : memref<32768x128xf32, #tpu.memory_space<hbm>> -> memref<64x128xf32, #tpu.memory_space<hbm>>
      %dma_start3A_108 = arith.constant 0 : i32
      %dma_start3A_109 = tpu.memref_slice %arg3[%add3A_105, %dma_start3A_108] : memref<32768x128xf32, #tpu.memory_space<hbm>> -> memref<64x128xf32, #tpu.memory_space<hbm>>
      tpu.enqueue_dma source(%dma_start3A_109 : memref<64x128xf32, #tpu.memory_space<hbm>>) target(%arg16 : memref<64x128xf32, #tpu.memory_space<vmem>>) target_semaphore(%arg26 : memref<!tpu.dma_semaphore, #tpu.memory_space<semaphore_mem>>)
      %mul3A_110 = arith.constant 128 : i32
      %mul3A_111 = arith.muli %add3A_105, %mul3A_110 : i32
      %dma_start3A_112 = arith.constant 0 : i32
      %dma_start3A_113 = tpu.memref_slice %arg4[%dma_start3A_112, %mul3A_111] : memref<2x4194304xi32, #tpu.memory_space<hbm>> -> memref<1x8192xi32, #tpu.memory_space<hbm>>
      %dma_start3A_114 = tpu.memref_squeeze %dma_start3A_113 : memref<1x8192xi32, #tpu.memory_space<hbm>> -> memref<8192xi32, #tpu.memory_space<hbm>>
      %dma_start3A_115 = tpu.memref_slice %arg4[%dma_start3A_112, %mul3A_111] : memref<2x4194304xi32, #tpu.memory_space<hbm>> -> memref<1x8192xi32, #tpu.memory_space<hbm>>
      %dma_start3A_116 = tpu.memref_squeeze %dma_start3A_115 : memref<1x8192xi32, #tpu.memory_space<hbm>> -> memref<8192xi32, #tpu.memory_space<hbm>>
      tpu.enqueue_dma source(%dma_start3A_116 : memref<8192xi32, #tpu.memory_space<hbm>>) target(%arg17 : memref<8192xi32, #tpu.memory_space<vmem>>) target_semaphore(%arg26 : memref<!tpu.dma_semaphore, #tpu.memory_space<semaphore_mem>>)
      %mul3A_117 = arith.constant 128 : i32
      %mul3A_118 = arith.muli %add3A_105, %mul3A_117 : i32
      %dma_start3A_119 = tpu.memref_slice %arg5[%mul3A_118] : memref<4194304xi32, #tpu.memory_space<hbm>> -> memref<8192xi32, #tpu.memory_space<hbm>>
      %dma_start3A_120 = tpu.memref_slice %arg5[%mul3A_118] : memref<4194304xi32, #tpu.memory_space<hbm>> -> memref<8192xi32, #tpu.memory_space<hbm>>
      tpu.enqueue_dma source(%dma_start3A_120 : memref<8192xi32, #tpu.memory_space<hbm>>) target(%arg18 : memref<8192xi32, #tpu.memory_space<vmem>>) target_semaphore(%arg26 : memref<!tpu.dma_semaphore, #tpu.memory_space<semaphore_mem>>)
      %dma_wait3A_121 = arith.constant 0 : i32
      %dma_wait3A_122 = arith.constant 0 : i32
      %dma_wait3A_123 = tpu.memref_slice %arg3[%dma_wait3A_121, %dma_wait3A_122] : memref<32768x128xf32, #tpu.memory_space<hbm>> -> memref<64x128xf32, #tpu.memory_space<hbm>>
      %dma_wait3A_124 = arith.constant 0 : i32
      %dma_wait3A_125 = arith.constant 0 : i32
      %dma_wait3A_126 = tpu.memref_slice %arg3[%dma_wait3A_124, %dma_wait3A_125] : memref<32768x128xf32, #tpu.memory_space<hbm>> -> memref<64x128xf32, #tpu.memory_space<hbm>>
      tpu.wait_dma2 semaphore(%arg27 : memref<!tpu.dma_semaphore, #tpu.memory_space<semaphore_mem>>) src(%dma_wait3A_126 : memref<64x128xf32, #tpu.memory_space<hbm>>) dst(%arg12 : memref<64x128xf32, #tpu.memory_space<vmem>>)
      %scan3A_127 = arith.constant 0 : i32
      %scan3A_128 = arith.constant 0 : i32
      %scan3A_129 = arith.constant 8 : i32
      %scan3A_130 = arith.addi %scan3A_128, %scan3A_129 : i32
      %scan3A_131 = arith.constant 1 : i32
      %scan3A_132 = scf.for %scan3A_184 = %scan3A_128 to %scan3A_130 step %scan3A_131 iter_args(%scan3A_185 = %scan3A_127) -> (i32)  : i32 {
        %mul3A_186 = arith.constant 2 : i32
        %mul3A_187 = arith.muli %mul3A_186, %mul3A_73 : i32
        %mul3A_188 = arith.constant 64 : i32
        %mul3A_189 = arith.muli %mul3A_187, %mul3A_188 : i32
        %mul3A_190 = arith.constant 16 : i32
        %mul3A_191 = arith.muli %scan3A_184, %mul3A_190 : i32
        %add3A_192 = arith.addi %mul3A_189, %mul3A_191 : i32
        %get3A = arith.index_cast %add3A_192 : i32 to index
        %get3A_193 = tpu.vector_load %arg11[%get3A] {strides = array<i32>} : memref<2048xf32, #tpu.memory_space<vmem>>, vector<16xf32>,
        %get3A_194 = vector.shape_cast %get3A_193 : vector<16xf32> to vector<16xf32>
        %mul3A_195 = arith.constant 8 : i32
        %mul3A_196 = arith.muli %scan3A_184, %mul3A_195 : i32
        %add3A_197 = arith.constant 0 : i32
        %add3A_198 = arith.addi %mul3A_196, %add3A_197 : i32
        %broadcast_in_dim3A_199 = arith.constant 0 : i32
        %broadcast_in_dim3A_200 = vector.broadcast %broadcast_in_dim3A_199 : i32 to vector<16xi32>
        %reshape3A = vector.shape_cast %broadcast_in_dim3A_200 : vector<16xi32> to vector<16x1xi32>
        %gather3A = vector.shape_cast %reshape3A : vector<16x1xi32> to vector<16xi32>
        %gather3A_201 = tpu.dynamic_gather %get3A_194[%gather3A] in [0] : vector<16xf32>, vector<16xi32> -> vector<16xf32>
        %broadcast_in_dim3A_202 = arith.constant 1 : i32
        %broadcast_in_dim3A_203 = vector.broadcast %broadcast_in_dim3A_202 : i32 to vector<16xi32>
        %reshape3A_204 = vector.shape_cast %broadcast_in_dim3A_203 : vector<16xi32> to vector<16x1xi32>
        %gather3A_205 = vector.shape_cast %reshape3A_204 : vector<16x1xi32> to vector<16xi32>
        %gather3A_206 = tpu.dynamic_gather %get3A_194[%gather3A_205] in [0] : vector<16xf32>, vector<16xi32> -> vector<16xf32>
        %mul3A_207 = arith.constant 128 : i32
        %mul3A_208 = arith.muli %add3A_198, %mul3A_207 : i32
        %add3A_209 = arith.constant 0 : i32
        %add3A_210 = arith.addi %mul3A_208, %add3A_209 : i32
        %get3A_211 = arith.index_cast %add3A_198 : i32 to index
        %get3A_212 = arith.constant 0 : index
        %get3A_213 = tpu.vector_load %arg12[%get3A_211, %get3A_212] {strides = array<i32>} : memref<64x128xf32, #tpu.memory_space<vmem>>, vector<1x16xf32>,
        %get3A_214 = vector.shape_cast %get3A_213 : vector<1x16xf32> to vector<16xf32>
        %mul3A_215 = arith.mulf %get3A_214, %gather3A_201 : vector<16xf32>
        %get3A_216 = arith.index_cast %add3A_210 : i32 to index
        %get3A_217 = tpu.vector_load %arg15[%get3A_216] {strides = array<i32>} : memref<8192xf32, #tpu.memory_space<vmem>>, vector<16xf32>,
        %get3A_218 = vector.shape_cast %get3A_217 : vector<16xf32> to vector<16xf32>
        %mul3A_219 = arith.mulf %mul3A_215, %get3A_218 : vector<16xf32>
        %swap3A_220 = arith.index_cast %add3A_210 : i32 to index
        %swap3A_221 = tpu.vector_load %arg15[%swap3A_220] {strides = array<i32>} : memref<8192xf32, #tpu.memory_space<vmem>>, vector<16xf32>,
        %swap3A_222 = vector.shape_cast %swap3A_221 : vector<16xf32> to vector<16xf32>
        %swap3A_223 = vector.shape_cast %mul3A_219 : vector<16xf32> to vector<16xf32>
        tpu.vector_store %arg15[%swap3A_220], %swap3A_223 {strides = array<i32>} : memref<8192xf32, #tpu.memory_space<vmem>>, vector<16xf32>,
        %mul3A_224 = arith.constant 128 : i32
        %mul3A_225 = arith.muli %add3A_198, %mul3A_224 : i32
        %add3A_226 = arith.constant 16 : i32
        %add3A_227 = arith.addi %mul3A_225, %add3A_226 : i32
        %get3A_228 = arith.index_cast %add3A_198 : i32 to index
        %get3A_229 = arith.constant 16 : index
        %get3A_230 = tpu.vector_load %arg12[%get3A_228, %get3A_229] {strides = array<i32>} : memref<64x128xf32, #tpu.memory_space<vmem>>, vector<1x16xf32>,
        %get3A_231 = vector.shape_cast %get3A_230 : vector<1x16xf32> to vector<16xf32>
        %mul3A_232 = arith.mulf %get3A_231, %gather3A_201 : vector<16xf32>
        %get3A_233 = arith.index_cast %add3A_227 : i32 to index
        %get3A_234 = tpu.vector_load %arg15[%get3A_233] {strides = array<i32>} : memref<8192xf32, #tpu.memory_space<vmem>>, vector<16xf32>,
        %get3A_235 = vector.shape_cast %get3A_234 : vector<16xf32> to vector<16xf32>
        %mul3A_236 = arith.mulf %mul3A_232, %get3A_235 : vector<16xf32>
        %swap3A_237 = arith.index_cast %add3A_227 : i32 to index
        %swap3A_238 = tpu.vector_load %arg15[%swap3A_237] {strides = array<i32>} : memref<8192xf32, #tpu.memory_space<vmem>>, vector<16xf32>,
        %swap3A_239 = vector.shape_cast %swap3A_238 : vector<16xf32> to vector<16xf32>
        %swap3A_240 = vector.shape_cast %mul3A_236 : vector<16xf32> to vector<16xf32>
        tpu.vector_store %arg15[%swap3A_237], %swap3A_240 {strides = array<i32>} : memref<8192xf32, #tpu.memory_space<vmem>>, vector<16xf32>,
        %mul3A_241 = arith.constant 128 : i32
        %mul3A_242 = arith.muli %add3A_198, %mul3A_241 : i32
        %add3A_243 = arith.constant 32 : i32
        %add3A_244 = arith.addi %mul3A_242, %add3A_243 : i32
        %get3A_245 = arith.index_cast %add3A_198 : i32 to index
        %get3A_246 = arith.constant 32 : index
        %get3A_247 = tpu.vector_load %arg12[%get3A_245, %get3A_246] {strides = array<i32>} : memref<64x128xf32, #tpu.memory_space<vmem>>, vector<1x16xf32>,
        %get3A_248 = vector.shape_cast %get3A_247 : vector<1x16xf32> to vector<16xf32>
        %mul3A_249 = arith.mulf %get3A_248, %gather3A_201 : vector<16xf32>
        %get3A_250 = arith.index_cast %add3A_244 : i32 to index
        %get3A_251 = tpu.vector_load %arg15[%get3A_250] {strides = array<i32>} : memref<8192xf32, #tpu.memory_space<vmem>>, vector<16xf32>,
        %get3A_252 = vector.shape_cast %get3A_251 : vector<16xf32> to vector<16xf32>
        %mul3A_253 = arith.mulf %mul3A_249, %get3A_252 : vector<16xf32>
        %swap3A_254 = arith.index_cast %add3A_244 : i32 to index
        %swap3A_255 = tpu.vector_load %arg15[%swap3A_254] {strides = array<i32>} : memref<8192xf32, #tpu.memory_space<vmem>>, vector<16xf32>,
        %swap3A_256 = vector.shape_cast %swap3A_255 : vector<16xf32> to vector<16xf32>
        %swap3A_257 = vector.shape_cast %mul3A_253 : vector<16xf32> to vector<16xf32>
        tpu.vector_store %arg15[%swap3A_254], %swap3A_257 {strides = array<i32>} : memref<8192xf32, #tpu.memory_space<vmem>>, vector<16xf32>,
        %mul3A_258 = arith.constant 128 : i32
        %mul3A_259 = arith.muli %add3A_198, %mul3A_258 : i32
        %add3A_260 = arith.constant 48 : i32
        %add3A_261 = arith.addi %mul3A_259, %add3A_260 : i32
        %get3A_262 = arith.index_cast %add3A_198 : i32 to index
        %get3A_263 = arith.constant 48 : index
        %get3A_264 = tpu.vector_load %arg12[%get3A_262, %get3A_263] {strides = array<i32>} : memref<64x128xf32, #tpu.memory_space<vmem>>, vector<1x16xf32>,
        %get3A_265 = vector.shape_cast %get3A_264 : vector<1x16xf32> to vector<16xf32>
        %mul3A_266 = arith.mulf %get3A_265, %gather3A_201 : vector<16xf32>
        %get3A_267 = arith.index_cast %add3A_261 : i32 to index
        %get3A_268 = tpu.vector_load %arg15[%get3A_267] {strides = array<i32>} : memref<8192xf32, #tpu.memory_space<vmem>>, vector<16xf32>,
        %get3A_269 = vector.shape_cast %get3A_268 : vector<16xf32> to vector<16xf32>
        %mul3A_270 = arith.mulf %mul3A_266, %get3A_269 : vector<16xf32>
        %swap3A_271 = arith.index_cast %add3A_261 : i32 to index
        %swap3A_272 = tpu.vector_load %arg15[%swap3A_271] {strides = array<i32>} : memref<8192xf32, #tpu.memory_space<vmem>>, vector<16xf32>,
        %swap3A_273 = vector.shape_cast %swap3A_272 : vector<16xf32> to vector<16xf32>
        %swap3A_274 = vector.shape_cast %mul3A_270 : vector<16xf32> to vector<16xf32>
        tpu.vector_store %arg15[%swap3A_271], %swap3A_274 {strides = array<i32>} : memref<8192xf32, #tpu.memory_space<vmem>>, vector<16xf32>,
        %mul3A_275 = arith.constant 128 : i32
        %mul3A_276 = arith.muli %add3A_198, %mul3A_275 : i32
        %add3A_277 = arith.constant 64 : i32
        %add3A_278 = arith.addi %mul3A_276, %add3A_277 : i32
        %get3A_279 = arith.index_cast %add3A_198 : i32 to index
        %get3A_280 = arith.constant 64 : index
        %get3A_281 = tpu.vector_load %arg12[%get3A_279, %get3A_280] {strides = array<i32>} : memref<64x128xf32, #tpu.memory_space<vmem>>, vector<1x16xf32>,
        %get3A_282 = vector.shape_cast %get3A_281 : vector<1x16xf32> to vector<16xf32>
        %mul3A_283 = arith.mulf %get3A_282, %gather3A_206 : vector<16xf32>
        %get3A_284 = arith.index_cast %add3A_278 : i32 to index
        %get3A_285 = tpu.vector_load %arg15[%get3A_284] {strides = array<i32>} : memref<8192xf32, #tpu.memory_space<vmem>>, vector<16xf32>,
        %get3A_286 = vector.shape_cast %get3A_285 : vector<16xf32> to vector<16xf32>
        %mul3A_287 = arith.mulf %mul3A_283, %get3A_286 : vector<16xf32>
        %swap3A_288 = arith.index_cast %add3A_278 : i32 to index
        %swap3A_289 = tpu.vector_load %arg15[%swap3A_288] {strides = array<i32>} : memref<8192xf32, #tpu.memory_space<vmem>>, vector<16xf32>,
        %swap3A_290 = vector.shape_cast %swap3A_289 : vector<16xf32> to vector<16xf32>
        %swap3A_291 = vector.shape_cast %mul3A_287 : vector<16xf32> to vector<16xf32>
        tpu.vector_store %arg15[%swap3A_288], %swap3A_291 {strides = array<i32>} : memref<8192xf32, #tpu.memory_space<vmem>>, vector<16xf32>,
        %mul3A_292 = arith.constant 128 : i32
        %mul3A_293 = arith.muli %add3A_198, %mul3A_292 : i32
        %add3A_294 = arith.constant 80 : i32
        %add3A_295 = arith.addi %mul3A_293, %add3A_294 : i32
        %get3A_296 = arith.index_cast %add3A_198 : i32 to index
        %get3A_297 = arith.constant 80 : index
        %get3A_298 = tpu.vector_load %arg12[%get3A_296, %get3A_297] {strides = array<i32>} : memref<64x128xf32, #tpu.memory_space<vmem>>, vector<1x16xf32>,
        %get3A_299 = vector.shape_cast %get3A_298 : vector<1x16xf32> to vector<16xf32>
        %mul3A_300 = arith.mulf %get3A_299, %gather3A_206 : vector<16xf32>
        %get3A_301 = arith.index_cast %add3A_295 : i32 to index
        %get3A_302 = tpu.vector_load %arg15[%get3A_301] {strides = array<i32>} : memref<8192xf32, #tpu.memory_space<vmem>>, vector<16xf32>,
        %get3A_303 = vector.shape_cast %get3A_302 : vector<16xf32> to vector<16xf32>
        %mul3A_304 = arith.mulf %mul3A_300, %get3A_303 : vector<16xf32>
        %swap3A_305 = arith.index_cast %add3A_295 : i32 to index
        %swap3A_306 = tpu.vector_load %arg15[%swap3A_305] {strides = array<i32>} : memref<8192xf32, #tpu.memory_space<vmem>>, vector<16xf32>,
        %swap3A_307 = vector.shape_cast %swap3A_306 : vector<16xf32> to vector<16xf32>
        %swap3A_308 = vector.shape_cast %mul3A_304 : vector<16xf32> to vector<16xf32>
        tpu.vector_store %arg15[%swap3A_305], %swap3A_308 {strides = array<i32>} : memref<8192xf32, #tpu.memory_space<vmem>>, vector<16xf32>,
        %mul3A_309 = arith.constant 128 : i32
        %mul3A_310 = arith.muli %add3A_198, %mul3A_309 : i32
        %add3A_311 = arith.constant 96 : i32
        %add3A_312 = arith.addi %mul3A_310, %add3A_311 : i32
        %get3A_313 = arith.index_cast %add3A_198 : i32 to index
        %get3A_314 = arith.constant 96 : index
        %get3A_315 = tpu.vector_load %arg12[%get3A_313, %get3A_314] {strides = array<i32>} : memref<64x128xf32, #tpu.memory_space<vmem>>, vector<1x16xf32>,
        %get3A_316 = vector.shape_cast %get3A_315 : vector<1x16xf32> to vector<16xf32>
        %mul3A_317 = arith.mulf %get3A_316, %gather3A_206 : vector<16xf32>
        %get3A_318 = arith.index_cast %add3A_312 : i32 to index
        %get3A_319 = tpu.vector_load %arg15[%get3A_318] {strides = array<i32>} : memref<8192xf32, #tpu.memory_space<vmem>>, vector<16xf32>,
        %get3A_320 = vector.shape_cast %get3A_319 : vector<16xf32> to vector<16xf32>
        %mul3A_321 = arith.mulf %mul3A_317, %get3A_320 : vector<16xf32>
        %swap3A_322 = arith.index_cast %add3A_312 : i32 to index
        %swap3A_323 = tpu.vector_load %arg15[%swap3A_322] {strides = array<i32>} : memref<8192xf32, #tpu.memory_space<vmem>>, vector<16xf32>,
        %swap3A_324 = vector.shape_cast %swap3A_323 : vector<16xf32> to vector<16xf32>
        %swap3A_325 = vector.shape_cast %mul3A_321 : vector<16xf32> to vector<16xf32>
        tpu.vector_store %arg15[%swap3A_322], %swap3A_325 {strides = array<i32>} : memref<8192xf32, #tpu.memory_space<vmem>>, vector<16xf32>,
        %mul3A_326 = arith.constant 128 : i32
        %mul3A_327 = arith.muli %add3A_198, %mul3A_326 : i32
        %add3A_328 = arith.constant 112 : i32
        %add3A_329 = arith.addi %mul3A_327, %add3A_328 : i32
        %get3A_330 = arith.index_cast %add3A_198 : i32 to index
        %get3A_331 = arith.constant 112 : index
        %get3A_332 = tpu.vector_load %arg12[%get3A_330, %get3A_331] {strides = array<i32>} : memref<64x128xf32, #tpu.memory_space<vmem>>, vector<1x16xf32>,
        %get3A_333 = vector.shape_cast %get3A_332 : vector<1x16xf32> to vector<16xf32>
        %mul3A_334 = arith.mulf %get3A_333, %gather3A_206 : vector<16xf32>
        %get3A_335 = arith.index_cast %add3A_329 : i32 to index
        %get3A_336 = tpu.vector_load %arg15[%get3A_335] {strides = array<i32>} : memref<8192xf32, #tpu.memory_space<vmem>>, vector<16xf32>,
        %get3A_337 = vector.shape_cast %get3A_336 : vector<16xf32> to vector<16xf32>
        %mul3A_338 = arith.mulf %mul3A_334, %get3A_337 : vector<16xf32>
        %swap3A_339 = arith.index_cast %add3A_329 : i32 to index
        %swap3A_340 = tpu.vector_load %arg15[%swap3A_339] {strides = array<i32>} : memref<8192xf32, #tpu.memory_space<vmem>>, vector<16xf32>,
        %swap3A_341 = vector.shape_cast %swap3A_340 : vector<16xf32> to vector<16xf32>
        %swap3A_342 = vector.shape_cast %mul3A_338 : vector<16xf32> to vector<16xf32>
        tpu.vector_store %arg15[%swap3A_339], %swap3A_342 {strides = array<i32>} : memref<8192xf32, #tpu.memory_space<vmem>>, vector<16xf32>,
        %mul3A_343 = arith.constant 8 : i32
        %mul3A_344 = arith.muli %scan3A_184, %mul3A_343 : i32
        %add3A_345 = arith.constant 1 : i32
        %add3A_346 = arith.addi %mul3A_344, %add3A_345 : i32
        %broadcast_in_dim3A_347 = arith.constant 2 : i32
        %broadcast_in_dim3A_348 = vector.broadcast %broadcast_in_dim3A_347 : i32 to vector<16xi32>
        %reshape3A_349 = vector.shape_cast %broadcast_in_dim3A_348 : vector<16xi32> to vector<16x1xi32>
        %gather3A_350 = vector.shape_cast %reshape3A_349 : vector<16x1xi32> to vector<16xi32>
        %gather3A_351 = tpu.dynamic_gather %get3A_194[%gather3A_350] in [0] : vector<16xf32>, vector<16xi32> -> vector<16xf32>
        %broadcast_in_dim3A_352 = arith.constant 3 : i32
        %broadcast_in_dim3A_353 = vector.broadcast %broadcast_in_dim3A_352 : i32 to vector<16xi32>
        %reshape3A_354 = vector.shape_cast %broadcast_in_dim3A_353 : vector<16xi32> to vector<16x1xi32>
        %gather3A_355 = vector.shape_cast %reshape3A_354 : vector<16x1xi32> to vector<16xi32>
        %gather3A_356 = tpu.dynamic_gather %get3A_194[%gather3A_355] in [0] : vector<16xf32>, vector<16xi32> -> vector<16xf32>
        %mul3A_357 = arith.constant 128 : i32
        %mul3A_358 = arith.muli %add3A_346, %mul3A_357 : i32
        %add3A_359 = arith.constant 0 : i32
        %add3A_360 = arith.addi %mul3A_358, %add3A_359 : i32
        %get3A_361 = arith.index_cast %add3A_346 : i32 to index
        %get3A_362 = arith.constant 0 : index
        %get3A_363 = tpu.vector_load %arg12[%get3A_361, %get3A_362] {strides = array<i32>} : memref<64x128xf32, #tpu.memory_space<vmem>>, vector<1x16xf32>,
        %get3A_364 = vector.shape_cast %get3A_363 : vector<1x16xf32> to vector<16xf32>
        %mul3A_365 = arith.mulf %get3A_364, %gather3A_351 : vector<16xf32>
        %get3A_366 = arith.index_cast %add3A_360 : i32 to index
        %get3A_367 = tpu.vector_load %arg15[%get3A_366] {strides = array<i32>} : memref<8192xf32, #tpu.memory_space<vmem>>, vector<16xf32>,
        %get3A_368 = vector.shape_cast %get3A_367 : vector<16xf32> to vector<16xf32>
        %mul3A_369 = arith.mulf %mul3A_365, %get3A_368 : vector<16xf32>
        %swap3A_370 = arith.index_cast %add3A_360 : i32 to index
        %swap3A_371 = tpu.vector_load %arg15[%swap3A_370] {strides = array<i32>} : memref<8192xf32, #tpu.memory_space<vmem>>, vector<16xf32>,
        %swap3A_372 = vector.shape_cast %swap3A_371 : vector<16xf32> to vector<16xf32>
        %swap3A_373 = vector.shape_cast %mul3A_369 : vector<16xf32> to vector<16xf32>
        tpu.vector_store %arg15[%swap3A_370], %swap3A_373 {strides = array<i32>} : memref<8192xf32, #tpu.memory_space<vmem>>, vector<16xf32>,
        %mul3A_374 = arith.constant 128 : i32
        %mul3A_375 = arith.muli %add3A_346, %mul3A_374 : i32
        %add3A_376 = arith.constant 16 : i32
        %add3A_377 = arith.addi %mul3A_375, %add3A_376 : i32
        %get3A_378 = arith.index_cast %add3A_346 : i32 to index
        %get3A_379 = arith.constant 16 : index
        %get3A_380 = tpu.vector_load %arg12[%get3A_378, %get3A_379] {strides = array<i32>} : memref<64x128xf32, #tpu.memory_space<vmem>>, vector<1x16xf32>,
        %get3A_381 = vector.shape_cast %get3A_380 : vector<1x16xf32> to vector<16xf32>
        %mul3A_382 = arith.mulf %get3A_381, %gather3A_351 : vector<16xf32>
        %get3A_383 = arith.index_cast %add3A_377 : i32 to index
        %get3A_384 = tpu.vector_load %arg15[%get3A_383] {strides = array<i32>} : memref<8192xf32, #tpu.memory_space<vmem>>, vector<16xf32>,
        %get3A_385 = vector.shape_cast %get3A_384 : vector<16xf32> to vector<16xf32>
        %mul3A_386 = arith.mulf %mul3A_382, %get3A_385 : vector<16xf32>
        %swap3A_387 = arith.index_cast %add3A_377 : i32 to index
        %swap3A_388 = tpu.vector_load %arg15[%swap3A_387] {strides = array<i32>} : memref<8192xf32, #tpu.memory_space<vmem>>, vector<16xf32>,
        %swap3A_389 = vector.shape_cast %swap3A_388 : vector<16xf32> to vector<16xf32>
        %swap3A_390 = vector.shape_cast %mul3A_386 : vector<16xf32> to vector<16xf32>
        tpu.vector_store %arg15[%swap3A_387], %swap3A_390 {strides = array<i32>} : memref<8192xf32, #tpu.memory_space<vmem>>, vector<16xf32>,
        %mul3A_391 = arith.constant 128 : i32
        %mul3A_392 = arith.muli %add3A_346, %mul3A_391 : i32
        %add3A_393 = arith.constant 32 : i32
        %add3A_394 = arith.addi %mul3A_392, %add3A_393 : i32
        %get3A_395 = arith.index_cast %add3A_346 : i32 to index
        %get3A_396 = arith.constant 32 : index
        %get3A_397 = tpu.vector_load %arg12[%get3A_395, %get3A_396] {strides = array<i32>} : memref<64x128xf32, #tpu.memory_space<vmem>>, vector<1x16xf32>,
        %get3A_398 = vector.shape_cast %get3A_397 : vector<1x16xf32> to vector<16xf32>
        %mul3A_399 = arith.mulf %get3A_398, %gather3A_351 : vector<16xf32>
        %get3A_400 = arith.index_cast %add3A_394 : i32 to index
        %get3A_401 = tpu.vector_load %arg15[%get3A_400] {strides = array<i32>} : memref<8192xf32, #tpu.memory_space<vmem>>, vector<16xf32>,
        %get3A_402 = vector.shape_cast %get3A_401 : vector<16xf32> to vector<16xf32>
        %mul3A_403 = arith.mulf %mul3A_399, %get3A_402 : vector<16xf32>
        %swap3A_404 = arith.index_cast %add3A_394 : i32 to index
        %swap3A_405 = tpu.vector_load %arg15[%swap3A_404] {strides = array<i32>} : memref<8192xf32, #tpu.memory_space<vmem>>, vector<16xf32>,
        %swap3A_406 = vector.shape_cast %swap3A_405 : vector<16xf32> to vector<16xf32>
        %swap3A_407 = vector.shape_cast %mul3A_403 : vector<16xf32> to vector<16xf32>
        tpu.vector_store %arg15[%swap3A_404], %swap3A_407 {strides = array<i32>} : memref<8192xf32, #tpu.memory_space<vmem>>, vector<16xf32>,
        %mul3A_408 = arith.constant 128 : i32
        %mul3A_409 = arith.muli %add3A_346, %mul3A_408 : i32
        %add3A_410 = arith.constant 48 : i32
        %add3A_411 = arith.addi %mul3A_409, %add3A_410 : i32
        %get3A_412 = arith.index_cast %add3A_346 : i32 to index
        %get3A_413 = arith.constant 48 : index
        %get3A_414 = tpu.vector_load %arg12[%get3A_412, %get3A_413] {strides = array<i32>} : memref<64x128xf32, #tpu.memory_space<vmem>>, vector<1x16xf32>,
        %get3A_415 = vector.shape_cast %get3A_414 : vector<1x16xf32> to vector<16xf32>
        %mul3A_416 = arith.mulf %get3A_415, %gather3A_351 : vector<16xf32>
        %get3A_417 = arith.index_cast %add3A_411 : i32 to index
        %get3A_418 = tpu.vector_load %arg15[%get3A_417] {strides = array<i32>} : memref<8192xf32, #tpu.memory_space<vmem>>, vector<16xf32>,
        %get3A_419 = vector.shape_cast %get3A_418 : vector<16xf32> to vector<16xf32>
        %mul3A_420 = arith.mulf %mul3A_416, %get3A_419 : vector<16xf32>
        %swap3A_421 = arith.index_cast %add3A_411 : i32 to index
        %swap3A_422 = tpu.vector_load %arg15[%swap3A_421] {strides = array<i32>} : memref<8192xf32, #tpu.memory_space<vmem>>, vector<16xf32>,
        %swap3A_423 = vector.shape_cast %swap3A_422 : vector<16xf32> to vector<16xf32>
        %swap3A_424 = vector.shape_cast %mul3A_420 : vector<16xf32> to vector<16xf32>
        tpu.vector_store %arg15[%swap3A_421], %swap3A_424 {strides = array<i32>} : memref<8192xf32, #tpu.memory_space<vmem>>, vector<16xf32>,
        %mul3A_425 = arith.constant 128 : i32
        %mul3A_426 = arith.muli %add3A_346, %mul3A_425 : i32
        %add3A_427 = arith.constant 64 : i32
        %add3A_428 = arith.addi %mul3A_426, %add3A_427 : i32
        %get3A_429 = arith.index_cast %add3A_346 : i32 to index
        %get3A_430 = arith.constant 64 : index
        %get3A_431 = tpu.vector_load %arg12[%get3A_429, %get3A_430] {strides = array<i32>} : memref<64x128xf32, #tpu.memory_space<vmem>>, vector<1x16xf32>,
        %get3A_432 = vector.shape_cast %get3A_431 : vector<1x16xf32> to vector<16xf32>
        %mul3A_433 = arith.mulf %get3A_432, %gather3A_356 : vector<16xf32>
        %get3A_434 = arith.index_cast %add3A_428 : i32 to index
        %get3A_435 = tpu.vector_load %arg15[%get3A_434] {strides = array<i32>} : memref<8192xf32, #tpu.memory_space<vmem>>, vector<16xf32>,
        %get3A_436 = vector.shape_cast %get3A_435 : vector<16xf32> to vector<16xf32>
        %mul3A_437 = arith.mulf %mul3A_433, %get3A_436 : vector<16xf32>
        %swap3A_438 = arith.index_cast %add3A_428 : i32 to index
        %swap3A_439 = tpu.vector_load %arg15[%swap3A_438] {strides = array<i32>} : memref<8192xf32, #tpu.memory_space<vmem>>, vector<16xf32>,
        %swap3A_440 = vector.shape_cast %swap3A_439 : vector<16xf32> to vector<16xf32>
        %swap3A_441 = vector.shape_cast %mul3A_437 : vector<16xf32> to vector<16xf32>
        tpu.vector_store %arg15[%swap3A_438], %swap3A_441 {strides = array<i32>} : memref<8192xf32, #tpu.memory_space<vmem>>, vector<16xf32>,
        %mul3A_442 = arith.constant 128 : i32
        %mul3A_443 = arith.muli %add3A_346, %mul3A_442 : i32
        %add3A_444 = arith.constant 80 : i32
        %add3A_445 = arith.addi %mul3A_443, %add3A_444 : i32
        %get3A_446 = arith.index_cast %add3A_346 : i32 to index
        %get3A_447 = arith.constant 80 : index
        %get3A_448 = tpu.vector_load %arg12[%get3A_446, %get3A_447] {strides = array<i32>} : memref<64x128xf32, #tpu.memory_space<vmem>>, vector<1x16xf32>,
        %get3A_449 = vector.shape_cast %get3A_448 : vector<1x16xf32> to vector<16xf32>
        %mul3A_450 = arith.mulf %get3A_449, %gather3A_356 : vector<16xf32>
        %get3A_451 = arith.index_cast %add3A_445 : i32 to index
        %get3A_452 = tpu.vector_load %arg15[%get3A_451] {strides = array<i32>} : memref<8192xf32, #tpu.memory_space<vmem>>, vector<16xf32>,
        %get3A_453 = vector.shape_cast %get3A_452 : vector<16xf32> to vector<16xf32>
        %mul3A_454 = arith.mulf %mul3A_450, %get3A_453 : vector<16xf32>
        %swap3A_455 = arith.index_cast %add3A_445 : i32 to index
        %swap3A_456 = tpu.vector_load %arg15[%swap3A_455] {strides = array<i32>} : memref<8192xf32, #tpu.memory_space<vmem>>, vector<16xf32>,
        %swap3A_457 = vector.shape_cast %swap3A_456 : vector<16xf32> to vector<16xf32>
        %swap3A_458 = vector.shape_cast %mul3A_454 : vector<16xf32> to vector<16xf32>
        tpu.vector_store %arg15[%swap3A_455], %swap3A_458 {strides = array<i32>} : memref<8192xf32, #tpu.memory_space<vmem>>, vector<16xf32>,
        %mul3A_459 = arith.constant 128 : i32
        %mul3A_460 = arith.muli %add3A_346, %mul3A_459 : i32
        %add3A_461 = arith.constant 96 : i32
        %add3A_462 = arith.addi %mul3A_460, %add3A_461 : i32
        %get3A_463 = arith.index_cast %add3A_346 : i32 to index
        %get3A_464 = arith.constant 96 : index
        %get3A_465 = tpu.vector_load %arg12[%get3A_463, %get3A_464] {strides = array<i32>} : memref<64x128xf32, #tpu.memory_space<vmem>>, vector<1x16xf32>,
        %get3A_466 = vector.shape_cast %get3A_465 : vector<1x16xf32> to vector<16xf32>
        %mul3A_467 = arith.mulf %get3A_466, %gather3A_356 : vector<16xf32>
        %get3A_468 = arith.index_cast %add3A_462 : i32 to index
        %get3A_469 = tpu.vector_load %arg15[%get3A_468] {strides = array<i32>} : memref<8192xf32, #tpu.memory_space<vmem>>, vector<16xf32>,
        %get3A_470 = vector.shape_cast %get3A_469 : vector<16xf32> to vector<16xf32>
        %mul3A_471 = arith.mulf %mul3A_467, %get3A_470 : vector<16xf32>
        %swap3A_472 = arith.index_cast %add3A_462 : i32 to index
        %swap3A_473 = tpu.vector_load %arg15[%swap3A_472] {strides = array<i32>} : memref<8192xf32, #tpu.memory_space<vmem>>, vector<16xf32>,
        %swap3A_474 = vector.shape_cast %swap3A_473 : vector<16xf32> to vector<16xf32>
        %swap3A_475 = vector.shape_cast %mul3A_471 : vector<16xf32> to vector<16xf32>
        tpu.vector_store %arg15[%swap3A_472], %swap3A_475 {strides = array<i32>} : memref<8192xf32, #tpu.memory_space<vmem>>, vector<16xf32>,
        %mul3A_476 = arith.constant 128 : i32
        %mul3A_477 = arith.muli %add3A_346, %mul3A_476 : i32
        %add3A_478 = arith.constant 112 : i32
        %add3A_479 = arith.addi %mul3A_477, %add3A_478 : i32
        %get3A_480 = arith.index_cast %add3A_346 : i32 to index
        %get3A_481 = arith.constant 112 : index
        %get3A_482 = tpu.vector_load %arg12[%get3A_480, %get3A_481] {strides = array<i32>} : memref<64x128xf32, #tpu.memory_space<vmem>>, vector<1x16xf32>,
        %get3A_483 = vector.shape_cast %get3A_482 : vector<1x16xf32> to vector<16xf32>
        %mul3A_484 = arith.mulf %get3A_483, %gather3A_356 : vector<16xf32>
        %get3A_485 = arith.index_cast %add3A_479 : i32 to index
        %get3A_486 = tpu.vector_load %arg15[%get3A_485] {strides = array<i32>} : memref<8192xf32, #tpu.memory_space<vmem>>, vector<16xf32>,
        %get3A_487 = vector.shape_cast %get3A_486 : vector<16xf32> to vector<16xf32>
        %mul3A_488 = arith.mulf %mul3A_484, %get3A_487 : vector<16xf32>
        %swap3A_489 = arith.index_cast %add3A_479 : i32 to index
        %swap3A_490 = tpu.vector_load %arg15[%swap3A_489] {strides = array<i32>} : memref<8192xf32, #tpu.memory_space<vmem>>, vector<16xf32>,
        %swap3A_491 = vector.shape_cast %swap3A_490 : vector<16xf32> to vector<16xf32>
        %swap3A_492 = vector.shape_cast %mul3A_488 : vector<16xf32> to vector<16xf32>
        tpu.vector_store %arg15[%swap3A_489], %swap3A_492 {strides = array<i32>} : memref<8192xf32, #tpu.memory_space<vmem>>, vector<16xf32>,
        %mul3A_493 = arith.constant 8 : i32
        %mul3A_494 = arith.muli %scan3A_184, %mul3A_493 : i32
        %add3A_495 = arith.constant 2 : i32
        %add3A_496 = arith.addi %mul3A_494, %add3A_495 : i32
        %broadcast_in_dim3A_497 = arith.constant 4 : i32
        %broadcast_in_dim3A_498 = vector.broadcast %broadcast_in_dim3A_497 : i32 to vector<16xi32>
        %reshape3A_499 = vector.shape_cast %broadcast_in_dim3A_498 : vector<16xi32> to vector<16x1xi32>
        %gather3A_500 = vector.shape_cast %reshape3A_499 : vector<16x1xi32> to vector<16xi32>
        %gather3A_501 = tpu.dynamic_gather %get3A_194[%gather3A_500] in [0] : vector<16xf32>, vector<16xi32> -> vector<16xf32>
        %broadcast_in_dim3A_502 = arith.constant 5 : i32
        %broadcast_in_dim3A_503 = vector.broadcast %broadcast_in_dim3A_502 : i32 to vector<16xi32>
        %reshape3A_504 = vector.shape_cast %broadcast_in_dim3A_503 : vector<16xi32> to vector<16x1xi32>
        %gather3A_505 = vector.shape_cast %reshape3A_504 : vector<16x1xi32> to vector<16xi32>
        %gather3A_506 = tpu.dynamic_gather %get3A_194[%gather3A_505] in [0] : vector<16xf32>, vector<16xi32> -> vector<16xf32>
        %mul3A_507 = arith.constant 128 : i32
        %mul3A_508 = arith.muli %add3A_496, %mul3A_507 : i32
        %add3A_509 = arith.constant 0 : i32
        %add3A_510 = arith.addi %mul3A_508, %add3A_509 : i32
        %get3A_511 = arith.index_cast %add3A_496 : i32 to index
        %get3A_512 = arith.constant 0 : index
        %get3A_513 = tpu.vector_load %arg12[%get3A_511, %get3A_512] {strides = array<i32>} : memref<64x128xf32, #tpu.memory_space<vmem>>, vector<1x16xf32>,
        %get3A_514 = vector.shape_cast %get3A_513 : vector<1x16xf32> to vector<16xf32>
        %mul3A_515 = arith.mulf %get3A_514, %gather3A_501 : vector<16xf32>
        %get3A_516 = arith.index_cast %add3A_510 : i32 to index
        %get3A_517 = tpu.vector_load %arg15[%get3A_516] {strides = array<i32>} : memref<8192xf32, #tpu.memory_space<vmem>>, vector<16xf32>,
        %get3A_518 = vector.shape_cast %get3A_517 : vector<16xf32> to vector<16xf32>
        %mul3A_519 = arith.mulf %mul3A_515, %get3A_518 : vector<16xf32>
        %swap3A_520 = arith.index_cast %add3A_510 : i32 to index
        %swap3A_521 = tpu.vector_load %arg15[%swap3A_520] {strides = array<i32>} : memref<8192xf32, #tpu.memory_space<vmem>>, vector<16xf32>,
        %swap3A_522 = vector.shape_cast %swap3A_521 : vector<16xf32> to vector<16xf32>
        %swap3A_523 = vector.shape_cast %mul3A_519 : vector<16xf32> to vector<16xf32>
        tpu.vector_store %arg15[%swap3A_520], %swap3A_523 {strides = array<i32>} : memref<8192xf32, #tpu.memory_space<vmem>>, vector<16xf32>,
        %mul3A_524 = arith.constant 128 : i32
        %mul3A_525 = arith.muli %add3A_496, %mul3A_524 : i32
        %add3A_526 = arith.constant 16 : i32
        %add3A_527 = arith.addi %mul3A_525, %add3A_526 : i32
        %get3A_528 = arith.index_cast %add3A_496 : i32 to index
        %get3A_529 = arith.constant 16 : index
        %get3A_530 = tpu.vector_load %arg12[%get3A_528, %get3A_529] {strides = array<i32>} : memref<64x128xf32, #tpu.memory_space<vmem>>, vector<1x16xf32>,
        %get3A_531 = vector.shape_cast %get3A_530 : vector<1x16xf32> to vector<16xf32>
        %mul3A_532 = arith.mulf %get3A_531, %gather3A_501 : vector<16xf32>
        %get3A_533 = arith.index_cast %add3A_527 : i32 to index
        %get3A_534 = tpu.vector_load %arg15[%get3A_533] {strides = array<i32>} : memref<8192xf32, #tpu.memory_space<vmem>>, vector<16xf32>,
        %get3A_535 = vector.shape_cast %get3A_534 : vector<16xf32> to vector<16xf32>
        %mul3A_536 = arith.mulf %mul3A_532, %get3A_535 : vector<16xf32>
        %swap3A_537 = arith.index_cast %add3A_527 : i32 to index
        %swap3A_538 = tpu.vector_load %arg15[%swap3A_537] {strides = array<i32>} : memref<8192xf32, #tpu.memory_space<vmem>>, vector<16xf32>,
        %swap3A_539 = vector.shape_cast %swap3A_538 : vector<16xf32> to vector<16xf32>
        %swap3A_540 = vector.shape_cast %mul3A_536 : vector<16xf32> to vector<16xf32>
        tpu.vector_store %arg15[%swap3A_537], %swap3A_540 {strides = array<i32>} : memref<8192xf32, #tpu.memory_space<vmem>>, vector<16xf32>,
        %mul3A_541 = arith.constant 128 : i32
        %mul3A_542 = arith.muli %add3A_496, %mul3A_541 : i32
        %add3A_543 = arith.constant 32 : i32
        %add3A_544 = arith.addi %mul3A_542, %add3A_543 : i32
        %get3A_545 = arith.index_cast %add3A_496 : i32 to index
        %get3A_546 = arith.constant 32 : index
        %get3A_547 = tpu.vector_load %arg12[%get3A_545, %get3A_546] {strides = array<i32>} : memref<64x128xf32, #tpu.memory_space<vmem>>, vector<1x16xf32>,
        %get3A_548 = vector.shape_cast %get3A_547 : vector<1x16xf32> to vector<16xf32>
        %mul3A_549 = arith.mulf %get3A_548, %gather3A_501 : vector<16xf32>
        %get3A_550 = arith.index_cast %add3A_544 : i32 to index
        %get3A_551 = tpu.vector_load %arg15[%get3A_550] {strides = array<i32>} : memref<8192xf32, #tpu.memory_space<vmem>>, vector<16xf32>,
        %get3A_552 = vector.shape_cast %get3A_551 : vector<16xf32> to vector<16xf32>
        %mul3A_553 = arith.mulf %mul3A_549, %get3A_552 : vector<16xf32>
        %swap3A_554 = arith.index_cast %add3A_544 : i32 to index
        %swap3A_555 = tpu.vector_load %arg15[%swap3A_554] {strides = array<i32>} : memref<8192xf32, #tpu.memory_space<vmem>>, vector<16xf32>,
        %swap3A_556 = vector.shape_cast %swap3A_555 : vector<16xf32> to vector<16xf32>
        %swap3A_557 = vector.shape_cast %mul3A_553 : vector<16xf32> to vector<16xf32>
        tpu.vector_store %arg15[%swap3A_554], %swap3A_557 {strides = array<i32>} : memref<8192xf32, #tpu.memory_space<vmem>>, vector<16xf32>,
        %mul3A_558 = arith.constant 128 : i32
        %mul3A_559 = arith.muli %add3A_496, %mul3A_558 : i32
        %add3A_560 = arith.constant 48 : i32
        %add3A_561 = arith.addi %mul3A_559, %add3A_560 : i32
        %get3A_562 = arith.index_cast %add3A_496 : i32 to index
        %get3A_563 = arith.constant 48 : index
        %get3A_564 = tpu.vector_load %arg12[%get3A_562, %get3A_563] {strides = array<i32>} : memref<64x128xf32, #tpu.memory_space<vmem>>, vector<1x16xf32>,
        %get3A_565 = vector.shape_cast %get3A_564 : vector<1x16xf32> to vector<16xf32>
        %mul3A_566 = arith.mulf %get3A_565, %gather3A_501 : vector<16xf32>
        %get3A_567 = arith.index_cast %add3A_561 : i32 to index
        %get3A_568 = tpu.vector_load %arg15[%get3A_567] {strides = array<i32>} : memref<8192xf32, #tpu.memory_space<vmem>>, vector<16xf32>,
        %get3A_569 = vector.shape_cast %get3A_568 : vector<16xf32> to vector<16xf32>
        %mul3A_570 = arith.mulf %mul3A_566, %get3A_569 : vector<16xf32>
        %swap3A_571 = arith.index_cast %add3A_561 : i32 to index
        %swap3A_572 = tpu.vector_load %arg15[%swap3A_571] {strides = array<i32>} : memref<8192xf32, #tpu.memory_space<vmem>>, vector<16xf32>,
        %swap3A_573 = vector.shape_cast %swap3A_572 : vector<16xf32> to vector<16xf32>
        %swap3A_574 = vector.shape_cast %mul3A_570 : vector<16xf32> to vector<16xf32>
        tpu.vector_store %arg15[%swap3A_571], %swap3A_574 {strides = array<i32>} : memref<8192xf32, #tpu.memory_space<vmem>>, vector<16xf32>,
        %mul3A_575 = arith.constant 128 : i32
        %mul3A_576 = arith.muli %add3A_496, %mul3A_575 : i32
        %add3A_577 = arith.constant 64 : i32
        %add3A_578 = arith.addi %mul3A_576, %add3A_577 : i32
        %get3A_579 = arith.index_cast %add3A_496 : i32 to index
        %get3A_580 = arith.constant 64 : index
        %get3A_581 = tpu.vector_load %arg12[%get3A_579, %get3A_580] {strides = array<i32>} : memref<64x128xf32, #tpu.memory_space<vmem>>, vector<1x16xf32>,
        %get3A_582 = vector.shape_cast %get3A_581 : vector<1x16xf32> to vector<16xf32>
        %mul3A_583 = arith.mulf %get3A_582, %gather3A_506 : vector<16xf32>
        %get3A_584 = arith.index_cast %add3A_578 : i32 to index
        %get3A_585 = tpu.vector_load %arg15[%get3A_584] {strides = array<i32>} : memref<8192xf32, #tpu.memory_space<vmem>>, vector<16xf32>,
        %get3A_586 = vector.shape_cast %get3A_585 : vector<16xf32> to vector<16xf32>
        %mul3A_587 = arith.mulf %mul3A_583, %get3A_586 : vector<16xf32>
        %swap3A_588 = arith.index_cast %add3A_578 : i32 to index
        %swap3A_589 = tpu.vector_load %arg15[%swap3A_588] {strides = array<i32>} : memref<8192xf32, #tpu.memory_space<vmem>>, vector<16xf32>,
        %swap3A_590 = vector.shape_cast %swap3A_589 : vector<16xf32> to vector<16xf32>
        %swap3A_591 = vector.shape_cast %mul3A_587 : vector<16xf32> to vector<16xf32>
        tpu.vector_store %arg15[%swap3A_588], %swap3A_591 {strides = array<i32>} : memref<8192xf32, #tpu.memory_space<vmem>>, vector<16xf32>,
        %mul3A_592 = arith.constant 128 : i32
        %mul3A_593 = arith.muli %add3A_496, %mul3A_592 : i32
        %add3A_594 = arith.constant 80 : i32
        %add3A_595 = arith.addi %mul3A_593, %add3A_594 : i32
        %get3A_596 = arith.index_cast %add3A_496 : i32 to index
        %get3A_597 = arith.constant 80 : index
        %get3A_598 = tpu.vector_load %arg12[%get3A_596, %get3A_597] {strides = array<i32>} : memref<64x128xf32, #tpu.memory_space<vmem>>, vector<1x16xf32>,
        %get3A_599 = vector.shape_cast %get3A_598 : vector<1x16xf32> to vector<16xf32>
        %mul3A_600 = arith.mulf %get3A_599, %gather3A_506 : vector<16xf32>
        %get3A_601 = arith.index_cast %add3A_595 : i32 to index
        %get3A_602 = tpu.vector_load %arg15[%get3A_601] {strides = array<i32>} : memref<8192xf32, #tpu.memory_space<vmem>>, vector<16xf32>,
        %get3A_603 = vector.shape_cast %get3A_602 : vector<16xf32> to vector<16xf32>
        %mul3A_604 = arith.mulf %mul3A_600, %get3A_603 : vector<16xf32>
        %swap3A_605 = arith.index_cast %add3A_595 : i32 to index
        %swap3A_606 = tpu.vector_load %arg15[%swap3A_605] {strides = array<i32>} : memref<8192xf32, #tpu.memory_space<vmem>>, vector<16xf32>,
        %swap3A_607 = vector.shape_cast %swap3A_606 : vector<16xf32> to vector<16xf32>
        %swap3A_608 = vector.shape_cast %mul3A_604 : vector<16xf32> to vector<16xf32>
        tpu.vector_store %arg15[%swap3A_605], %swap3A_608 {strides = array<i32>} : memref<8192xf32, #tpu.memory_space<vmem>>, vector<16xf32>,
        %mul3A_609 = arith.constant 128 : i32
        %mul3A_610 = arith.muli %add3A_496, %mul3A_609 : i32
        %add3A_611 = arith.constant 96 : i32
        %add3A_612 = arith.addi %mul3A_610, %add3A_611 : i32
        %get3A_613 = arith.index_cast %add3A_496 : i32 to index
        %get3A_614 = arith.constant 96 : index
        %get3A_615 = tpu.vector_load %arg12[%get3A_613, %get3A_614] {strides = array<i32>} : memref<64x128xf32, #tpu.memory_space<vmem>>, vector<1x16xf32>,
        %get3A_616 = vector.shape_cast %get3A_615 : vector<1x16xf32> to vector<16xf32>
        %mul3A_617 = arith.mulf %get3A_616, %gather3A_506 : vector<16xf32>
        %get3A_618 = arith.index_cast %add3A_612 : i32 to index
        %get3A_619 = tpu.vector_load %arg15[%get3A_618] {strides = array<i32>} : memref<8192xf32, #tpu.memory_space<vmem>>, vector<16xf32>,
        %get3A_620 = vector.shape_cast %get3A_619 : vector<16xf32> to vector<16xf32>
        %mul3A_621 = arith.mulf %mul3A_617, %get3A_620 : vector<16xf32>
        %swap3A_622 = arith.index_cast %add3A_612 : i32 to index
        %swap3A_623 = tpu.vector_load %arg15[%swap3A_622] {strides = array<i32>} : memref<8192xf32, #tpu.memory_space<vmem>>, vector<16xf32>,
        %swap3A_624 = vector.shape_cast %swap3A_623 : vector<16xf32> to vector<16xf32>
        %swap3A_625 = vector.shape_cast %mul3A_621 : vector<16xf32> to vector<16xf32>
        tpu.vector_store %arg15[%swap3A_622], %swap3A_625 {strides = array<i32>} : memref<8192xf32, #tpu.memory_space<vmem>>, vector<16xf32>,
        %mul3A_626 = arith.constant 128 : i32
        %mul3A_627 = arith.muli %add3A_496, %mul3A_626 : i32
        %add3A_628 = arith.constant 112 : i32
        %add3A_629 = arith.addi %mul3A_627, %add3A_628 : i32
        %get3A_630 = arith.index_cast %add3A_496 : i32 to index
        %get3A_631 = arith.constant 112 : index
        %get3A_632 = tpu.vector_load %arg12[%get3A_630, %get3A_631] {strides = array<i32>} : memref<64x128xf32, #tpu.memory_space<vmem>>, vector<1x16xf32>,
        %get3A_633 = vector.shape_cast %get3A_632 : vector<1x16xf32> to vector<16xf32>
        %mul3A_634 = arith.mulf %get3A_633, %gather3A_506 : vector<16xf32>
        %get3A_635 = arith.index_cast %add3A_629 : i32 to index
        %get3A_636 = tpu.vector_load %arg15[%get3A_635] {strides = array<i32>} : memref<8192xf32, #tpu.memory_space<vmem>>, vector<16xf32>,
        %get3A_637 = vector.shape_cast %get3A_636 : vector<16xf32> to vector<16xf32>
        %mul3A_638 = arith.mulf %mul3A_634, %get3A_637 : vector<16xf32>
        %swap3A_639 = arith.index_cast %add3A_629 : i32 to index
        %swap3A_640 = tpu.vector_load %arg15[%swap3A_639] {strides = array<i32>} : memref<8192xf32, #tpu.memory_space<vmem>>, vector<16xf32>,
        %swap3A_641 = vector.shape_cast %swap3A_640 : vector<16xf32> to vector<16xf32>
        %swap3A_642 = vector.shape_cast %mul3A_638 : vector<16xf32> to vector<16xf32>
        tpu.vector_store %arg15[%swap3A_639], %swap3A_642 {strides = array<i32>} : memref<8192xf32, #tpu.memory_space<vmem>>, vector<16xf32>,
        %mul3A_643 = arith.constant 8 : i32
        %mul3A_644 = arith.muli %scan3A_184, %mul3A_643 : i32
        %add3A_645 = arith.constant 3 : i32
        %add3A_646 = arith.addi %mul3A_644, %add3A_645 : i32
        %broadcast_in_dim3A_647 = arith.constant 6 : i32
        %broadcast_in_dim3A_648 = vector.broadcast %broadcast_in_dim3A_647 : i32 to vector<16xi32>
        %reshape3A_649 = vector.shape_cast %broadcast_in_dim3A_648 : vector<16xi32> to vector<16x1xi32>
        %gather3A_650 = vector.shape_cast %reshape3A_649 : vector<16x1xi32> to vector<16xi32>
        %gather3A_651 = tpu.dynamic_gather %get3A_194[%gather3A_650] in [0] : vector<16xf32>, vector<16xi32> -> vector<16xf32>
        %broadcast_in_dim3A_652 = arith.constant 7 : i32
        %broadcast_in_dim3A_653 = vector.broadcast %broadcast_in_dim3A_652 : i32 to vector<16xi32>
        %reshape3A_654 = vector.shape_cast %broadcast_in_dim3A_653 : vector<16xi32> to vector<16x1xi32>
        %gather3A_655 = vector.shape_cast %reshape3A_654 : vector<16x1xi32> to vector<16xi32>
        %gather3A_656 = tpu.dynamic_gather %get3A_194[%gather3A_655] in [0] : vector<16xf32>, vector<16xi32> -> vector<16xf32>
        %mul3A_657 = arith.constant 128 : i32
        %mul3A_658 = arith.muli %add3A_646, %mul3A_657 : i32
        %add3A_659 = arith.constant 0 : i32
        %add3A_660 = arith.addi %mul3A_658, %add3A_659 : i32
        %get3A_661 = arith.index_cast %add3A_646 : i32 to index
        %get3A_662 = arith.constant 0 : index
        %get3A_663 = tpu.vector_load %arg12[%get3A_661, %get3A_662] {strides = array<i32>} : memref<64x128xf32, #tpu.memory_space<vmem>>, vector<1x16xf32>,
        %get3A_664 = vector.shape_cast %get3A_663 : vector<1x16xf32> to vector<16xf32>
        %mul3A_665 = arith.mulf %get3A_664, %gather3A_651 : vector<16xf32>
        %get3A_666 = arith.index_cast %add3A_660 : i32 to index
        %get3A_667 = tpu.vector_load %arg15[%get3A_666] {strides = array<i32>} : memref<8192xf32, #tpu.memory_space<vmem>>, vector<16xf32>,
        %get3A_668 = vector.shape_cast %get3A_667 : vector<16xf32> to vector<16xf32>
        %mul3A_669 = arith.mulf %mul3A_665, %get3A_668 : vector<16xf32>
        %swap3A_670 = arith.index_cast %add3A_660 : i32 to index
        %swap3A_671 = tpu.vector_load %arg15[%swap3A_670] {strides = array<i32>} : memref<8192xf32, #tpu.memory_space<vmem>>, vector<16xf32>,
        %swap3A_672 = vector.shape_cast %swap3A_671 : vector<16xf32> to vector<16xf32>
        %swap3A_673 = vector.shape_cast %mul3A_669 : vector<16xf32> to vector<16xf32>
        tpu.vector_store %arg15[%swap3A_670], %swap3A_673 {strides = array<i32>} : memref<8192xf32, #tpu.memory_space<vmem>>, vector<16xf32>,
        %mul3A_674 = arith.constant 128 : i32
        %mul3A_675 = arith.muli %add3A_646, %mul3A_674 : i32
        %add3A_676 = arith.constant 16 : i32
        %add3A_677 = arith.addi %mul3A_675, %add3A_676 : i32
        %get3A_678 = arith.index_cast %add3A_646 : i32 to index
        %get3A_679 = arith.constant 16 : index
        %get3A_680 = tpu.vector_load %arg12[%get3A_678, %get3A_679] {strides = array<i32>} : memref<64x128xf32, #tpu.memory_space<vmem>>, vector<1x16xf32>,
        %get3A_681 = vector.shape_cast %get3A_680 : vector<1x16xf32> to vector<16xf32>
        %mul3A_682 = arith.mulf %get3A_681, %gather3A_651 : vector<16xf32>
        %get3A_683 = arith.index_cast %add3A_677 : i32 to index
        %get3A_684 = tpu.vector_load %arg15[%get3A_683] {strides = array<i32>} : memref<8192xf32, #tpu.memory_space<vmem>>, vector<16xf32>,
        %get3A_685 = vector.shape_cast %get3A_684 : vector<16xf32> to vector<16xf32>
        %mul3A_686 = arith.mulf %mul3A_682, %get3A_685 : vector<16xf32>
        %swap3A_687 = arith.index_cast %add3A_677 : i32 to index
        %swap3A_688 = tpu.vector_load %arg15[%swap3A_687] {strides = array<i32>} : memref<8192xf32, #tpu.memory_space<vmem>>, vector<16xf32>,
        %swap3A_689 = vector.shape_cast %swap3A_688 : vector<16xf32> to vector<16xf32>
        %swap3A_690 = vector.shape_cast %mul3A_686 : vector<16xf32> to vector<16xf32>
        tpu.vector_store %arg15[%swap3A_687], %swap3A_690 {strides = array<i32>} : memref<8192xf32, #tpu.memory_space<vmem>>, vector<16xf32>,
        %mul3A_691 = arith.constant 128 : i32
        %mul3A_692 = arith.muli %add3A_646, %mul3A_691 : i32
        %add3A_693 = arith.constant 32 : i32
        %add3A_694 = arith.addi %mul3A_692, %add3A_693 : i32
        %get3A_695 = arith.index_cast %add3A_646 : i32 to index
        %get3A_696 = arith.constant 32 : index
        %get3A_697 = tpu.vector_load %arg12[%get3A_695, %get3A_696] {strides = array<i32>} : memref<64x128xf32, #tpu.memory_space<vmem>>, vector<1x16xf32>,
        %get3A_698 = vector.shape_cast %get3A_697 : vector<1x16xf32> to vector<16xf32>
        %mul3A_699 = arith.mulf %get3A_698, %gather3A_651 : vector<16xf32>
        %get3A_700 = arith.index_cast %add3A_694 : i32 to index
        %get3A_701 = tpu.vector_load %arg15[%get3A_700] {strides = array<i32>} : memref<8192xf32, #tpu.memory_space<vmem>>, vector<16xf32>,
        %get3A_702 = vector.shape_cast %get3A_701 : vector<16xf32> to vector<16xf32>
        %mul3A_703 = arith.mulf %mul3A_699, %get3A_702 : vector<16xf32>
        %swap3A_704 = arith.index_cast %add3A_694 : i32 to index
        %swap3A_705 = tpu.vector_load %arg15[%swap3A_704] {strides = array<i32>} : memref<8192xf32, #tpu.memory_space<vmem>>, vector<16xf32>,
        %swap3A_706 = vector.shape_cast %swap3A_705 : vector<16xf32> to vector<16xf32>
        %swap3A_707 = vector.shape_cast %mul3A_703 : vector<16xf32> to vector<16xf32>
        tpu.vector_store %arg15[%swap3A_704], %swap3A_707 {strides = array<i32>} : memref<8192xf32, #tpu.memory_space<vmem>>, vector<16xf32>,
        %mul3A_708 = arith.constant 128 : i32
        %mul3A_709 = arith.muli %add3A_646, %mul3A_708 : i32
        %add3A_710 = arith.constant 48 : i32
        %add3A_711 = arith.addi %mul3A_709, %add3A_710 : i32
        %get3A_712 = arith.index_cast %add3A_646 : i32 to index
        %get3A_713 = arith.constant 48 : index
        %get3A_714 = tpu.vector_load %arg12[%get3A_712, %get3A_713] {strides = array<i32>} : memref<64x128xf32, #tpu.memory_space<vmem>>, vector<1x16xf32>,
        %get3A_715 = vector.shape_cast %get3A_714 : vector<1x16xf32> to vector<16xf32>
        %mul3A_716 = arith.mulf %get3A_715, %gather3A_651 : vector<16xf32>
        %get3A_717 = arith.index_cast %add3A_711 : i32 to index
        %get3A_718 = tpu.vector_load %arg15[%get3A_717] {strides = array<i32>} : memref<8192xf32, #tpu.memory_space<vmem>>, vector<16xf32>,
        %get3A_719 = vector.shape_cast %get3A_718 : vector<16xf32> to vector<16xf32>
        %mul3A_720 = arith.mulf %mul3A_716, %get3A_719 : vector<16xf32>
        %swap3A_721 = arith.index_cast %add3A_711 : i32 to index
        %swap3A_722 = tpu.vector_load %arg15[%swap3A_721] {strides = array<i32>} : memref<8192xf32, #tpu.memory_space<vmem>>, vector<16xf32>,
        %swap3A_723 = vector.shape_cast %swap3A_722 : vector<16xf32> to vector<16xf32>
        %swap3A_724 = vector.shape_cast %mul3A_720 : vector<16xf32> to vector<16xf32>
        tpu.vector_store %arg15[%swap3A_721], %swap3A_724 {strides = array<i32>} : memref<8192xf32, #tpu.memory_space<vmem>>, vector<16xf32>,
        %mul3A_725 = arith.constant 128 : i32
        %mul3A_726 = arith.muli %add3A_646, %mul3A_725 : i32
        %add3A_727 = arith.constant 64 : i32
        %add3A_728 = arith.addi %mul3A_726, %add3A_727 : i32
        %get3A_729 = arith.index_cast %add3A_646 : i32 to index
        %get3A_730 = arith.constant 64 : index
        %get3A_731 = tpu.vector_load %arg12[%get3A_729, %get3A_730] {strides = array<i32>} : memref<64x128xf32, #tpu.memory_space<vmem>>, vector<1x16xf32>,
        %get3A_732 = vector.shape_cast %get3A_731 : vector<1x16xf32> to vector<16xf32>
        %mul3A_733 = arith.mulf %get3A_732, %gather3A_656 : vector<16xf32>
        %get3A_734 = arith.index_cast %add3A_728 : i32 to index
        %get3A_735 = tpu.vector_load %arg15[%get3A_734] {strides = array<i32>} : memref<8192xf32, #tpu.memory_space<vmem>>, vector<16xf32>,
        %get3A_736 = vector.shape_cast %get3A_735 : vector<16xf32> to vector<16xf32>
        %mul3A_737 = arith.mulf %mul3A_733, %get3A_736 : vector<16xf32>
        %swap3A_738 = arith.index_cast %add3A_728 : i32 to index
        %swap3A_739 = tpu.vector_load %arg15[%swap3A_738] {strides = array<i32>} : memref<8192xf32, #tpu.memory_space<vmem>>, vector<16xf32>,
        %swap3A_740 = vector.shape_cast %swap3A_739 : vector<16xf32> to vector<16xf32>
        %swap3A_741 = vector.shape_cast %mul3A_737 : vector<16xf32> to vector<16xf32>
        tpu.vector_store %arg15[%swap3A_738], %swap3A_741 {strides = array<i32>} : memref<8192xf32, #tpu.memory_space<vmem>>, vector<16xf32>,
        %mul3A_742 = arith.constant 128 : i32
        %mul3A_743 = arith.muli %add3A_646, %mul3A_742 : i32
        %add3A_744 = arith.constant 80 : i32
        %add3A_745 = arith.addi %mul3A_743, %add3A_744 : i32
        %get3A_746 = arith.index_cast %add3A_646 : i32 to index
        %get3A_747 = arith.constant 80 : index
        %get3A_748 = tpu.vector_load %arg12[%get3A_746, %get3A_747] {strides = array<i32>} : memref<64x128xf32, #tpu.memory_space<vmem>>, vector<1x16xf32>,
        %get3A_749 = vector.shape_cast %get3A_748 : vector<1x16xf32> to vector<16xf32>
        %mul3A_750 = arith.mulf %get3A_749, %gather3A_656 : vector<16xf32>
        %get3A_751 = arith.index_cast %add3A_745 : i32 to index
        %get3A_752 = tpu.vector_load %arg15[%get3A_751] {strides = array<i32>} : memref<8192xf32, #tpu.memory_space<vmem>>, vector<16xf32>,
        %get3A_753 = vector.shape_cast %get3A_752 : vector<16xf32> to vector<16xf32>
        %mul3A_754 = arith.mulf %mul3A_750, %get3A_753 : vector<16xf32>
        %swap3A_755 = arith.index_cast %add3A_745 : i32 to index
        %swap3A_756 = tpu.vector_load %arg15[%swap3A_755] {strides = array<i32>} : memref<8192xf32, #tpu.memory_space<vmem>>, vector<16xf32>,
        %swap3A_757 = vector.shape_cast %swap3A_756 : vector<16xf32> to vector<16xf32>
        %swap3A_758 = vector.shape_cast %mul3A_754 : vector<16xf32> to vector<16xf32>
        tpu.vector_store %arg15[%swap3A_755], %swap3A_758 {strides = array<i32>} : memref<8192xf32, #tpu.memory_space<vmem>>, vector<16xf32>,
        %mul3A_759 = arith.constant 128 : i32
        %mul3A_760 = arith.muli %add3A_646, %mul3A_759 : i32
        %add3A_761 = arith.constant 96 : i32
        %add3A_762 = arith.addi %mul3A_760, %add3A_761 : i32
        %get3A_763 = arith.index_cast %add3A_646 : i32 to index
        %get3A_764 = arith.constant 96 : index
        %get3A_765 = tpu.vector_load %arg12[%get3A_763, %get3A_764] {strides = array<i32>} : memref<64x128xf32, #tpu.memory_space<vmem>>, vector<1x16xf32>,
        %get3A_766 = vector.shape_cast %get3A_765 : vector<1x16xf32> to vector<16xf32>
        %mul3A_767 = arith.mulf %get3A_766, %gather3A_656 : vector<16xf32>
        %get3A_768 = arith.index_cast %add3A_762 : i32 to index
        %get3A_769 = tpu.vector_load %arg15[%get3A_768] {strides = array<i32>} : memref<8192xf32, #tpu.memory_space<vmem>>, vector<16xf32>,
        %get3A_770 = vector.shape_cast %get3A_769 : vector<16xf32> to vector<16xf32>
        %mul3A_771 = arith.mulf %mul3A_767, %get3A_770 : vector<16xf32>
        %swap3A_772 = arith.index_cast %add3A_762 : i32 to index
        %swap3A_773 = tpu.vector_load %arg15[%swap3A_772] {strides = array<i32>} : memref<8192xf32, #tpu.memory_space<vmem>>, vector<16xf32>,
        %swap3A_774 = vector.shape_cast %swap3A_773 : vector<16xf32> to vector<16xf32>
        %swap3A_775 = vector.shape_cast %mul3A_771 : vector<16xf32> to vector<16xf32>
        tpu.vector_store %arg15[%swap3A_772], %swap3A_775 {strides = array<i32>} : memref<8192xf32, #tpu.memory_space<vmem>>, vector<16xf32>,
        %mul3A_776 = arith.constant 128 : i32
        %mul3A_777 = arith.muli %add3A_646, %mul3A_776 : i32
        %add3A_778 = arith.constant 112 : i32
        %add3A_779 = arith.addi %mul3A_777, %add3A_778 : i32
        %get3A_780 = arith.index_cast %add3A_646 : i32 to index
        %get3A_781 = arith.constant 112 : index
        %get3A_782 = tpu.vector_load %arg12[%get3A_780, %get3A_781] {strides = array<i32>} : memref<64x128xf32, #tpu.memory_space<vmem>>, vector<1x16xf32>,
        %get3A_783 = vector.shape_cast %get3A_782 : vector<1x16xf32> to vector<16xf32>
        %mul3A_784 = arith.mulf %get3A_783, %gather3A_656 : vector<16xf32>
        %get3A_785 = arith.index_cast %add3A_779 : i32 to index
        %get3A_786 = tpu.vector_load %arg15[%get3A_785] {strides = array<i32>} : memref<8192xf32, #tpu.memory_space<vmem>>, vector<16xf32>,
        %get3A_787 = vector.shape_cast %get3A_786 : vector<16xf32> to vector<16xf32>
        %mul3A_788 = arith.mulf %mul3A_784, %get3A_787 : vector<16xf32>
        %swap3A_789 = arith.index_cast %add3A_779 : i32 to index
        %swap3A_790 = tpu.vector_load %arg15[%swap3A_789] {strides = array<i32>} : memref<8192xf32, #tpu.memory_space<vmem>>, vector<16xf32>,
        %swap3A_791 = vector.shape_cast %swap3A_790 : vector<16xf32> to vector<16xf32>
        %swap3A_792 = vector.shape_cast %mul3A_788 : vector<16xf32> to vector<16xf32>
        tpu.vector_store %arg15[%swap3A_789], %swap3A_792 {strides = array<i32>} : memref<8192xf32, #tpu.memory_space<vmem>>, vector<16xf32>,
        %mul3A_793 = arith.constant 8 : i32
        %mul3A_794 = arith.muli %scan3A_184, %mul3A_793 : i32
        %add3A_795 = arith.constant 4 : i32
        %add3A_796 = arith.addi %mul3A_794, %add3A_795 : i32
        %broadcast_in_dim3A_797 = arith.constant 8 : i32
        %broadcast_in_dim3A_798 = vector.broadcast %broadcast_in_dim3A_797 : i32 to vector<16xi32>
        %reshape3A_799 = vector.shape_cast %broadcast_in_dim3A_798 : vector<16xi32> to vector<16x1xi32>
        %gather3A_800 = vector.shape_cast %reshape3A_799 : vector<16x1xi32> to vector<16xi32>
        %gather3A_801 = tpu.dynamic_gather %get3A_194[%gather3A_800] in [0] : vector<16xf32>, vector<16xi32> -> vector<16xf32>
        %broadcast_in_dim3A_802 = arith.constant 9 : i32
        %broadcast_in_dim3A_803 = vector.broadcast %broadcast_in_dim3A_802 : i32 to vector<16xi32>
        %reshape3A_804 = vector.shape_cast %broadcast_in_dim3A_803 : vector<16xi32> to vector<16x1xi32>
        %gather3A_805 = vector.shape_cast %reshape3A_804 : vector<16x1xi32> to vector<16xi32>
        %gather3A_806 = tpu.dynamic_gather %get3A_194[%gather3A_805] in [0] : vector<16xf32>, vector<16xi32> -> vector<16xf32>
        %mul3A_807 = arith.constant 128 : i32
        %mul3A_808 = arith.muli %add3A_796, %mul3A_807 : i32
        %add3A_809 = arith.constant 0 : i32
        %add3A_810 = arith.addi %mul3A_808, %add3A_809 : i32
        %get3A_811 = arith.index_cast %add3A_796 : i32 to index
        %get3A_812 = arith.constant 0 : index
        %get3A_813 = tpu.vector_load %arg12[%get3A_811, %get3A_812] {strides = array<i32>} : memref<64x128xf32, #tpu.memory_space<vmem>>, vector<1x16xf32>,
        %get3A_814 = vector.shape_cast %get3A_813 : vector<1x16xf32> to vector<16xf32>
        %mul3A_815 = arith.mulf %get3A_814, %gather3A_801 : vector<16xf32>
        %get3A_816 = arith.index_cast %add3A_810 : i32 to index
        %get3A_817 = tpu.vector_load %arg15[%get3A_816] {strides = array<i32>} : memref<8192xf32, #tpu.memory_space<vmem>>, vector<16xf32>,
        %get3A_818 = vector.shape_cast %get3A_817 : vector<16xf32> to vector<16xf32>
        %mul3A_819 = arith.mulf %mul3A_815, %get3A_818 : vector<16xf32>
        %swap3A_820 = arith.index_cast %add3A_810 : i32 to index
        %swap3A_821 = tpu.vector_load %arg15[%swap3A_820] {strides = array<i32>} : memref<8192xf32, #tpu.memory_space<vmem>>, vector<16xf32>,
        %swap3A_822 = vector.shape_cast %swap3A_821 : vector<16xf32> to vector<16xf32>
        %swap3A_823 = vector.shape_cast %mul3A_819 : vector<16xf32> to vector<16xf32>
        tpu.vector_store %arg15[%swap3A_820], %swap3A_823 {strides = array<i32>} : memref<8192xf32, #tpu.memory_space<vmem>>, vector<16xf32>,
        %mul3A_824 = arith.constant 128 : i32
        %mul3A_825 = arith.muli %add3A_796, %mul3A_824 : i32
        %add3A_826 = arith.constant 16 : i32
        %add3A_827 = arith.addi %mul3A_825, %add3A_826 : i32
        %get3A_828 = arith.index_cast %add3A_796 : i32 to index
        %get3A_829 = arith.constant 16 : index
        %get3A_830 = tpu.vector_load %arg12[%get3A_828, %get3A_829] {strides = array<i32>} : memref<64x128xf32, #tpu.memory_space<vmem>>, vector<1x16xf32>,
        %get3A_831 = vector.shape_cast %get3A_830 : vector<1x16xf32> to vector<16xf32>
        %mul3A_832 = arith.mulf %get3A_831, %gather3A_801 : vector<16xf32>
        %get3A_833 = arith.index_cast %add3A_827 : i32 to index
        %get3A_834 = tpu.vector_load %arg15[%get3A_833] {strides = array<i32>} : memref<8192xf32, #tpu.memory_space<vmem>>, vector<16xf32>,
        %get3A_835 = vector.shape_cast %get3A_834 : vector<16xf32> to vector<16xf32>
        %mul3A_836 = arith.mulf %mul3A_832, %get3A_835 : vector<16xf32>
        %swap3A_837 = arith.index_cast %add3A_827 : i32 to index
        %swap3A_838 = tpu.vector_load %arg15[%swap3A_837] {strides = array<i32>} : memref<8192xf32, #tpu.memory_space<vmem>>, vector<16xf32>,
        %swap3A_839 = vector.shape_cast %swap3A_838 : vector<16xf32> to vector<16xf32>
        %swap3A_840 = vector.shape_cast %mul3A_836 : vector<16xf32> to vector<16xf32>
        tpu.vector_store %arg15[%swap3A_837], %swap3A_840 {strides = array<i32>} : memref<8192xf32, #tpu.memory_space<vmem>>, vector<16xf32>,
        %mul3A_841 = arith.constant 128 : i32
        %mul3A_842 = arith.muli %add3A_796, %mul3A_841 : i32
        %add3A_843 = arith.constant 32 : i32
        %add3A_844 = arith.addi %mul3A_842, %add3A_843 : i32
        %get3A_845 = arith.index_cast %add3A_796 : i32 to index
        %get3A_846 = arith.constant 32 : index
        %get3A_847 = tpu.vector_load %arg12[%get3A_845, %get3A_846] {strides = array<i32>} : memref<64x128xf32, #tpu.memory_space<vmem>>, vector<1x16xf32>,
        %get3A_848 = vector.shape_cast %get3A_847 : vector<1x16xf32> to vector<16xf32>
        %mul3A_849 = arith.mulf %get3A_848, %gather3A_801 : vector<16xf32>
        %get3A_850 = arith.index_cast %add3A_844 : i32 to index
        %get3A_851 = tpu.vector_load %arg15[%get3A_850] {strides = array<i32>} : memref<8192xf32, #tpu.memory_space<vmem>>, vector<16xf32>,
        %get3A_852 = vector.shape_cast %get3A_851 : vector<16xf32> to vector<16xf32>
        %mul3A_853 = arith.mulf %mul3A_849, %get3A_852 : vector<16xf32>
        %swap3A_854 = arith.index_cast %add3A_844 : i32 to index
        %swap3A_855 = tpu.vector_load %arg15[%swap3A_854] {strides = array<i32>} : memref<8192xf32, #tpu.memory_space<vmem>>, vector<16xf32>,
        %swap3A_856 = vector.shape_cast %swap3A_855 : vector<16xf32> to vector<16xf32>
        %swap3A_857 = vector.shape_cast %mul3A_853 : vector<16xf32> to vector<16xf32>
        tpu.vector_store %arg15[%swap3A_854], %swap3A_857 {strides = array<i32>} : memref<8192xf32, #tpu.memory_space<vmem>>, vector<16xf32>,
        %mul3A_858 = arith.constant 128 : i32
        %mul3A_859 = arith.muli %add3A_796, %mul3A_858 : i32
        %add3A_860 = arith.constant 48 : i32
        %add3A_861 = arith.addi %mul3A_859, %add3A_860 : i32
        %get3A_862 = arith.index_cast %add3A_796 : i32 to index
        %get3A_863 = arith.constant 48 : index
        %get3A_864 = tpu.vector_load %arg12[%get3A_862, %get3A_863] {strides = array<i32>} : memref<64x128xf32, #tpu.memory_space<vmem>>, vector<1x16xf32>,
        %get3A_865 = vector.shape_cast %get3A_864 : vector<1x16xf32> to vector<16xf32>
        %mul3A_866 = arith.mulf %get3A_865, %gather3A_801 : vector<16xf32>
        %get3A_867 = arith.index_cast %add3A_861 : i32 to index
        %get3A_868 = tpu.vector_load %arg15[%get3A_867] {strides = array<i32>} : memref<8192xf32, #tpu.memory_space<vmem>>, vector<16xf32>,
        %get3A_869 = vector.shape_cast %get3A_868 : vector<16xf32> to vector<16xf32>
        %mul3A_870 = arith.mulf %mul3A_866, %get3A_869 : vector<16xf32>
        %swap3A_871 = arith.index_cast %add3A_861 : i32 to index
        %swap3A_872 = tpu.vector_load %arg15[%swap3A_871] {strides = array<i32>} : memref<8192xf32, #tpu.memory_space<vmem>>, vector<16xf32>,
        %swap3A_873 = vector.shape_cast %swap3A_872 : vector<16xf32> to vector<16xf32>
        %swap3A_874 = vector.shape_cast %mul3A_870 : vector<16xf32> to vector<16xf32>
        tpu.vector_store %arg15[%swap3A_871], %swap3A_874 {strides = array<i32>} : memref<8192xf32, #tpu.memory_space<vmem>>, vector<16xf32>,
        %mul3A_875 = arith.constant 128 : i32
        %mul3A_876 = arith.muli %add3A_796, %mul3A_875 : i32
        %add3A_877 = arith.constant 64 : i32
        %add3A_878 = arith.addi %mul3A_876, %add3A_877 : i32
        %get3A_879 = arith.index_cast %add3A_796 : i32 to index
        %get3A_880 = arith.constant 64 : index
        %get3A_881 = tpu.vector_load %arg12[%get3A_879, %get3A_880] {strides = array<i32>} : memref<64x128xf32, #tpu.memory_space<vmem>>, vector<1x16xf32>,
        %get3A_882 = vector.shape_cast %get3A_881 : vector<1x16xf32> to vector<16xf32>
        %mul3A_883 = arith.mulf %get3A_882, %gather3A_806 : vector<16xf32>
        %get3A_884 = arith.index_cast %add3A_878 : i32 to index
        %get3A_885 = tpu.vector_load %arg15[%get3A_884] {strides = array<i32>} : memref<8192xf32, #tpu.memory_space<vmem>>, vector<16xf32>,
        %get3A_886 = vector.shape_cast %get3A_885 : vector<16xf32> to vector<16xf32>
        %mul3A_887 = arith.mulf %mul3A_883, %get3A_886 : vector<16xf32>
        %swap3A_888 = arith.index_cast %add3A_878 : i32 to index
        %swap3A_889 = tpu.vector_load %arg15[%swap3A_888] {strides = array<i32>} : memref<8192xf32, #tpu.memory_space<vmem>>, vector<16xf32>,
        %swap3A_890 = vector.shape_cast %swap3A_889 : vector<16xf32> to vector<16xf32>
        %swap3A_891 = vector.shape_cast %mul3A_887 : vector<16xf32> to vector<16xf32>
        tpu.vector_store %arg15[%swap3A_888], %swap3A_891 {strides = array<i32>} : memref<8192xf32, #tpu.memory_space<vmem>>, vector<16xf32>,
        %mul3A_892 = arith.constant 128 : i32
        %mul3A_893 = arith.muli %add3A_796, %mul3A_892 : i32
        %add3A_894 = arith.constant 80 : i32
        %add3A_895 = arith.addi %mul3A_893, %add3A_894 : i32
        %get3A_896 = arith.index_cast %add3A_796 : i32 to index
        %get3A_897 = arith.constant 80 : index
        %get3A_898 = tpu.vector_load %arg12[%get3A_896, %get3A_897] {strides = array<i32>} : memref<64x128xf32, #tpu.memory_space<vmem>>, vector<1x16xf32>,
        %get3A_899 = vector.shape_cast %get3A_898 : vector<1x16xf32> to vector<16xf32>
        %mul3A_900 = arith.mulf %get3A_899, %gather3A_806 : vector<16xf32>
        %get3A_901 = arith.index_cast %add3A_895 : i32 to index
        %get3A_902 = tpu.vector_load %arg15[%get3A_901] {strides = array<i32>} : memref<8192xf32, #tpu.memory_space<vmem>>, vector<16xf32>,
        %get3A_903 = vector.shape_cast %get3A_902 : vector<16xf32> to vector<16xf32>
        %mul3A_904 = arith.mulf %mul3A_900, %get3A_903 : vector<16xf32>
        %swap3A_905 = arith.index_cast %add3A_895 : i32 to index
        %swap3A_906 = tpu.vector_load %arg15[%swap3A_905] {strides = array<i32>} : memref<8192xf32, #tpu.memory_space<vmem>>, vector<16xf32>,
        %swap3A_907 = vector.shape_cast %swap3A_906 : vector<16xf32> to vector<16xf32>
        %swap3A_908 = vector.shape_cast %mul3A_904 : vector<16xf32> to vector<16xf32>
        tpu.vector_store %arg15[%swap3A_905], %swap3A_908 {strides = array<i32>} : memref<8192xf32, #tpu.memory_space<vmem>>, vector<16xf32>,
        %mul3A_909 = arith.constant 128 : i32
        %mul3A_910 = arith.muli %add3A_796, %mul3A_909 : i32
        %add3A_911 = arith.constant 96 : i32
        %add3A_912 = arith.addi %mul3A_910, %add3A_911 : i32
        %get3A_913 = arith.index_cast %add3A_796 : i32 to index
        %get3A_914 = arith.constant 96 : index
        %get3A_915 = tpu.vector_load %arg12[%get3A_913, %get3A_914] {strides = array<i32>} : memref<64x128xf32, #tpu.memory_space<vmem>>, vector<1x16xf32>,
        %get3A_916 = vector.shape_cast %get3A_915 : vector<1x16xf32> to vector<16xf32>
        %mul3A_917 = arith.mulf %get3A_916, %gather3A_806 : vector<16xf32>
        %get3A_918 = arith.index_cast %add3A_912 : i32 to index
        %get3A_919 = tpu.vector_load %arg15[%get3A_918] {strides = array<i32>} : memref<8192xf32, #tpu.memory_space<vmem>>, vector<16xf32>,
        %get3A_920 = vector.shape_cast %get3A_919 : vector<16xf32> to vector<16xf32>
        %mul3A_921 = arith.mulf %mul3A_917, %get3A_920 : vector<16xf32>
        %swap3A_922 = arith.index_cast %add3A_912 : i32 to index
        %swap3A_923 = tpu.vector_load %arg15[%swap3A_922] {strides = array<i32>} : memref<8192xf32, #tpu.memory_space<vmem>>, vector<16xf32>,
        %swap3A_924 = vector.shape_cast %swap3A_923 : vector<16xf32> to vector<16xf32>
        %swap3A_925 = vector.shape_cast %mul3A_921 : vector<16xf32> to vector<16xf32>
        tpu.vector_store %arg15[%swap3A_922], %swap3A_925 {strides = array<i32>} : memref<8192xf32, #tpu.memory_space<vmem>>, vector<16xf32>,
        %mul3A_926 = arith.constant 128 : i32
        %mul3A_927 = arith.muli %add3A_796, %mul3A_926 : i32
        %add3A_928 = arith.constant 112 : i32
        %add3A_929 = arith.addi %mul3A_927, %add3A_928 : i32
        %get3A_930 = arith.index_cast %add3A_796 : i32 to index
        %get3A_931 = arith.constant 112 : index
        %get3A_932 = tpu.vector_load %arg12[%get3A_930, %get3A_931] {strides = array<i32>} : memref<64x128xf32, #tpu.memory_space<vmem>>, vector<1x16xf32>,
        %get3A_933 = vector.shape_cast %get3A_932 : vector<1x16xf32> to vector<16xf32>
        %mul3A_934 = arith.mulf %get3A_933, %gather3A_806 : vector<16xf32>
        %get3A_935 = arith.index_cast %add3A_929 : i32 to index
        %get3A_936 = tpu.vector_load %arg15[%get3A_935] {strides = array<i32>} : memref<8192xf32, #tpu.memory_space<vmem>>, vector<16xf32>,
        %get3A_937 = vector.shape_cast %get3A_936 : vector<16xf32> to vector<16xf32>
        %mul3A_938 = arith.mulf %mul3A_934, %get3A_937 : vector<16xf32>
        %swap3A_939 = arith.index_cast %add3A_929 : i32 to index
        %swap3A_940 = tpu.vector_load %arg15[%swap3A_939] {strides = array<i32>} : memref<8192xf32, #tpu.memory_space<vmem>>, vector<16xf32>,
        %swap3A_941 = vector.shape_cast %swap3A_940 : vector<16xf32> to vector<16xf32>
        %swap3A_942 = vector.shape_cast %mul3A_938 : vector<16xf32> to vector<16xf32>
        tpu.vector_store %arg15[%swap3A_939], %swap3A_942 {strides = array<i32>} : memref<8192xf32, #tpu.memory_space<vmem>>, vector<16xf32>,
        %mul3A_943 = arith.constant 8 : i32
        %mul3A_944 = arith.muli %scan3A_184, %mul3A_943 : i32
        %add3A_945 = arith.constant 5 : i32
        %add3A_946 = arith.addi %mul3A_944, %add3A_945 : i32
        %broadcast_in_dim3A_947 = arith.constant 10 : i32
        %broadcast_in_dim3A_948 = vector.broadcast %broadcast_in_dim3A_947 : i32 to vector<16xi32>
        %reshape3A_949 = vector.shape_cast %broadcast_in_dim3A_948 : vector<16xi32> to vector<16x1xi32>
        %gather3A_950 = vector.shape_cast %reshape3A_949 : vector<16x1xi32> to vector<16xi32>
        %gather3A_951 = tpu.dynamic_gather %get3A_194[%gather3A_950] in [0] : vector<16xf32>, vector<16xi32> -> vector<16xf32>
        %broadcast_in_dim3A_952 = arith.constant 11 : i32
        %broadcast_in_dim3A_953 = vector.broadcast %broadcast_in_dim3A_952 : i32 to vector<16xi32>
        %reshape3A_954 = vector.shape_cast %broadcast_in_dim3A_953 : vector<16xi32> to vector<16x1xi32>
        %gather3A_955 = vector.shape_cast %reshape3A_954 : vector<16x1xi32> to vector<16xi32>
        %gather3A_956 = tpu.dynamic_gather %get3A_194[%gather3A_955] in [0] : vector<16xf32>, vector<16xi32> -> vector<16xf32>
        %mul3A_957 = arith.constant 128 : i32
        %mul3A_958 = arith.muli %add3A_946, %mul3A_957 : i32
        %add3A_959 = arith.constant 0 : i32
        %add3A_960 = arith.addi %mul3A_958, %add3A_959 : i32
        %get3A_961 = arith.index_cast %add3A_946 : i32 to index
        %get3A_962 = arith.constant 0 : index
        %get3A_963 = tpu.vector_load %arg12[%get3A_961, %get3A_962] {strides = array<i32>} : memref<64x128xf32, #tpu.memory_space<vmem>>, vector<1x16xf32>,
        %get3A_964 = vector.shape_cast %get3A_963 : vector<1x16xf32> to vector<16xf32>
        %mul3A_965 = arith.mulf %get3A_964, %gather3A_951 : vector<16xf32>
        %get3A_966 = arith.index_cast %add3A_960 : i32 to index
        %get3A_967 = tpu.vector_load %arg15[%get3A_966] {strides = array<i32>} : memref<8192xf32, #tpu.memory_space<vmem>>, vector<16xf32>,
        %get3A_968 = vector.shape_cast %get3A_967 : vector<16xf32> to vector<16xf32>
        %mul3A_969 = arith.mulf %mul3A_965, %get3A_968 : vector<16xf32>
        %swap3A_970 = arith.index_cast %add3A_960 : i32 to index
        %swap3A_971 = tpu.vector_load %arg15[%swap3A_970] {strides = array<i32>} : memref<8192xf32, #tpu.memory_space<vmem>>, vector<16xf32>,
        %swap3A_972 = vector.shape_cast %swap3A_971 : vector<16xf32> to vector<16xf32>
        %swap3A_973 = vector.shape_cast %mul3A_969 : vector<16xf32> to vector<16xf32>
        tpu.vector_store %arg15[%swap3A_970], %swap3A_973 {strides = array<i32>} : memref<8192xf32, #tpu.memory_space<vmem>>, vector<16xf32>,
        %mul3A_974 = arith.constant 128 : i32
        %mul3A_975 = arith.muli %add3A_946, %mul3A_974 : i32
        %add3A_976 = arith.constant 16 : i32
        %add3A_977 = arith.addi %mul3A_975, %add3A_976 : i32
        %get3A_978 = arith.index_cast %add3A_946 : i32 to index
        %get3A_979 = arith.constant 16 : index
        %get3A_980 = tpu.vector_load %arg12[%get3A_978, %get3A_979] {strides = array<i32>} : memref<64x128xf32, #tpu.memory_space<vmem>>, vector<1x16xf32>,
        %get3A_981 = vector.shape_cast %get3A_980 : vector<1x16xf32> to vector<16xf32>
        %mul3A_982 = arith.mulf %get3A_981, %gather3A_951 : vector<16xf32>
        %get3A_983 = arith.index_cast %add3A_977 : i32 to index
        %get3A_984 = tpu.vector_load %arg15[%get3A_983] {strides = array<i32>} : memref<8192xf32, #tpu.memory_space<vmem>>, vector<16xf32>,
        %get3A_985 = vector.shape_cast %get3A_984 : vector<16xf32> to vector<16xf32>
        %mul3A_986 = arith.mulf %mul3A_982, %get3A_985 : vector<16xf32>
        %swap3A_987 = arith.index_cast %add3A_977 : i32 to index
        %swap3A_988 = tpu.vector_load %arg15[%swap3A_987] {strides = array<i32>} : memref<8192xf32, #tpu.memory_space<vmem>>, vector<16xf32>,
        %swap3A_989 = vector.shape_cast %swap3A_988 : vector<16xf32> to vector<16xf32>
        %swap3A_990 = vector.shape_cast %mul3A_986 : vector<16xf32> to vector<16xf32>
        tpu.vector_store %arg15[%swap3A_987], %swap3A_990 {strides = array<i32>} : memref<8192xf32, #tpu.memory_space<vmem>>, vector<16xf32>,
        %mul3A_991 = arith.constant 128 : i32
        %mul3A_992 = arith.muli %add3A_946, %mul3A_991 : i32
        %add3A_993 = arith.constant 32 : i32
        %add3A_994 = arith.addi %mul3A_992, %add3A_993 : i32
        %get3A_995 = arith.index_cast %add3A_946 : i32 to index
        %get3A_996 = arith.constant 32 : index
        %get3A_997 = tpu.vector_load %arg12[%get3A_995, %get3A_996] {strides = array<i32>} : memref<64x128xf32, #tpu.memory_space<vmem>>, vector<1x16xf32>,
        %get3A_998 = vector.shape_cast %get3A_997 : vector<1x16xf32> to vector<16xf32>
        %mul3A_999 = arith.mulf %get3A_998, %gather3A_951 : vector<16xf32>
        %get3A_1000 = arith.index_cast %add3A_994 : i32 to index
        %get3A_1001 = tpu.vector_load %arg15[%get3A_1000] {strides = array<i32>} : memref<8192xf32, #tpu.memory_space<vmem>>, vector<16xf32>,
        %get3A_1002 = vector.shape_cast %get3A_1001 : vector<16xf32> to vector<16xf32>
        %mul3A_1003 = arith.mulf %mul3A_999, %get3A_1002 : vector<16xf32>
        %swap3A_1004 = arith.index_cast %add3A_994 : i32 to index
        %swap3A_1005 = tpu.vector_load %arg15[%swap3A_1004] {strides = array<i32>} : memref<8192xf32, #tpu.memory_space<vmem>>, vector<16xf32>,
        %swap3A_1006 = vector.shape_cast %swap3A_1005 : vector<16xf32> to vector<16xf32>
        %swap3A_1007 = vector.shape_cast %mul3A_1003 : vector<16xf32> to vector<16xf32>
        tpu.vector_store %arg15[%swap3A_1004], %swap3A_1007 {strides = array<i32>} : memref<8192xf32, #tpu.memory_space<vmem>>, vector<16xf32>,
        %mul3A_1008 = arith.constant 128 : i32
        %mul3A_1009 = arith.muli %add3A_946, %mul3A_1008 : i32
        %add3A_1010 = arith.constant 48 : i32
        %add3A_1011 = arith.addi %mul3A_1009, %add3A_1010 : i32
        %get3A_1012 = arith.index_cast %add3A_946 : i32 to index
        %get3A_1013 = arith.constant 48 : index
        %get3A_1014 = tpu.vector_load %arg12[%get3A_1012, %get3A_1013] {strides = array<i32>} : memref<64x128xf32, #tpu.memory_space<vmem>>, vector<1x16xf32>,
        %get3A_1015 = vector.shape_cast %get3A_1014 : vector<1x16xf32> to vector<16xf32>
        %mul3A_1016 = arith.mulf %get3A_1015, %gather3A_951 : vector<16xf32>
        %get3A_1017 = arith.index_cast %add3A_1011 : i32 to index
        %get3A_1018 = tpu.vector_load %arg15[%get3A_1017] {strides = array<i32>} : memref<8192xf32, #tpu.memory_space<vmem>>, vector<16xf32>,
        %get3A_1019 = vector.shape_cast %get3A_1018 : vector<16xf32> to vector<16xf32>
        %mul3A_1020 = arith.mulf %mul3A_1016, %get3A_1019 : vector<16xf32>
        %swap3A_1021 = arith.index_cast %add3A_1011 : i32 to index
        %swap3A_1022 = tpu.vector_load %arg15[%swap3A_1021] {strides = array<i32>} : memref<8192xf32, #tpu.memory_space<vmem>>, vector<16xf32>,
        %swap3A_1023 = vector.shape_cast %swap3A_1022 : vector<16xf32> to vector<16xf32>
        %swap3A_1024 = vector.shape_cast %mul3A_1020 : vector<16xf32> to vector<16xf32>
        tpu.vector_store %arg15[%swap3A_1021], %swap3A_1024 {strides = array<i32>} : memref<8192xf32, #tpu.memory_space<vmem>>, vector<16xf32>,
        %mul3A_1025 = arith.constant 128 : i32
        %mul3A_1026 = arith.muli %add3A_946, %mul3A_1025 : i32
        %add3A_1027 = arith.constant 64 : i32
        %add3A_1028 = arith.addi %mul3A_1026, %add3A_1027 : i32
        %get3A_1029 = arith.index_cast %add3A_946 : i32 to index
        %get3A_1030 = arith.constant 64 : index
        %get3A_1031 = tpu.vector_load %arg12[%get3A_1029, %get3A_1030] {strides = array<i32>} : memref<64x128xf32, #tpu.memory_space<vmem>>, vector<1x16xf32>,
        %get3A_1032 = vector.shape_cast %get3A_1031 : vector<1x16xf32> to vector<16xf32>
        %mul3A_1033 = arith.mulf %get3A_1032, %gather3A_956 : vector<16xf32>
        %get3A_1034 = arith.index_cast %add3A_1028 : i32 to index
        %get3A_1035 = tpu.vector_load %arg15[%get3A_1034] {strides = array<i32>} : memref<8192xf32, #tpu.memory_space<vmem>>, vector<16xf32>,
        %get3A_1036 = vector.shape_cast %get3A_1035 : vector<16xf32> to vector<16xf32>
        %mul3A_1037 = arith.mulf %mul3A_1033, %get3A_1036 : vector<16xf32>
        %swap3A_1038 = arith.index_cast %add3A_1028 : i32 to index
        %swap3A_1039 = tpu.vector_load %arg15[%swap3A_1038] {strides = array<i32>} : memref<8192xf32, #tpu.memory_space<vmem>>, vector<16xf32>,
        %swap3A_1040 = vector.shape_cast %swap3A_1039 : vector<16xf32> to vector<16xf32>
        %swap3A_1041 = vector.shape_cast %mul3A_1037 : vector<16xf32> to vector<16xf32>
        tpu.vector_store %arg15[%swap3A_1038], %swap3A_1041 {strides = array<i32>} : memref<8192xf32, #tpu.memory_space<vmem>>, vector<16xf32>,
        %mul3A_1042 = arith.constant 128 : i32
        %mul3A_1043 = arith.muli %add3A_946, %mul3A_1042 : i32
        %add3A_1044 = arith.constant 80 : i32
        %add3A_1045 = arith.addi %mul3A_1043, %add3A_1044 : i32
        %get3A_1046 = arith.index_cast %add3A_946 : i32 to index
        %get3A_1047 = arith.constant 80 : index
        %get3A_1048 = tpu.vector_load %arg12[%get3A_1046, %get3A_1047] {strides = array<i32>} : memref<64x128xf32, #tpu.memory_space<vmem>>, vector<1x16xf32>,
        %get3A_1049 = vector.shape_cast %get3A_1048 : vector<1x16xf32> to vector<16xf32>
        %mul3A_1050 = arith.mulf %get3A_1049, %gather3A_956 : vector<16xf32>
        %get3A_1051 = arith.index_cast %add3A_1045 : i32 to index
        %get3A_1052 = tpu.vector_load %arg15[%get3A_1051] {strides = array<i32>} : memref<8192xf32, #tpu.memory_space<vmem>>, vector<16xf32>,
        %get3A_1053 = vector.shape_cast %get3A_1052 : vector<16xf32> to vector<16xf32>
        %mul3A_1054 = arith.mulf %mul3A_1050, %get3A_1053 : vector<16xf32>
        %swap3A_1055 = arith.index_cast %add3A_1045 : i32 to index
        %swap3A_1056 = tpu.vector_load %arg15[%swap3A_1055] {strides = array<i32>} : memref<8192xf32, #tpu.memory_space<vmem>>, vector<16xf32>,
        %swap3A_1057 = vector.shape_cast %swap3A_1056 : vector<16xf32> to vector<16xf32>
        %swap3A_1058 = vector.shape_cast %mul3A_1054 : vector<16xf32> to vector<16xf32>
        tpu.vector_store %arg15[%swap3A_1055], %swap3A_1058 {strides = array<i32>} : memref<8192xf32, #tpu.memory_space<vmem>>, vector<16xf32>,
        %mul3A_1059 = arith.constant 128 : i32
        %mul3A_1060 = arith.muli %add3A_946, %mul3A_1059 : i32
        %add3A_1061 = arith.constant 96 : i32
        %add3A_1062 = arith.addi %mul3A_1060, %add3A_1061 : i32
        %get3A_1063 = arith.index_cast %add3A_946 : i32 to index
        %get3A_1064 = arith.constant 96 : index
        %get3A_1065 = tpu.vector_load %arg12[%get3A_1063, %get3A_1064] {strides = array<i32>} : memref<64x128xf32, #tpu.memory_space<vmem>>, vector<1x16xf32>,
        %get3A_1066 = vector.shape_cast %get3A_1065 : vector<1x16xf32> to vector<16xf32>
        %mul3A_1067 = arith.mulf %get3A_1066, %gather3A_956 : vector<16xf32>
        %get3A_1068 = arith.index_cast %add3A_1062 : i32 to index
        %get3A_1069 = tpu.vector_load %arg15[%get3A_1068] {strides = array<i32>} : memref<8192xf32, #tpu.memory_space<vmem>>, vector<16xf32>,
        %get3A_1070 = vector.shape_cast %get3A_1069 : vector<16xf32> to vector<16xf32>
        %mul3A_1071 = arith.mulf %mul3A_1067, %get3A_1070 : vector<16xf32>
        %swap3A_1072 = arith.index_cast %add3A_1062 : i32 to index
        %swap3A_1073 = tpu.vector_load %arg15[%swap3A_1072] {strides = array<i32>} : memref<8192xf32, #tpu.memory_space<vmem>>, vector<16xf32>,
        %swap3A_1074 = vector.shape_cast %swap3A_1073 : vector<16xf32> to vector<16xf32>
        %swap3A_1075 = vector.shape_cast %mul3A_1071 : vector<16xf32> to vector<16xf32>
        tpu.vector_store %arg15[%swap3A_1072], %swap3A_1075 {strides = array<i32>} : memref<8192xf32, #tpu.memory_space<vmem>>, vector<16xf32>,
        %mul3A_1076 = arith.constant 128 : i32
        %mul3A_1077 = arith.muli %add3A_946, %mul3A_1076 : i32
        %add3A_1078 = arith.constant 112 : i32
        %add3A_1079 = arith.addi %mul3A_1077, %add3A_1078 : i32
        %get3A_1080 = arith.index_cast %add3A_946 : i32 to index
        %get3A_1081 = arith.constant 112 : index
        %get3A_1082 = tpu.vector_load %arg12[%get3A_1080, %get3A_1081] {strides = array<i32>} : memref<64x128xf32, #tpu.memory_space<vmem>>, vector<1x16xf32>,
        %get3A_1083 = vector.shape_cast %get3A_1082 : vector<1x16xf32> to vector<16xf32>
        %mul3A_1084 = arith.mulf %get3A_1083, %gather3A_956 : vector<16xf32>
        %get3A_1085 = arith.index_cast %add3A_1079 : i32 to index
        %get3A_1086 = tpu.vector_load %arg15[%get3A_1085] {strides = array<i32>} : memref<8192xf32, #tpu.memory_space<vmem>>, vector<16xf32>,
        %get3A_1087 = vector.shape_cast %get3A_1086 : vector<16xf32> to vector<16xf32>
        %mul3A_1088 = arith.mulf %mul3A_1084, %get3A_1087 : vector<16xf32>
        %swap3A_1089 = arith.index_cast %add3A_1079 : i32 to index
        %swap3A_1090 = tpu.vector_load %arg15[%swap3A_1089] {strides = array<i32>} : memref<8192xf32, #tpu.memory_space<vmem>>, vector<16xf32>,
        %swap3A_1091 = vector.shape_cast %swap3A_1090 : vector<16xf32> to vector<16xf32>
        %swap3A_1092 = vector.shape_cast %mul3A_1088 : vector<16xf32> to vector<16xf32>
        tpu.vector_store %arg15[%swap3A_1089], %swap3A_1092 {strides = array<i32>} : memref<8192xf32, #tpu.memory_space<vmem>>, vector<16xf32>,
        %mul3A_1093 = arith.constant 8 : i32
        %mul3A_1094 = arith.muli %scan3A_184, %mul3A_1093 : i32
        %add3A_1095 = arith.constant 6 : i32
        %add3A_1096 = arith.addi %mul3A_1094, %add3A_1095 : i32
        %broadcast_in_dim3A_1097 = arith.constant 12 : i32
        %broadcast_in_dim3A_1098 = vector.broadcast %broadcast_in_dim3A_1097 : i32 to vector<16xi32>
        %reshape3A_1099 = vector.shape_cast %broadcast_in_dim3A_1098 : vector<16xi32> to vector<16x1xi32>
        %gather3A_1100 = vector.shape_cast %reshape3A_1099 : vector<16x1xi32> to vector<16xi32>
        %gather3A_1101 = tpu.dynamic_gather %get3A_194[%gather3A_1100] in [0] : vector<16xf32>, vector<16xi32> -> vector<16xf32>
        %broadcast_in_dim3A_1102 = arith.constant 13 : i32
        %broadcast_in_dim3A_1103 = vector.broadcast %broadcast_in_dim3A_1102 : i32 to vector<16xi32>
        %reshape3A_1104 = vector.shape_cast %broadcast_in_dim3A_1103 : vector<16xi32> to vector<16x1xi32>
        %gather3A_1105 = vector.shape_cast %reshape3A_1104 : vector<16x1xi32> to vector<16xi32>
        %gather3A_1106 = tpu.dynamic_gather %get3A_194[%gather3A_1105] in [0] : vector<16xf32>, vector<16xi32> -> vector<16xf32>
        %mul3A_1107 = arith.constant 128 : i32
        %mul3A_1108 = arith.muli %add3A_1096, %mul3A_1107 : i32
        %add3A_1109 = arith.constant 0 : i32
        %add3A_1110 = arith.addi %mul3A_1108, %add3A_1109 : i32
        %get3A_1111 = arith.index_cast %add3A_1096 : i32 to index
        %get3A_1112 = arith.constant 0 : index
        %get3A_1113 = tpu.vector_load %arg12[%get3A_1111, %get3A_1112] {strides = array<i32>} : memref<64x128xf32, #tpu.memory_space<vmem>>, vector<1x16xf32>,
        %get3A_1114 = vector.shape_cast %get3A_1113 : vector<1x16xf32> to vector<16xf32>
        %mul3A_1115 = arith.mulf %get3A_1114, %gather3A_1101 : vector<16xf32>
        %get3A_1116 = arith.index_cast %add3A_1110 : i32 to index
        %get3A_1117 = tpu.vector_load %arg15[%get3A_1116] {strides = array<i32>} : memref<8192xf32, #tpu.memory_space<vmem>>, vector<16xf32>,
        %get3A_1118 = vector.shape_cast %get3A_1117 : vector<16xf32> to vector<16xf32>
        %mul3A_1119 = arith.mulf %mul3A_1115, %get3A_1118 : vector<16xf32>
        %swap3A_1120 = arith.index_cast %add3A_1110 : i32 to index
        %swap3A_1121 = tpu.vector_load %arg15[%swap3A_1120] {strides = array<i32>} : memref<8192xf32, #tpu.memory_space<vmem>>, vector<16xf32>,
        %swap3A_1122 = vector.shape_cast %swap3A_1121 : vector<16xf32> to vector<16xf32>
        %swap3A_1123 = vector.shape_cast %mul3A_1119 : vector<16xf32> to vector<16xf32>
        tpu.vector_store %arg15[%swap3A_1120], %swap3A_1123 {strides = array<i32>} : memref<8192xf32, #tpu.memory_space<vmem>>, vector<16xf32>,
        %mul3A_1124 = arith.constant 128 : i32
        %mul3A_1125 = arith.muli %add3A_1096, %mul3A_1124 : i32
        %add3A_1126 = arith.constant 16 : i32
        %add3A_1127 = arith.addi %mul3A_1125, %add3A_1126 : i32
        %get3A_1128 = arith.index_cast %add3A_1096 : i32 to index
        %get3A_1129 = arith.constant 16 : index
        %get3A_1130 = tpu.vector_load %arg12[%get3A_1128, %get3A_1129] {strides = array<i32>} : memref<64x128xf32, #tpu.memory_space<vmem>>, vector<1x16xf32>,
        %get3A_1131 = vector.shape_cast %get3A_1130 : vector<1x16xf32> to vector<16xf32>
        %mul3A_1132 = arith.mulf %get3A_1131, %gather3A_1101 : vector<16xf32>
        %get3A_1133 = arith.index_cast %add3A_1127 : i32 to index
        %get3A_1134 = tpu.vector_load %arg15[%get3A_1133] {strides = array<i32>} : memref<8192xf32, #tpu.memory_space<vmem>>, vector<16xf32>,
        %get3A_1135 = vector.shape_cast %get3A_1134 : vector<16xf32> to vector<16xf32>
        %mul3A_1136 = arith.mulf %mul3A_1132, %get3A_1135 : vector<16xf32>
        %swap3A_1137 = arith.index_cast %add3A_1127 : i32 to index
        %swap3A_1138 = tpu.vector_load %arg15[%swap3A_1137] {strides = array<i32>} : memref<8192xf32, #tpu.memory_space<vmem>>, vector<16xf32>,
        %swap3A_1139 = vector.shape_cast %swap3A_1138 : vector<16xf32> to vector<16xf32>
        %swap3A_1140 = vector.shape_cast %mul3A_1136 : vector<16xf32> to vector<16xf32>
        tpu.vector_store %arg15[%swap3A_1137], %swap3A_1140 {strides = array<i32>} : memref<8192xf32, #tpu.memory_space<vmem>>, vector<16xf32>,
        %mul3A_1141 = arith.constant 128 : i32
        %mul3A_1142 = arith.muli %add3A_1096, %mul3A_1141 : i32
        %add3A_1143 = arith.constant 32 : i32
        %add3A_1144 = arith.addi %mul3A_1142, %add3A_1143 : i32
        %get3A_1145 = arith.index_cast %add3A_1096 : i32 to index
        %get3A_1146 = arith.constant 32 : index
        %get3A_1147 = tpu.vector_load %arg12[%get3A_1145, %get3A_1146] {strides = array<i32>} : memref<64x128xf32, #tpu.memory_space<vmem>>, vector<1x16xf32>,
        %get3A_1148 = vector.shape_cast %get3A_1147 : vector<1x16xf32> to vector<16xf32>
        %mul3A_1149 = arith.mulf %get3A_1148, %gather3A_1101 : vector<16xf32>
        %get3A_1150 = arith.index_cast %add3A_1144 : i32 to index
        %get3A_1151 = tpu.vector_load %arg15[%get3A_1150] {strides = array<i32>} : memref<8192xf32, #tpu.memory_space<vmem>>, vector<16xf32>,
        %get3A_1152 = vector.shape_cast %get3A_1151 : vector<16xf32> to vector<16xf32>
        %mul3A_1153 = arith.mulf %mul3A_1149, %get3A_1152 : vector<16xf32>
        %swap3A_1154 = arith.index_cast %add3A_1144 : i32 to index
        %swap3A_1155 = tpu.vector_load %arg15[%swap3A_1154] {strides = array<i32>} : memref<8192xf32, #tpu.memory_space<vmem>>, vector<16xf32>,
        %swap3A_1156 = vector.shape_cast %swap3A_1155 : vector<16xf32> to vector<16xf32>
        %swap3A_1157 = vector.shape_cast %mul3A_1153 : vector<16xf32> to vector<16xf32>
        tpu.vector_store %arg15[%swap3A_1154], %swap3A_1157 {strides = array<i32>} : memref<8192xf32, #tpu.memory_space<vmem>>, vector<16xf32>,
        %mul3A_1158 = arith.constant 128 : i32
        %mul3A_1159 = arith.muli %add3A_1096, %mul3A_1158 : i32
        %add3A_1160 = arith.constant 48 : i32
        %add3A_1161 = arith.addi %mul3A_1159, %add3A_1160 : i32
        %get3A_1162 = arith.index_cast %add3A_1096 : i32 to index
        %get3A_1163 = arith.constant 48 : index
        %get3A_1164 = tpu.vector_load %arg12[%get3A_1162, %get3A_1163] {strides = array<i32>} : memref<64x128xf32, #tpu.memory_space<vmem>>, vector<1x16xf32>,
        %get3A_1165 = vector.shape_cast %get3A_1164 : vector<1x16xf32> to vector<16xf32>
        %mul3A_1166 = arith.mulf %get3A_1165, %gather3A_1101 : vector<16xf32>
        %get3A_1167 = arith.index_cast %add3A_1161 : i32 to index
        %get3A_1168 = tpu.vector_load %arg15[%get3A_1167] {strides = array<i32>} : memref<8192xf32, #tpu.memory_space<vmem>>, vector<16xf32>,
        %get3A_1169 = vector.shape_cast %get3A_1168 : vector<16xf32> to vector<16xf32>
        %mul3A_1170 = arith.mulf %mul3A_1166, %get3A_1169 : vector<16xf32>
        %swap3A_1171 = arith.index_cast %add3A_1161 : i32 to index
        %swap3A_1172 = tpu.vector_load %arg15[%swap3A_1171] {strides = array<i32>} : memref<8192xf32, #tpu.memory_space<vmem>>, vector<16xf32>,
        %swap3A_1173 = vector.shape_cast %swap3A_1172 : vector<16xf32> to vector<16xf32>
        %swap3A_1174 = vector.shape_cast %mul3A_1170 : vector<16xf32> to vector<16xf32>
        tpu.vector_store %arg15[%swap3A_1171], %swap3A_1174 {strides = array<i32>} : memref<8192xf32, #tpu.memory_space<vmem>>, vector<16xf32>,
        %mul3A_1175 = arith.constant 128 : i32
        %mul3A_1176 = arith.muli %add3A_1096, %mul3A_1175 : i32
        %add3A_1177 = arith.constant 64 : i32
        %add3A_1178 = arith.addi %mul3A_1176, %add3A_1177 : i32
        %get3A_1179 = arith.index_cast %add3A_1096 : i32 to index
        %get3A_1180 = arith.constant 64 : index
        %get3A_1181 = tpu.vector_load %arg12[%get3A_1179, %get3A_1180] {strides = array<i32>} : memref<64x128xf32, #tpu.memory_space<vmem>>, vector<1x16xf32>,
        %get3A_1182 = vector.shape_cast %get3A_1181 : vector<1x16xf32> to vector<16xf32>
        %mul3A_1183 = arith.mulf %get3A_1182, %gather3A_1106 : vector<16xf32>
        %get3A_1184 = arith.index_cast %add3A_1178 : i32 to index
        %get3A_1185 = tpu.vector_load %arg15[%get3A_1184] {strides = array<i32>} : memref<8192xf32, #tpu.memory_space<vmem>>, vector<16xf32>,
        %get3A_1186 = vector.shape_cast %get3A_1185 : vector<16xf32> to vector<16xf32>
        %mul3A_1187 = arith.mulf %mul3A_1183, %get3A_1186 : vector<16xf32>
        %swap3A_1188 = arith.index_cast %add3A_1178 : i32 to index
        %swap3A_1189 = tpu.vector_load %arg15[%swap3A_1188] {strides = array<i32>} : memref<8192xf32, #tpu.memory_space<vmem>>, vector<16xf32>,
        %swap3A_1190 = vector.shape_cast %swap3A_1189 : vector<16xf32> to vector<16xf32>
        %swap3A_1191 = vector.shape_cast %mul3A_1187 : vector<16xf32> to vector<16xf32>
        tpu.vector_store %arg15[%swap3A_1188], %swap3A_1191 {strides = array<i32>} : memref<8192xf32, #tpu.memory_space<vmem>>, vector<16xf32>,
        %mul3A_1192 = arith.constant 128 : i32
        %mul3A_1193 = arith.muli %add3A_1096, %mul3A_1192 : i32
        %add3A_1194 = arith.constant 80 : i32
        %add3A_1195 = arith.addi %mul3A_1193, %add3A_1194 : i32
        %get3A_1196 = arith.index_cast %add3A_1096 : i32 to index
        %get3A_1197 = arith.constant 80 : index
        %get3A_1198 = tpu.vector_load %arg12[%get3A_1196, %get3A_1197] {strides = array<i32>} : memref<64x128xf32, #tpu.memory_space<vmem>>, vector<1x16xf32>,
        %get3A_1199 = vector.shape_cast %get3A_1198 : vector<1x16xf32> to vector<16xf32>
        %mul3A_1200 = arith.mulf %get3A_1199, %gather3A_1106 : vector<16xf32>
        %get3A_1201 = arith.index_cast %add3A_1195 : i32 to index
        %get3A_1202 = tpu.vector_load %arg15[%get3A_1201] {strides = array<i32>} : memref<8192xf32, #tpu.memory_space<vmem>>, vector<16xf32>,
        %get3A_1203 = vector.shape_cast %get3A_1202 : vector<16xf32> to vector<16xf32>
        %mul3A_1204 = arith.mulf %mul3A_1200, %get3A_1203 : vector<16xf32>
        %swap3A_1205 = arith.index_cast %add3A_1195 : i32 to index
        %swap3A_1206 = tpu.vector_load %arg15[%swap3A_1205] {strides = array<i32>} : memref<8192xf32, #tpu.memory_space<vmem>>, vector<16xf32>,
        %swap3A_1207 = vector.shape_cast %swap3A_1206 : vector<16xf32> to vector<16xf32>
        %swap3A_1208 = vector.shape_cast %mul3A_1204 : vector<16xf32> to vector<16xf32>
        tpu.vector_store %arg15[%swap3A_1205], %swap3A_1208 {strides = array<i32>} : memref<8192xf32, #tpu.memory_space<vmem>>, vector<16xf32>,
        %mul3A_1209 = arith.constant 128 : i32
        %mul3A_1210 = arith.muli %add3A_1096, %mul3A_1209 : i32
        %add3A_1211 = arith.constant 96 : i32
        %add3A_1212 = arith.addi %mul3A_1210, %add3A_1211 : i32
        %get3A_1213 = arith.index_cast %add3A_1096 : i32 to index
        %get3A_1214 = arith.constant 96 : index
        %get3A_1215 = tpu.vector_load %arg12[%get3A_1213, %get3A_1214] {strides = array<i32>} : memref<64x128xf32, #tpu.memory_space<vmem>>, vector<1x16xf32>,
        %get3A_1216 = vector.shape_cast %get3A_1215 : vector<1x16xf32> to vector<16xf32>
        %mul3A_1217 = arith.mulf %get3A_1216, %gather3A_1106 : vector<16xf32>
        %get3A_1218 = arith.index_cast %add3A_1212 : i32 to index
        %get3A_1219 = tpu.vector_load %arg15[%get3A_1218] {strides = array<i32>} : memref<8192xf32, #tpu.memory_space<vmem>>, vector<16xf32>,
        %get3A_1220 = vector.shape_cast %get3A_1219 : vector<16xf32> to vector<16xf32>
        %mul3A_1221 = arith.mulf %mul3A_1217, %get3A_1220 : vector<16xf32>
        %swap3A_1222 = arith.index_cast %add3A_1212 : i32 to index
        %swap3A_1223 = tpu.vector_load %arg15[%swap3A_1222] {strides = array<i32>} : memref<8192xf32, #tpu.memory_space<vmem>>, vector<16xf32>,
        %swap3A_1224 = vector.shape_cast %swap3A_1223 : vector<16xf32> to vector<16xf32>
        %swap3A_1225 = vector.shape_cast %mul3A_1221 : vector<16xf32> to vector<16xf32>
        tpu.vector_store %arg15[%swap3A_1222], %swap3A_1225 {strides = array<i32>} : memref<8192xf32, #tpu.memory_space<vmem>>, vector<16xf32>,
        %mul3A_1226 = arith.constant 128 : i32
        %mul3A_1227 = arith.muli %add3A_1096, %mul3A_1226 : i32
        %add3A_1228 = arith.constant 112 : i32
        %add3A_1229 = arith.addi %mul3A_1227, %add3A_1228 : i32
        %get3A_1230 = arith.index_cast %add3A_1096 : i32 to index
        %get3A_1231 = arith.constant 112 : index
        %get3A_1232 = tpu.vector_load %arg12[%get3A_1230, %get3A_1231] {strides = array<i32>} : memref<64x128xf32, #tpu.memory_space<vmem>>, vector<1x16xf32>,
        %get3A_1233 = vector.shape_cast %get3A_1232 : vector<1x16xf32> to vector<16xf32>
        %mul3A_1234 = arith.mulf %get3A_1233, %gather3A_1106 : vector<16xf32>
        %get3A_1235 = arith.index_cast %add3A_1229 : i32 to index
        %get3A_1236 = tpu.vector_load %arg15[%get3A_1235] {strides = array<i32>} : memref<8192xf32, #tpu.memory_space<vmem>>, vector<16xf32>,
        %get3A_1237 = vector.shape_cast %get3A_1236 : vector<16xf32> to vector<16xf32>
        %mul3A_1238 = arith.mulf %mul3A_1234, %get3A_1237 : vector<16xf32>
        %swap3A_1239 = arith.index_cast %add3A_1229 : i32 to index
        %swap3A_1240 = tpu.vector_load %arg15[%swap3A_1239] {strides = array<i32>} : memref<8192xf32, #tpu.memory_space<vmem>>, vector<16xf32>,
        %swap3A_1241 = vector.shape_cast %swap3A_1240 : vector<16xf32> to vector<16xf32>
        %swap3A_1242 = vector.shape_cast %mul3A_1238 : vector<16xf32> to vector<16xf32>
        tpu.vector_store %arg15[%swap3A_1239], %swap3A_1242 {strides = array<i32>} : memref<8192xf32, #tpu.memory_space<vmem>>, vector<16xf32>,
        %mul3A_1243 = arith.constant 8 : i32
        %mul3A_1244 = arith.muli %scan3A_184, %mul3A_1243 : i32
        %add3A_1245 = arith.constant 7 : i32
        %add3A_1246 = arith.addi %mul3A_1244, %add3A_1245 : i32
        %broadcast_in_dim3A_1247 = arith.constant 14 : i32
        %broadcast_in_dim3A_1248 = vector.broadcast %broadcast_in_dim3A_1247 : i32 to vector<16xi32>
        %reshape3A_1249 = vector.shape_cast %broadcast_in_dim3A_1248 : vector<16xi32> to vector<16x1xi32>
        %gather3A_1250 = vector.shape_cast %reshape3A_1249 : vector<16x1xi32> to vector<16xi32>
        %gather3A_1251 = tpu.dynamic_gather %get3A_194[%gather3A_1250] in [0] : vector<16xf32>, vector<16xi32> -> vector<16xf32>
        %broadcast_in_dim3A_1252 = arith.constant 15 : i32
        %broadcast_in_dim3A_1253 = vector.broadcast %broadcast_in_dim3A_1252 : i32 to vector<16xi32>
        %reshape3A_1254 = vector.shape_cast %broadcast_in_dim3A_1253 : vector<16xi32> to vector<16x1xi32>
        %gather3A_1255 = vector.shape_cast %reshape3A_1254 : vector<16x1xi32> to vector<16xi32>
        %gather3A_1256 = tpu.dynamic_gather %get3A_194[%gather3A_1255] in [0] : vector<16xf32>, vector<16xi32> -> vector<16xf32>
        %mul3A_1257 = arith.constant 128 : i32
        %mul3A_1258 = arith.muli %add3A_1246, %mul3A_1257 : i32
        %add3A_1259 = arith.constant 0 : i32
        %add3A_1260 = arith.addi %mul3A_1258, %add3A_1259 : i32
        %get3A_1261 = arith.index_cast %add3A_1246 : i32 to index
        %get3A_1262 = arith.constant 0 : index
        %get3A_1263 = tpu.vector_load %arg12[%get3A_1261, %get3A_1262] {strides = array<i32>} : memref<64x128xf32, #tpu.memory_space<vmem>>, vector<1x16xf32>,
        %get3A_1264 = vector.shape_cast %get3A_1263 : vector<1x16xf32> to vector<16xf32>
        %mul3A_1265 = arith.mulf %get3A_1264, %gather3A_1251 : vector<16xf32>
        %get3A_1266 = arith.index_cast %add3A_1260 : i32 to index
        %get3A_1267 = tpu.vector_load %arg15[%get3A_1266] {strides = array<i32>} : memref<8192xf32, #tpu.memory_space<vmem>>, vector<16xf32>,
        %get3A_1268 = vector.shape_cast %get3A_1267 : vector<16xf32> to vector<16xf32>
        %mul3A_1269 = arith.mulf %mul3A_1265, %get3A_1268 : vector<16xf32>
        %swap3A_1270 = arith.index_cast %add3A_1260 : i32 to index
        %swap3A_1271 = tpu.vector_load %arg15[%swap3A_1270] {strides = array<i32>} : memref<8192xf32, #tpu.memory_space<vmem>>, vector<16xf32>,
        %swap3A_1272 = vector.shape_cast %swap3A_1271 : vector<16xf32> to vector<16xf32>
        %swap3A_1273 = vector.shape_cast %mul3A_1269 : vector<16xf32> to vector<16xf32>
        tpu.vector_store %arg15[%swap3A_1270], %swap3A_1273 {strides = array<i32>} : memref<8192xf32, #tpu.memory_space<vmem>>, vector<16xf32>,
        %mul3A_1274 = arith.constant 128 : i32
        %mul3A_1275 = arith.muli %add3A_1246, %mul3A_1274 : i32
        %add3A_1276 = arith.constant 16 : i32
        %add3A_1277 = arith.addi %mul3A_1275, %add3A_1276 : i32
        %get3A_1278 = arith.index_cast %add3A_1246 : i32 to index
        %get3A_1279 = arith.constant 16 : index
        %get3A_1280 = tpu.vector_load %arg12[%get3A_1278, %get3A_1279] {strides = array<i32>} : memref<64x128xf32, #tpu.memory_space<vmem>>, vector<1x16xf32>,
        %get3A_1281 = vector.shape_cast %get3A_1280 : vector<1x16xf32> to vector<16xf32>
        %mul3A_1282 = arith.mulf %get3A_1281, %gather3A_1251 : vector<16xf32>
        %get3A_1283 = arith.index_cast %add3A_1277 : i32 to index
        %get3A_1284 = tpu.vector_load %arg15[%get3A_1283] {strides = array<i32>} : memref<8192xf32, #tpu.memory_space<vmem>>, vector<16xf32>,
        %get3A_1285 = vector.shape_cast %get3A_1284 : vector<16xf32> to vector<16xf32>
        %mul3A_1286 = arith.mulf %mul3A_1282, %get3A_1285 : vector<16xf32>
        %swap3A_1287 = arith.index_cast %add3A_1277 : i32 to index
        %swap3A_1288 = tpu.vector_load %arg15[%swap3A_1287] {strides = array<i32>} : memref<8192xf32, #tpu.memory_space<vmem>>, vector<16xf32>,
        %swap3A_1289 = vector.shape_cast %swap3A_1288 : vector<16xf32> to vector<16xf32>
        %swap3A_1290 = vector.shape_cast %mul3A_1286 : vector<16xf32> to vector<16xf32>
        tpu.vector_store %arg15[%swap3A_1287], %swap3A_1290 {strides = array<i32>} : memref<8192xf32, #tpu.memory_space<vmem>>, vector<16xf32>,
        %mul3A_1291 = arith.constant 128 : i32
        %mul3A_1292 = arith.muli %add3A_1246, %mul3A_1291 : i32
        %add3A_1293 = arith.constant 32 : i32
        %add3A_1294 = arith.addi %mul3A_1292, %add3A_1293 : i32
        %get3A_1295 = arith.index_cast %add3A_1246 : i32 to index
        %get3A_1296 = arith.constant 32 : index
        %get3A_1297 = tpu.vector_load %arg12[%get3A_1295, %get3A_1296] {strides = array<i32>} : memref<64x128xf32, #tpu.memory_space<vmem>>, vector<1x16xf32>,
        %get3A_1298 = vector.shape_cast %get3A_1297 : vector<1x16xf32> to vector<16xf32>
        %mul3A_1299 = arith.mulf %get3A_1298, %gather3A_1251 : vector<16xf32>
        %get3A_1300 = arith.index_cast %add3A_1294 : i32 to index
        %get3A_1301 = tpu.vector_load %arg15[%get3A_1300] {strides = array<i32>} : memref<8192xf32, #tpu.memory_space<vmem>>, vector<16xf32>,
        %get3A_1302 = vector.shape_cast %get3A_1301 : vector<16xf32> to vector<16xf32>
        %mul3A_1303 = arith.mulf %mul3A_1299, %get3A_1302 : vector<16xf32>
        %swap3A_1304 = arith.index_cast %add3A_1294 : i32 to index
        %swap3A_1305 = tpu.vector_load %arg15[%swap3A_1304] {strides = array<i32>} : memref<8192xf32, #tpu.memory_space<vmem>>, vector<16xf32>,
        %swap3A_1306 = vector.shape_cast %swap3A_1305 : vector<16xf32> to vector<16xf32>
        %swap3A_1307 = vector.shape_cast %mul3A_1303 : vector<16xf32> to vector<16xf32>
        tpu.vector_store %arg15[%swap3A_1304], %swap3A_1307 {strides = array<i32>} : memref<8192xf32, #tpu.memory_space<vmem>>, vector<16xf32>,
        %mul3A_1308 = arith.constant 128 : i32
        %mul3A_1309 = arith.muli %add3A_1246, %mul3A_1308 : i32
        %add3A_1310 = arith.constant 48 : i32
        %add3A_1311 = arith.addi %mul3A_1309, %add3A_1310 : i32
        %get3A_1312 = arith.index_cast %add3A_1246 : i32 to index
        %get3A_1313 = arith.constant 48 : index
        %get3A_1314 = tpu.vector_load %arg12[%get3A_1312, %get3A_1313] {strides = array<i32>} : memref<64x128xf32, #tpu.memory_space<vmem>>, vector<1x16xf32>,
        %get3A_1315 = vector.shape_cast %get3A_1314 : vector<1x16xf32> to vector<16xf32>
        %mul3A_1316 = arith.mulf %get3A_1315, %gather3A_1251 : vector<16xf32>
        %get3A_1317 = arith.index_cast %add3A_1311 : i32 to index
        %get3A_1318 = tpu.vector_load %arg15[%get3A_1317] {strides = array<i32>} : memref<8192xf32, #tpu.memory_space<vmem>>, vector<16xf32>,
        %get3A_1319 = vector.shape_cast %get3A_1318 : vector<16xf32> to vector<16xf32>
        %mul3A_1320 = arith.mulf %mul3A_1316, %get3A_1319 : vector<16xf32>
        %swap3A_1321 = arith.index_cast %add3A_1311 : i32 to index
        %swap3A_1322 = tpu.vector_load %arg15[%swap3A_1321] {strides = array<i32>} : memref<8192xf32, #tpu.memory_space<vmem>>, vector<16xf32>,
        %swap3A_1323 = vector.shape_cast %swap3A_1322 : vector<16xf32> to vector<16xf32>
        %swap3A_1324 = vector.shape_cast %mul3A_1320 : vector<16xf32> to vector<16xf32>
        tpu.vector_store %arg15[%swap3A_1321], %swap3A_1324 {strides = array<i32>} : memref<8192xf32, #tpu.memory_space<vmem>>, vector<16xf32>,
        %mul3A_1325 = arith.constant 128 : i32
        %mul3A_1326 = arith.muli %add3A_1246, %mul3A_1325 : i32
        %add3A_1327 = arith.constant 64 : i32
        %add3A_1328 = arith.addi %mul3A_1326, %add3A_1327 : i32
        %get3A_1329 = arith.index_cast %add3A_1246 : i32 to index
        %get3A_1330 = arith.constant 64 : index
        %get3A_1331 = tpu.vector_load %arg12[%get3A_1329, %get3A_1330] {strides = array<i32>} : memref<64x128xf32, #tpu.memory_space<vmem>>, vector<1x16xf32>,
        %get3A_1332 = vector.shape_cast %get3A_1331 : vector<1x16xf32> to vector<16xf32>
        %mul3A_1333 = arith.mulf %get3A_1332, %gather3A_1256 : vector<16xf32>
        %get3A_1334 = arith.index_cast %add3A_1328 : i32 to index
        %get3A_1335 = tpu.vector_load %arg15[%get3A_1334] {strides = array<i32>} : memref<8192xf32, #tpu.memory_space<vmem>>, vector<16xf32>,
        %get3A_1336 = vector.shape_cast %get3A_1335 : vector<16xf32> to vector<16xf32>
        %mul3A_1337 = arith.mulf %mul3A_1333, %get3A_1336 : vector<16xf32>
        %swap3A_1338 = arith.index_cast %add3A_1328 : i32 to index
        %swap3A_1339 = tpu.vector_load %arg15[%swap3A_1338] {strides = array<i32>} : memref<8192xf32, #tpu.memory_space<vmem>>, vector<16xf32>,
        %swap3A_1340 = vector.shape_cast %swap3A_1339 : vector<16xf32> to vector<16xf32>
        %swap3A_1341 = vector.shape_cast %mul3A_1337 : vector<16xf32> to vector<16xf32>
        tpu.vector_store %arg15[%swap3A_1338], %swap3A_1341 {strides = array<i32>} : memref<8192xf32, #tpu.memory_space<vmem>>, vector<16xf32>,
        %mul3A_1342 = arith.constant 128 : i32
        %mul3A_1343 = arith.muli %add3A_1246, %mul3A_1342 : i32
        %add3A_1344 = arith.constant 80 : i32
        %add3A_1345 = arith.addi %mul3A_1343, %add3A_1344 : i32
        %get3A_1346 = arith.index_cast %add3A_1246 : i32 to index
        %get3A_1347 = arith.constant 80 : index
        %get3A_1348 = tpu.vector_load %arg12[%get3A_1346, %get3A_1347] {strides = array<i32>} : memref<64x128xf32, #tpu.memory_space<vmem>>, vector<1x16xf32>,
        %get3A_1349 = vector.shape_cast %get3A_1348 : vector<1x16xf32> to vector<16xf32>
        %mul3A_1350 = arith.mulf %get3A_1349, %gather3A_1256 : vector<16xf32>
        %get3A_1351 = arith.index_cast %add3A_1345 : i32 to index
        %get3A_1352 = tpu.vector_load %arg15[%get3A_1351] {strides = array<i32>} : memref<8192xf32, #tpu.memory_space<vmem>>, vector<16xf32>,
        %get3A_1353 = vector.shape_cast %get3A_1352 : vector<16xf32> to vector<16xf32>
        %mul3A_1354 = arith.mulf %mul3A_1350, %get3A_1353 : vector<16xf32>
        %swap3A_1355 = arith.index_cast %add3A_1345 : i32 to index
        %swap3A_1356 = tpu.vector_load %arg15[%swap3A_1355] {strides = array<i32>} : memref<8192xf32, #tpu.memory_space<vmem>>, vector<16xf32>,
        %swap3A_1357 = vector.shape_cast %swap3A_1356 : vector<16xf32> to vector<16xf32>
        %swap3A_1358 = vector.shape_cast %mul3A_1354 : vector<16xf32> to vector<16xf32>
        tpu.vector_store %arg15[%swap3A_1355], %swap3A_1358 {strides = array<i32>} : memref<8192xf32, #tpu.memory_space<vmem>>, vector<16xf32>,
        %mul3A_1359 = arith.constant 128 : i32
        %mul3A_1360 = arith.muli %add3A_1246, %mul3A_1359 : i32
        %add3A_1361 = arith.constant 96 : i32
        %add3A_1362 = arith.addi %mul3A_1360, %add3A_1361 : i32
        %get3A_1363 = arith.index_cast %add3A_1246 : i32 to index
        %get3A_1364 = arith.constant 96 : index
        %get3A_1365 = tpu.vector_load %arg12[%get3A_1363, %get3A_1364] {strides = array<i32>} : memref<64x128xf32, #tpu.memory_space<vmem>>, vector<1x16xf32>,
        %get3A_1366 = vector.shape_cast %get3A_1365 : vector<1x16xf32> to vector<16xf32>
        %mul3A_1367 = arith.mulf %get3A_1366, %gather3A_1256 : vector<16xf32>
        %get3A_1368 = arith.index_cast %add3A_1362 : i32 to index
        %get3A_1369 = tpu.vector_load %arg15[%get3A_1368] {strides = array<i32>} : memref<8192xf32, #tpu.memory_space<vmem>>, vector<16xf32>,
        %get3A_1370 = vector.shape_cast %get3A_1369 : vector<16xf32> to vector<16xf32>
        %mul3A_1371 = arith.mulf %mul3A_1367, %get3A_1370 : vector<16xf32>
        %swap3A_1372 = arith.index_cast %add3A_1362 : i32 to index
        %swap3A_1373 = tpu.vector_load %arg15[%swap3A_1372] {strides = array<i32>} : memref<8192xf32, #tpu.memory_space<vmem>>, vector<16xf32>,
        %swap3A_1374 = vector.shape_cast %swap3A_1373 : vector<16xf32> to vector<16xf32>
        %swap3A_1375 = vector.shape_cast %mul3A_1371 : vector<16xf32> to vector<16xf32>
        tpu.vector_store %arg15[%swap3A_1372], %swap3A_1375 {strides = array<i32>} : memref<8192xf32, #tpu.memory_space<vmem>>, vector<16xf32>,
        %mul3A_1376 = arith.constant 128 : i32
        %mul3A_1377 = arith.muli %add3A_1246, %mul3A_1376 : i32
        %add3A_1378 = arith.constant 112 : i32
        %add3A_1379 = arith.addi %mul3A_1377, %add3A_1378 : i32
        %get3A_1380 = arith.index_cast %add3A_1246 : i32 to index
        %get3A_1381 = arith.constant 112 : index
        %get3A_1382 = tpu.vector_load %arg12[%get3A_1380, %get3A_1381] {strides = array<i32>} : memref<64x128xf32, #tpu.memory_space<vmem>>, vector<1x16xf32>,
        %get3A_1383 = vector.shape_cast %get3A_1382 : vector<1x16xf32> to vector<16xf32>
        %mul3A_1384 = arith.mulf %get3A_1383, %gather3A_1256 : vector<16xf32>
        %get3A_1385 = arith.index_cast %add3A_1379 : i32 to index
        %get3A_1386 = tpu.vector_load %arg15[%get3A_1385] {strides = array<i32>} : memref<8192xf32, #tpu.memory_space<vmem>>, vector<16xf32>,
        %get3A_1387 = vector.shape_cast %get3A_1386 : vector<16xf32> to vector<16xf32>
        %mul3A_1388 = arith.mulf %mul3A_1384, %get3A_1387 : vector<16xf32>
        %swap3A_1389 = arith.index_cast %add3A_1379 : i32 to index
        %swap3A_1390 = tpu.vector_load %arg15[%swap3A_1389] {strides = array<i32>} : memref<8192xf32, #tpu.memory_space<vmem>>, vector<16xf32>,
        %swap3A_1391 = vector.shape_cast %swap3A_1390 : vector<16xf32> to vector<16xf32>
        %swap3A_1392 = vector.shape_cast %mul3A_1388 : vector<16xf32> to vector<16xf32>
        tpu.vector_store %arg15[%swap3A_1389], %swap3A_1392 {strides = array<i32>} : memref<8192xf32, #tpu.memory_space<vmem>>, vector<16xf32>,
        %scan3A_1393 = arith.constant 0 : i32
        scf.yield %scan3A_1393 : i32
      }
      %scan3A_133 = arith.constant 8 : i32
      %dma_start3A_134 = arith.constant 0 : i32
      %dma_start3A_135 = tpu.memref_slice %arg23[%dma_start3A_134] : memref<132608xf32, #tpu.memory_space<vmem_shared>> -> memref<132608xf32, #tpu.memory_space<vmem_shared>>
      tpu.enqueue_indirect_dma source(%arg15 : memref<8192xf32, #tpu.memory_space<vmem>>) target(%dma_start3A_135 : memref<132608xf32, #tpu.memory_space<vmem_shared>>) offsets(%arg13 : memref<8192xi32, #tpu.memory_space<vmem>>) semaphore(%arg29 : memref<!tpu.dma_semaphore, #tpu.memory_space<semaphore_mem>>) {add = true}
      %dma_wait3A_136 = arith.constant 0 : i32
      %dma_wait3A_137 = arith.constant 0 : i32
      %dma_wait3A_138 = tpu.memref_slice %arg3[%dma_wait3A_136, %dma_wait3A_137] : memref<32768x128xf32, #tpu.memory_space<hbm>> -> memref<64x128xf32, #tpu.memory_space<hbm>>
      %dma_wait3A_139 = arith.constant 0 : i32
      %dma_wait3A_140 = arith.constant 0 : i32
      %dma_wait3A_141 = tpu.memref_slice %arg3[%dma_wait3A_139, %dma_wait3A_140] : memref<32768x128xf32, #tpu.memory_space<hbm>> -> memref<64x128xf32, #tpu.memory_space<hbm>>
      tpu.wait_dma2 semaphore(%arg26 : memref<!tpu.dma_semaphore, #tpu.memory_space<semaphore_mem>>) src(%dma_wait3A_141 : memref<64x128xf32, #tpu.memory_space<hbm>>) dst(%arg16 : memref<64x128xf32, #tpu.memory_space<vmem>>)
      %dma_wait3A_142 = arith.constant 0 : i32
      %dma_wait3A_143 = arith.constant 0 : i32
      %dma_wait3A_144 = tpu.memref_slice %arg4[%dma_wait3A_142, %dma_wait3A_143] : memref<2x4194304xi32, #tpu.memory_space<hbm>> -> memref<1x8192xi32, #tpu.memory_space<hbm>>
      %dma_wait3A_145 = tpu.memref_squeeze %dma_wait3A_144 : memref<1x8192xi32, #tpu.memory_space<hbm>> -> memref<8192xi32, #tpu.memory_space<hbm>>
      %dma_wait3A_146 = arith.constant 0 : i32
      %dma_wait3A_147 = tpu.memref_slice %arg4[%dma_wait3A_142, %dma_wait3A_146] : memref<2x4194304xi32, #tpu.memory_space<hbm>> -> memref<1x8192xi32, #tpu.memory_space<hbm>>
      %dma_wait3A_148 = tpu.memref_squeeze %dma_wait3A_147 : memref<1x8192xi32, #tpu.memory_space<hbm>> -> memref<8192xi32, #tpu.memory_space<hbm>>
      tpu.wait_dma2 semaphore(%arg26 : memref<!tpu.dma_semaphore, #tpu.memory_space<semaphore_mem>>) src(%dma_wait3A_148 : memref<8192xi32, #tpu.memory_space<hbm>>) dst(%arg17 : memref<8192xi32, #tpu.memory_space<vmem>>)
      %dma_wait3A_149 = arith.constant 0 : i32
      %dma_wait3A_150 = tpu.memref_slice %arg5[%dma_wait3A_149] : memref<4194304xi32, #tpu.memory_space<hbm>> -> memref<8192xi32, #tpu.memory_space<hbm>>
      %dma_wait3A_151 = arith.constant 0 : i32
      %dma_wait3A_152 = tpu.memref_slice %arg5[%dma_wait3A_151] : memref<4194304xi32, #tpu.memory_space<hbm>> -> memref<8192xi32, #tpu.memory_space<hbm>>
      tpu.wait_dma2 semaphore(%arg26 : memref<!tpu.dma_semaphore, #tpu.memory_space<semaphore_mem>>) src(%dma_wait3A_152 : memref<8192xi32, #tpu.memory_space<hbm>>) dst(%arg18 : memref<8192xi32, #tpu.memory_space<vmem>>)
      %dma_start3A_153 = arith.constant 0 : i32
      %dma_start3A_154 = tpu.memref_slice %arg24[%dma_start3A_153] : memref<132608xf32, #tpu.memory_space<vmem_shared>> -> memref<132608xf32, #tpu.memory_space<vmem_shared>>
      tpu.enqueue_indirect_dma source(%dma_start3A_154 : memref<132608xf32, #tpu.memory_space<vmem_shared>>) target(%arg19 : memref<8192xf32, #tpu.memory_space<vmem>>) offsets(%arg18 : memref<8192xi32, #tpu.memory_space<vmem>>) semaphore(%arg28 : memref<!tpu.dma_semaphore, #tpu.memory_space<semaphore_mem>>)
      %dma_wait3A_155 = arith.constant 0 : i32
      %dma_wait3A_156 = arith.constant 0 : i32
      %dma_wait3A_157 = tpu.memref_slice %arg3[%dma_wait3A_155, %dma_wait3A_156] : memref<32768x128xf32, #tpu.memory_space<hbm>> -> memref<64x128xf32, #tpu.memory_space<hbm>>
      %dma_wait3A_158 = arith.constant 0 : i32
      %dma_wait3A_159 = arith.constant 0 : i32
      %dma_wait3A_160 = tpu.memref_slice %arg3[%dma_wait3A_158, %dma_wait3A_159] : memref<32768x128xf32, #tpu.memory_space<hbm>> -> memref<64x128xf32, #tpu.memory_space<hbm>>
      tpu.wait_dma2 semaphore(%arg29 : memref<!tpu.dma_semaphore, #tpu.memory_space<semaphore_mem>>) src(%dma_wait3A_160 : memref<64x128xf32, #tpu.memory_space<hbm>>) dst(%arg12 : memref<64x128xf32, #tpu.memory_space<vmem>>)
      %add3A_161 = arith.constant 2 : i32
      %add3A_162 = arith.addi %mul3A_73, %add3A_161 : i32
      %lt3A_163 = arith.constant 16 : i32
      %lt3A_164 = arith.cmpi slt, %add3A_162, %lt3A_163 : i32
      %convert_element_type3A_165 = arith.extui %lt3A_164 : i1 to i32
      %cond3A_166 = arith.constant 0 : i32
      %cond3A_167 = arith.cmpi ne, %convert_element_type3A_165, %cond3A_166 : i32
      scf.if %cond3A_167 {
        %add3A_184 = arith.constant 2 : i32
        %add3A_185 = arith.addi %mul3A_73, %add3A_184 : i32
        %mul3A_186 = arith.constant 1024 : i32
        %mul3A_187 = arith.muli %add3A, %mul3A_186 : i32
        %mul3A_188 = arith.constant 64 : i32
        %mul3A_189 = arith.muli %add3A_185, %mul3A_188 : i32
        %add3A_190 = arith.addi %mul3A_187, %mul3A_189 : i32
        %dma_start3A_191 = arith.constant 0 : i32
        %dma_start3A_192 = tpu.memref_slice %arg3[%add3A_190, %dma_start3A_191] : memref<32768x128xf32, #tpu.memory_space<hbm>> -> memref<64x128xf32, #tpu.memory_space<hbm>>
        %dma_start3A_193 = arith.constant 0 : i32
        %dma_start3A_194 = tpu.memref_slice %arg3[%add3A_190, %dma_start3A_193] : memref<32768x128xf32, #tpu.memory_space<hbm>> -> memref<64x128xf32, #tpu.memory_space<hbm>>
        tpu.enqueue_dma source(%dma_start3A_194 : memref<64x128xf32, #tpu.memory_space<hbm>>) target(%arg12 : memref<64x128xf32, #tpu.memory_space<vmem>>) target_semaphore(%arg25 : memref<!tpu.dma_semaphore, #tpu.memory_space<semaphore_mem>>)
        %mul3A_195 = arith.constant 128 : i32
        %mul3A_196 = arith.muli %add3A_190, %mul3A_195 : i32
        %dma_start3A_197 = arith.constant 0 : i32
        %dma_start3A_198 = tpu.memref_slice %arg4[%dma_start3A_197, %mul3A_196] : memref<2x4194304xi32, #tpu.memory_space<hbm>> -> memref<1x8192xi32, #tpu.memory_space<hbm>>
        %dma_start3A_199 = tpu.memref_squeeze %dma_start3A_198 : memref<1x8192xi32, #tpu.memory_space<hbm>> -> memref<8192xi32, #tpu.memory_space<hbm>>
        %dma_start3A_200 = tpu.memref_slice %arg4[%dma_start3A_197, %mul3A_196] : memref<2x4194304xi32, #tpu.memory_space<hbm>> -> memref<1x8192xi32, #tpu.memory_space<hbm>>
        %dma_start3A_201 = tpu.memref_squeeze %dma_start3A_200 : memref<1x8192xi32, #tpu.memory_space<hbm>> -> memref<8192xi32, #tpu.memory_space<hbm>>
        tpu.enqueue_dma source(%dma_start3A_201 : memref<8192xi32, #tpu.memory_space<hbm>>) target(%arg13 : memref<8192xi32, #tpu.memory_space<vmem>>) target_semaphore(%arg25 : memref<!tpu.dma_semaphore, #tpu.memory_space<semaphore_mem>>)
        %mul3A_202 = arith.constant 128 : i32
        %mul3A_203 = arith.muli %add3A_190, %mul3A_202 : i32
        %dma_start3A_204 = tpu.memref_slice %arg5[%mul3A_203] : memref<4194304xi32, #tpu.memory_space<hbm>> -> memref<8192xi32, #tpu.memory_space<hbm>>
        %dma_start3A_205 = tpu.memref_slice %arg5[%mul3A_203] : memref<4194304xi32, #tpu.memory_space<hbm>> -> memref<8192xi32, #tpu.memory_space<hbm>>
        tpu.enqueue_dma source(%dma_start3A_205 : memref<8192xi32, #tpu.memory_space<hbm>>) target(%arg14 : memref<8192xi32, #tpu.memory_space<vmem>>) target_semaphore(%arg25 : memref<!tpu.dma_semaphore, #tpu.memory_space<semaphore_mem>>)
      } else {
      }
      %dma_wait3A_168 = arith.constant 0 : i32
      %dma_wait3A_169 = arith.constant 0 : i32
      %dma_wait3A_170 = tpu.memref_slice %arg3[%dma_wait3A_168, %dma_wait3A_169] : memref<32768x128xf32, #tpu.memory_space<hbm>> -> memref<64x128xf32, #tpu.memory_space<hbm>>
      %dma_wait3A_171 = arith.constant 0 : i32
      %dma_wait3A_172 = arith.constant 0 : i32
      %dma_wait3A_173 = tpu.memref_slice %arg3[%dma_wait3A_171, %dma_wait3A_172] : memref<32768x128xf32, #tpu.memory_space<hbm>> -> memref<64x128xf32, #tpu.memory_space<hbm>>
      tpu.wait_dma2 semaphore(%arg28 : memref<!tpu.dma_semaphore, #tpu.memory_space<semaphore_mem>>) src(%dma_wait3A_173 : memref<64x128xf32, #tpu.memory_space<hbm>>) dst(%arg16 : memref<64x128xf32, #tpu.memory_space<vmem>>)
      %scan3A_174 = arith.constant 0 : i32
      %scan3A_175 = arith.constant 0 : i32
      %scan3A_176 = arith.constant 8 : i32
      %scan3A_177 = arith.addi %scan3A_175, %scan3A_176 : i32
      %scan3A_178 = arith.constant 1 : i32
      %scan3A_179 = scf.for %scan3A_184 = %scan3A_175 to %scan3A_177 step %scan3A_178 iter_args(%scan3A_185 = %scan3A_174) -> (i32)  : i32 {
        %mul3A_186 = arith.constant 2 : i32
        %mul3A_187 = arith.muli %mul3A_186, %add3A_77 : i32
        %mul3A_188 = arith.constant 64 : i32
        %mul3A_189 = arith.muli %mul3A_187, %mul3A_188 : i32
        %mul3A_190 = arith.constant 16 : i32
        %mul3A_191 = arith.muli %scan3A_184, %mul3A_190 : i32
        %add3A_192 = arith.addi %mul3A_189, %mul3A_191 : i32
        %get3A = arith.index_cast %add3A_192 : i32 to index
        %get3A_193 = tpu.vector_load %arg11[%get3A] {strides = array<i32>} : memref<2048xf32, #tpu.memory_space<vmem>>, vector<16xf32>,
        %get3A_194 = vector.shape_cast %get3A_193 : vector<16xf32> to vector<16xf32>
        %mul3A_195 = arith.constant 8 : i32
        %mul3A_196 = arith.muli %scan3A_184, %mul3A_195 : i32
        %add3A_197 = arith.constant 0 : i32
        %add3A_198 = arith.addi %mul3A_196, %add3A_197 : i32
        %broadcast_in_dim3A_199 = arith.constant 0 : i32
        %broadcast_in_dim3A_200 = vector.broadcast %broadcast_in_dim3A_199 : i32 to vector<16xi32>
        %reshape3A = vector.shape_cast %broadcast_in_dim3A_200 : vector<16xi32> to vector<16x1xi32>
        %gather3A = vector.shape_cast %reshape3A : vector<16x1xi32> to vector<16xi32>
        %gather3A_201 = tpu.dynamic_gather %get3A_194[%gather3A] in [0] : vector<16xf32>, vector<16xi32> -> vector<16xf32>
        %broadcast_in_dim3A_202 = arith.constant 1 : i32
        %broadcast_in_dim3A_203 = vector.broadcast %broadcast_in_dim3A_202 : i32 to vector<16xi32>
        %reshape3A_204 = vector.shape_cast %broadcast_in_dim3A_203 : vector<16xi32> to vector<16x1xi32>
        %gather3A_205 = vector.shape_cast %reshape3A_204 : vector<16x1xi32> to vector<16xi32>
        %gather3A_206 = tpu.dynamic_gather %get3A_194[%gather3A_205] in [0] : vector<16xf32>, vector<16xi32> -> vector<16xf32>
        %mul3A_207 = arith.constant 128 : i32
        %mul3A_208 = arith.muli %add3A_198, %mul3A_207 : i32
        %add3A_209 = arith.constant 0 : i32
        %add3A_210 = arith.addi %mul3A_208, %add3A_209 : i32
        %get3A_211 = arith.index_cast %add3A_198 : i32 to index
        %get3A_212 = arith.constant 0 : index
        %get3A_213 = tpu.vector_load %arg16[%get3A_211, %get3A_212] {strides = array<i32>} : memref<64x128xf32, #tpu.memory_space<vmem>>, vector<1x16xf32>,
        %get3A_214 = vector.shape_cast %get3A_213 : vector<1x16xf32> to vector<16xf32>
        %mul3A_215 = arith.mulf %get3A_214, %gather3A_201 : vector<16xf32>
        %get3A_216 = arith.index_cast %add3A_210 : i32 to index
        %get3A_217 = tpu.vector_load %arg19[%get3A_216] {strides = array<i32>} : memref<8192xf32, #tpu.memory_space<vmem>>, vector<16xf32>,
        %get3A_218 = vector.shape_cast %get3A_217 : vector<16xf32> to vector<16xf32>
        %mul3A_219 = arith.mulf %mul3A_215, %get3A_218 : vector<16xf32>
        %swap3A_220 = arith.index_cast %add3A_210 : i32 to index
        %swap3A_221 = tpu.vector_load %arg19[%swap3A_220] {strides = array<i32>} : memref<8192xf32, #tpu.memory_space<vmem>>, vector<16xf32>,
        %swap3A_222 = vector.shape_cast %swap3A_221 : vector<16xf32> to vector<16xf32>
        %swap3A_223 = vector.shape_cast %mul3A_219 : vector<16xf32> to vector<16xf32>
        tpu.vector_store %arg19[%swap3A_220], %swap3A_223 {strides = array<i32>} : memref<8192xf32, #tpu.memory_space<vmem>>, vector<16xf32>,
        %mul3A_224 = arith.constant 128 : i32
        %mul3A_225 = arith.muli %add3A_198, %mul3A_224 : i32
        %add3A_226 = arith.constant 16 : i32
        %add3A_227 = arith.addi %mul3A_225, %add3A_226 : i32
        %get3A_228 = arith.index_cast %add3A_198 : i32 to index
        %get3A_229 = arith.constant 16 : index
        %get3A_230 = tpu.vector_load %arg16[%get3A_228, %get3A_229] {strides = array<i32>} : memref<64x128xf32, #tpu.memory_space<vmem>>, vector<1x16xf32>,
        %get3A_231 = vector.shape_cast %get3A_230 : vector<1x16xf32> to vector<16xf32>
        %mul3A_232 = arith.mulf %get3A_231, %gather3A_201 : vector<16xf32>
        %get3A_233 = arith.index_cast %add3A_227 : i32 to index
        %get3A_234 = tpu.vector_load %arg19[%get3A_233] {strides = array<i32>} : memref<8192xf32, #tpu.memory_space<vmem>>, vector<16xf32>,
        %get3A_235 = vector.shape_cast %get3A_234 : vector<16xf32> to vector<16xf32>
        %mul3A_236 = arith.mulf %mul3A_232, %get3A_235 : vector<16xf32>
        %swap3A_237 = arith.index_cast %add3A_227 : i32 to index
        %swap3A_238 = tpu.vector_load %arg19[%swap3A_237] {strides = array<i32>} : memref<8192xf32, #tpu.memory_space<vmem>>, vector<16xf32>,
        %swap3A_239 = vector.shape_cast %swap3A_238 : vector<16xf32> to vector<16xf32>
        %swap3A_240 = vector.shape_cast %mul3A_236 : vector<16xf32> to vector<16xf32>
        tpu.vector_store %arg19[%swap3A_237], %swap3A_240 {strides = array<i32>} : memref<8192xf32, #tpu.memory_space<vmem>>, vector<16xf32>,
        %mul3A_241 = arith.constant 128 : i32
        %mul3A_242 = arith.muli %add3A_198, %mul3A_241 : i32
        %add3A_243 = arith.constant 32 : i32
        %add3A_244 = arith.addi %mul3A_242, %add3A_243 : i32
        %get3A_245 = arith.index_cast %add3A_198 : i32 to index
        %get3A_246 = arith.constant 32 : index
        %get3A_247 = tpu.vector_load %arg16[%get3A_245, %get3A_246] {strides = array<i32>} : memref<64x128xf32, #tpu.memory_space<vmem>>, vector<1x16xf32>,
        %get3A_248 = vector.shape_cast %get3A_247 : vector<1x16xf32> to vector<16xf32>
        %mul3A_249 = arith.mulf %get3A_248, %gather3A_201 : vector<16xf32>
        %get3A_250 = arith.index_cast %add3A_244 : i32 to index
        %get3A_251 = tpu.vector_load %arg19[%get3A_250] {strides = array<i32>} : memref<8192xf32, #tpu.memory_space<vmem>>, vector<16xf32>,
        %get3A_252 = vector.shape_cast %get3A_251 : vector<16xf32> to vector<16xf32>
        %mul3A_253 = arith.mulf %mul3A_249, %get3A_252 : vector<16xf32>
        %swap3A_254 = arith.index_cast %add3A_244 : i32 to index
        %swap3A_255 = tpu.vector_load %arg19[%swap3A_254] {strides = array<i32>} : memref<8192xf32, #tpu.memory_space<vmem>>, vector<16xf32>,
        %swap3A_256 = vector.shape_cast %swap3A_255 : vector<16xf32> to vector<16xf32>
        %swap3A_257 = vector.shape_cast %mul3A_253 : vector<16xf32> to vector<16xf32>
        tpu.vector_store %arg19[%swap3A_254], %swap3A_257 {strides = array<i32>} : memref<8192xf32, #tpu.memory_space<vmem>>, vector<16xf32>,
        %mul3A_258 = arith.constant 128 : i32
        %mul3A_259 = arith.muli %add3A_198, %mul3A_258 : i32
        %add3A_260 = arith.constant 48 : i32
        %add3A_261 = arith.addi %mul3A_259, %add3A_260 : i32
        %get3A_262 = arith.index_cast %add3A_198 : i32 to index
        %get3A_263 = arith.constant 48 : index
        %get3A_264 = tpu.vector_load %arg16[%get3A_262, %get3A_263] {strides = array<i32>} : memref<64x128xf32, #tpu.memory_space<vmem>>, vector<1x16xf32>,
        %get3A_265 = vector.shape_cast %get3A_264 : vector<1x16xf32> to vector<16xf32>
        %mul3A_266 = arith.mulf %get3A_265, %gather3A_201 : vector<16xf32>
        %get3A_267 = arith.index_cast %add3A_261 : i32 to index
        %get3A_268 = tpu.vector_load %arg19[%get3A_267] {strides = array<i32>} : memref<8192xf32, #tpu.memory_space<vmem>>, vector<16xf32>,
        %get3A_269 = vector.shape_cast %get3A_268 : vector<16xf32> to vector<16xf32>
        %mul3A_270 = arith.mulf %mul3A_266, %get3A_269 : vector<16xf32>
        %swap3A_271 = arith.index_cast %add3A_261 : i32 to index
        %swap3A_272 = tpu.vector_load %arg19[%swap3A_271] {strides = array<i32>} : memref<8192xf32, #tpu.memory_space<vmem>>, vector<16xf32>,
        %swap3A_273 = vector.shape_cast %swap3A_272 : vector<16xf32> to vector<16xf32>
        %swap3A_274 = vector.shape_cast %mul3A_270 : vector<16xf32> to vector<16xf32>
        tpu.vector_store %arg19[%swap3A_271], %swap3A_274 {strides = array<i32>} : memref<8192xf32, #tpu.memory_space<vmem>>, vector<16xf32>,
        %mul3A_275 = arith.constant 128 : i32
        %mul3A_276 = arith.muli %add3A_198, %mul3A_275 : i32
        %add3A_277 = arith.constant 64 : i32
        %add3A_278 = arith.addi %mul3A_276, %add3A_277 : i32
        %get3A_279 = arith.index_cast %add3A_198 : i32 to index
        %get3A_280 = arith.constant 64 : index
        %get3A_281 = tpu.vector_load %arg16[%get3A_279, %get3A_280] {strides = array<i32>} : memref<64x128xf32, #tpu.memory_space<vmem>>, vector<1x16xf32>,
        %get3A_282 = vector.shape_cast %get3A_281 : vector<1x16xf32> to vector<16xf32>
        %mul3A_283 = arith.mulf %get3A_282, %gather3A_206 : vector<16xf32>
        %get3A_284 = arith.index_cast %add3A_278 : i32 to index
        %get3A_285 = tpu.vector_load %arg19[%get3A_284] {strides = array<i32>} : memref<8192xf32, #tpu.memory_space<vmem>>, vector<16xf32>,
        %get3A_286 = vector.shape_cast %get3A_285 : vector<16xf32> to vector<16xf32>
        %mul3A_287 = arith.mulf %mul3A_283, %get3A_286 : vector<16xf32>
        %swap3A_288 = arith.index_cast %add3A_278 : i32 to index
        %swap3A_289 = tpu.vector_load %arg19[%swap3A_288] {strides = array<i32>} : memref<8192xf32, #tpu.memory_space<vmem>>, vector<16xf32>,
        %swap3A_290 = vector.shape_cast %swap3A_289 : vector<16xf32> to vector<16xf32>
        %swap3A_291 = vector.shape_cast %mul3A_287 : vector<16xf32> to vector<16xf32>
        tpu.vector_store %arg19[%swap3A_288], %swap3A_291 {strides = array<i32>} : memref<8192xf32, #tpu.memory_space<vmem>>, vector<16xf32>,
        %mul3A_292 = arith.constant 128 : i32
        %mul3A_293 = arith.muli %add3A_198, %mul3A_292 : i32
        %add3A_294 = arith.constant 80 : i32
        %add3A_295 = arith.addi %mul3A_293, %add3A_294 : i32
        %get3A_296 = arith.index_cast %add3A_198 : i32 to index
        %get3A_297 = arith.constant 80 : index
        %get3A_298 = tpu.vector_load %arg16[%get3A_296, %get3A_297] {strides = array<i32>} : memref<64x128xf32, #tpu.memory_space<vmem>>, vector<1x16xf32>,
        %get3A_299 = vector.shape_cast %get3A_298 : vector<1x16xf32> to vector<16xf32>
        %mul3A_300 = arith.mulf %get3A_299, %gather3A_206 : vector<16xf32>
        %get3A_301 = arith.index_cast %add3A_295 : i32 to index
        %get3A_302 = tpu.vector_load %arg19[%get3A_301] {strides = array<i32>} : memref<8192xf32, #tpu.memory_space<vmem>>, vector<16xf32>,
        %get3A_303 = vector.shape_cast %get3A_302 : vector<16xf32> to vector<16xf32>
        %mul3A_304 = arith.mulf %mul3A_300, %get3A_303 : vector<16xf32>
        %swap3A_305 = arith.index_cast %add3A_295 : i32 to index
        %swap3A_306 = tpu.vector_load %arg19[%swap3A_305] {strides = array<i32>} : memref<8192xf32, #tpu.memory_space<vmem>>, vector<16xf32>,
        %swap3A_307 = vector.shape_cast %swap3A_306 : vector<16xf32> to vector<16xf32>
        %swap3A_308 = vector.shape_cast %mul3A_304 : vector<16xf32> to vector<16xf32>
        tpu.vector_store %arg19[%swap3A_305], %swap3A_308 {strides = array<i32>} : memref<8192xf32, #tpu.memory_space<vmem>>, vector<16xf32>,
        %mul3A_309 = arith.constant 128 : i32
        %mul3A_310 = arith.muli %add3A_198, %mul3A_309 : i32
        %add3A_311 = arith.constant 96 : i32
        %add3A_312 = arith.addi %mul3A_310, %add3A_311 : i32
        %get3A_313 = arith.index_cast %add3A_198 : i32 to index
        %get3A_314 = arith.constant 96 : index
        %get3A_315 = tpu.vector_load %arg16[%get3A_313, %get3A_314] {strides = array<i32>} : memref<64x128xf32, #tpu.memory_space<vmem>>, vector<1x16xf32>,
        %get3A_316 = vector.shape_cast %get3A_315 : vector<1x16xf32> to vector<16xf32>
        %mul3A_317 = arith.mulf %get3A_316, %gather3A_206 : vector<16xf32>
        %get3A_318 = arith.index_cast %add3A_312 : i32 to index
        %get3A_319 = tpu.vector_load %arg19[%get3A_318] {strides = array<i32>} : memref<8192xf32, #tpu.memory_space<vmem>>, vector<16xf32>,
        %get3A_320 = vector.shape_cast %get3A_319 : vector<16xf32> to vector<16xf32>
        %mul3A_321 = arith.mulf %mul3A_317, %get3A_320 : vector<16xf32>
        %swap3A_322 = arith.index_cast %add3A_312 : i32 to index
        %swap3A_323 = tpu.vector_load %arg19[%swap3A_322] {strides = array<i32>} : memref<8192xf32, #tpu.memory_space<vmem>>, vector<16xf32>,
        %swap3A_324 = vector.shape_cast %swap3A_323 : vector<16xf32> to vector<16xf32>
        %swap3A_325 = vector.shape_cast %mul3A_321 : vector<16xf32> to vector<16xf32>
        tpu.vector_store %arg19[%swap3A_322], %swap3A_325 {strides = array<i32>} : memref<8192xf32, #tpu.memory_space<vmem>>, vector<16xf32>,
        %mul3A_326 = arith.constant 128 : i32
        %mul3A_327 = arith.muli %add3A_198, %mul3A_326 : i32
        %add3A_328 = arith.constant 112 : i32
        %add3A_329 = arith.addi %mul3A_327, %add3A_328 : i32
        %get3A_330 = arith.index_cast %add3A_198 : i32 to index
        %get3A_331 = arith.constant 112 : index
        %get3A_332 = tpu.vector_load %arg16[%get3A_330, %get3A_331] {strides = array<i32>} : memref<64x128xf32, #tpu.memory_space<vmem>>, vector<1x16xf32>,
        %get3A_333 = vector.shape_cast %get3A_332 : vector<1x16xf32> to vector<16xf32>
        %mul3A_334 = arith.mulf %get3A_333, %gather3A_206 : vector<16xf32>
        %get3A_335 = arith.index_cast %add3A_329 : i32 to index
        %get3A_336 = tpu.vector_load %arg19[%get3A_335] {strides = array<i32>} : memref<8192xf32, #tpu.memory_space<vmem>>, vector<16xf32>,
        %get3A_337 = vector.shape_cast %get3A_336 : vector<16xf32> to vector<16xf32>
        %mul3A_338 = arith.mulf %mul3A_334, %get3A_337 : vector<16xf32>
        %swap3A_339 = arith.index_cast %add3A_329 : i32 to index
        %swap3A_340 = tpu.vector_load %arg19[%swap3A_339] {strides = array<i32>} : memref<8192xf32, #tpu.memory_space<vmem>>, vector<16xf32>,
        %swap3A_341 = vector.shape_cast %swap3A_340 : vector<16xf32> to vector<16xf32>
        %swap3A_342 = vector.shape_cast %mul3A_338 : vector<16xf32> to vector<16xf32>
        tpu.vector_store %arg19[%swap3A_339], %swap3A_342 {strides = array<i32>} : memref<8192xf32, #tpu.memory_space<vmem>>, vector<16xf32>,
        %mul3A_343 = arith.constant 8 : i32
        %mul3A_344 = arith.muli %scan3A_184, %mul3A_343 : i32
        %add3A_345 = arith.constant 1 : i32
        %add3A_346 = arith.addi %mul3A_344, %add3A_345 : i32
        %broadcast_in_dim3A_347 = arith.constant 2 : i32
        %broadcast_in_dim3A_348 = vector.broadcast %broadcast_in_dim3A_347 : i32 to vector<16xi32>
        %reshape3A_349 = vector.shape_cast %broadcast_in_dim3A_348 : vector<16xi32> to vector<16x1xi32>
        %gather3A_350 = vector.shape_cast %reshape3A_349 : vector<16x1xi32> to vector<16xi32>
        %gather3A_351 = tpu.dynamic_gather %get3A_194[%gather3A_350] in [0] : vector<16xf32>, vector<16xi32> -> vector<16xf32>
        %broadcast_in_dim3A_352 = arith.constant 3 : i32
        %broadcast_in_dim3A_353 = vector.broadcast %broadcast_in_dim3A_352 : i32 to vector<16xi32>
        %reshape3A_354 = vector.shape_cast %broadcast_in_dim3A_353 : vector<16xi32> to vector<16x1xi32>
        %gather3A_355 = vector.shape_cast %reshape3A_354 : vector<16x1xi32> to vector<16xi32>
        %gather3A_356 = tpu.dynamic_gather %get3A_194[%gather3A_355] in [0] : vector<16xf32>, vector<16xi32> -> vector<16xf32>
        %mul3A_357 = arith.constant 128 : i32
        %mul3A_358 = arith.muli %add3A_346, %mul3A_357 : i32
        %add3A_359 = arith.constant 0 : i32
        %add3A_360 = arith.addi %mul3A_358, %add3A_359 : i32
        %get3A_361 = arith.index_cast %add3A_346 : i32 to index
        %get3A_362 = arith.constant 0 : index
        %get3A_363 = tpu.vector_load %arg16[%get3A_361, %get3A_362] {strides = array<i32>} : memref<64x128xf32, #tpu.memory_space<vmem>>, vector<1x16xf32>,
        %get3A_364 = vector.shape_cast %get3A_363 : vector<1x16xf32> to vector<16xf32>
        %mul3A_365 = arith.mulf %get3A_364, %gather3A_351 : vector<16xf32>
        %get3A_366 = arith.index_cast %add3A_360 : i32 to index
        %get3A_367 = tpu.vector_load %arg19[%get3A_366] {strides = array<i32>} : memref<8192xf32, #tpu.memory_space<vmem>>, vector<16xf32>,
        %get3A_368 = vector.shape_cast %get3A_367 : vector<16xf32> to vector<16xf32>
        %mul3A_369 = arith.mulf %mul3A_365, %get3A_368 : vector<16xf32>
        %swap3A_370 = arith.index_cast %add3A_360 : i32 to index
        %swap3A_371 = tpu.vector_load %arg19[%swap3A_370] {strides = array<i32>} : memref<8192xf32, #tpu.memory_space<vmem>>, vector<16xf32>,
        %swap3A_372 = vector.shape_cast %swap3A_371 : vector<16xf32> to vector<16xf32>
        %swap3A_373 = vector.shape_cast %mul3A_369 : vector<16xf32> to vector<16xf32>
        tpu.vector_store %arg19[%swap3A_370], %swap3A_373 {strides = array<i32>} : memref<8192xf32, #tpu.memory_space<vmem>>, vector<16xf32>,
        %mul3A_374 = arith.constant 128 : i32
        %mul3A_375 = arith.muli %add3A_346, %mul3A_374 : i32
        %add3A_376 = arith.constant 16 : i32
        %add3A_377 = arith.addi %mul3A_375, %add3A_376 : i32
        %get3A_378 = arith.index_cast %add3A_346 : i32 to index
        %get3A_379 = arith.constant 16 : index
        %get3A_380 = tpu.vector_load %arg16[%get3A_378, %get3A_379] {strides = array<i32>} : memref<64x128xf32, #tpu.memory_space<vmem>>, vector<1x16xf32>,
        %get3A_381 = vector.shape_cast %get3A_380 : vector<1x16xf32> to vector<16xf32>
        %mul3A_382 = arith.mulf %get3A_381, %gather3A_351 : vector<16xf32>
        %get3A_383 = arith.index_cast %add3A_377 : i32 to index
        %get3A_384 = tpu.vector_load %arg19[%get3A_383] {strides = array<i32>} : memref<8192xf32, #tpu.memory_space<vmem>>, vector<16xf32>,
        %get3A_385 = vector.shape_cast %get3A_384 : vector<16xf32> to vector<16xf32>
        %mul3A_386 = arith.mulf %mul3A_382, %get3A_385 : vector<16xf32>
        %swap3A_387 = arith.index_cast %add3A_377 : i32 to index
        %swap3A_388 = tpu.vector_load %arg19[%swap3A_387] {strides = array<i32>} : memref<8192xf32, #tpu.memory_space<vmem>>, vector<16xf32>,
        %swap3A_389 = vector.shape_cast %swap3A_388 : vector<16xf32> to vector<16xf32>
        %swap3A_390 = vector.shape_cast %mul3A_386 : vector<16xf32> to vector<16xf32>
        tpu.vector_store %arg19[%swap3A_387], %swap3A_390 {strides = array<i32>} : memref<8192xf32, #tpu.memory_space<vmem>>, vector<16xf32>,
        %mul3A_391 = arith.constant 128 : i32
        %mul3A_392 = arith.muli %add3A_346, %mul3A_391 : i32
        %add3A_393 = arith.constant 32 : i32
        %add3A_394 = arith.addi %mul3A_392, %add3A_393 : i32
        %get3A_395 = arith.index_cast %add3A_346 : i32 to index
        %get3A_396 = arith.constant 32 : index
        %get3A_397 = tpu.vector_load %arg16[%get3A_395, %get3A_396] {strides = array<i32>} : memref<64x128xf32, #tpu.memory_space<vmem>>, vector<1x16xf32>,
        %get3A_398 = vector.shape_cast %get3A_397 : vector<1x16xf32> to vector<16xf32>
        %mul3A_399 = arith.mulf %get3A_398, %gather3A_351 : vector<16xf32>
        %get3A_400 = arith.index_cast %add3A_394 : i32 to index
        %get3A_401 = tpu.vector_load %arg19[%get3A_400] {strides = array<i32>} : memref<8192xf32, #tpu.memory_space<vmem>>, vector<16xf32>,
        %get3A_402 = vector.shape_cast %get3A_401 : vector<16xf32> to vector<16xf32>
        %mul3A_403 = arith.mulf %mul3A_399, %get3A_402 : vector<16xf32>
        %swap3A_404 = arith.index_cast %add3A_394 : i32 to index
        %swap3A_405 = tpu.vector_load %arg19[%swap3A_404] {strides = array<i32>} : memref<8192xf32, #tpu.memory_space<vmem>>, vector<16xf32>,
        %swap3A_406 = vector.shape_cast %swap3A_405 : vector<16xf32> to vector<16xf32>
        %swap3A_407 = vector.shape_cast %mul3A_403 : vector<16xf32> to vector<16xf32>
        tpu.vector_store %arg19[%swap3A_404], %swap3A_407 {strides = array<i32>} : memref<8192xf32, #tpu.memory_space<vmem>>, vector<16xf32>,
        %mul3A_408 = arith.constant 128 : i32
        %mul3A_409 = arith.muli %add3A_346, %mul3A_408 : i32
        %add3A_410 = arith.constant 48 : i32
        %add3A_411 = arith.addi %mul3A_409, %add3A_410 : i32
        %get3A_412 = arith.index_cast %add3A_346 : i32 to index
        %get3A_413 = arith.constant 48 : index
        %get3A_414 = tpu.vector_load %arg16[%get3A_412, %get3A_413] {strides = array<i32>} : memref<64x128xf32, #tpu.memory_space<vmem>>, vector<1x16xf32>,
        %get3A_415 = vector.shape_cast %get3A_414 : vector<1x16xf32> to vector<16xf32>
        %mul3A_416 = arith.mulf %get3A_415, %gather3A_351 : vector<16xf32>
        %get3A_417 = arith.index_cast %add3A_411 : i32 to index
        %get3A_418 = tpu.vector_load %arg19[%get3A_417] {strides = array<i32>} : memref<8192xf32, #tpu.memory_space<vmem>>, vector<16xf32>,
        %get3A_419 = vector.shape_cast %get3A_418 : vector<16xf32> to vector<16xf32>
        %mul3A_420 = arith.mulf %mul3A_416, %get3A_419 : vector<16xf32>
        %swap3A_421 = arith.index_cast %add3A_411 : i32 to index
        %swap3A_422 = tpu.vector_load %arg19[%swap3A_421] {strides = array<i32>} : memref<8192xf32, #tpu.memory_space<vmem>>, vector<16xf32>,
        %swap3A_423 = vector.shape_cast %swap3A_422 : vector<16xf32> to vector<16xf32>
        %swap3A_424 = vector.shape_cast %mul3A_420 : vector<16xf32> to vector<16xf32>
        tpu.vector_store %arg19[%swap3A_421], %swap3A_424 {strides = array<i32>} : memref<8192xf32, #tpu.memory_space<vmem>>, vector<16xf32>,
        %mul3A_425 = arith.constant 128 : i32
        %mul3A_426 = arith.muli %add3A_346, %mul3A_425 : i32
        %add3A_427 = arith.constant 64 : i32
        %add3A_428 = arith.addi %mul3A_426, %add3A_427 : i32
        %get3A_429 = arith.index_cast %add3A_346 : i32 to index
        %get3A_430 = arith.constant 64 : index
        %get3A_431 = tpu.vector_load %arg16[%get3A_429, %get3A_430] {strides = array<i32>} : memref<64x128xf32, #tpu.memory_space<vmem>>, vector<1x16xf32>,
        %get3A_432 = vector.shape_cast %get3A_431 : vector<1x16xf32> to vector<16xf32>
        %mul3A_433 = arith.mulf %get3A_432, %gather3A_356 : vector<16xf32>
        %get3A_434 = arith.index_cast %add3A_428 : i32 to index
        %get3A_435 = tpu.vector_load %arg19[%get3A_434] {strides = array<i32>} : memref<8192xf32, #tpu.memory_space<vmem>>, vector<16xf32>,
        %get3A_436 = vector.shape_cast %get3A_435 : vector<16xf32> to vector<16xf32>
        %mul3A_437 = arith.mulf %mul3A_433, %get3A_436 : vector<16xf32>
        %swap3A_438 = arith.index_cast %add3A_428 : i32 to index
        %swap3A_439 = tpu.vector_load %arg19[%swap3A_438] {strides = array<i32>} : memref<8192xf32, #tpu.memory_space<vmem>>, vector<16xf32>,
        %swap3A_440 = vector.shape_cast %swap3A_439 : vector<16xf32> to vector<16xf32>
        %swap3A_441 = vector.shape_cast %mul3A_437 : vector<16xf32> to vector<16xf32>
        tpu.vector_store %arg19[%swap3A_438], %swap3A_441 {strides = array<i32>} : memref<8192xf32, #tpu.memory_space<vmem>>, vector<16xf32>,
        %mul3A_442 = arith.constant 128 : i32
        %mul3A_443 = arith.muli %add3A_346, %mul3A_442 : i32
        %add3A_444 = arith.constant 80 : i32
        %add3A_445 = arith.addi %mul3A_443, %add3A_444 : i32
        %get3A_446 = arith.index_cast %add3A_346 : i32 to index
        %get3A_447 = arith.constant 80 : index
        %get3A_448 = tpu.vector_load %arg16[%get3A_446, %get3A_447] {strides = array<i32>} : memref<64x128xf32, #tpu.memory_space<vmem>>, vector<1x16xf32>,
        %get3A_449 = vector.shape_cast %get3A_448 : vector<1x16xf32> to vector<16xf32>
        %mul3A_450 = arith.mulf %get3A_449, %gather3A_356 : vector<16xf32>
        %get3A_451 = arith.index_cast %add3A_445 : i32 to index
        %get3A_452 = tpu.vector_load %arg19[%get3A_451] {strides = array<i32>} : memref<8192xf32, #tpu.memory_space<vmem>>, vector<16xf32>,
        %get3A_453 = vector.shape_cast %get3A_452 : vector<16xf32> to vector<16xf32>
        %mul3A_454 = arith.mulf %mul3A_450, %get3A_453 : vector<16xf32>
        %swap3A_455 = arith.index_cast %add3A_445 : i32 to index
        %swap3A_456 = tpu.vector_load %arg19[%swap3A_455] {strides = array<i32>} : memref<8192xf32, #tpu.memory_space<vmem>>, vector<16xf32>,
        %swap3A_457 = vector.shape_cast %swap3A_456 : vector<16xf32> to vector<16xf32>
        %swap3A_458 = vector.shape_cast %mul3A_454 : vector<16xf32> to vector<16xf32>
        tpu.vector_store %arg19[%swap3A_455], %swap3A_458 {strides = array<i32>} : memref<8192xf32, #tpu.memory_space<vmem>>, vector<16xf32>,
        %mul3A_459 = arith.constant 128 : i32
        %mul3A_460 = arith.muli %add3A_346, %mul3A_459 : i32
        %add3A_461 = arith.constant 96 : i32
        %add3A_462 = arith.addi %mul3A_460, %add3A_461 : i32
        %get3A_463 = arith.index_cast %add3A_346 : i32 to index
        %get3A_464 = arith.constant 96 : index
        %get3A_465 = tpu.vector_load %arg16[%get3A_463, %get3A_464] {strides = array<i32>} : memref<64x128xf32, #tpu.memory_space<vmem>>, vector<1x16xf32>,
        %get3A_466 = vector.shape_cast %get3A_465 : vector<1x16xf32> to vector<16xf32>
        %mul3A_467 = arith.mulf %get3A_466, %gather3A_356 : vector<16xf32>
        %get3A_468 = arith.index_cast %add3A_462 : i32 to index
        %get3A_469 = tpu.vector_load %arg19[%get3A_468] {strides = array<i32>} : memref<8192xf32, #tpu.memory_space<vmem>>, vector<16xf32>,
        %get3A_470 = vector.shape_cast %get3A_469 : vector<16xf32> to vector<16xf32>
        %mul3A_471 = arith.mulf %mul3A_467, %get3A_470 : vector<16xf32>
        %swap3A_472 = arith.index_cast %add3A_462 : i32 to index
        %swap3A_473 = tpu.vector_load %arg19[%swap3A_472] {strides = array<i32>} : memref<8192xf32, #tpu.memory_space<vmem>>, vector<16xf32>,
        %swap3A_474 = vector.shape_cast %swap3A_473 : vector<16xf32> to vector<16xf32>
        %swap3A_475 = vector.shape_cast %mul3A_471 : vector<16xf32> to vector<16xf32>
        tpu.vector_store %arg19[%swap3A_472], %swap3A_475 {strides = array<i32>} : memref<8192xf32, #tpu.memory_space<vmem>>, vector<16xf32>,
        %mul3A_476 = arith.constant 128 : i32
        %mul3A_477 = arith.muli %add3A_346, %mul3A_476 : i32
        %add3A_478 = arith.constant 112 : i32
        %add3A_479 = arith.addi %mul3A_477, %add3A_478 : i32
        %get3A_480 = arith.index_cast %add3A_346 : i32 to index
        %get3A_481 = arith.constant 112 : index
        %get3A_482 = tpu.vector_load %arg16[%get3A_480, %get3A_481] {strides = array<i32>} : memref<64x128xf32, #tpu.memory_space<vmem>>, vector<1x16xf32>,
        %get3A_483 = vector.shape_cast %get3A_482 : vector<1x16xf32> to vector<16xf32>
        %mul3A_484 = arith.mulf %get3A_483, %gather3A_356 : vector<16xf32>
        %get3A_485 = arith.index_cast %add3A_479 : i32 to index
        %get3A_486 = tpu.vector_load %arg19[%get3A_485] {strides = array<i32>} : memref<8192xf32, #tpu.memory_space<vmem>>, vector<16xf32>,
        %get3A_487 = vector.shape_cast %get3A_486 : vector<16xf32> to vector<16xf32>
        %mul3A_488 = arith.mulf %mul3A_484, %get3A_487 : vector<16xf32>
        %swap3A_489 = arith.index_cast %add3A_479 : i32 to index
        %swap3A_490 = tpu.vector_load %arg19[%swap3A_489] {strides = array<i32>} : memref<8192xf32, #tpu.memory_space<vmem>>, vector<16xf32>,
        %swap3A_491 = vector.shape_cast %swap3A_490 : vector<16xf32> to vector<16xf32>
        %swap3A_492 = vector.shape_cast %mul3A_488 : vector<16xf32> to vector<16xf32>
        tpu.vector_store %arg19[%swap3A_489], %swap3A_492 {strides = array<i32>} : memref<8192xf32, #tpu.memory_space<vmem>>, vector<16xf32>,
        %mul3A_493 = arith.constant 8 : i32
        %mul3A_494 = arith.muli %scan3A_184, %mul3A_493 : i32
        %add3A_495 = arith.constant 2 : i32
        %add3A_496 = arith.addi %mul3A_494, %add3A_495 : i32
        %broadcast_in_dim3A_497 = arith.constant 4 : i32
        %broadcast_in_dim3A_498 = vector.broadcast %broadcast_in_dim3A_497 : i32 to vector<16xi32>
        %reshape3A_499 = vector.shape_cast %broadcast_in_dim3A_498 : vector<16xi32> to vector<16x1xi32>
        %gather3A_500 = vector.shape_cast %reshape3A_499 : vector<16x1xi32> to vector<16xi32>
        %gather3A_501 = tpu.dynamic_gather %get3A_194[%gather3A_500] in [0] : vector<16xf32>, vector<16xi32> -> vector<16xf32>
        %broadcast_in_dim3A_502 = arith.constant 5 : i32
        %broadcast_in_dim3A_503 = vector.broadcast %broadcast_in_dim3A_502 : i32 to vector<16xi32>
        %reshape3A_504 = vector.shape_cast %broadcast_in_dim3A_503 : vector<16xi32> to vector<16x1xi32>
        %gather3A_505 = vector.shape_cast %reshape3A_504 : vector<16x1xi32> to vector<16xi32>
        %gather3A_506 = tpu.dynamic_gather %get3A_194[%gather3A_505] in [0] : vector<16xf32>, vector<16xi32> -> vector<16xf32>
        %mul3A_507 = arith.constant 128 : i32
        %mul3A_508 = arith.muli %add3A_496, %mul3A_507 : i32
        %add3A_509 = arith.constant 0 : i32
        %add3A_510 = arith.addi %mul3A_508, %add3A_509 : i32
        %get3A_511 = arith.index_cast %add3A_496 : i32 to index
        %get3A_512 = arith.constant 0 : index
        %get3A_513 = tpu.vector_load %arg16[%get3A_511, %get3A_512] {strides = array<i32>} : memref<64x128xf32, #tpu.memory_space<vmem>>, vector<1x16xf32>,
        %get3A_514 = vector.shape_cast %get3A_513 : vector<1x16xf32> to vector<16xf32>
        %mul3A_515 = arith.mulf %get3A_514, %gather3A_501 : vector<16xf32>
        %get3A_516 = arith.index_cast %add3A_510 : i32 to index
        %get3A_517 = tpu.vector_load %arg19[%get3A_516] {strides = array<i32>} : memref<8192xf32, #tpu.memory_space<vmem>>, vector<16xf32>,
        %get3A_518 = vector.shape_cast %get3A_517 : vector<16xf32> to vector<16xf32>
        %mul3A_519 = arith.mulf %mul3A_515, %get3A_518 : vector<16xf32>
        %swap3A_520 = arith.index_cast %add3A_510 : i32 to index
        %swap3A_521 = tpu.vector_load %arg19[%swap3A_520] {strides = array<i32>} : memref<8192xf32, #tpu.memory_space<vmem>>, vector<16xf32>,
        %swap3A_522 = vector.shape_cast %swap3A_521 : vector<16xf32> to vector<16xf32>
        %swap3A_523 = vector.shape_cast %mul3A_519 : vector<16xf32> to vector<16xf32>
        tpu.vector_store %arg19[%swap3A_520], %swap3A_523 {strides = array<i32>} : memref<8192xf32, #tpu.memory_space<vmem>>, vector<16xf32>,
        %mul3A_524 = arith.constant 128 : i32
        %mul3A_525 = arith.muli %add3A_496, %mul3A_524 : i32
        %add3A_526 = arith.constant 16 : i32
        %add3A_527 = arith.addi %mul3A_525, %add3A_526 : i32
        %get3A_528 = arith.index_cast %add3A_496 : i32 to index
        %get3A_529 = arith.constant 16 : index
        %get3A_530 = tpu.vector_load %arg16[%get3A_528, %get3A_529] {strides = array<i32>} : memref<64x128xf32, #tpu.memory_space<vmem>>, vector<1x16xf32>,
        %get3A_531 = vector.shape_cast %get3A_530 : vector<1x16xf32> to vector<16xf32>
        %mul3A_532 = arith.mulf %get3A_531, %gather3A_501 : vector<16xf32>
        %get3A_533 = arith.index_cast %add3A_527 : i32 to index
        %get3A_534 = tpu.vector_load %arg19[%get3A_533] {strides = array<i32>} : memref<8192xf32, #tpu.memory_space<vmem>>, vector<16xf32>,
        %get3A_535 = vector.shape_cast %get3A_534 : vector<16xf32> to vector<16xf32>
        %mul3A_536 = arith.mulf %mul3A_532, %get3A_535 : vector<16xf32>
        %swap3A_537 = arith.index_cast %add3A_527 : i32 to index
        %swap3A_538 = tpu.vector_load %arg19[%swap3A_537] {strides = array<i32>} : memref<8192xf32, #tpu.memory_space<vmem>>, vector<16xf32>,
        %swap3A_539 = vector.shape_cast %swap3A_538 : vector<16xf32> to vector<16xf32>
        %swap3A_540 = vector.shape_cast %mul3A_536 : vector<16xf32> to vector<16xf32>
        tpu.vector_store %arg19[%swap3A_537], %swap3A_540 {strides = array<i32>} : memref<8192xf32, #tpu.memory_space<vmem>>, vector<16xf32>,
        %mul3A_541 = arith.constant 128 : i32
        %mul3A_542 = arith.muli %add3A_496, %mul3A_541 : i32
        %add3A_543 = arith.constant 32 : i32
        %add3A_544 = arith.addi %mul3A_542, %add3A_543 : i32
        %get3A_545 = arith.index_cast %add3A_496 : i32 to index
        %get3A_546 = arith.constant 32 : index
        %get3A_547 = tpu.vector_load %arg16[%get3A_545, %get3A_546] {strides = array<i32>} : memref<64x128xf32, #tpu.memory_space<vmem>>, vector<1x16xf32>,
        %get3A_548 = vector.shape_cast %get3A_547 : vector<1x16xf32> to vector<16xf32>
        %mul3A_549 = arith.mulf %get3A_548, %gather3A_501 : vector<16xf32>
        %get3A_550 = arith.index_cast %add3A_544 : i32 to index
        %get3A_551 = tpu.vector_load %arg19[%get3A_550] {strides = array<i32>} : memref<8192xf32, #tpu.memory_space<vmem>>, vector<16xf32>,
        %get3A_552 = vector.shape_cast %get3A_551 : vector<16xf32> to vector<16xf32>
        %mul3A_553 = arith.mulf %mul3A_549, %get3A_552 : vector<16xf32>
        %swap3A_554 = arith.index_cast %add3A_544 : i32 to index
        %swap3A_555 = tpu.vector_load %arg19[%swap3A_554] {strides = array<i32>} : memref<8192xf32, #tpu.memory_space<vmem>>, vector<16xf32>,
        %swap3A_556 = vector.shape_cast %swap3A_555 : vector<16xf32> to vector<16xf32>
        %swap3A_557 = vector.shape_cast %mul3A_553 : vector<16xf32> to vector<16xf32>
        tpu.vector_store %arg19[%swap3A_554], %swap3A_557 {strides = array<i32>} : memref<8192xf32, #tpu.memory_space<vmem>>, vector<16xf32>,
        %mul3A_558 = arith.constant 128 : i32
        %mul3A_559 = arith.muli %add3A_496, %mul3A_558 : i32
        %add3A_560 = arith.constant 48 : i32
        %add3A_561 = arith.addi %mul3A_559, %add3A_560 : i32
        %get3A_562 = arith.index_cast %add3A_496 : i32 to index
        %get3A_563 = arith.constant 48 : index
        %get3A_564 = tpu.vector_load %arg16[%get3A_562, %get3A_563] {strides = array<i32>} : memref<64x128xf32, #tpu.memory_space<vmem>>, vector<1x16xf32>,
        %get3A_565 = vector.shape_cast %get3A_564 : vector<1x16xf32> to vector<16xf32>
        %mul3A_566 = arith.mulf %get3A_565, %gather3A_501 : vector<16xf32>
        %get3A_567 = arith.index_cast %add3A_561 : i32 to index
        %get3A_568 = tpu.vector_load %arg19[%get3A_567] {strides = array<i32>} : memref<8192xf32, #tpu.memory_space<vmem>>, vector<16xf32>,
        %get3A_569 = vector.shape_cast %get3A_568 : vector<16xf32> to vector<16xf32>
        %mul3A_570 = arith.mulf %mul3A_566, %get3A_569 : vector<16xf32>
        %swap3A_571 = arith.index_cast %add3A_561 : i32 to index
        %swap3A_572 = tpu.vector_load %arg19[%swap3A_571] {strides = array<i32>} : memref<8192xf32, #tpu.memory_space<vmem>>, vector<16xf32>,
        %swap3A_573 = vector.shape_cast %swap3A_572 : vector<16xf32> to vector<16xf32>
        %swap3A_574 = vector.shape_cast %mul3A_570 : vector<16xf32> to vector<16xf32>
        tpu.vector_store %arg19[%swap3A_571], %swap3A_574 {strides = array<i32>} : memref<8192xf32, #tpu.memory_space<vmem>>, vector<16xf32>,
        %mul3A_575 = arith.constant 128 : i32
        %mul3A_576 = arith.muli %add3A_496, %mul3A_575 : i32
        %add3A_577 = arith.constant 64 : i32
        %add3A_578 = arith.addi %mul3A_576, %add3A_577 : i32
        %get3A_579 = arith.index_cast %add3A_496 : i32 to index
        %get3A_580 = arith.constant 64 : index
        %get3A_581 = tpu.vector_load %arg16[%get3A_579, %get3A_580] {strides = array<i32>} : memref<64x128xf32, #tpu.memory_space<vmem>>, vector<1x16xf32>,
        %get3A_582 = vector.shape_cast %get3A_581 : vector<1x16xf32> to vector<16xf32>
        %mul3A_583 = arith.mulf %get3A_582, %gather3A_506 : vector<16xf32>
        %get3A_584 = arith.index_cast %add3A_578 : i32 to index
        %get3A_585 = tpu.vector_load %arg19[%get3A_584] {strides = array<i32>} : memref<8192xf32, #tpu.memory_space<vmem>>, vector<16xf32>,
        %get3A_586 = vector.shape_cast %get3A_585 : vector<16xf32> to vector<16xf32>
        %mul3A_587 = arith.mulf %mul3A_583, %get3A_586 : vector<16xf32>
        %swap3A_588 = arith.index_cast %add3A_578 : i32 to index
        %swap3A_589 = tpu.vector_load %arg19[%swap3A_588] {strides = array<i32>} : memref<8192xf32, #tpu.memory_space<vmem>>, vector<16xf32>,
        %swap3A_590 = vector.shape_cast %swap3A_589 : vector<16xf32> to vector<16xf32>
        %swap3A_591 = vector.shape_cast %mul3A_587 : vector<16xf32> to vector<16xf32>
        tpu.vector_store %arg19[%swap3A_588], %swap3A_591 {strides = array<i32>} : memref<8192xf32, #tpu.memory_space<vmem>>, vector<16xf32>,
        %mul3A_592 = arith.constant 128 : i32
        %mul3A_593 = arith.muli %add3A_496, %mul3A_592 : i32
        %add3A_594 = arith.constant 80 : i32
        %add3A_595 = arith.addi %mul3A_593, %add3A_594 : i32
        %get3A_596 = arith.index_cast %add3A_496 : i32 to index
        %get3A_597 = arith.constant 80 : index
        %get3A_598 = tpu.vector_load %arg16[%get3A_596, %get3A_597] {strides = array<i32>} : memref<64x128xf32, #tpu.memory_space<vmem>>, vector<1x16xf32>,
        %get3A_599 = vector.shape_cast %get3A_598 : vector<1x16xf32> to vector<16xf32>
        %mul3A_600 = arith.mulf %get3A_599, %gather3A_506 : vector<16xf32>
        %get3A_601 = arith.index_cast %add3A_595 : i32 to index
        %get3A_602 = tpu.vector_load %arg19[%get3A_601] {strides = array<i32>} : memref<8192xf32, #tpu.memory_space<vmem>>, vector<16xf32>,
        %get3A_603 = vector.shape_cast %get3A_602 : vector<16xf32> to vector<16xf32>
        %mul3A_604 = arith.mulf %mul3A_600, %get3A_603 : vector<16xf32>
        %swap3A_605 = arith.index_cast %add3A_595 : i32 to index
        %swap3A_606 = tpu.vector_load %arg19[%swap3A_605] {strides = array<i32>} : memref<8192xf32, #tpu.memory_space<vmem>>, vector<16xf32>,
        %swap3A_607 = vector.shape_cast %swap3A_606 : vector<16xf32> to vector<16xf32>
        %swap3A_608 = vector.shape_cast %mul3A_604 : vector<16xf32> to vector<16xf32>
        tpu.vector_store %arg19[%swap3A_605], %swap3A_608 {strides = array<i32>} : memref<8192xf32, #tpu.memory_space<vmem>>, vector<16xf32>,
        %mul3A_609 = arith.constant 128 : i32
        %mul3A_610 = arith.muli %add3A_496, %mul3A_609 : i32
        %add3A_611 = arith.constant 96 : i32
        %add3A_612 = arith.addi %mul3A_610, %add3A_611 : i32
        %get3A_613 = arith.index_cast %add3A_496 : i32 to index
        %get3A_614 = arith.constant 96 : index
        %get3A_615 = tpu.vector_load %arg16[%get3A_613, %get3A_614] {strides = array<i32>} : memref<64x128xf32, #tpu.memory_space<vmem>>, vector<1x16xf32>,
        %get3A_616 = vector.shape_cast %get3A_615 : vector<1x16xf32> to vector<16xf32>
        %mul3A_617 = arith.mulf %get3A_616, %gather3A_506 : vector<16xf32>
        %get3A_618 = arith.index_cast %add3A_612 : i32 to index
        %get3A_619 = tpu.vector_load %arg19[%get3A_618] {strides = array<i32>} : memref<8192xf32, #tpu.memory_space<vmem>>, vector<16xf32>,
        %get3A_620 = vector.shape_cast %get3A_619 : vector<16xf32> to vector<16xf32>
        %mul3A_621 = arith.mulf %mul3A_617, %get3A_620 : vector<16xf32>
        %swap3A_622 = arith.index_cast %add3A_612 : i32 to index
        %swap3A_623 = tpu.vector_load %arg19[%swap3A_622] {strides = array<i32>} : memref<8192xf32, #tpu.memory_space<vmem>>, vector<16xf32>,
        %swap3A_624 = vector.shape_cast %swap3A_623 : vector<16xf32> to vector<16xf32>
        %swap3A_625 = vector.shape_cast %mul3A_621 : vector<16xf32> to vector<16xf32>
        tpu.vector_store %arg19[%swap3A_622], %swap3A_625 {strides = array<i32>} : memref<8192xf32, #tpu.memory_space<vmem>>, vector<16xf32>,
        %mul3A_626 = arith.constant 128 : i32
        %mul3A_627 = arith.muli %add3A_496, %mul3A_626 : i32
        %add3A_628 = arith.constant 112 : i32
        %add3A_629 = arith.addi %mul3A_627, %add3A_628 : i32
        %get3A_630 = arith.index_cast %add3A_496 : i32 to index
        %get3A_631 = arith.constant 112 : index
        %get3A_632 = tpu.vector_load %arg16[%get3A_630, %get3A_631] {strides = array<i32>} : memref<64x128xf32, #tpu.memory_space<vmem>>, vector<1x16xf32>,
        %get3A_633 = vector.shape_cast %get3A_632 : vector<1x16xf32> to vector<16xf32>
        %mul3A_634 = arith.mulf %get3A_633, %gather3A_506 : vector<16xf32>
        %get3A_635 = arith.index_cast %add3A_629 : i32 to index
        %get3A_636 = tpu.vector_load %arg19[%get3A_635] {strides = array<i32>} : memref<8192xf32, #tpu.memory_space<vmem>>, vector<16xf32>,
        %get3A_637 = vector.shape_cast %get3A_636 : vector<16xf32> to vector<16xf32>
        %mul3A_638 = arith.mulf %mul3A_634, %get3A_637 : vector<16xf32>
        %swap3A_639 = arith.index_cast %add3A_629 : i32 to index
        %swap3A_640 = tpu.vector_load %arg19[%swap3A_639] {strides = array<i32>} : memref<8192xf32, #tpu.memory_space<vmem>>, vector<16xf32>,
        %swap3A_641 = vector.shape_cast %swap3A_640 : vector<16xf32> to vector<16xf32>
        %swap3A_642 = vector.shape_cast %mul3A_638 : vector<16xf32> to vector<16xf32>
        tpu.vector_store %arg19[%swap3A_639], %swap3A_642 {strides = array<i32>} : memref<8192xf32, #tpu.memory_space<vmem>>, vector<16xf32>,
        %mul3A_643 = arith.constant 8 : i32
        %mul3A_644 = arith.muli %scan3A_184, %mul3A_643 : i32
        %add3A_645 = arith.constant 3 : i32
        %add3A_646 = arith.addi %mul3A_644, %add3A_645 : i32
        %broadcast_in_dim3A_647 = arith.constant 6 : i32
        %broadcast_in_dim3A_648 = vector.broadcast %broadcast_in_dim3A_647 : i32 to vector<16xi32>
        %reshape3A_649 = vector.shape_cast %broadcast_in_dim3A_648 : vector<16xi32> to vector<16x1xi32>
        %gather3A_650 = vector.shape_cast %reshape3A_649 : vector<16x1xi32> to vector<16xi32>
        %gather3A_651 = tpu.dynamic_gather %get3A_194[%gather3A_650] in [0] : vector<16xf32>, vector<16xi32> -> vector<16xf32>
        %broadcast_in_dim3A_652 = arith.constant 7 : i32
        %broadcast_in_dim3A_653 = vector.broadcast %broadcast_in_dim3A_652 : i32 to vector<16xi32>
        %reshape3A_654 = vector.shape_cast %broadcast_in_dim3A_653 : vector<16xi32> to vector<16x1xi32>
        %gather3A_655 = vector.shape_cast %reshape3A_654 : vector<16x1xi32> to vector<16xi32>
        %gather3A_656 = tpu.dynamic_gather %get3A_194[%gather3A_655] in [0] : vector<16xf32>, vector<16xi32> -> vector<16xf32>
        %mul3A_657 = arith.constant 128 : i32
        %mul3A_658 = arith.muli %add3A_646, %mul3A_657 : i32
        %add3A_659 = arith.constant 0 : i32
        %add3A_660 = arith.addi %mul3A_658, %add3A_659 : i32
        %get3A_661 = arith.index_cast %add3A_646 : i32 to index
        %get3A_662 = arith.constant 0 : index
        %get3A_663 = tpu.vector_load %arg16[%get3A_661, %get3A_662] {strides = array<i32>} : memref<64x128xf32, #tpu.memory_space<vmem>>, vector<1x16xf32>,
        %get3A_664 = vector.shape_cast %get3A_663 : vector<1x16xf32> to vector<16xf32>
        %mul3A_665 = arith.mulf %get3A_664, %gather3A_651 : vector<16xf32>
        %get3A_666 = arith.index_cast %add3A_660 : i32 to index
        %get3A_667 = tpu.vector_load %arg19[%get3A_666] {strides = array<i32>} : memref<8192xf32, #tpu.memory_space<vmem>>, vector<16xf32>,
        %get3A_668 = vector.shape_cast %get3A_667 : vector<16xf32> to vector<16xf32>
        %mul3A_669 = arith.mulf %mul3A_665, %get3A_668 : vector<16xf32>
        %swap3A_670 = arith.index_cast %add3A_660 : i32 to index
        %swap3A_671 = tpu.vector_load %arg19[%swap3A_670] {strides = array<i32>} : memref<8192xf32, #tpu.memory_space<vmem>>, vector<16xf32>,
        %swap3A_672 = vector.shape_cast %swap3A_671 : vector<16xf32> to vector<16xf32>
        %swap3A_673 = vector.shape_cast %mul3A_669 : vector<16xf32> to vector<16xf32>
        tpu.vector_store %arg19[%swap3A_670], %swap3A_673 {strides = array<i32>} : memref<8192xf32, #tpu.memory_space<vmem>>, vector<16xf32>,
        %mul3A_674 = arith.constant 128 : i32
        %mul3A_675 = arith.muli %add3A_646, %mul3A_674 : i32
        %add3A_676 = arith.constant 16 : i32
        %add3A_677 = arith.addi %mul3A_675, %add3A_676 : i32
        %get3A_678 = arith.index_cast %add3A_646 : i32 to index
        %get3A_679 = arith.constant 16 : index
        %get3A_680 = tpu.vector_load %arg16[%get3A_678, %get3A_679] {strides = array<i32>} : memref<64x128xf32, #tpu.memory_space<vmem>>, vector<1x16xf32>,
        %get3A_681 = vector.shape_cast %get3A_680 : vector<1x16xf32> to vector<16xf32>
        %mul3A_682 = arith.mulf %get3A_681, %gather3A_651 : vector<16xf32>
        %get3A_683 = arith.index_cast %add3A_677 : i32 to index
        %get3A_684 = tpu.vector_load %arg19[%get3A_683] {strides = array<i32>} : memref<8192xf32, #tpu.memory_space<vmem>>, vector<16xf32>,
        %get3A_685 = vector.shape_cast %get3A_684 : vector<16xf32> to vector<16xf32>
        %mul3A_686 = arith.mulf %mul3A_682, %get3A_685 : vector<16xf32>
        %swap3A_687 = arith.index_cast %add3A_677 : i32 to index
        %swap3A_688 = tpu.vector_load %arg19[%swap3A_687] {strides = array<i32>} : memref<8192xf32, #tpu.memory_space<vmem>>, vector<16xf32>,
        %swap3A_689 = vector.shape_cast %swap3A_688 : vector<16xf32> to vector<16xf32>
        %swap3A_690 = vector.shape_cast %mul3A_686 : vector<16xf32> to vector<16xf32>
        tpu.vector_store %arg19[%swap3A_687], %swap3A_690 {strides = array<i32>} : memref<8192xf32, #tpu.memory_space<vmem>>, vector<16xf32>,
        %mul3A_691 = arith.constant 128 : i32
        %mul3A_692 = arith.muli %add3A_646, %mul3A_691 : i32
        %add3A_693 = arith.constant 32 : i32
        %add3A_694 = arith.addi %mul3A_692, %add3A_693 : i32
        %get3A_695 = arith.index_cast %add3A_646 : i32 to index
        %get3A_696 = arith.constant 32 : index
        %get3A_697 = tpu.vector_load %arg16[%get3A_695, %get3A_696] {strides = array<i32>} : memref<64x128xf32, #tpu.memory_space<vmem>>, vector<1x16xf32>,
        %get3A_698 = vector.shape_cast %get3A_697 : vector<1x16xf32> to vector<16xf32>
        %mul3A_699 = arith.mulf %get3A_698, %gather3A_651 : vector<16xf32>
        %get3A_700 = arith.index_cast %add3A_694 : i32 to index
        %get3A_701 = tpu.vector_load %arg19[%get3A_700] {strides = array<i32>} : memref<8192xf32, #tpu.memory_space<vmem>>, vector<16xf32>,
        %get3A_702 = vector.shape_cast %get3A_701 : vector<16xf32> to vector<16xf32>
        %mul3A_703 = arith.mulf %mul3A_699, %get3A_702 : vector<16xf32>
        %swap3A_704 = arith.index_cast %add3A_694 : i32 to index
        %swap3A_705 = tpu.vector_load %arg19[%swap3A_704] {strides = array<i32>} : memref<8192xf32, #tpu.memory_space<vmem>>, vector<16xf32>,
        %swap3A_706 = vector.shape_cast %swap3A_705 : vector<16xf32> to vector<16xf32>
        %swap3A_707 = vector.shape_cast %mul3A_703 : vector<16xf32> to vector<16xf32>
        tpu.vector_store %arg19[%swap3A_704], %swap3A_707 {strides = array<i32>} : memref<8192xf32, #tpu.memory_space<vmem>>, vector<16xf32>,
        %mul3A_708 = arith.constant 128 : i32
        %mul3A_709 = arith.muli %add3A_646, %mul3A_708 : i32
        %add3A_710 = arith.constant 48 : i32
        %add3A_711 = arith.addi %mul3A_709, %add3A_710 : i32
        %get3A_712 = arith.index_cast %add3A_646 : i32 to index
        %get3A_713 = arith.constant 48 : index
        %get3A_714 = tpu.vector_load %arg16[%get3A_712, %get3A_713] {strides = array<i32>} : memref<64x128xf32, #tpu.memory_space<vmem>>, vector<1x16xf32>,
        %get3A_715 = vector.shape_cast %get3A_714 : vector<1x16xf32> to vector<16xf32>
        %mul3A_716 = arith.mulf %get3A_715, %gather3A_651 : vector<16xf32>
        %get3A_717 = arith.index_cast %add3A_711 : i32 to index
        %get3A_718 = tpu.vector_load %arg19[%get3A_717] {strides = array<i32>} : memref<8192xf32, #tpu.memory_space<vmem>>, vector<16xf32>,
        %get3A_719 = vector.shape_cast %get3A_718 : vector<16xf32> to vector<16xf32>
        %mul3A_720 = arith.mulf %mul3A_716, %get3A_719 : vector<16xf32>
        %swap3A_721 = arith.index_cast %add3A_711 : i32 to index
        %swap3A_722 = tpu.vector_load %arg19[%swap3A_721] {strides = array<i32>} : memref<8192xf32, #tpu.memory_space<vmem>>, vector<16xf32>,
        %swap3A_723 = vector.shape_cast %swap3A_722 : vector<16xf32> to vector<16xf32>
        %swap3A_724 = vector.shape_cast %mul3A_720 : vector<16xf32> to vector<16xf32>
        tpu.vector_store %arg19[%swap3A_721], %swap3A_724 {strides = array<i32>} : memref<8192xf32, #tpu.memory_space<vmem>>, vector<16xf32>,
        %mul3A_725 = arith.constant 128 : i32
        %mul3A_726 = arith.muli %add3A_646, %mul3A_725 : i32
        %add3A_727 = arith.constant 64 : i32
        %add3A_728 = arith.addi %mul3A_726, %add3A_727 : i32
        %get3A_729 = arith.index_cast %add3A_646 : i32 to index
        %get3A_730 = arith.constant 64 : index
        %get3A_731 = tpu.vector_load %arg16[%get3A_729, %get3A_730] {strides = array<i32>} : memref<64x128xf32, #tpu.memory_space<vmem>>, vector<1x16xf32>,
        %get3A_732 = vector.shape_cast %get3A_731 : vector<1x16xf32> to vector<16xf32>
        %mul3A_733 = arith.mulf %get3A_732, %gather3A_656 : vector<16xf32>
        %get3A_734 = arith.index_cast %add3A_728 : i32 to index
        %get3A_735 = tpu.vector_load %arg19[%get3A_734] {strides = array<i32>} : memref<8192xf32, #tpu.memory_space<vmem>>, vector<16xf32>,
        %get3A_736 = vector.shape_cast %get3A_735 : vector<16xf32> to vector<16xf32>
        %mul3A_737 = arith.mulf %mul3A_733, %get3A_736 : vector<16xf32>
        %swap3A_738 = arith.index_cast %add3A_728 : i32 to index
        %swap3A_739 = tpu.vector_load %arg19[%swap3A_738] {strides = array<i32>} : memref<8192xf32, #tpu.memory_space<vmem>>, vector<16xf32>,
        %swap3A_740 = vector.shape_cast %swap3A_739 : vector<16xf32> to vector<16xf32>
        %swap3A_741 = vector.shape_cast %mul3A_737 : vector<16xf32> to vector<16xf32>
        tpu.vector_store %arg19[%swap3A_738], %swap3A_741 {strides = array<i32>} : memref<8192xf32, #tpu.memory_space<vmem>>, vector<16xf32>,
        %mul3A_742 = arith.constant 128 : i32
        %mul3A_743 = arith.muli %add3A_646, %mul3A_742 : i32
        %add3A_744 = arith.constant 80 : i32
        %add3A_745 = arith.addi %mul3A_743, %add3A_744 : i32
        %get3A_746 = arith.index_cast %add3A_646 : i32 to index
        %get3A_747 = arith.constant 80 : index
        %get3A_748 = tpu.vector_load %arg16[%get3A_746, %get3A_747] {strides = array<i32>} : memref<64x128xf32, #tpu.memory_space<vmem>>, vector<1x16xf32>,
        %get3A_749 = vector.shape_cast %get3A_748 : vector<1x16xf32> to vector<16xf32>
        %mul3A_750 = arith.mulf %get3A_749, %gather3A_656 : vector<16xf32>
        %get3A_751 = arith.index_cast %add3A_745 : i32 to index
        %get3A_752 = tpu.vector_load %arg19[%get3A_751] {strides = array<i32>} : memref<8192xf32, #tpu.memory_space<vmem>>, vector<16xf32>,
        %get3A_753 = vector.shape_cast %get3A_752 : vector<16xf32> to vector<16xf32>
        %mul3A_754 = arith.mulf %mul3A_750, %get3A_753 : vector<16xf32>
        %swap3A_755 = arith.index_cast %add3A_745 : i32 to index
        %swap3A_756 = tpu.vector_load %arg19[%swap3A_755] {strides = array<i32>} : memref<8192xf32, #tpu.memory_space<vmem>>, vector<16xf32>,
        %swap3A_757 = vector.shape_cast %swap3A_756 : vector<16xf32> to vector<16xf32>
        %swap3A_758 = vector.shape_cast %mul3A_754 : vector<16xf32> to vector<16xf32>
        tpu.vector_store %arg19[%swap3A_755], %swap3A_758 {strides = array<i32>} : memref<8192xf32, #tpu.memory_space<vmem>>, vector<16xf32>,
        %mul3A_759 = arith.constant 128 : i32
        %mul3A_760 = arith.muli %add3A_646, %mul3A_759 : i32
        %add3A_761 = arith.constant 96 : i32
        %add3A_762 = arith.addi %mul3A_760, %add3A_761 : i32
        %get3A_763 = arith.index_cast %add3A_646 : i32 to index
        %get3A_764 = arith.constant 96 : index
        %get3A_765 = tpu.vector_load %arg16[%get3A_763, %get3A_764] {strides = array<i32>} : memref<64x128xf32, #tpu.memory_space<vmem>>, vector<1x16xf32>,
        %get3A_766 = vector.shape_cast %get3A_765 : vector<1x16xf32> to vector<16xf32>
        %mul3A_767 = arith.mulf %get3A_766, %gather3A_656 : vector<16xf32>
        %get3A_768 = arith.index_cast %add3A_762 : i32 to index
        %get3A_769 = tpu.vector_load %arg19[%get3A_768] {strides = array<i32>} : memref<8192xf32, #tpu.memory_space<vmem>>, vector<16xf32>,
        %get3A_770 = vector.shape_cast %get3A_769 : vector<16xf32> to vector<16xf32>
        %mul3A_771 = arith.mulf %mul3A_767, %get3A_770 : vector<16xf32>
        %swap3A_772 = arith.index_cast %add3A_762 : i32 to index
        %swap3A_773 = tpu.vector_load %arg19[%swap3A_772] {strides = array<i32>} : memref<8192xf32, #tpu.memory_space<vmem>>, vector<16xf32>,
        %swap3A_774 = vector.shape_cast %swap3A_773 : vector<16xf32> to vector<16xf32>
        %swap3A_775 = vector.shape_cast %mul3A_771 : vector<16xf32> to vector<16xf32>
        tpu.vector_store %arg19[%swap3A_772], %swap3A_775 {strides = array<i32>} : memref<8192xf32, #tpu.memory_space<vmem>>, vector<16xf32>,
        %mul3A_776 = arith.constant 128 : i32
        %mul3A_777 = arith.muli %add3A_646, %mul3A_776 : i32
        %add3A_778 = arith.constant 112 : i32
        %add3A_779 = arith.addi %mul3A_777, %add3A_778 : i32
        %get3A_780 = arith.index_cast %add3A_646 : i32 to index
        %get3A_781 = arith.constant 112 : index
        %get3A_782 = tpu.vector_load %arg16[%get3A_780, %get3A_781] {strides = array<i32>} : memref<64x128xf32, #tpu.memory_space<vmem>>, vector<1x16xf32>,
        %get3A_783 = vector.shape_cast %get3A_782 : vector<1x16xf32> to vector<16xf32>
        %mul3A_784 = arith.mulf %get3A_783, %gather3A_656 : vector<16xf32>
        %get3A_785 = arith.index_cast %add3A_779 : i32 to index
        %get3A_786 = tpu.vector_load %arg19[%get3A_785] {strides = array<i32>} : memref<8192xf32, #tpu.memory_space<vmem>>, vector<16xf32>,
        %get3A_787 = vector.shape_cast %get3A_786 : vector<16xf32> to vector<16xf32>
        %mul3A_788 = arith.mulf %mul3A_784, %get3A_787 : vector<16xf32>
        %swap3A_789 = arith.index_cast %add3A_779 : i32 to index
        %swap3A_790 = tpu.vector_load %arg19[%swap3A_789] {strides = array<i32>} : memref<8192xf32, #tpu.memory_space<vmem>>, vector<16xf32>,
        %swap3A_791 = vector.shape_cast %swap3A_790 : vector<16xf32> to vector<16xf32>
        %swap3A_792 = vector.shape_cast %mul3A_788 : vector<16xf32> to vector<16xf32>
        tpu.vector_store %arg19[%swap3A_789], %swap3A_792 {strides = array<i32>} : memref<8192xf32, #tpu.memory_space<vmem>>, vector<16xf32>,
        %mul3A_793 = arith.constant 8 : i32
        %mul3A_794 = arith.muli %scan3A_184, %mul3A_793 : i32
        %add3A_795 = arith.constant 4 : i32
        %add3A_796 = arith.addi %mul3A_794, %add3A_795 : i32
        %broadcast_in_dim3A_797 = arith.constant 8 : i32
        %broadcast_in_dim3A_798 = vector.broadcast %broadcast_in_dim3A_797 : i32 to vector<16xi32>
        %reshape3A_799 = vector.shape_cast %broadcast_in_dim3A_798 : vector<16xi32> to vector<16x1xi32>
        %gather3A_800 = vector.shape_cast %reshape3A_799 : vector<16x1xi32> to vector<16xi32>
        %gather3A_801 = tpu.dynamic_gather %get3A_194[%gather3A_800] in [0] : vector<16xf32>, vector<16xi32> -> vector<16xf32>
        %broadcast_in_dim3A_802 = arith.constant 9 : i32
        %broadcast_in_dim3A_803 = vector.broadcast %broadcast_in_dim3A_802 : i32 to vector<16xi32>
        %reshape3A_804 = vector.shape_cast %broadcast_in_dim3A_803 : vector<16xi32> to vector<16x1xi32>
        %gather3A_805 = vector.shape_cast %reshape3A_804 : vector<16x1xi32> to vector<16xi32>
        %gather3A_806 = tpu.dynamic_gather %get3A_194[%gather3A_805] in [0] : vector<16xf32>, vector<16xi32> -> vector<16xf32>
        %mul3A_807 = arith.constant 128 : i32
        %mul3A_808 = arith.muli %add3A_796, %mul3A_807 : i32
        %add3A_809 = arith.constant 0 : i32
        %add3A_810 = arith.addi %mul3A_808, %add3A_809 : i32
        %get3A_811 = arith.index_cast %add3A_796 : i32 to index
        %get3A_812 = arith.constant 0 : index
        %get3A_813 = tpu.vector_load %arg16[%get3A_811, %get3A_812] {strides = array<i32>} : memref<64x128xf32, #tpu.memory_space<vmem>>, vector<1x16xf32>,
        %get3A_814 = vector.shape_cast %get3A_813 : vector<1x16xf32> to vector<16xf32>
        %mul3A_815 = arith.mulf %get3A_814, %gather3A_801 : vector<16xf32>
        %get3A_816 = arith.index_cast %add3A_810 : i32 to index
        %get3A_817 = tpu.vector_load %arg19[%get3A_816] {strides = array<i32>} : memref<8192xf32, #tpu.memory_space<vmem>>, vector<16xf32>,
        %get3A_818 = vector.shape_cast %get3A_817 : vector<16xf32> to vector<16xf32>
        %mul3A_819 = arith.mulf %mul3A_815, %get3A_818 : vector<16xf32>
        %swap3A_820 = arith.index_cast %add3A_810 : i32 to index
        %swap3A_821 = tpu.vector_load %arg19[%swap3A_820] {strides = array<i32>} : memref<8192xf32, #tpu.memory_space<vmem>>, vector<16xf32>,
        %swap3A_822 = vector.shape_cast %swap3A_821 : vector<16xf32> to vector<16xf32>
        %swap3A_823 = vector.shape_cast %mul3A_819 : vector<16xf32> to vector<16xf32>
        tpu.vector_store %arg19[%swap3A_820], %swap3A_823 {strides = array<i32>} : memref<8192xf32, #tpu.memory_space<vmem>>, vector<16xf32>,
        %mul3A_824 = arith.constant 128 : i32
        %mul3A_825 = arith.muli %add3A_796, %mul3A_824 : i32
        %add3A_826 = arith.constant 16 : i32
        %add3A_827 = arith.addi %mul3A_825, %add3A_826 : i32
        %get3A_828 = arith.index_cast %add3A_796 : i32 to index
        %get3A_829 = arith.constant 16 : index
        %get3A_830 = tpu.vector_load %arg16[%get3A_828, %get3A_829] {strides = array<i32>} : memref<64x128xf32, #tpu.memory_space<vmem>>, vector<1x16xf32>,
        %get3A_831 = vector.shape_cast %get3A_830 : vector<1x16xf32> to vector<16xf32>
        %mul3A_832 = arith.mulf %get3A_831, %gather3A_801 : vector<16xf32>
        %get3A_833 = arith.index_cast %add3A_827 : i32 to index
        %get3A_834 = tpu.vector_load %arg19[%get3A_833] {strides = array<i32>} : memref<8192xf32, #tpu.memory_space<vmem>>, vector<16xf32>,
        %get3A_835 = vector.shape_cast %get3A_834 : vector<16xf32> to vector<16xf32>
        %mul3A_836 = arith.mulf %mul3A_832, %get3A_835 : vector<16xf32>
        %swap3A_837 = arith.index_cast %add3A_827 : i32 to index
        %swap3A_838 = tpu.vector_load %arg19[%swap3A_837] {strides = array<i32>} : memref<8192xf32, #tpu.memory_space<vmem>>, vector<16xf32>,
        %swap3A_839 = vector.shape_cast %swap3A_838 : vector<16xf32> to vector<16xf32>
        %swap3A_840 = vector.shape_cast %mul3A_836 : vector<16xf32> to vector<16xf32>
        tpu.vector_store %arg19[%swap3A_837], %swap3A_840 {strides = array<i32>} : memref<8192xf32, #tpu.memory_space<vmem>>, vector<16xf32>,
        %mul3A_841 = arith.constant 128 : i32
        %mul3A_842 = arith.muli %add3A_796, %mul3A_841 : i32
        %add3A_843 = arith.constant 32 : i32
        %add3A_844 = arith.addi %mul3A_842, %add3A_843 : i32
        %get3A_845 = arith.index_cast %add3A_796 : i32 to index
        %get3A_846 = arith.constant 32 : index
        %get3A_847 = tpu.vector_load %arg16[%get3A_845, %get3A_846] {strides = array<i32>} : memref<64x128xf32, #tpu.memory_space<vmem>>, vector<1x16xf32>,
        %get3A_848 = vector.shape_cast %get3A_847 : vector<1x16xf32> to vector<16xf32>
        %mul3A_849 = arith.mulf %get3A_848, %gather3A_801 : vector<16xf32>
        %get3A_850 = arith.index_cast %add3A_844 : i32 to index
        %get3A_851 = tpu.vector_load %arg19[%get3A_850] {strides = array<i32>} : memref<8192xf32, #tpu.memory_space<vmem>>, vector<16xf32>,
        %get3A_852 = vector.shape_cast %get3A_851 : vector<16xf32> to vector<16xf32>
        %mul3A_853 = arith.mulf %mul3A_849, %get3A_852 : vector<16xf32>
        %swap3A_854 = arith.index_cast %add3A_844 : i32 to index
        %swap3A_855 = tpu.vector_load %arg19[%swap3A_854] {strides = array<i32>} : memref<8192xf32, #tpu.memory_space<vmem>>, vector<16xf32>,
        %swap3A_856 = vector.shape_cast %swap3A_855 : vector<16xf32> to vector<16xf32>
        %swap3A_857 = vector.shape_cast %mul3A_853 : vector<16xf32> to vector<16xf32>
        tpu.vector_store %arg19[%swap3A_854], %swap3A_857 {strides = array<i32>} : memref<8192xf32, #tpu.memory_space<vmem>>, vector<16xf32>,
        %mul3A_858 = arith.constant 128 : i32
        %mul3A_859 = arith.muli %add3A_796, %mul3A_858 : i32
        %add3A_860 = arith.constant 48 : i32
        %add3A_861 = arith.addi %mul3A_859, %add3A_860 : i32
        %get3A_862 = arith.index_cast %add3A_796 : i32 to index
        %get3A_863 = arith.constant 48 : index
        %get3A_864 = tpu.vector_load %arg16[%get3A_862, %get3A_863] {strides = array<i32>} : memref<64x128xf32, #tpu.memory_space<vmem>>, vector<1x16xf32>,
        %get3A_865 = vector.shape_cast %get3A_864 : vector<1x16xf32> to vector<16xf32>
        %mul3A_866 = arith.mulf %get3A_865, %gather3A_801 : vector<16xf32>
        %get3A_867 = arith.index_cast %add3A_861 : i32 to index
        %get3A_868 = tpu.vector_load %arg19[%get3A_867] {strides = array<i32>} : memref<8192xf32, #tpu.memory_space<vmem>>, vector<16xf32>,
        %get3A_869 = vector.shape_cast %get3A_868 : vector<16xf32> to vector<16xf32>
        %mul3A_870 = arith.mulf %mul3A_866, %get3A_869 : vector<16xf32>
        %swap3A_871 = arith.index_cast %add3A_861 : i32 to index
        %swap3A_872 = tpu.vector_load %arg19[%swap3A_871] {strides = array<i32>} : memref<8192xf32, #tpu.memory_space<vmem>>, vector<16xf32>,
        %swap3A_873 = vector.shape_cast %swap3A_872 : vector<16xf32> to vector<16xf32>
        %swap3A_874 = vector.shape_cast %mul3A_870 : vector<16xf32> to vector<16xf32>
        tpu.vector_store %arg19[%swap3A_871], %swap3A_874 {strides = array<i32>} : memref<8192xf32, #tpu.memory_space<vmem>>, vector<16xf32>,
        %mul3A_875 = arith.constant 128 : i32
        %mul3A_876 = arith.muli %add3A_796, %mul3A_875 : i32
        %add3A_877 = arith.constant 64 : i32
        %add3A_878 = arith.addi %mul3A_876, %add3A_877 : i32
        %get3A_879 = arith.index_cast %add3A_796 : i32 to index
        %get3A_880 = arith.constant 64 : index
        %get3A_881 = tpu.vector_load %arg16[%get3A_879, %get3A_880] {strides = array<i32>} : memref<64x128xf32, #tpu.memory_space<vmem>>, vector<1x16xf32>,
        %get3A_882 = vector.shape_cast %get3A_881 : vector<1x16xf32> to vector<16xf32>
        %mul3A_883 = arith.mulf %get3A_882, %gather3A_806 : vector<16xf32>
        %get3A_884 = arith.index_cast %add3A_878 : i32 to index
        %get3A_885 = tpu.vector_load %arg19[%get3A_884] {strides = array<i32>} : memref<8192xf32, #tpu.memory_space<vmem>>, vector<16xf32>,
        %get3A_886 = vector.shape_cast %get3A_885 : vector<16xf32> to vector<16xf32>
        %mul3A_887 = arith.mulf %mul3A_883, %get3A_886 : vector<16xf32>
        %swap3A_888 = arith.index_cast %add3A_878 : i32 to index
        %swap3A_889 = tpu.vector_load %arg19[%swap3A_888] {strides = array<i32>} : memref<8192xf32, #tpu.memory_space<vmem>>, vector<16xf32>,
        %swap3A_890 = vector.shape_cast %swap3A_889 : vector<16xf32> to vector<16xf32>
        %swap3A_891 = vector.shape_cast %mul3A_887 : vector<16xf32> to vector<16xf32>
        tpu.vector_store %arg19[%swap3A_888], %swap3A_891 {strides = array<i32>} : memref<8192xf32, #tpu.memory_space<vmem>>, vector<16xf32>,
        %mul3A_892 = arith.constant 128 : i32
        %mul3A_893 = arith.muli %add3A_796, %mul3A_892 : i32
        %add3A_894 = arith.constant 80 : i32
        %add3A_895 = arith.addi %mul3A_893, %add3A_894 : i32
        %get3A_896 = arith.index_cast %add3A_796 : i32 to index
        %get3A_897 = arith.constant 80 : index
        %get3A_898 = tpu.vector_load %arg16[%get3A_896, %get3A_897] {strides = array<i32>} : memref<64x128xf32, #tpu.memory_space<vmem>>, vector<1x16xf32>,
        %get3A_899 = vector.shape_cast %get3A_898 : vector<1x16xf32> to vector<16xf32>
        %mul3A_900 = arith.mulf %get3A_899, %gather3A_806 : vector<16xf32>
        %get3A_901 = arith.index_cast %add3A_895 : i32 to index
        %get3A_902 = tpu.vector_load %arg19[%get3A_901] {strides = array<i32>} : memref<8192xf32, #tpu.memory_space<vmem>>, vector<16xf32>,
        %get3A_903 = vector.shape_cast %get3A_902 : vector<16xf32> to vector<16xf32>
        %mul3A_904 = arith.mulf %mul3A_900, %get3A_903 : vector<16xf32>
        %swap3A_905 = arith.index_cast %add3A_895 : i32 to index
        %swap3A_906 = tpu.vector_load %arg19[%swap3A_905] {strides = array<i32>} : memref<8192xf32, #tpu.memory_space<vmem>>, vector<16xf32>,
        %swap3A_907 = vector.shape_cast %swap3A_906 : vector<16xf32> to vector<16xf32>
        %swap3A_908 = vector.shape_cast %mul3A_904 : vector<16xf32> to vector<16xf32>
        tpu.vector_store %arg19[%swap3A_905], %swap3A_908 {strides = array<i32>} : memref<8192xf32, #tpu.memory_space<vmem>>, vector<16xf32>,
        %mul3A_909 = arith.constant 128 : i32
        %mul3A_910 = arith.muli %add3A_796, %mul3A_909 : i32
        %add3A_911 = arith.constant 96 : i32
        %add3A_912 = arith.addi %mul3A_910, %add3A_911 : i32
        %get3A_913 = arith.index_cast %add3A_796 : i32 to index
        %get3A_914 = arith.constant 96 : index
        %get3A_915 = tpu.vector_load %arg16[%get3A_913, %get3A_914] {strides = array<i32>} : memref<64x128xf32, #tpu.memory_space<vmem>>, vector<1x16xf32>,
        %get3A_916 = vector.shape_cast %get3A_915 : vector<1x16xf32> to vector<16xf32>
        %mul3A_917 = arith.mulf %get3A_916, %gather3A_806 : vector<16xf32>
        %get3A_918 = arith.index_cast %add3A_912 : i32 to index
        %get3A_919 = tpu.vector_load %arg19[%get3A_918] {strides = array<i32>} : memref<8192xf32, #tpu.memory_space<vmem>>, vector<16xf32>,
        %get3A_920 = vector.shape_cast %get3A_919 : vector<16xf32> to vector<16xf32>
        %mul3A_921 = arith.mulf %mul3A_917, %get3A_920 : vector<16xf32>
        %swap3A_922 = arith.index_cast %add3A_912 : i32 to index
        %swap3A_923 = tpu.vector_load %arg19[%swap3A_922] {strides = array<i32>} : memref<8192xf32, #tpu.memory_space<vmem>>, vector<16xf32>,
        %swap3A_924 = vector.shape_cast %swap3A_923 : vector<16xf32> to vector<16xf32>
        %swap3A_925 = vector.shape_cast %mul3A_921 : vector<16xf32> to vector<16xf32>
        tpu.vector_store %arg19[%swap3A_922], %swap3A_925 {strides = array<i32>} : memref<8192xf32, #tpu.memory_space<vmem>>, vector<16xf32>,
        %mul3A_926 = arith.constant 128 : i32
        %mul3A_927 = arith.muli %add3A_796, %mul3A_926 : i32
        %add3A_928 = arith.constant 112 : i32
        %add3A_929 = arith.addi %mul3A_927, %add3A_928 : i32
        %get3A_930 = arith.index_cast %add3A_796 : i32 to index
        %get3A_931 = arith.constant 112 : index
        %get3A_932 = tpu.vector_load %arg16[%get3A_930, %get3A_931] {strides = array<i32>} : memref<64x128xf32, #tpu.memory_space<vmem>>, vector<1x16xf32>,
        %get3A_933 = vector.shape_cast %get3A_932 : vector<1x16xf32> to vector<16xf32>
        %mul3A_934 = arith.mulf %get3A_933, %gather3A_806 : vector<16xf32>
        %get3A_935 = arith.index_cast %add3A_929 : i32 to index
        %get3A_936 = tpu.vector_load %arg19[%get3A_935] {strides = array<i32>} : memref<8192xf32, #tpu.memory_space<vmem>>, vector<16xf32>,
        %get3A_937 = vector.shape_cast %get3A_936 : vector<16xf32> to vector<16xf32>
        %mul3A_938 = arith.mulf %mul3A_934, %get3A_937 : vector<16xf32>
        %swap3A_939 = arith.index_cast %add3A_929 : i32 to index
        %swap3A_940 = tpu.vector_load %arg19[%swap3A_939] {strides = array<i32>} : memref<8192xf32, #tpu.memory_space<vmem>>, vector<16xf32>,
        %swap3A_941 = vector.shape_cast %swap3A_940 : vector<16xf32> to vector<16xf32>
        %swap3A_942 = vector.shape_cast %mul3A_938 : vector<16xf32> to vector<16xf32>
        tpu.vector_store %arg19[%swap3A_939], %swap3A_942 {strides = array<i32>} : memref<8192xf32, #tpu.memory_space<vmem>>, vector<16xf32>,
        %mul3A_943 = arith.constant 8 : i32
        %mul3A_944 = arith.muli %scan3A_184, %mul3A_943 : i32
        %add3A_945 = arith.constant 5 : i32
        %add3A_946 = arith.addi %mul3A_944, %add3A_945 : i32
        %broadcast_in_dim3A_947 = arith.constant 10 : i32
        %broadcast_in_dim3A_948 = vector.broadcast %broadcast_in_dim3A_947 : i32 to vector<16xi32>
        %reshape3A_949 = vector.shape_cast %broadcast_in_dim3A_948 : vector<16xi32> to vector<16x1xi32>
        %gather3A_950 = vector.shape_cast %reshape3A_949 : vector<16x1xi32> to vector<16xi32>
        %gather3A_951 = tpu.dynamic_gather %get3A_194[%gather3A_950] in [0] : vector<16xf32>, vector<16xi32> -> vector<16xf32>
        %broadcast_in_dim3A_952 = arith.constant 11 : i32
        %broadcast_in_dim3A_953 = vector.broadcast %broadcast_in_dim3A_952 : i32 to vector<16xi32>
        %reshape3A_954 = vector.shape_cast %broadcast_in_dim3A_953 : vector<16xi32> to vector<16x1xi32>
        %gather3A_955 = vector.shape_cast %reshape3A_954 : vector<16x1xi32> to vector<16xi32>
        %gather3A_956 = tpu.dynamic_gather %get3A_194[%gather3A_955] in [0] : vector<16xf32>, vector<16xi32> -> vector<16xf32>
        %mul3A_957 = arith.constant 128 : i32
        %mul3A_958 = arith.muli %add3A_946, %mul3A_957 : i32
        %add3A_959 = arith.constant 0 : i32
        %add3A_960 = arith.addi %mul3A_958, %add3A_959 : i32
        %get3A_961 = arith.index_cast %add3A_946 : i32 to index
        %get3A_962 = arith.constant 0 : index
        %get3A_963 = tpu.vector_load %arg16[%get3A_961, %get3A_962] {strides = array<i32>} : memref<64x128xf32, #tpu.memory_space<vmem>>, vector<1x16xf32>,
        %get3A_964 = vector.shape_cast %get3A_963 : vector<1x16xf32> to vector<16xf32>
        %mul3A_965 = arith.mulf %get3A_964, %gather3A_951 : vector<16xf32>
        %get3A_966 = arith.index_cast %add3A_960 : i32 to index
        %get3A_967 = tpu.vector_load %arg19[%get3A_966] {strides = array<i32>} : memref<8192xf32, #tpu.memory_space<vmem>>, vector<16xf32>,
        %get3A_968 = vector.shape_cast %get3A_967 : vector<16xf32> to vector<16xf32>
        %mul3A_969 = arith.mulf %mul3A_965, %get3A_968 : vector<16xf32>
        %swap3A_970 = arith.index_cast %add3A_960 : i32 to index
        %swap3A_971 = tpu.vector_load %arg19[%swap3A_970] {strides = array<i32>} : memref<8192xf32, #tpu.memory_space<vmem>>, vector<16xf32>,
        %swap3A_972 = vector.shape_cast %swap3A_971 : vector<16xf32> to vector<16xf32>
        %swap3A_973 = vector.shape_cast %mul3A_969 : vector<16xf32> to vector<16xf32>
        tpu.vector_store %arg19[%swap3A_970], %swap3A_973 {strides = array<i32>} : memref<8192xf32, #tpu.memory_space<vmem>>, vector<16xf32>,
        %mul3A_974 = arith.constant 128 : i32
        %mul3A_975 = arith.muli %add3A_946, %mul3A_974 : i32
        %add3A_976 = arith.constant 16 : i32
        %add3A_977 = arith.addi %mul3A_975, %add3A_976 : i32
        %get3A_978 = arith.index_cast %add3A_946 : i32 to index
        %get3A_979 = arith.constant 16 : index
        %get3A_980 = tpu.vector_load %arg16[%get3A_978, %get3A_979] {strides = array<i32>} : memref<64x128xf32, #tpu.memory_space<vmem>>, vector<1x16xf32>,
        %get3A_981 = vector.shape_cast %get3A_980 : vector<1x16xf32> to vector<16xf32>
        %mul3A_982 = arith.mulf %get3A_981, %gather3A_951 : vector<16xf32>
        %get3A_983 = arith.index_cast %add3A_977 : i32 to index
        %get3A_984 = tpu.vector_load %arg19[%get3A_983] {strides = array<i32>} : memref<8192xf32, #tpu.memory_space<vmem>>, vector<16xf32>,
        %get3A_985 = vector.shape_cast %get3A_984 : vector<16xf32> to vector<16xf32>
        %mul3A_986 = arith.mulf %mul3A_982, %get3A_985 : vector<16xf32>
        %swap3A_987 = arith.index_cast %add3A_977 : i32 to index
        %swap3A_988 = tpu.vector_load %arg19[%swap3A_987] {strides = array<i32>} : memref<8192xf32, #tpu.memory_space<vmem>>, vector<16xf32>,
        %swap3A_989 = vector.shape_cast %swap3A_988 : vector<16xf32> to vector<16xf32>
        %swap3A_990 = vector.shape_cast %mul3A_986 : vector<16xf32> to vector<16xf32>
        tpu.vector_store %arg19[%swap3A_987], %swap3A_990 {strides = array<i32>} : memref<8192xf32, #tpu.memory_space<vmem>>, vector<16xf32>,
        %mul3A_991 = arith.constant 128 : i32
        %mul3A_992 = arith.muli %add3A_946, %mul3A_991 : i32
        %add3A_993 = arith.constant 32 : i32
        %add3A_994 = arith.addi %mul3A_992, %add3A_993 : i32
        %get3A_995 = arith.index_cast %add3A_946 : i32 to index
        %get3A_996 = arith.constant 32 : index
        %get3A_997 = tpu.vector_load %arg16[%get3A_995, %get3A_996] {strides = array<i32>} : memref<64x128xf32, #tpu.memory_space<vmem>>, vector<1x16xf32>,
        %get3A_998 = vector.shape_cast %get3A_997 : vector<1x16xf32> to vector<16xf32>
        %mul3A_999 = arith.mulf %get3A_998, %gather3A_951 : vector<16xf32>
        %get3A_1000 = arith.index_cast %add3A_994 : i32 to index
        %get3A_1001 = tpu.vector_load %arg19[%get3A_1000] {strides = array<i32>} : memref<8192xf32, #tpu.memory_space<vmem>>, vector<16xf32>,
        %get3A_1002 = vector.shape_cast %get3A_1001 : vector<16xf32> to vector<16xf32>
        %mul3A_1003 = arith.mulf %mul3A_999, %get3A_1002 : vector<16xf32>
        %swap3A_1004 = arith.index_cast %add3A_994 : i32 to index
        %swap3A_1005 = tpu.vector_load %arg19[%swap3A_1004] {strides = array<i32>} : memref<8192xf32, #tpu.memory_space<vmem>>, vector<16xf32>,
        %swap3A_1006 = vector.shape_cast %swap3A_1005 : vector<16xf32> to vector<16xf32>
        %swap3A_1007 = vector.shape_cast %mul3A_1003 : vector<16xf32> to vector<16xf32>
        tpu.vector_store %arg19[%swap3A_1004], %swap3A_1007 {strides = array<i32>} : memref<8192xf32, #tpu.memory_space<vmem>>, vector<16xf32>,
        %mul3A_1008 = arith.constant 128 : i32
        %mul3A_1009 = arith.muli %add3A_946, %mul3A_1008 : i32
        %add3A_1010 = arith.constant 48 : i32
        %add3A_1011 = arith.addi %mul3A_1009, %add3A_1010 : i32
        %get3A_1012 = arith.index_cast %add3A_946 : i32 to index
        %get3A_1013 = arith.constant 48 : index
        %get3A_1014 = tpu.vector_load %arg16[%get3A_1012, %get3A_1013] {strides = array<i32>} : memref<64x128xf32, #tpu.memory_space<vmem>>, vector<1x16xf32>,
        %get3A_1015 = vector.shape_cast %get3A_1014 : vector<1x16xf32> to vector<16xf32>
        %mul3A_1016 = arith.mulf %get3A_1015, %gather3A_951 : vector<16xf32>
        %get3A_1017 = arith.index_cast %add3A_1011 : i32 to index
        %get3A_1018 = tpu.vector_load %arg19[%get3A_1017] {strides = array<i32>} : memref<8192xf32, #tpu.memory_space<vmem>>, vector<16xf32>,
        %get3A_1019 = vector.shape_cast %get3A_1018 : vector<16xf32> to vector<16xf32>
        %mul3A_1020 = arith.mulf %mul3A_1016, %get3A_1019 : vector<16xf32>
        %swap3A_1021 = arith.index_cast %add3A_1011 : i32 to index
        %swap3A_1022 = tpu.vector_load %arg19[%swap3A_1021] {strides = array<i32>} : memref<8192xf32, #tpu.memory_space<vmem>>, vector<16xf32>,
        %swap3A_1023 = vector.shape_cast %swap3A_1022 : vector<16xf32> to vector<16xf32>
        %swap3A_1024 = vector.shape_cast %mul3A_1020 : vector<16xf32> to vector<16xf32>
        tpu.vector_store %arg19[%swap3A_1021], %swap3A_1024 {strides = array<i32>} : memref<8192xf32, #tpu.memory_space<vmem>>, vector<16xf32>,
        %mul3A_1025 = arith.constant 128 : i32
        %mul3A_1026 = arith.muli %add3A_946, %mul3A_1025 : i32
        %add3A_1027 = arith.constant 64 : i32
        %add3A_1028 = arith.addi %mul3A_1026, %add3A_1027 : i32
        %get3A_1029 = arith.index_cast %add3A_946 : i32 to index
        %get3A_1030 = arith.constant 64 : index
        %get3A_1031 = tpu.vector_load %arg16[%get3A_1029, %get3A_1030] {strides = array<i32>} : memref<64x128xf32, #tpu.memory_space<vmem>>, vector<1x16xf32>,
        %get3A_1032 = vector.shape_cast %get3A_1031 : vector<1x16xf32> to vector<16xf32>
        %mul3A_1033 = arith.mulf %get3A_1032, %gather3A_956 : vector<16xf32>
        %get3A_1034 = arith.index_cast %add3A_1028 : i32 to index
        %get3A_1035 = tpu.vector_load %arg19[%get3A_1034] {strides = array<i32>} : memref<8192xf32, #tpu.memory_space<vmem>>, vector<16xf32>,
        %get3A_1036 = vector.shape_cast %get3A_1035 : vector<16xf32> to vector<16xf32>
        %mul3A_1037 = arith.mulf %mul3A_1033, %get3A_1036 : vector<16xf32>
        %swap3A_1038 = arith.index_cast %add3A_1028 : i32 to index
        %swap3A_1039 = tpu.vector_load %arg19[%swap3A_1038] {strides = array<i32>} : memref<8192xf32, #tpu.memory_space<vmem>>, vector<16xf32>,
        %swap3A_1040 = vector.shape_cast %swap3A_1039 : vector<16xf32> to vector<16xf32>
        %swap3A_1041 = vector.shape_cast %mul3A_1037 : vector<16xf32> to vector<16xf32>
        tpu.vector_store %arg19[%swap3A_1038], %swap3A_1041 {strides = array<i32>} : memref<8192xf32, #tpu.memory_space<vmem>>, vector<16xf32>,
        %mul3A_1042 = arith.constant 128 : i32
        %mul3A_1043 = arith.muli %add3A_946, %mul3A_1042 : i32
        %add3A_1044 = arith.constant 80 : i32
        %add3A_1045 = arith.addi %mul3A_1043, %add3A_1044 : i32
        %get3A_1046 = arith.index_cast %add3A_946 : i32 to index
        %get3A_1047 = arith.constant 80 : index
        %get3A_1048 = tpu.vector_load %arg16[%get3A_1046, %get3A_1047] {strides = array<i32>} : memref<64x128xf32, #tpu.memory_space<vmem>>, vector<1x16xf32>,
        %get3A_1049 = vector.shape_cast %get3A_1048 : vector<1x16xf32> to vector<16xf32>
        %mul3A_1050 = arith.mulf %get3A_1049, %gather3A_956 : vector<16xf32>
        %get3A_1051 = arith.index_cast %add3A_1045 : i32 to index
        %get3A_1052 = tpu.vector_load %arg19[%get3A_1051] {strides = array<i32>} : memref<8192xf32, #tpu.memory_space<vmem>>, vector<16xf32>,
        %get3A_1053 = vector.shape_cast %get3A_1052 : vector<16xf32> to vector<16xf32>
        %mul3A_1054 = arith.mulf %mul3A_1050, %get3A_1053 : vector<16xf32>
        %swap3A_1055 = arith.index_cast %add3A_1045 : i32 to index
        %swap3A_1056 = tpu.vector_load %arg19[%swap3A_1055] {strides = array<i32>} : memref<8192xf32, #tpu.memory_space<vmem>>, vector<16xf32>,
        %swap3A_1057 = vector.shape_cast %swap3A_1056 : vector<16xf32> to vector<16xf32>
        %swap3A_1058 = vector.shape_cast %mul3A_1054 : vector<16xf32> to vector<16xf32>
        tpu.vector_store %arg19[%swap3A_1055], %swap3A_1058 {strides = array<i32>} : memref<8192xf32, #tpu.memory_space<vmem>>, vector<16xf32>,
        %mul3A_1059 = arith.constant 128 : i32
        %mul3A_1060 = arith.muli %add3A_946, %mul3A_1059 : i32
        %add3A_1061 = arith.constant 96 : i32
        %add3A_1062 = arith.addi %mul3A_1060, %add3A_1061 : i32
        %get3A_1063 = arith.index_cast %add3A_946 : i32 to index
        %get3A_1064 = arith.constant 96 : index
        %get3A_1065 = tpu.vector_load %arg16[%get3A_1063, %get3A_1064] {strides = array<i32>} : memref<64x128xf32, #tpu.memory_space<vmem>>, vector<1x16xf32>,
        %get3A_1066 = vector.shape_cast %get3A_1065 : vector<1x16xf32> to vector<16xf32>
        %mul3A_1067 = arith.mulf %get3A_1066, %gather3A_956 : vector<16xf32>
        %get3A_1068 = arith.index_cast %add3A_1062 : i32 to index
        %get3A_1069 = tpu.vector_load %arg19[%get3A_1068] {strides = array<i32>} : memref<8192xf32, #tpu.memory_space<vmem>>, vector<16xf32>,
        %get3A_1070 = vector.shape_cast %get3A_1069 : vector<16xf32> to vector<16xf32>
        %mul3A_1071 = arith.mulf %mul3A_1067, %get3A_1070 : vector<16xf32>
        %swap3A_1072 = arith.index_cast %add3A_1062 : i32 to index
        %swap3A_1073 = tpu.vector_load %arg19[%swap3A_1072] {strides = array<i32>} : memref<8192xf32, #tpu.memory_space<vmem>>, vector<16xf32>,
        %swap3A_1074 = vector.shape_cast %swap3A_1073 : vector<16xf32> to vector<16xf32>
        %swap3A_1075 = vector.shape_cast %mul3A_1071 : vector<16xf32> to vector<16xf32>
        tpu.vector_store %arg19[%swap3A_1072], %swap3A_1075 {strides = array<i32>} : memref<8192xf32, #tpu.memory_space<vmem>>, vector<16xf32>,
        %mul3A_1076 = arith.constant 128 : i32
        %mul3A_1077 = arith.muli %add3A_946, %mul3A_1076 : i32
        %add3A_1078 = arith.constant 112 : i32
        %add3A_1079 = arith.addi %mul3A_1077, %add3A_1078 : i32
        %get3A_1080 = arith.index_cast %add3A_946 : i32 to index
        %get3A_1081 = arith.constant 112 : index
        %get3A_1082 = tpu.vector_load %arg16[%get3A_1080, %get3A_1081] {strides = array<i32>} : memref<64x128xf32, #tpu.memory_space<vmem>>, vector<1x16xf32>,
        %get3A_1083 = vector.shape_cast %get3A_1082 : vector<1x16xf32> to vector<16xf32>
        %mul3A_1084 = arith.mulf %get3A_1083, %gather3A_956 : vector<16xf32>
        %get3A_1085 = arith.index_cast %add3A_1079 : i32 to index
        %get3A_1086 = tpu.vector_load %arg19[%get3A_1085] {strides = array<i32>} : memref<8192xf32, #tpu.memory_space<vmem>>, vector<16xf32>,
        %get3A_1087 = vector.shape_cast %get3A_1086 : vector<16xf32> to vector<16xf32>
        %mul3A_1088 = arith.mulf %mul3A_1084, %get3A_1087 : vector<16xf32>
        %swap3A_1089 = arith.index_cast %add3A_1079 : i32 to index
        %swap3A_1090 = tpu.vector_load %arg19[%swap3A_1089] {strides = array<i32>} : memref<8192xf32, #tpu.memory_space<vmem>>, vector<16xf32>,
        %swap3A_1091 = vector.shape_cast %swap3A_1090 : vector<16xf32> to vector<16xf32>
        %swap3A_1092 = vector.shape_cast %mul3A_1088 : vector<16xf32> to vector<16xf32>
        tpu.vector_store %arg19[%swap3A_1089], %swap3A_1092 {strides = array<i32>} : memref<8192xf32, #tpu.memory_space<vmem>>, vector<16xf32>,
        %mul3A_1093 = arith.constant 8 : i32
        %mul3A_1094 = arith.muli %scan3A_184, %mul3A_1093 : i32
        %add3A_1095 = arith.constant 6 : i32
        %add3A_1096 = arith.addi %mul3A_1094, %add3A_1095 : i32
        %broadcast_in_dim3A_1097 = arith.constant 12 : i32
        %broadcast_in_dim3A_1098 = vector.broadcast %broadcast_in_dim3A_1097 : i32 to vector<16xi32>
        %reshape3A_1099 = vector.shape_cast %broadcast_in_dim3A_1098 : vector<16xi32> to vector<16x1xi32>
        %gather3A_1100 = vector.shape_cast %reshape3A_1099 : vector<16x1xi32> to vector<16xi32>
        %gather3A_1101 = tpu.dynamic_gather %get3A_194[%gather3A_1100] in [0] : vector<16xf32>, vector<16xi32> -> vector<16xf32>
        %broadcast_in_dim3A_1102 = arith.constant 13 : i32
        %broadcast_in_dim3A_1103 = vector.broadcast %broadcast_in_dim3A_1102 : i32 to vector<16xi32>
        %reshape3A_1104 = vector.shape_cast %broadcast_in_dim3A_1103 : vector<16xi32> to vector<16x1xi32>
        %gather3A_1105 = vector.shape_cast %reshape3A_1104 : vector<16x1xi32> to vector<16xi32>
        %gather3A_1106 = tpu.dynamic_gather %get3A_194[%gather3A_1105] in [0] : vector<16xf32>, vector<16xi32> -> vector<16xf32>
        %mul3A_1107 = arith.constant 128 : i32
        %mul3A_1108 = arith.muli %add3A_1096, %mul3A_1107 : i32
        %add3A_1109 = arith.constant 0 : i32
        %add3A_1110 = arith.addi %mul3A_1108, %add3A_1109 : i32
        %get3A_1111 = arith.index_cast %add3A_1096 : i32 to index
        %get3A_1112 = arith.constant 0 : index
        %get3A_1113 = tpu.vector_load %arg16[%get3A_1111, %get3A_1112] {strides = array<i32>} : memref<64x128xf32, #tpu.memory_space<vmem>>, vector<1x16xf32>,
        %get3A_1114 = vector.shape_cast %get3A_1113 : vector<1x16xf32> to vector<16xf32>
        %mul3A_1115 = arith.mulf %get3A_1114, %gather3A_1101 : vector<16xf32>
        %get3A_1116 = arith.index_cast %add3A_1110 : i32 to index
        %get3A_1117 = tpu.vector_load %arg19[%get3A_1116] {strides = array<i32>} : memref<8192xf32, #tpu.memory_space<vmem>>, vector<16xf32>,
        %get3A_1118 = vector.shape_cast %get3A_1117 : vector<16xf32> to vector<16xf32>
        %mul3A_1119 = arith.mulf %mul3A_1115, %get3A_1118 : vector<16xf32>
        %swap3A_1120 = arith.index_cast %add3A_1110 : i32 to index
        %swap3A_1121 = tpu.vector_load %arg19[%swap3A_1120] {strides = array<i32>} : memref<8192xf32, #tpu.memory_space<vmem>>, vector<16xf32>,
        %swap3A_1122 = vector.shape_cast %swap3A_1121 : vector<16xf32> to vector<16xf32>
        %swap3A_1123 = vector.shape_cast %mul3A_1119 : vector<16xf32> to vector<16xf32>
        tpu.vector_store %arg19[%swap3A_1120], %swap3A_1123 {strides = array<i32>} : memref<8192xf32, #tpu.memory_space<vmem>>, vector<16xf32>,
        %mul3A_1124 = arith.constant 128 : i32
        %mul3A_1125 = arith.muli %add3A_1096, %mul3A_1124 : i32
        %add3A_1126 = arith.constant 16 : i32
        %add3A_1127 = arith.addi %mul3A_1125, %add3A_1126 : i32
        %get3A_1128 = arith.index_cast %add3A_1096 : i32 to index
        %get3A_1129 = arith.constant 16 : index
        %get3A_1130 = tpu.vector_load %arg16[%get3A_1128, %get3A_1129] {strides = array<i32>} : memref<64x128xf32, #tpu.memory_space<vmem>>, vector<1x16xf32>,
        %get3A_1131 = vector.shape_cast %get3A_1130 : vector<1x16xf32> to vector<16xf32>
        %mul3A_1132 = arith.mulf %get3A_1131, %gather3A_1101 : vector<16xf32>
        %get3A_1133 = arith.index_cast %add3A_1127 : i32 to index
        %get3A_1134 = tpu.vector_load %arg19[%get3A_1133] {strides = array<i32>} : memref<8192xf32, #tpu.memory_space<vmem>>, vector<16xf32>,
        %get3A_1135 = vector.shape_cast %get3A_1134 : vector<16xf32> to vector<16xf32>
        %mul3A_1136 = arith.mulf %mul3A_1132, %get3A_1135 : vector<16xf32>
        %swap3A_1137 = arith.index_cast %add3A_1127 : i32 to index
        %swap3A_1138 = tpu.vector_load %arg19[%swap3A_1137] {strides = array<i32>} : memref<8192xf32, #tpu.memory_space<vmem>>, vector<16xf32>,
        %swap3A_1139 = vector.shape_cast %swap3A_1138 : vector<16xf32> to vector<16xf32>
        %swap3A_1140 = vector.shape_cast %mul3A_1136 : vector<16xf32> to vector<16xf32>
        tpu.vector_store %arg19[%swap3A_1137], %swap3A_1140 {strides = array<i32>} : memref<8192xf32, #tpu.memory_space<vmem>>, vector<16xf32>,
        %mul3A_1141 = arith.constant 128 : i32
        %mul3A_1142 = arith.muli %add3A_1096, %mul3A_1141 : i32
        %add3A_1143 = arith.constant 32 : i32
        %add3A_1144 = arith.addi %mul3A_1142, %add3A_1143 : i32
        %get3A_1145 = arith.index_cast %add3A_1096 : i32 to index
        %get3A_1146 = arith.constant 32 : index
        %get3A_1147 = tpu.vector_load %arg16[%get3A_1145, %get3A_1146] {strides = array<i32>} : memref<64x128xf32, #tpu.memory_space<vmem>>, vector<1x16xf32>,
        %get3A_1148 = vector.shape_cast %get3A_1147 : vector<1x16xf32> to vector<16xf32>
        %mul3A_1149 = arith.mulf %get3A_1148, %gather3A_1101 : vector<16xf32>
        %get3A_1150 = arith.index_cast %add3A_1144 : i32 to index
        %get3A_1151 = tpu.vector_load %arg19[%get3A_1150] {strides = array<i32>} : memref<8192xf32, #tpu.memory_space<vmem>>, vector<16xf32>,
        %get3A_1152 = vector.shape_cast %get3A_1151 : vector<16xf32> to vector<16xf32>
        %mul3A_1153 = arith.mulf %mul3A_1149, %get3A_1152 : vector<16xf32>
        %swap3A_1154 = arith.index_cast %add3A_1144 : i32 to index
        %swap3A_1155 = tpu.vector_load %arg19[%swap3A_1154] {strides = array<i32>} : memref<8192xf32, #tpu.memory_space<vmem>>, vector<16xf32>,
        %swap3A_1156 = vector.shape_cast %swap3A_1155 : vector<16xf32> to vector<16xf32>
        %swap3A_1157 = vector.shape_cast %mul3A_1153 : vector<16xf32> to vector<16xf32>
        tpu.vector_store %arg19[%swap3A_1154], %swap3A_1157 {strides = array<i32>} : memref<8192xf32, #tpu.memory_space<vmem>>, vector<16xf32>,
        %mul3A_1158 = arith.constant 128 : i32
        %mul3A_1159 = arith.muli %add3A_1096, %mul3A_1158 : i32
        %add3A_1160 = arith.constant 48 : i32
        %add3A_1161 = arith.addi %mul3A_1159, %add3A_1160 : i32
        %get3A_1162 = arith.index_cast %add3A_1096 : i32 to index
        %get3A_1163 = arith.constant 48 : index
        %get3A_1164 = tpu.vector_load %arg16[%get3A_1162, %get3A_1163] {strides = array<i32>} : memref<64x128xf32, #tpu.memory_space<vmem>>, vector<1x16xf32>,
        %get3A_1165 = vector.shape_cast %get3A_1164 : vector<1x16xf32> to vector<16xf32>
        %mul3A_1166 = arith.mulf %get3A_1165, %gather3A_1101 : vector<16xf32>
        %get3A_1167 = arith.index_cast %add3A_1161 : i32 to index
        %get3A_1168 = tpu.vector_load %arg19[%get3A_1167] {strides = array<i32>} : memref<8192xf32, #tpu.memory_space<vmem>>, vector<16xf32>,
        %get3A_1169 = vector.shape_cast %get3A_1168 : vector<16xf32> to vector<16xf32>
        %mul3A_1170 = arith.mulf %mul3A_1166, %get3A_1169 : vector<16xf32>
        %swap3A_1171 = arith.index_cast %add3A_1161 : i32 to index
        %swap3A_1172 = tpu.vector_load %arg19[%swap3A_1171] {strides = array<i32>} : memref<8192xf32, #tpu.memory_space<vmem>>, vector<16xf32>,
        %swap3A_1173 = vector.shape_cast %swap3A_1172 : vector<16xf32> to vector<16xf32>
        %swap3A_1174 = vector.shape_cast %mul3A_1170 : vector<16xf32> to vector<16xf32>
        tpu.vector_store %arg19[%swap3A_1171], %swap3A_1174 {strides = array<i32>} : memref<8192xf32, #tpu.memory_space<vmem>>, vector<16xf32>,
        %mul3A_1175 = arith.constant 128 : i32
        %mul3A_1176 = arith.muli %add3A_1096, %mul3A_1175 : i32
        %add3A_1177 = arith.constant 64 : i32
        %add3A_1178 = arith.addi %mul3A_1176, %add3A_1177 : i32
        %get3A_1179 = arith.index_cast %add3A_1096 : i32 to index
        %get3A_1180 = arith.constant 64 : index
        %get3A_1181 = tpu.vector_load %arg16[%get3A_1179, %get3A_1180] {strides = array<i32>} : memref<64x128xf32, #tpu.memory_space<vmem>>, vector<1x16xf32>,
        %get3A_1182 = vector.shape_cast %get3A_1181 : vector<1x16xf32> to vector<16xf32>
        %mul3A_1183 = arith.mulf %get3A_1182, %gather3A_1106 : vector<16xf32>
        %get3A_1184 = arith.index_cast %add3A_1178 : i32 to index
        %get3A_1185 = tpu.vector_load %arg19[%get3A_1184] {strides = array<i32>} : memref<8192xf32, #tpu.memory_space<vmem>>, vector<16xf32>,
        %get3A_1186 = vector.shape_cast %get3A_1185 : vector<16xf32> to vector<16xf32>
        %mul3A_1187 = arith.mulf %mul3A_1183, %get3A_1186 : vector<16xf32>
        %swap3A_1188 = arith.index_cast %add3A_1178 : i32 to index
        %swap3A_1189 = tpu.vector_load %arg19[%swap3A_1188] {strides = array<i32>} : memref<8192xf32, #tpu.memory_space<vmem>>, vector<16xf32>,
        %swap3A_1190 = vector.shape_cast %swap3A_1189 : vector<16xf32> to vector<16xf32>
        %swap3A_1191 = vector.shape_cast %mul3A_1187 : vector<16xf32> to vector<16xf32>
        tpu.vector_store %arg19[%swap3A_1188], %swap3A_1191 {strides = array<i32>} : memref<8192xf32, #tpu.memory_space<vmem>>, vector<16xf32>,
        %mul3A_1192 = arith.constant 128 : i32
        %mul3A_1193 = arith.muli %add3A_1096, %mul3A_1192 : i32
        %add3A_1194 = arith.constant 80 : i32
        %add3A_1195 = arith.addi %mul3A_1193, %add3A_1194 : i32
        %get3A_1196 = arith.index_cast %add3A_1096 : i32 to index
        %get3A_1197 = arith.constant 80 : index
        %get3A_1198 = tpu.vector_load %arg16[%get3A_1196, %get3A_1197] {strides = array<i32>} : memref<64x128xf32, #tpu.memory_space<vmem>>, vector<1x16xf32>,
        %get3A_1199 = vector.shape_cast %get3A_1198 : vector<1x16xf32> to vector<16xf32>
        %mul3A_1200 = arith.mulf %get3A_1199, %gather3A_1106 : vector<16xf32>
        %get3A_1201 = arith.index_cast %add3A_1195 : i32 to index
        %get3A_1202 = tpu.vector_load %arg19[%get3A_1201] {strides = array<i32>} : memref<8192xf32, #tpu.memory_space<vmem>>, vector<16xf32>,
        %get3A_1203 = vector.shape_cast %get3A_1202 : vector<16xf32> to vector<16xf32>
        %mul3A_1204 = arith.mulf %mul3A_1200, %get3A_1203 : vector<16xf32>
        %swap3A_1205 = arith.index_cast %add3A_1195 : i32 to index
        %swap3A_1206 = tpu.vector_load %arg19[%swap3A_1205] {strides = array<i32>} : memref<8192xf32, #tpu.memory_space<vmem>>, vector<16xf32>,
        %swap3A_1207 = vector.shape_cast %swap3A_1206 : vector<16xf32> to vector<16xf32>
        %swap3A_1208 = vector.shape_cast %mul3A_1204 : vector<16xf32> to vector<16xf32>
        tpu.vector_store %arg19[%swap3A_1205], %swap3A_1208 {strides = array<i32>} : memref<8192xf32, #tpu.memory_space<vmem>>, vector<16xf32>,
        %mul3A_1209 = arith.constant 128 : i32
        %mul3A_1210 = arith.muli %add3A_1096, %mul3A_1209 : i32
        %add3A_1211 = arith.constant 96 : i32
        %add3A_1212 = arith.addi %mul3A_1210, %add3A_1211 : i32
        %get3A_1213 = arith.index_cast %add3A_1096 : i32 to index
        %get3A_1214 = arith.constant 96 : index
        %get3A_1215 = tpu.vector_load %arg16[%get3A_1213, %get3A_1214] {strides = array<i32>} : memref<64x128xf32, #tpu.memory_space<vmem>>, vector<1x16xf32>,
        %get3A_1216 = vector.shape_cast %get3A_1215 : vector<1x16xf32> to vector<16xf32>
        %mul3A_1217 = arith.mulf %get3A_1216, %gather3A_1106 : vector<16xf32>
        %get3A_1218 = arith.index_cast %add3A_1212 : i32 to index
        %get3A_1219 = tpu.vector_load %arg19[%get3A_1218] {strides = array<i32>} : memref<8192xf32, #tpu.memory_space<vmem>>, vector<16xf32>,
        %get3A_1220 = vector.shape_cast %get3A_1219 : vector<16xf32> to vector<16xf32>
        %mul3A_1221 = arith.mulf %mul3A_1217, %get3A_1220 : vector<16xf32>
        %swap3A_1222 = arith.index_cast %add3A_1212 : i32 to index
        %swap3A_1223 = tpu.vector_load %arg19[%swap3A_1222] {strides = array<i32>} : memref<8192xf32, #tpu.memory_space<vmem>>, vector<16xf32>,
        %swap3A_1224 = vector.shape_cast %swap3A_1223 : vector<16xf32> to vector<16xf32>
        %swap3A_1225 = vector.shape_cast %mul3A_1221 : vector<16xf32> to vector<16xf32>
        tpu.vector_store %arg19[%swap3A_1222], %swap3A_1225 {strides = array<i32>} : memref<8192xf32, #tpu.memory_space<vmem>>, vector<16xf32>,
        %mul3A_1226 = arith.constant 128 : i32
        %mul3A_1227 = arith.muli %add3A_1096, %mul3A_1226 : i32
        %add3A_1228 = arith.constant 112 : i32
        %add3A_1229 = arith.addi %mul3A_1227, %add3A_1228 : i32
        %get3A_1230 = arith.index_cast %add3A_1096 : i32 to index
        %get3A_1231 = arith.constant 112 : index
        %get3A_1232 = tpu.vector_load %arg16[%get3A_1230, %get3A_1231] {strides = array<i32>} : memref<64x128xf32, #tpu.memory_space<vmem>>, vector<1x16xf32>,
        %get3A_1233 = vector.shape_cast %get3A_1232 : vector<1x16xf32> to vector<16xf32>
        %mul3A_1234 = arith.mulf %get3A_1233, %gather3A_1106 : vector<16xf32>
        %get3A_1235 = arith.index_cast %add3A_1229 : i32 to index
        %get3A_1236 = tpu.vector_load %arg19[%get3A_1235] {strides = array<i32>} : memref<8192xf32, #tpu.memory_space<vmem>>, vector<16xf32>,
        %get3A_1237 = vector.shape_cast %get3A_1236 : vector<16xf32> to vector<16xf32>
        %mul3A_1238 = arith.mulf %mul3A_1234, %get3A_1237 : vector<16xf32>
        %swap3A_1239 = arith.index_cast %add3A_1229 : i32 to index
        %swap3A_1240 = tpu.vector_load %arg19[%swap3A_1239] {strides = array<i32>} : memref<8192xf32, #tpu.memory_space<vmem>>, vector<16xf32>,
        %swap3A_1241 = vector.shape_cast %swap3A_1240 : vector<16xf32> to vector<16xf32>
        %swap3A_1242 = vector.shape_cast %mul3A_1238 : vector<16xf32> to vector<16xf32>
        tpu.vector_store %arg19[%swap3A_1239], %swap3A_1242 {strides = array<i32>} : memref<8192xf32, #tpu.memory_space<vmem>>, vector<16xf32>,
        %mul3A_1243 = arith.constant 8 : i32
        %mul3A_1244 = arith.muli %scan3A_184, %mul3A_1243 : i32
        %add3A_1245 = arith.constant 7 : i32
        %add3A_1246 = arith.addi %mul3A_1244, %add3A_1245 : i32
        %broadcast_in_dim3A_1247 = arith.constant 14 : i32
        %broadcast_in_dim3A_1248 = vector.broadcast %broadcast_in_dim3A_1247 : i32 to vector<16xi32>
        %reshape3A_1249 = vector.shape_cast %broadcast_in_dim3A_1248 : vector<16xi32> to vector<16x1xi32>
        %gather3A_1250 = vector.shape_cast %reshape3A_1249 : vector<16x1xi32> to vector<16xi32>
        %gather3A_1251 = tpu.dynamic_gather %get3A_194[%gather3A_1250] in [0] : vector<16xf32>, vector<16xi32> -> vector<16xf32>
        %broadcast_in_dim3A_1252 = arith.constant 15 : i32
        %broadcast_in_dim3A_1253 = vector.broadcast %broadcast_in_dim3A_1252 : i32 to vector<16xi32>
        %reshape3A_1254 = vector.shape_cast %broadcast_in_dim3A_1253 : vector<16xi32> to vector<16x1xi32>
        %gather3A_1255 = vector.shape_cast %reshape3A_1254 : vector<16x1xi32> to vector<16xi32>
        %gather3A_1256 = tpu.dynamic_gather %get3A_194[%gather3A_1255] in [0] : vector<16xf32>, vector<16xi32> -> vector<16xf32>
        %mul3A_1257 = arith.constant 128 : i32
        %mul3A_1258 = arith.muli %add3A_1246, %mul3A_1257 : i32
        %add3A_1259 = arith.constant 0 : i32
        %add3A_1260 = arith.addi %mul3A_1258, %add3A_1259 : i32
        %get3A_1261 = arith.index_cast %add3A_1246 : i32 to index
        %get3A_1262 = arith.constant 0 : index
        %get3A_1263 = tpu.vector_load %arg16[%get3A_1261, %get3A_1262] {strides = array<i32>} : memref<64x128xf32, #tpu.memory_space<vmem>>, vector<1x16xf32>,
        %get3A_1264 = vector.shape_cast %get3A_1263 : vector<1x16xf32> to vector<16xf32>
        %mul3A_1265 = arith.mulf %get3A_1264, %gather3A_1251 : vector<16xf32>
        %get3A_1266 = arith.index_cast %add3A_1260 : i32 to index
        %get3A_1267 = tpu.vector_load %arg19[%get3A_1266] {strides = array<i32>} : memref<8192xf32, #tpu.memory_space<vmem>>, vector<16xf32>,
        %get3A_1268 = vector.shape_cast %get3A_1267 : vector<16xf32> to vector<16xf32>
        %mul3A_1269 = arith.mulf %mul3A_1265, %get3A_1268 : vector<16xf32>
        %swap3A_1270 = arith.index_cast %add3A_1260 : i32 to index
        %swap3A_1271 = tpu.vector_load %arg19[%swap3A_1270] {strides = array<i32>} : memref<8192xf32, #tpu.memory_space<vmem>>, vector<16xf32>,
        %swap3A_1272 = vector.shape_cast %swap3A_1271 : vector<16xf32> to vector<16xf32>
        %swap3A_1273 = vector.shape_cast %mul3A_1269 : vector<16xf32> to vector<16xf32>
        tpu.vector_store %arg19[%swap3A_1270], %swap3A_1273 {strides = array<i32>} : memref<8192xf32, #tpu.memory_space<vmem>>, vector<16xf32>,
        %mul3A_1274 = arith.constant 128 : i32
        %mul3A_1275 = arith.muli %add3A_1246, %mul3A_1274 : i32
        %add3A_1276 = arith.constant 16 : i32
        %add3A_1277 = arith.addi %mul3A_1275, %add3A_1276 : i32
        %get3A_1278 = arith.index_cast %add3A_1246 : i32 to index
        %get3A_1279 = arith.constant 16 : index
        %get3A_1280 = tpu.vector_load %arg16[%get3A_1278, %get3A_1279] {strides = array<i32>} : memref<64x128xf32, #tpu.memory_space<vmem>>, vector<1x16xf32>,
        %get3A_1281 = vector.shape_cast %get3A_1280 : vector<1x16xf32> to vector<16xf32>
        %mul3A_1282 = arith.mulf %get3A_1281, %gather3A_1251 : vector<16xf32>
        %get3A_1283 = arith.index_cast %add3A_1277 : i32 to index
        %get3A_1284 = tpu.vector_load %arg19[%get3A_1283] {strides = array<i32>} : memref<8192xf32, #tpu.memory_space<vmem>>, vector<16xf32>,
        %get3A_1285 = vector.shape_cast %get3A_1284 : vector<16xf32> to vector<16xf32>
        %mul3A_1286 = arith.mulf %mul3A_1282, %get3A_1285 : vector<16xf32>
        %swap3A_1287 = arith.index_cast %add3A_1277 : i32 to index
        %swap3A_1288 = tpu.vector_load %arg19[%swap3A_1287] {strides = array<i32>} : memref<8192xf32, #tpu.memory_space<vmem>>, vector<16xf32>,
        %swap3A_1289 = vector.shape_cast %swap3A_1288 : vector<16xf32> to vector<16xf32>
        %swap3A_1290 = vector.shape_cast %mul3A_1286 : vector<16xf32> to vector<16xf32>
        tpu.vector_store %arg19[%swap3A_1287], %swap3A_1290 {strides = array<i32>} : memref<8192xf32, #tpu.memory_space<vmem>>, vector<16xf32>,
        %mul3A_1291 = arith.constant 128 : i32
        %mul3A_1292 = arith.muli %add3A_1246, %mul3A_1291 : i32
        %add3A_1293 = arith.constant 32 : i32
        %add3A_1294 = arith.addi %mul3A_1292, %add3A_1293 : i32
        %get3A_1295 = arith.index_cast %add3A_1246 : i32 to index
        %get3A_1296 = arith.constant 32 : index
        %get3A_1297 = tpu.vector_load %arg16[%get3A_1295, %get3A_1296] {strides = array<i32>} : memref<64x128xf32, #tpu.memory_space<vmem>>, vector<1x16xf32>,
        %get3A_1298 = vector.shape_cast %get3A_1297 : vector<1x16xf32> to vector<16xf32>
        %mul3A_1299 = arith.mulf %get3A_1298, %gather3A_1251 : vector<16xf32>
        %get3A_1300 = arith.index_cast %add3A_1294 : i32 to index
        %get3A_1301 = tpu.vector_load %arg19[%get3A_1300] {strides = array<i32>} : memref<8192xf32, #tpu.memory_space<vmem>>, vector<16xf32>,
        %get3A_1302 = vector.shape_cast %get3A_1301 : vector<16xf32> to vector<16xf32>
        %mul3A_1303 = arith.mulf %mul3A_1299, %get3A_1302 : vector<16xf32>
        %swap3A_1304 = arith.index_cast %add3A_1294 : i32 to index
        %swap3A_1305 = tpu.vector_load %arg19[%swap3A_1304] {strides = array<i32>} : memref<8192xf32, #tpu.memory_space<vmem>>, vector<16xf32>,
        %swap3A_1306 = vector.shape_cast %swap3A_1305 : vector<16xf32> to vector<16xf32>
        %swap3A_1307 = vector.shape_cast %mul3A_1303 : vector<16xf32> to vector<16xf32>
        tpu.vector_store %arg19[%swap3A_1304], %swap3A_1307 {strides = array<i32>} : memref<8192xf32, #tpu.memory_space<vmem>>, vector<16xf32>,
        %mul3A_1308 = arith.constant 128 : i32
        %mul3A_1309 = arith.muli %add3A_1246, %mul3A_1308 : i32
        %add3A_1310 = arith.constant 48 : i32
        %add3A_1311 = arith.addi %mul3A_1309, %add3A_1310 : i32
        %get3A_1312 = arith.index_cast %add3A_1246 : i32 to index
        %get3A_1313 = arith.constant 48 : index
        %get3A_1314 = tpu.vector_load %arg16[%get3A_1312, %get3A_1313] {strides = array<i32>} : memref<64x128xf32, #tpu.memory_space<vmem>>, vector<1x16xf32>,
        %get3A_1315 = vector.shape_cast %get3A_1314 : vector<1x16xf32> to vector<16xf32>
        %mul3A_1316 = arith.mulf %get3A_1315, %gather3A_1251 : vector<16xf32>
        %get3A_1317 = arith.index_cast %add3A_1311 : i32 to index
        %get3A_1318 = tpu.vector_load %arg19[%get3A_1317] {strides = array<i32>} : memref<8192xf32, #tpu.memory_space<vmem>>, vector<16xf32>,
        %get3A_1319 = vector.shape_cast %get3A_1318 : vector<16xf32> to vector<16xf32>
        %mul3A_1320 = arith.mulf %mul3A_1316, %get3A_1319 : vector<16xf32>
        %swap3A_1321 = arith.index_cast %add3A_1311 : i32 to index
        %swap3A_1322 = tpu.vector_load %arg19[%swap3A_1321] {strides = array<i32>} : memref<8192xf32, #tpu.memory_space<vmem>>, vector<16xf32>,
        %swap3A_1323 = vector.shape_cast %swap3A_1322 : vector<16xf32> to vector<16xf32>
        %swap3A_1324 = vector.shape_cast %mul3A_1320 : vector<16xf32> to vector<16xf32>
        tpu.vector_store %arg19[%swap3A_1321], %swap3A_1324 {strides = array<i32>} : memref<8192xf32, #tpu.memory_space<vmem>>, vector<16xf32>,
        %mul3A_1325 = arith.constant 128 : i32
        %mul3A_1326 = arith.muli %add3A_1246, %mul3A_1325 : i32
        %add3A_1327 = arith.constant 64 : i32
        %add3A_1328 = arith.addi %mul3A_1326, %add3A_1327 : i32
        %get3A_1329 = arith.index_cast %add3A_1246 : i32 to index
        %get3A_1330 = arith.constant 64 : index
        %get3A_1331 = tpu.vector_load %arg16[%get3A_1329, %get3A_1330] {strides = array<i32>} : memref<64x128xf32, #tpu.memory_space<vmem>>, vector<1x16xf32>,
        %get3A_1332 = vector.shape_cast %get3A_1331 : vector<1x16xf32> to vector<16xf32>
        %mul3A_1333 = arith.mulf %get3A_1332, %gather3A_1256 : vector<16xf32>
        %get3A_1334 = arith.index_cast %add3A_1328 : i32 to index
        %get3A_1335 = tpu.vector_load %arg19[%get3A_1334] {strides = array<i32>} : memref<8192xf32, #tpu.memory_space<vmem>>, vector<16xf32>,
        %get3A_1336 = vector.shape_cast %get3A_1335 : vector<16xf32> to vector<16xf32>
        %mul3A_1337 = arith.mulf %mul3A_1333, %get3A_1336 : vector<16xf32>
        %swap3A_1338 = arith.index_cast %add3A_1328 : i32 to index
        %swap3A_1339 = tpu.vector_load %arg19[%swap3A_1338] {strides = array<i32>} : memref<8192xf32, #tpu.memory_space<vmem>>, vector<16xf32>,
        %swap3A_1340 = vector.shape_cast %swap3A_1339 : vector<16xf32> to vector<16xf32>
        %swap3A_1341 = vector.shape_cast %mul3A_1337 : vector<16xf32> to vector<16xf32>
        tpu.vector_store %arg19[%swap3A_1338], %swap3A_1341 {strides = array<i32>} : memref<8192xf32, #tpu.memory_space<vmem>>, vector<16xf32>,
        %mul3A_1342 = arith.constant 128 : i32
        %mul3A_1343 = arith.muli %add3A_1246, %mul3A_1342 : i32
        %add3A_1344 = arith.constant 80 : i32
        %add3A_1345 = arith.addi %mul3A_1343, %add3A_1344 : i32
        %get3A_1346 = arith.index_cast %add3A_1246 : i32 to index
        %get3A_1347 = arith.constant 80 : index
        %get3A_1348 = tpu.vector_load %arg16[%get3A_1346, %get3A_1347] {strides = array<i32>} : memref<64x128xf32, #tpu.memory_space<vmem>>, vector<1x16xf32>,
        %get3A_1349 = vector.shape_cast %get3A_1348 : vector<1x16xf32> to vector<16xf32>
        %mul3A_1350 = arith.mulf %get3A_1349, %gather3A_1256 : vector<16xf32>
        %get3A_1351 = arith.index_cast %add3A_1345 : i32 to index
        %get3A_1352 = tpu.vector_load %arg19[%get3A_1351] {strides = array<i32>} : memref<8192xf32, #tpu.memory_space<vmem>>, vector<16xf32>,
        %get3A_1353 = vector.shape_cast %get3A_1352 : vector<16xf32> to vector<16xf32>
        %mul3A_1354 = arith.mulf %mul3A_1350, %get3A_1353 : vector<16xf32>
        %swap3A_1355 = arith.index_cast %add3A_1345 : i32 to index
        %swap3A_1356 = tpu.vector_load %arg19[%swap3A_1355] {strides = array<i32>} : memref<8192xf32, #tpu.memory_space<vmem>>, vector<16xf32>,
        %swap3A_1357 = vector.shape_cast %swap3A_1356 : vector<16xf32> to vector<16xf32>
        %swap3A_1358 = vector.shape_cast %mul3A_1354 : vector<16xf32> to vector<16xf32>
        tpu.vector_store %arg19[%swap3A_1355], %swap3A_1358 {strides = array<i32>} : memref<8192xf32, #tpu.memory_space<vmem>>, vector<16xf32>,
        %mul3A_1359 = arith.constant 128 : i32
        %mul3A_1360 = arith.muli %add3A_1246, %mul3A_1359 : i32
        %add3A_1361 = arith.constant 96 : i32
        %add3A_1362 = arith.addi %mul3A_1360, %add3A_1361 : i32
        %get3A_1363 = arith.index_cast %add3A_1246 : i32 to index
        %get3A_1364 = arith.constant 96 : index
        %get3A_1365 = tpu.vector_load %arg16[%get3A_1363, %get3A_1364] {strides = array<i32>} : memref<64x128xf32, #tpu.memory_space<vmem>>, vector<1x16xf32>,
        %get3A_1366 = vector.shape_cast %get3A_1365 : vector<1x16xf32> to vector<16xf32>
        %mul3A_1367 = arith.mulf %get3A_1366, %gather3A_1256 : vector<16xf32>
        %get3A_1368 = arith.index_cast %add3A_1362 : i32 to index
        %get3A_1369 = tpu.vector_load %arg19[%get3A_1368] {strides = array<i32>} : memref<8192xf32, #tpu.memory_space<vmem>>, vector<16xf32>,
        %get3A_1370 = vector.shape_cast %get3A_1369 : vector<16xf32> to vector<16xf32>
        %mul3A_1371 = arith.mulf %mul3A_1367, %get3A_1370 : vector<16xf32>
        %swap3A_1372 = arith.index_cast %add3A_1362 : i32 to index
        %swap3A_1373 = tpu.vector_load %arg19[%swap3A_1372] {strides = array<i32>} : memref<8192xf32, #tpu.memory_space<vmem>>, vector<16xf32>,
        %swap3A_1374 = vector.shape_cast %swap3A_1373 : vector<16xf32> to vector<16xf32>
        %swap3A_1375 = vector.shape_cast %mul3A_1371 : vector<16xf32> to vector<16xf32>
        tpu.vector_store %arg19[%swap3A_1372], %swap3A_1375 {strides = array<i32>} : memref<8192xf32, #tpu.memory_space<vmem>>, vector<16xf32>,
        %mul3A_1376 = arith.constant 128 : i32
        %mul3A_1377 = arith.muli %add3A_1246, %mul3A_1376 : i32
        %add3A_1378 = arith.constant 112 : i32
        %add3A_1379 = arith.addi %mul3A_1377, %add3A_1378 : i32
        %get3A_1380 = arith.index_cast %add3A_1246 : i32 to index
        %get3A_1381 = arith.constant 112 : index
        %get3A_1382 = tpu.vector_load %arg16[%get3A_1380, %get3A_1381] {strides = array<i32>} : memref<64x128xf32, #tpu.memory_space<vmem>>, vector<1x16xf32>,
        %get3A_1383 = vector.shape_cast %get3A_1382 : vector<1x16xf32> to vector<16xf32>
        %mul3A_1384 = arith.mulf %get3A_1383, %gather3A_1256 : vector<16xf32>
        %get3A_1385 = arith.index_cast %add3A_1379 : i32 to index
        %get3A_1386 = tpu.vector_load %arg19[%get3A_1385] {strides = array<i32>} : memref<8192xf32, #tpu.memory_space<vmem>>, vector<16xf32>,
        %get3A_1387 = vector.shape_cast %get3A_1386 : vector<16xf32> to vector<16xf32>
        %mul3A_1388 = arith.mulf %mul3A_1384, %get3A_1387 : vector<16xf32>
        %swap3A_1389 = arith.index_cast %add3A_1379 : i32 to index
        %swap3A_1390 = tpu.vector_load %arg19[%swap3A_1389] {strides = array<i32>} : memref<8192xf32, #tpu.memory_space<vmem>>, vector<16xf32>,
        %swap3A_1391 = vector.shape_cast %swap3A_1390 : vector<16xf32> to vector<16xf32>
        %swap3A_1392 = vector.shape_cast %mul3A_1388 : vector<16xf32> to vector<16xf32>
        tpu.vector_store %arg19[%swap3A_1389], %swap3A_1392 {strides = array<i32>} : memref<8192xf32, #tpu.memory_space<vmem>>, vector<16xf32>,
        %scan3A_1393 = arith.constant 0 : i32
        scf.yield %scan3A_1393 : i32
      }
      %scan3A_180 = arith.constant 8 : i32
      %dma_start3A_181 = arith.constant 0 : i32
      %dma_start3A_182 = tpu.memref_slice %arg23[%dma_start3A_181] : memref<132608xf32, #tpu.memory_space<vmem_shared>> -> memref<132608xf32, #tpu.memory_space<vmem_shared>>
      tpu.enqueue_indirect_dma source(%arg19 : memref<8192xf32, #tpu.memory_space<vmem>>) target(%dma_start3A_182 : memref<132608xf32, #tpu.memory_space<vmem_shared>>) offsets(%arg17 : memref<8192xi32, #tpu.memory_space<vmem>>) semaphore(%arg30 : memref<!tpu.dma_semaphore, #tpu.memory_space<semaphore_mem>>) {add = true}
      %scan3A_183 = arith.constant 0 : i32
      scf.yield %scan3A_183 : i32
    }
    %scan3A_53 = arith.constant 8 : i32
    %dma_wait3A = arith.constant 0 : i32
    %dma_wait3A_54 = arith.constant 0 : i32
    %dma_wait3A_55 = tpu.memref_slice %arg3[%dma_wait3A, %dma_wait3A_54] : memref<32768x128xf32, #tpu.memory_space<hbm>> -> memref<64x128xf32, #tpu.memory_space<hbm>>
    %dma_wait3A_56 = arith.constant 0 : i32
    %dma_wait3A_57 = arith.constant 0 : i32
    %dma_wait3A_58 = tpu.memref_slice %arg3[%dma_wait3A_56, %dma_wait3A_57] : memref<32768x128xf32, #tpu.memory_space<hbm>> -> memref<64x128xf32, #tpu.memory_space<hbm>>
    tpu.wait_dma2 semaphore(%arg30 : memref<!tpu.dma_semaphore, #tpu.memory_space<semaphore_mem>>) src(%dma_wait3A_58 : memref<64x128xf32, #tpu.memory_space<hbm>>) dst(%arg16 : memref<64x128xf32, #tpu.memory_space<vmem>>)
    %barrier3A_59 = arith.constant 0 : index
    tpu.barrier barrier_id(%barrier3A_59)
    %mul3A_60 = arith.constant 8288 : i32
    %mul3A_61 = arith.muli %arg1, %mul3A_60 : i32
    "tpu.region"() ({
      %run_scoped3A = tpu.sem_alloc : memref<!tpu.dma_semaphore, #tpu.memory_space<semaphore_mem>>
      %dma_start3A_70 = tpu.memref_slice %arg23[%mul3A_61] : memref<132608xf32, #tpu.memory_space<vmem_shared>> -> memref<8288xf32, #tpu.memory_space<vmem_shared>>
      %dma_start3A_71 = tpu.memref_slice %arg23[%mul3A_61] : memref<132608xf32, #tpu.memory_space<vmem_shared>> -> memref<8288xf32, #tpu.memory_space<vmem_shared>>
      tpu.enqueue_dma source(%dma_start3A_71 : memref<8288xf32, #tpu.memory_space<vmem_shared>>) target(%arg20 : memref<8288xf32, #tpu.memory_space<vmem>>) target_semaphore(%run_scoped3A : memref<!tpu.dma_semaphore, #tpu.memory_space<semaphore_mem>>)
      %dma_wait3A_72 = tpu.memref_slice %arg23[%mul3A_61] : memref<132608xf32, #tpu.memory_space<vmem_shared>> -> memref<8288xf32, #tpu.memory_space<vmem_shared>>
      %dma_wait3A_73 = tpu.memref_slice %arg23[%mul3A_61] : memref<132608xf32, #tpu.memory_space<vmem_shared>> -> memref<8288xf32, #tpu.memory_space<vmem_shared>>
      tpu.wait_dma2 semaphore(%run_scoped3A : memref<!tpu.dma_semaphore, #tpu.memory_space<semaphore_mem>>) src(%dma_wait3A_73 : memref<8288xf32, #tpu.memory_space<vmem_shared>>) dst(%arg20 : memref<8288xf32, #tpu.memory_space<vmem>>)
      tpu.yield
    }) : () -> ()
    %eq3A_62 = arith.constant 0 : i32
    %eq3A_63 = arith.cmpi eq, %arg0, %eq3A_62 : i32
    %convert_element_type3A_64 = arith.extui %eq3A_63 : i1 to i32
    %cond3A_65 = arith.constant 0 : i32
    %cond3A_66 = arith.cmpi ne, %convert_element_type3A_64, %cond3A_65 : i32
    scf.if %cond3A_66 {
      %lt3A_70 = arith.constant 15 : i32
      %lt3A_71 = arith.cmpi slt, %arg1, %lt3A_70 : i32
      %convert_element_type3A_72 = arith.extui %lt3A_71 : i1 to i32
      %cond3A_73 = arith.constant 0 : i32
      %cond3A_74 = arith.cmpi ne, %convert_element_type3A_72, %cond3A_73 : i32
      scf.if %cond3A_74 {
        "tpu.region"() ({
          %run_scoped3A = tpu.sem_alloc : memref<!tpu.dma_semaphore, #tpu.memory_space<semaphore_mem>>
          %dma_start3A_87 = tpu.memref_slice %arg7[%mul3A_61] : memref<132098xf32, #tpu.memory_space<hbm>> -> memref<8288xf32, #tpu.memory_space<hbm>>
          %dma_start3A_88 = tpu.memref_slice %arg7[%mul3A_61] : memref<132098xf32, #tpu.memory_space<hbm>> -> memref<8288xf32, #tpu.memory_space<hbm>>
          tpu.enqueue_dma source(%dma_start3A_88 : memref<8288xf32, #tpu.memory_space<hbm>>) target(%arg21 : memref<8288xf32, #tpu.memory_space<vmem>>) target_semaphore(%run_scoped3A : memref<!tpu.dma_semaphore, #tpu.memory_space<semaphore_mem>>)
          %dma_wait3A_89 = tpu.memref_slice %arg7[%mul3A_61] : memref<132098xf32, #tpu.memory_space<hbm>> -> memref<8288xf32, #tpu.memory_space<hbm>>
          %dma_wait3A_90 = tpu.memref_slice %arg7[%mul3A_61] : memref<132098xf32, #tpu.memory_space<hbm>> -> memref<8288xf32, #tpu.memory_space<hbm>>
          tpu.wait_dma2 semaphore(%run_scoped3A : memref<!tpu.dma_semaphore, #tpu.memory_space<semaphore_mem>>) src(%dma_wait3A_90 : memref<8288xf32, #tpu.memory_space<hbm>>) dst(%arg21 : memref<8288xf32, #tpu.memory_space<vmem>>)
          tpu.yield
        }) : () -> ()
      } else {
      }
      %eq3A_75 = arith.constant 15 : i32
      %eq3A_76 = arith.cmpi eq, %arg1, %eq3A_75 : i32
      %convert_element_type3A_77 = arith.extui %eq3A_76 : i1 to i32
      %cond3A_78 = arith.constant 0 : i32
      %cond3A_79 = arith.cmpi ne, %convert_element_type3A_77, %cond3A_78 : i32
      scf.if %cond3A_79 {
        %scan3A_87 = arith.constant 0 : i32
        %scan3A_88 = arith.constant 0 : i32
        %scan3A_89 = arith.constant 518 : i32
        %scan3A_90 = arith.addi %scan3A_88, %scan3A_89 : i32
        %scan3A_91 = arith.constant 1 : i32
        %scan3A_92 = scf.for %scan3A_94 = %scan3A_88 to %scan3A_90 step %scan3A_91 iter_args(%scan3A_95 = %scan3A_87) -> (i32)  : i32 {
          %broadcast_in_dim3A_96 = arith.constant 0.000000e+00 : f32
          %broadcast_in_dim3A_97 = vector.broadcast %broadcast_in_dim3A_96 : f32 to vector<16xf32>
          %mul3A_98 = arith.constant 16 : i32
          %mul3A_99 = arith.muli %scan3A_94, %mul3A_98 : i32
          %swap3A_100 = arith.index_cast %mul3A_99 : i32 to index
          %swap3A_101 = tpu.vector_load %arg21[%swap3A_100] {strides = array<i32>} : memref<8288xf32, #tpu.memory_space<vmem>>, vector<16xf32>,
          %swap3A_102 = vector.shape_cast %swap3A_101 : vector<16xf32> to vector<16xf32>
          %swap3A_103 = vector.shape_cast %broadcast_in_dim3A_97 : vector<16xf32> to vector<16xf32>
          tpu.vector_store %arg21[%swap3A_100], %swap3A_103 {strides = array<i32>} : memref<8288xf32, #tpu.memory_space<vmem>>, vector<16xf32>,
          %scan3A_104 = arith.constant 0 : i32
          scf.yield %scan3A_104 : i32
        }
        %scan3A_93 = arith.constant 518 : i32
        "tpu.region"() ({
          %run_scoped3A = tpu.sem_alloc : memref<!tpu.dma_semaphore, #tpu.memory_space<semaphore_mem>>
          %dma_start3A_94 = arith.constant 0 : i32
          %dma_start3A_95 = tpu.memref_slice %arg21[%dma_start3A_94] : memref<8288xf32, #tpu.memory_space<vmem>> -> memref<7776xf32, #tpu.memory_space<vmem>>
          %dma_start3A_96 = arith.constant 124320 : i32
          %dma_start3A_97 = tpu.memref_slice %arg7[%dma_start3A_96] : memref<132098xf32, #tpu.memory_space<hbm>> -> memref<7776xf32, #tpu.memory_space<hbm>>
          %dma_start3A_98 = arith.constant 0 : i32
          %dma_start3A_99 = tpu.memref_slice %arg21[%dma_start3A_98] : memref<8288xf32, #tpu.memory_space<vmem>> -> memref<7776xf32, #tpu.memory_space<vmem>>
          %dma_start3A_100 = arith.constant 124320 : i32
          %dma_start3A_101 = tpu.memref_slice %arg7[%dma_start3A_100] : memref<132098xf32, #tpu.memory_space<hbm>> -> memref<7776xf32, #tpu.memory_space<hbm>>
          tpu.enqueue_dma source(%dma_start3A_101 : memref<7776xf32, #tpu.memory_space<hbm>>) target(%dma_start3A_99 : memref<7776xf32, #tpu.memory_space<vmem>>) target_semaphore(%run_scoped3A : memref<!tpu.dma_semaphore, #tpu.memory_space<semaphore_mem>>)
          %dma_wait3A_102 = arith.constant 0 : i32
          %dma_wait3A_103 = tpu.memref_slice %arg21[%dma_wait3A_102] : memref<8288xf32, #tpu.memory_space<vmem>> -> memref<7776xf32, #tpu.memory_space<vmem>>
          %dma_wait3A_104 = arith.constant 124320 : i32
          %dma_wait3A_105 = tpu.memref_slice %arg7[%dma_wait3A_104] : memref<132098xf32, #tpu.memory_space<hbm>> -> memref<7776xf32, #tpu.memory_space<hbm>>
          %dma_wait3A_106 = arith.constant 0 : i32
          %dma_wait3A_107 = tpu.memref_slice %arg21[%dma_wait3A_106] : memref<8288xf32, #tpu.memory_space<vmem>> -> memref<7776xf32, #tpu.memory_space<vmem>>
          %dma_wait3A_108 = arith.constant 124320 : i32
          %dma_wait3A_109 = tpu.memref_slice %arg7[%dma_wait3A_108] : memref<132098xf32, #tpu.memory_space<hbm>> -> memref<7776xf32, #tpu.memory_space<hbm>>
          tpu.wait_dma2 semaphore(%run_scoped3A : memref<!tpu.dma_semaphore, #tpu.memory_space<semaphore_mem>>) src(%dma_wait3A_109 : memref<7776xf32, #tpu.memory_space<hbm>>) dst(%dma_wait3A_107 : memref<7776xf32, #tpu.memory_space<vmem>>)
          tpu.yield
        }) : () -> ()
        "tpu.region"() ({
          %run_scoped3A = tpu.sem_alloc : memref<!tpu.dma_semaphore, #tpu.memory_space<semaphore_mem>>
          %dma_start3A_94 = arith.constant 7776 : i32
          %dma_start3A_95 = tpu.memref_slice %arg21[%dma_start3A_94] : memref<8288xf32, #tpu.memory_space<vmem>> -> memref<2xf32, #tpu.memory_space<vmem>>
          %dma_start3A_96 = arith.constant 132096 : i32
          %dma_start3A_97 = tpu.memref_slice %arg7[%dma_start3A_96] : memref<132098xf32, #tpu.memory_space<hbm>> -> memref<2xf32, #tpu.memory_space<hbm>>
          %dma_start3A_98 = arith.constant 7776 : i32
          %dma_start3A_99 = tpu.memref_slice %arg21[%dma_start3A_98] : memref<8288xf32, #tpu.memory_space<vmem>> -> memref<2xf32, #tpu.memory_space<vmem>>
          %dma_start3A_100 = arith.constant 132096 : i32
          %dma_start3A_101 = tpu.memref_slice %arg7[%dma_start3A_100] : memref<132098xf32, #tpu.memory_space<hbm>> -> memref<2xf32, #tpu.memory_space<hbm>>
          tpu.enqueue_dma source(%dma_start3A_101 : memref<2xf32, #tpu.memory_space<hbm>>) target(%dma_start3A_99 : memref<2xf32, #tpu.memory_space<vmem>>) target_semaphore(%run_scoped3A : memref<!tpu.dma_semaphore, #tpu.memory_space<semaphore_mem>>)
          %dma_wait3A_102 = arith.constant 7776 : i32
          %dma_wait3A_103 = tpu.memref_slice %arg21[%dma_wait3A_102] : memref<8288xf32, #tpu.memory_space<vmem>> -> memref<2xf32, #tpu.memory_space<vmem>>
          %dma_wait3A_104 = arith.constant 132096 : i32
          %dma_wait3A_105 = tpu.memref_slice %arg7[%dma_wait3A_104] : memref<132098xf32, #tpu.memory_space<hbm>> -> memref<2xf32, #tpu.memory_space<hbm>>
          %dma_wait3A_106 = arith.constant 7776 : i32
          %dma_wait3A_107 = tpu.memref_slice %arg21[%dma_wait3A_106] : memref<8288xf32, #tpu.memory_space<vmem>> -> memref<2xf32, #tpu.memory_space<vmem>>
          %dma_wait3A_108 = arith.constant 132096 : i32
          %dma_wait3A_109 = tpu.memref_slice %arg7[%dma_wait3A_108] : memref<132098xf32, #tpu.memory_space<hbm>> -> memref<2xf32, #tpu.memory_space<hbm>>
          tpu.wait_dma2 semaphore(%run_scoped3A : memref<!tpu.dma_semaphore, #tpu.memory_space<semaphore_mem>>) src(%dma_wait3A_109 : memref<2xf32, #tpu.memory_space<hbm>>) dst(%dma_wait3A_107 : memref<2xf32, #tpu.memory_space<vmem>>)
          tpu.yield
        }) : () -> ()
      } else {
      }
      %scan3A_80 = arith.constant 0 : i32
      %scan3A_81 = arith.constant 0 : i32
      %scan3A_82 = arith.constant 518 : i32
      %scan3A_83 = arith.addi %scan3A_81, %scan3A_82 : i32
      %scan3A_84 = arith.constant 1 : i32
      %scan3A_85 = scf.for %scan3A_87 = %scan3A_81 to %scan3A_83 step %scan3A_84 iter_args(%scan3A_88 = %scan3A_80) -> (i32)  : i32 {
        %mul3A_89 = arith.constant 16 : i32
        %mul3A_90 = arith.muli %scan3A_87, %mul3A_89 : i32
        %get3A = arith.index_cast %mul3A_90 : i32 to index
        %get3A_91 = tpu.vector_load %arg20[%get3A] {strides = array<i32>} : memref<8288xf32, #tpu.memory_space<vmem>>, vector<16xf32>,
        %get3A_92 = vector.shape_cast %get3A_91 : vector<16xf32> to vector<16xf32>
        %get3A_93 = arith.index_cast %mul3A_90 : i32 to index
        %get3A_94 = tpu.vector_load %arg21[%get3A_93] {strides = array<i32>} : memref<8288xf32, #tpu.memory_space<vmem>>, vector<16xf32>,
        %get3A_95 = vector.shape_cast %get3A_94 : vector<16xf32> to vector<16xf32>
        %sub3A = arith.subf %get3A_92, %get3A_95 : vector<16xf32>
        %swap3A_96 = arith.index_cast %mul3A_90 : i32 to index
        %swap3A_97 = tpu.vector_load %arg20[%swap3A_96] {strides = array<i32>} : memref<8288xf32, #tpu.memory_space<vmem>>, vector<16xf32>,
        %swap3A_98 = vector.shape_cast %swap3A_97 : vector<16xf32> to vector<16xf32>
        %swap3A_99 = vector.shape_cast %sub3A : vector<16xf32> to vector<16xf32>
        tpu.vector_store %arg20[%swap3A_96], %swap3A_99 {strides = array<i32>} : memref<8288xf32, #tpu.memory_space<vmem>>, vector<16xf32>,
        %scan3A_100 = arith.constant 0 : i32
        scf.yield %scan3A_100 : i32
      }
      %scan3A_86 = arith.constant 518 : i32
    } else {
    }
    %mul3A_67 = arith.constant 132608 : i32
    %mul3A_68 = arith.muli %arg0, %mul3A_67 : i32
    %add3A_69 = arith.addi %mul3A_68, %mul3A_61 : i32
    "tpu.region"() ({
      %run_scoped3A = tpu.sem_alloc : memref<!tpu.dma_semaphore, #tpu.memory_space<semaphore_mem>>
      %dma_start3A_70 = tpu.memref_slice %arg8[%add3A_69] : memref<265216xf32, #tpu.memory_space<hbm>> -> memref<8288xf32, #tpu.memory_space<hbm>>
      %dma_start3A_71 = tpu.memref_slice %arg8[%add3A_69] : memref<265216xf32, #tpu.memory_space<hbm>> -> memref<8288xf32, #tpu.memory_space<hbm>>
      tpu.enqueue_dma source(%arg20 : memref<8288xf32, #tpu.memory_space<vmem>>) target(%dma_start3A_71 : memref<8288xf32, #tpu.memory_space<hbm>>) target_semaphore(%run_scoped3A : memref<!tpu.dma_semaphore, #tpu.memory_space<semaphore_mem>>)
      %dma_wait3A_72 = tpu.memref_slice %arg8[%add3A_69] : memref<265216xf32, #tpu.memory_space<hbm>> -> memref<8288xf32, #tpu.memory_space<hbm>>
      %dma_wait3A_73 = tpu.memref_slice %arg8[%add3A_69] : memref<265216xf32, #tpu.memory_space<hbm>> -> memref<8288xf32, #tpu.memory_space<hbm>>
      tpu.wait_dma2 semaphore(%run_scoped3A : memref<!tpu.dma_semaphore, #tpu.memory_space<semaphore_mem>>) src(%arg20 : memref<8288xf32, #tpu.memory_space<vmem>>) dst(%dma_wait3A_73 : memref<8288xf32, #tpu.memory_space<hbm>>)
      tpu.yield
    }) : () -> ()
    return
  }
}

module attributes {stable_mosaic.version = 14 : i64} {
  func.func @_tc_reduce(%arg0: memref<1036x128xf32, #tpu.memory_space<vmem>>, %arg1: memref<1036x128xf32, #tpu.memory_space<vmem>>, %arg2: memref<4x128xf32, #tpu.memory_space<vmem>>, %arg3: memref<1x1xf32, #tpu.memory_space<vmem>>) attributes {dimension_semantics = [], scalar_prefetch = 0 : i64, scratch_operands = 0 : i64, tpu.core_type = #tpu.core_type<tc>} {
    %get3A = arith.constant 0 : index
    %get3A_0 = arith.constant 0 : index
    %get3A_1 = vector.load %arg0[%get3A, %get3A_0] : memref<1036x128xf32, #tpu.memory_space<vmem>>, vector<1036x128xf32>
    %get3A_2 = arith.constant 0 : index
    %get3A_3 = arith.constant 0 : index
    %get3A_4 = vector.load %arg1[%get3A_2, %get3A_3] : memref<1036x128xf32, #tpu.memory_space<vmem>>, vector<1036x128xf32>
    %add3A = arith.addf %get3A_1, %get3A_4 : vector<1036x128xf32>
    %mul3A = arith.mulf %add3A, %add3A : vector<1036x128xf32>
    %reduce_sum3A = vector.shape_cast %mul3A : vector<1036x128xf32> to vector<1x1036x128xf32>
    %reduce_sum3A_5 = arith.constant dense<0.000000e+00> : vector<1xf32>
    %reduce_sum3A_6 = vector.multi_reduction <add>, %reduce_sum3A, %reduce_sum3A_5 [1, 2] : vector<1x1036x128xf32> to vector<1xf32>
    %reduce_sum3A_7 = vector.shape_cast %reduce_sum3A_6 : vector<1xf32> to vector<1x1x1xf32>
    %reduce_sum3A_8 = vector.extract %reduce_sum3A_7[0, 0, 0] : f32 from vector<1x1x1xf32>
    %get3A_9 = arith.constant 0 : index
    %get3A_10 = arith.constant 0 : index
    %get3A_11 = vector.load %arg2[%get3A_9, %get3A_10] : memref<4x128xf32, #tpu.memory_space<vmem>>, vector<4x128xf32>
    %reduce_sum3A_12 = vector.shape_cast %get3A_11 : vector<4x128xf32> to vector<1x4x128xf32>
    %reduce_sum3A_13 = arith.constant dense<0.000000e+00> : vector<1xf32>
    %reduce_sum3A_14 = vector.multi_reduction <add>, %reduce_sum3A_12, %reduce_sum3A_13 [1, 2] : vector<1x4x128xf32> to vector<1xf32>
    %reduce_sum3A_15 = vector.shape_cast %reduce_sum3A_14 : vector<1xf32> to vector<1x1x1xf32>
    %reduce_sum3A_16 = vector.extract %reduce_sum3A_15[0, 0, 0] : f32 from vector<1x1x1xf32>
    %div3A = arith.constant 6.553600e+04 : f32
    %div3A_17 = arith.divf %reduce_sum3A_16, %div3A : f32
    %sub3A = arith.constant 4.000000e-01 : f32
    %sub3A_18 = arith.subf %div3A_17, %sub3A : f32
    %max3A = arith.constant 0.000000e+00 : f32
    %max3A_19 = arith.maximumf %sub3A_18, %max3A : f32
    %sqrt3A = math.sqrt %reduce_sum3A_8 : f32
    %add3A_20 = arith.addf %max3A_19, %sqrt3A : f32
    %broadcast_in_dim3A = vector.broadcast %add3A_20 : f32 to vector<1x1xf32>
    %swap3A = arith.constant 0 : index
    %swap3A_21 = arith.constant 0 : index
    %swap3A_22 = vector.load %arg3[%swap3A, %swap3A_21] : memref<1x1xf32, #tpu.memory_space<vmem>>, vector<1x1xf32>
    tpu.vector_store %arg3[%swap3A, %swap3A_21], %broadcast_in_dim3A {strides = array<i32>} : memref<1x1xf32, #tpu.memory_space<vmem>>, vector<1x1xf32>,
    return
  }
}

</mosaic_0001>

<sc_bundles>
// kernel: kernel.4.cloned.1.call-start
scs
__scs_entry_jumppad:
0x0: {  	(pc) =	sbr.rel $0x88, $3  }
0x1: {  	(tag) =	ssettag $0x0;
	lr =	simm.s32 $0x1  }
0x2: {  	[smem:$0x3F9C] =	sst lr;
	_ =	strace $0xD0000000  }
0x3: {  	_ = 	snop  }
0x4: {  	_ = 	snop  }
0x5: {  	_ = 	snop  }
0x6: {  	_ = 	snop  }
0x7: {  	_ = 	snop  }
__scs_overlays_trampoline_lowered:
0x8: {  	[smem:$0x3FAB] =	sst s0  }
0x9: {  	[smem:$0x3FAC] =	sst s1  }
0xa: {  	[smem:$0x3FAD] =	sst s2  }
0xb: {  	[smem:$0x3FAE] =	sst s3  }
0xc: {  	[smem:$0x3FAF] =	sst s4  }
0xd: {  	[smem:$0x3FB0] =	sst s5  }
0xe: {  	[smem:$0x3FB1] =	sst s6  }
0xf: {  	[smem:$0x3FB2] =	sst s7  }
0x10: {  	[smem:$0x3FB3] =	sst s8  }
0x11: {  	[smem:$0x3FB4] =	sst s9;
	s0 =	simm.s32 @!p0 $0x0  }
0x12: {  	s1 =	sld [smem:$0x3F9A];
	s0 =	simm.s32 @p0 $0x1  }
0x13: {  	[smem:$0x3FB5] =	sst s0;
	s0 =	simm.s32 @!p1 $0x0  }
0x14: {  	s2 =	sld [smem:$0x3F99];
	s0 =	simm.s32 @p1 $0x1  }
0x15: {  	[smem:$0x3FB6] =	sst s0;
	s0 =	simm.s32 @!p2 $0x0  }
0x16: {  	s3 =	sld [smem:$0x3FDB];
	s0 =	simm.s32 @p2 $0x1  }
0x17: {  	s4 =	simm.s32 $0x1BF5;
	[smem:$0x3FB8] =	sst s0  }
0x18: {  	s0 =	sld [smem:$0x3F9B];
	_ =	swait.ge [sflag:s4], $0x0  }
0x19: {  	s7 =	sld [smem:$0x3F9C]  }
0x1a: {  	s8 =	sadd.s32 $0xFFFFE003, lr  }
0x1b: {  	s9 =	sadd.s32 $0xFFFFFEF7, lr;
	s5 =	simm.s32 $0xFFFFFFFF;
	p2 =	slt.u32 s8, $0xFFFFF086  }
0x1c: {  	p1 =	slt.u32 s9, $0xF7A;
	s5 =	simm.s32 @!p2 $0x0  }
0x1d: {  	s5 =	simm.s32 @p1 $0x1;
	p0 =	seq.s32 s7, s2  }
0x1e: {  	s7 =	smul.u32 @!p0 $0xF7A, s2;
	p2 =	seq.s32 @!p0 s5, $0x0  }
0x1f: {  	s9 =	smul.u32 $0xF7A, s1;
	s8 =	simm.s32 @!p0 $0x1BF5;
	p2 =	por !p2, p0  }
0x20: {  	[sflag:s8] =	ssyncset.s32 @!p0 $0xFFFFF086;
	s6 =	sadd.s32 @!p0 s3, s7;
	s7 =	simm.s32 @!p0 $0x108  }
0x21: {  	s3 =	sadd.s32 s3, s9;
	s6 =	sadd.s32 @!p0 $0x88, s6;
	s7 =	simm.s32 @p2 $0x1082  }
0x22: {  	[simem:s7], [sflag:s8] =	dma.local @!p0 [hbm:s6], $0xF7A  }
0x23: {  	s9 =	sor.u32 $0xD0000000, s2;
	s6 =	simm.s32 $0x108;
	_ =	swait.ge @!p0 [sflag:s8], $0x0  }
0x24: {  	s3 =	sadd.s32 $0x88, s3;
	s6 =	simm.s32 @!p1 $0x1082;
	[sflag:s4] =	ssyncset.s32 $0xFFFFF086  }
0x25: {  	[simem:s6], [sflag:s4] =	dma.local [hbm:s3], $0xF7A  }
0x26: {  	[smem:$0x3F9C] =	sst s1;
	(tag) =	ssettag s2;
	_ =	strace s9  }
0x27: {  	s1 =	sld [smem:$0x3FAC]  }
0x28: {  	s2 =	sld [smem:$0x3FAD]  }
0x29: {  	s4 =	sld [smem:$0x3FAF]  }
0x2a: {  	p0 =	seq.s32 s5, $0x0;
	s5 =	sld [smem:$0x3FB0]  }
0x2b: {  	s6 =	sld [smem:$0x3FB1]  }
0x2c: {  	s7 =	sld [smem:$0x3FB2]  }
0x2d: {  	s3 =	simm.s32 $0x108;
	s8 =	sld [smem:$0x3FB3]  }
0x2e: {  	s3 =	simm.s32 @!p0 $0x1082;
	s9 =	sld [smem:$0x3FB4]  }
0x2f: {  	lr =	sadd.s32 s0, s3;
	s0 =	sld [smem:$0x3FAB]  }
0x30: {  	s3 =	sld [smem:$0x3FAE]  }
0x31: {  	[smem:$0x3FB7] =	sst s10  }
0x32: {  	s10 =	sld [smem:$0x3FB5];
	_ =	sdelay $0x3  }
0x33: {  	p0 =	seq.s32 s10, $0x1;
	s10 =	sld [smem:$0x3FB7];
	_ =	sdelay $0x3  }
0x34: {  	[smem:$0x3FB7] =	sst s10  }
0x35: {  	s10 =	sld [smem:$0x3FB6];
	_ =	sdelay $0x3  }
0x36: {  	p1 =	seq.s32 s10, $0x1;
	s10 =	sld [smem:$0x3FB7];
	_ =	sdelay $0x3  }
0x37: {  	[smem:$0x3FB7] =	sst s10  }
0x38: {  	s10 =	sld [smem:$0x3FB8]  }
0x39: {  	_ = 	snop;
	(pc) =	sbr.ind lr, $3  }
0x3a: {  	_ = 	snop  }
0x3b: {  	_ = 	snop  }
0x3c: {  	p2 =	seq.s32 s10, $0x1;
	s10 =	sld [smem:$0x3FB7]  }
0x3d: {  	_ =	shalt  }
0x3e: {  	_ =	shalt  }
0x3f: {  	_ =	shalt  }
0x40: {  	_ =	shalt  }
0x41: {  	_ =	shalt  }
0x42: {  	_ =	shalt  }
0x43: {  	_ =	shalt  }
0x44: {  	_ =	shalt  }
0x45: {  	_ =	shalt  }
0x46: {  	_ =	shalt  }
0x47: {  	_ =	shalt  }
0x48: {  	_ =	shalt  }
0x49: {  	_ =	shalt  }
0x4a: {  	_ =	shalt  }
0x4b: {  	_ =	shalt  }
0x4c: {  	_ =	shalt  }
0x4d: {  	_ =	shalt  }
0x4e: {  	_ =	shalt  }
0x4f: {  	_ =	shalt  }
0x50: {  	_ =	shalt  }
0x51: {  	_ =	shalt  }
0x52: {  	_ =	shalt  }
0x53: {  	_ =	shalt  }
0x54: {  	_ =	shalt  }
0x55: {  	_ =	shalt  }
0x56: {  	_ =	shalt  }
0x57: {  	_ =	shalt  }
0x58: {  	_ =	shalt  }
0x59: {  	_ =	shalt  }
0x5a: {  	_ =	shalt  }
0x5b: {  	_ =	shalt  }
0x5c: {  	_ =	shalt  }
0x5d: {  	_ =	shalt  }
0x5e: {  	_ =	shalt  }
0x5f: {  	_ =	shalt  }
0x60: {  	_ =	shalt  }
0x61: {  	_ =	shalt  }
0x62: {  	_ =	shalt  }
0x63: {  	_ =	shalt  }
0x64: {  	_ =	shalt  }
0x65: {  	_ =	shalt  }
0x66: {  	_ =	shalt  }
0x67: {  	_ =	shalt  }
0x68: {  	_ =	shalt  }
0x69: {  	_ =	shalt  }
0x6a: {  	_ =	shalt  }
0x6b: {  	_ =	shalt  }
0x6c: {  	_ =	shalt  }
0x6d: {  	_ =	shalt  }
0x6e: {  	_ =	shalt  }
0x6f: {  	_ =	shalt  }
0x70: {  	_ =	shalt  }
0x71: {  	_ =	shalt  }
0x72: {  	_ =	shalt  }
0x73: {  	_ =	shalt  }
0x74: {  	_ =	shalt  }
0x75: {  	_ =	shalt  }
0x76: {  	_ =	shalt  }
0x77: {  	_ =	shalt  }
0x78: {  	_ =	shalt  }
0x79: {  	_ =	shalt  }
0x7a: {  	_ =	shalt  }
0x7b: {  	_ =	shalt  }
0x7c: {  	_ =	shalt  }
0x7d: {  	_ =	shalt  }
0x7e: {  	_ =	shalt  }
0x7f: {  	_ =	shalt  }
0x80: {  	_ =	shalt  }
0x81: {  	_ =	shalt  }
0x82: {  	_ =	shalt  }
0x83: {  	_ =	shalt  }
0x84: {  	_ =	shalt  }
0x85: {  	_ =	shalt  }
0x86: {  	_ =	shalt  }
0x87: {  	_ =	shalt  }
.Lfunc_end0:
.L_simem_size_0:
called_computation_lowered:
.L_overlay_start_0:
0x88: {  	s2 =	sld [smem:$0x3FD9]  }
0x89: {  	s3 =	sld [smem:$0x3FFE];
	_ =	sdelay $0x1  }
0x8a: {  	s1 =	srdreg.scid  }
0x8b: {  	s0 =	sand.u32 $0x1, s1  }
0x8c: {  	s17 =	sshll.u32 s0, $0xA;
	s2 =	sadd.s32 s3, s2  }
0x8d: {  	s2 =	sadd.s32 s2, s17  }
0x8e: {  	[smem:$0x3FC3] =	sst s2  }
0x8f: {  	_ = 	snop  }
0x90: {  	s2 =	sld [smem:$0x3FC9]  }
0x91: {  	s18 =	sld [smem:$0x3FC7]  }
0x92: {  	s4 =	sld [smem:$0x3FC6]  }
0x93: {  	s5 =	sld [smem:$0x3FC5];
	(tm) =	ssettm $0x1  }
0x94: {  	s6 =	sld [smem:$0x3FFB];
	_ =	sdelay $0x3  }
0x95: {  	_ =	strace s6  }
0x96: {  	s6 =	sld [smem:$0x3FFC];
	_ =	sdelay $0x3  }
0x97: {  	_ =	strace s6  }
0x98: {  	s6 =	sld [smem:$0x3FFD];
	_ =	sdelay $0x3  }
0x99: {  	_ =	strace s6  }
0x9a: {  	_ =	strace $0x8FFFFFFF  }
0x9b: {  	s19 =	sld [smem:$0x3FDB];
	_ =	sdelay $0x1  }
0x9c: {  	s7 =	simm.s32 $_scs_section_size  }
0x9d: {  	s8 =	simm.s32 $_size__tile_overlayer_lowered;
	s9 =	simm.s32 $_tile_overlayer_lowered  }
0x9e: {  	s22 =	simm.s32 $0x1BFF;
	s21 =	sshll.u32 s9, $0x1;
	s6 =	sadd.s32 s7, s19  }
0x9f: {  	s10 =	simm.s32 $0x0;
	s20 =	sshll.u32 s8, $0x1;
	s8 =	sadd.s32 s21, s6  }
0xa0: {  	[timem:s10], [sflag:s22] =	dma.local [hbm:s8], s20  }
0xa1: {  	_ =	swait.ge [sflag:s22], s20  }
0xa2: {  	s7 =	ssub.s32 $0x0, s20;
	[sflag:s22] =	ssyncset.done $0x0  }
0xa3: {  	[sflag:s22] =	ssyncadd.s32 s7;
	_ =	sdelay $0x1  }
0xa4: {  	s23 =	simm.s32 $0x1B8B  }
0xa5: {  	_ =	swait.ge [sflag:s23], $0x1  }
0xa6: {  	[sflag:s23] =	ssyncset.done $0x0  }
0xa7: {  	s25 =	simm.s32 $0x1B8E;
	s24 =	sld [smem:$0x3FFE];
	[sflag:s23] =	ssyncadd.s32 $0xFFFFFFFF  }
0xa8: {  	s26 =	simm.s32 $execute0_lowered;
	[smem:$0x3FD2] =	sst s25  }
0xa9: {  	s8 =	sshll.u32 s26, $0x1;
	_ =	strace $0x80000046;
	[dreg:$0x1] =	wrdreg $0xFFFFFFFF  }
0xaa: {  	s28 =	simm.s32 $_size_execute0_lowered;
	s6 =	sadd.s32 s6, s8;
	[dreg:$0x0] =	wrdreg $0x0  }
0xab: {  	s8 =	sshll.u32 s28, $0x1;
	[dreg:$0x2] =	wrdreg s6  }
0xac: {  	[dreg:$0x3] =	wrdreg s8  }
0xad: {  	[dreg:$0x4] =	wrdreg $0xC0  }
0xae: {  	_ =	task [dreg:s10], $0x5FFFF  }
0xaf: {  	[dreg:$0x1] =	wrdreg $0xFFFFFFFF  }
0xb0: {  	[dreg:$0x0] =	wrdreg $0x60  }
0xb1: {  	[dreg:$0x2] =	wrdreg s2  }
0xb2: {  	[dreg:$0x3] =	wrdreg s24  }
0xb3: {  	[dreg:$0x4] =	wrdreg s18  }
0xb4: {  	[dreg:$0x5] =	wrdreg s4  }
0xb5: {  	[dreg:$0x6] =	wrdreg s5  }
0xb6: {  	[dreg:$0x7] =	wrdreg $0x151800  }
0xb7: {  	[dreg:$0x8] =	wrdreg $0x171E00  }
0xb8: {  	[dreg:$0x9] =	wrdreg $0x9  }
0xb9: {  	_ =	task.clear_ibuf [dreg:s10], $0xAFFFF;
	_ =	strace $0x90000046  }
0xba: {  	s29 =	simm.s32 $0x9;
	_ =	strace $0x80000048  }
0xbb: {  	_ =	swait.ge [sflag:s29], $0x1  }
0xbc: {  	[sflag:s29] =	ssyncadd.s32 $0xFFFFFFFF  }
0xbd: {  	_ =	strace $0x90000048  }
0xbe: {  	_ =	sfence  }
0xbf: {  	s30 =	sld [smem:$0x0];
	_ =	sdelay $0x2  }
0xc0: {  	s31 =	sshll.u32 s1, $0xD;
	s1 =	sshrl.u32 s1, $0x2  }
0xc1: {  	s3 =	sand.u32 $0x4000, s31;
	s1 =	sadd.s32 s1, s30  }
0xc2: {  	s0 =	sor.u32 s3, s0;
	s1 =	sshll.u32 s1, $0x11  }
0xc3: {  	s0 =	sor.u32 s1, s0  }
0xc4: {  	s0 =	sadd.s32 $0x8F2B, s0  }
0xc5: {  	[sflag:s0] =	ssyncadd.remote.s32 $0x1  }
0xc6: {  	_ =	sfence.sel $0xFFFF  }
0xc7: {  	[dreg:$0x0] =	wrdreg $0xFFFFFFFF;
	(pc) =	sbr.abs _section_cstart, $3  }
0xc8: {  	[dreg:$0x1] =	wrdreg $0xFFFFFFFF  }
0xc9: {  	_ =	task.clear_ibuf [dreg:s10], $0x2FFFF;
	_ =	strace $0x9FFFFFFF  }
0xca: {  	(tm) =	ssettm $0x7FFFFFFF  }
0xcb: {  	_ =	shalt  }
tec
execute0_lowered:
.L_overlay_start_1:
0x0: {  	(tag) =	ssettag $0x1  }
0x1: {  	s0 =	rddreg [dreg:$0x0]  }
0x2: {  	s2 =	rddreg [dreg:$0x1]  }
0x3: {  	s1 =	rddreg [dreg:$0x2]  }
0x4: {  	s5 =	rddreg [dreg:$0x3]  }
0x5: {  	s8 =	rddreg [dreg:$0x4]  }
0x6: {  	s3 =	rddreg [dreg:$0x5]  }
0x7: {  	s4 =	rddreg [dreg:$0x6];
	s6 =	srdreg.scid  }
0x8: {  	s16 =	stileid.u32;
	s18 =	simm.s32 $0x0;
	s29 =	simm.s32 $0x2000  }
0x9: {  	s31 =	simm.s32 $0x7000;
	s9 =	sand.u32 $0x1, s6;
	s10 =	smul.u32 $0x2060, s16  }
0xa: {  	[smem:$0x7FF] =	sst s18;
	s6 =	sadd.s32 $0x100800, s2;
	s12 =	sshll.u32 s16, $0x1  }
0xb: {  	s17 =	sadd.s32 $0x3CB4, s5;
	s19 =	sadd.s32 $0x4080, s5;
	s20 =	sadd.s32 $0x1E5A0, s4  }
0xc: {  	s21 =	sadd.s32 $0x20400, s4;
	_ =	strace $0x80000047;
	[dreg:$0xd] =	wrdreg s17  }
0xd: {  	s25 =	sadd.s32 $0x3CB4, s8;
	p1 =	seq.s32 s16, $0xF;
	[dreg:$0xe] =	wrdreg s19  }
0xe: {  	s16 =	simm.s32 $0x4;
	s7 =	smul.u32 $0x20600, s9;
	[dreg:$0xf] =	wrdreg s20  }
0xf: {  	s12 =	sor.u32 s9, s12;
	s14 =	ssub.s32 $0x2, s9;
	[dreg:$0x10] =	wrdreg s21  }
0x10: {  	p0 =	sne.s32 s9, $0x0;
	[dreg:$0x15] =	wrdreg s25;
	s19 =	simm.s32 $0x7  }
0x11: {  	s21 =	simm.s32 $0x3000;
	s9 =	simm.s32 $0xB000;
	s13 =	sshll.u32 s12, $0x4  }
0x12: {  	s26 =	sshrl.u32 s14, $0x1;
	s15 =	sshll.u32 s12, $0x8;
	s28 =	sshrl.u32 s10, $0x3  }
0x13: {  	s30 =	sadd.s32 s10, s3;
	s22 =	sshll.u32 s12, $0xE;
	s17 =	sshll.u32 s12, $0xA  }
0x14: {  	s24 =	sshll.u32 s12, $0xF;
	s12 =	simm.s32 $0x3;
	s11 =	sadd.s32 s10, s7  }
0x15: {  	s7 =	sadd.s32 $0x800, s2;
	s0 =	sadd.s32 s0, s15;
	[dreg:$0xa] =	wrdreg s30  }
0x16: {  	s15 =	sadd.s32 s10, s4;
	s23 =	sadd.s32 s6, s22;
	[dreg:$0x8] =	wrdreg s0  }
0x17: {  	s10 =	simm.s32 $0x0;
	s11 =	sshrl.u32 s11, $0x3;
	[dreg:$0xc] =	wrdreg s15  }
0x18: {  	[dreg:$0x11] =	wrdreg s23;
	s0 =	sadd.s32 s8, s28;
	s23 =	simm.s32 $0x1  }
0x19: {  	s15 =	simm.s32 $0x5;
	s11 =	sadd.s32 s11, s2;
	s2 =	sadd.s32 s13, s2  }
0x1a: {  	s13 =	ssub.s32 s14, s26;
	s14 =	sadd.s32 s5, s28;
	[dreg:$0x14] =	wrdreg s0  }
0x1b: {  	s5 =	sadd.s32 s1, s24;
	s26 =	sadd.s32 $0x4080, s8;
	[dreg:$0xb] =	wrdreg s14  }
0x1c: {  	s0 =	simm.s32 $0x80;
	s2 =	sadd.s32 $0x88A00, s2;
	[dreg:$0x12] =	wrdreg s5  }
.Ltmp0:
0x1d: {  	[dreg:$0x16] =	wrdreg s26;
	s28 =	sadd.s32 $0x80800, s11;
	(pc) =	sbr.rel .LBB2_1-.Ltmp0, $4  }
0x1e: {  	s30 =	smax.u32 s13, $0x1;
	s26 =	sor.u32 $0x80, s17;
	[dreg:$0x9] =	wrdreg s2  }
0x1f: {  	s11 =	simm.s32 $0xD000;
	s13 =	simm.s32 $0x2;
	[dreg:$0x17] =	wrdreg s28  }
0x20: {  	s14 =	simm.s32 $0xF000;
	s2 =	sadd.s32 s7, s22;
	[dreg:$0x18] =	wrdreg s30  }
0x21: {  	v10 =	vimm.f32 $0.0e+00;
	v15 =	vimm.s32 $0x0;
	s22 =	simm.s32 $0x5000;
	[dreg:$0x13] =	wrdreg s2;
	s2 =	simm.s32 $0x100  }
.LBB2_20:
0x22: {  	s5 =	rddreg [dreg:$0x17];
	s8 =	simm.s32 $0x11000  }
0x23: {  	[hbm4b:s5+s18] =	stream.linear.scatter [tilespmem:s8], [sflag:$0x7], $0x2060, $0x38;
	[tilespmem:$0x19240] =	vst v63  }
0x24: {  	_ =	swait.ge [sflag:s19], $0x2060  }
0x25: {  	s10 =	sadd.s32 $0x1, s10;
	s30 =	rddreg [dreg:$0x18]  }
0x26: {  	p2 =	sne.s32 s10, s30  }
.Ltmp1:
0x27: {  	_ = 	snop;
	(pc) =	sbr.rel @!p2 .LBB2_21-.Ltmp1, $3  }
0x28: {  	_ =	sdelay $0x1  }
0x29: {  	[sflag:s19] =	ssyncset.done $0x0  }
0x2a: {  	[sflag:s19] =	ssyncadd.s32 $0xFFFFDFA0  }
.LBB2_1:
0x2b: {  	[dreg:$0x19] =	wrdreg s10  }
0x2c: {  	s5 =	rddreg [dreg:$0x8]  }
0x2d: {  	[tilespmem:s18], [sflag:$0x7] =	stream.linear.gather [hbm4b:s5+s18], $0x800, $0x38;
	[tilespmem:$0x19240] =	vst v63  }
0x2e: {  	_ =	swait.ge [sflag:s19], $0x800  }
0x2f: {  	[sflag:s19] =	ssyncset.done $0x0  }
0x30: {  	s5 =	simm.s32 $0x0;
	[sflag:s19] =	ssyncadd.s32 $0xFFFFF800  }
0x31: {  	v0 =	vld [tilespmem:s5+$0x0];
	_ =	sdelay $0x4  }
0x32: {  	v0 =	vsub.f32 $0.0e+00, v0;
	_ =	sdelay $0x1  }
0x33: {  	v0 =	vmul.f32 $1.442695020e+00, v0  }
0x34: {  	s10 =	simm.s32 $0x10  }
0x35: {  	(erf) = vpow2.f32 v0;
	v0 =	vld [tilespmem:s10+$0x0]  }
0x36: {  	s18 =	simm.s32 $0x20  }
0x37: {  	v1 =	vld [tilespmem:s18+$0x0];
	_ =	sdelay $0x2  }
0x38: {  	v0 =	vsub.f32 $0.0e+00, v0;
	_ =	sdelay $0x1  }
0x39: {  	v1 =	vsub.f32 $0.0e+00, v1;
	v0 =	vmul.f32 $1.442695020e+00, v0;
	_ =	sdelay $0x1  }
0x3a: {  	v1 =	vmul.f32 $1.442695020e+00, v1;
	(erf) = vpow2.f32 v0  }
0x3b: {  	s24 =	simm.s32 $0x30  }
0x3c: {  	v2 =	vpop (erf);
	(erf) = vpow2.f32 v1;
	v1 =	vld [tilespmem:s24+$0x0]  }
0x3d: {  	v0 =	vadd.f32 $1.000000000e+00, v2  }
0x3e: {  	s20 =	simm.s32 $0x40  }
0x3f: {  	(erf) = vrcp.f32 v0;
	v0 =	vld [tilespmem:s20+$0x0];
	_ =	sdelay $0x1  }
0x40: {  	v1 =	vsub.f32 $0.0e+00, v1;
	_ =	sdelay $0x1  }
0x41: {  	v1 =	vmul.f32 $1.442695020e+00, v1;
	v2 =	vpop (erf)  }
0x42: {  	v0 =	vsub.f32 $0.0e+00, v0;
	v2 =	vadd.f32 $1.000000000e+00, v2  }
0x43: {  	(erf) = vpow2.f32 v1  }
0x44: {  	v3 =	vpop (erf);
	v0 =	vmul.f32 $1.442695020e+00, v0;
	(erf) = vrcp.f32 v2  }
0x45: {  	s25 =	simm.s32 $0x50;
	v2 =	vadd.f32 $1.000000000e+00, v3  }
0x46: {  	v1 =	vld [tilespmem:s25+$0x0];
	v4 =	vpop (erf);
	(erf) = vpow2.f32 v0  }
0x47: {  	(erf) = vrcp.f32 v2  }
0x48: {  	v3 =	vmul.f32 v4, v4;
	_ =	sdelay $0x1  }
0x49: {  	s30 =	simm.s32 $0x180;
	v0 =	vadd.f32 v4, v10;
	v2 =	vmul.f32 v3, v4  }
.LBB2_2:
0x4a: {  	s19 =	sshra.s32 s30, $0x2;
	v3 =	vsub.f32 $0.0e+00, v1;
	p2 =	sne.s32 s30, $0x1FC0  }
.Ltmp2:
0x4b: {  	s30 =	sadd.s32 $0x40, s30;
	v1 =	vld [tilespmem:s19+$0x0];
	v4 =	vpop (erf);
	v2 =	vadd.f32 $9.999999710e-10, v2;
	(pc) =	sbr.rel @p2 .LBB2_2-.Ltmp2, $4  }
0x4c: {  	v3 =	vmul.f32 $1.442695020e+00, v3;
	v5 =	vpop (erf)  }
0x4d: {  	v4 =	vadd.f32 $1.000000000e+00, v4;
	v6 =	vmul.f32 v5, v5;
	v0 =	vadd.f32 v5, v0;
	[tilespmem:s5+$0x800] =	vst v2;
	s5 =	smov.u32 s10;
	s10 =	smov.u32 s18;
	s18 =	smov.u32 s24  }
0x4e: {  	s24 =	smov.u32 s20;
	s20 =	smov.u32 s25;
	s25 =	smov.u32 s19;
	(erf) = vpow2.f32 v3  }
0x4f: {  	(erf) = vrcp.f32 v4;
	v2 =	vmul.f32 v6, v5  }
0x50: {  	v1 =	vsub.f32 $0.0e+00, v1;
	_ =	sdelay $0x1  }
0x51: {  	v1 =	vmul.f32 $1.442695020e+00, v1;
	_ =	sdelay $0x1  }
0x52: {  	(erf) = vpow2.f32 v1;
	_ =	sdelay $0x4  }
0x53: {  	v51 =	vpop (erf)  }
0x54: {  	v3 =	vpop (erf)  }
0x55: {  	v4 =	vpop (erf)  }
0x56: {  	v1 =	vadd.f32 $1.000000000e+00, v51;
	v5 =	vpop (erf)  }
0x57: {  	v4 =	vadd.f32 $1.000000000e+00, v4;
	v6 =	vpop (erf)  }
0x58: {  	(erf) = vrcp.f32 v1;
	v52 =	vadd.f32 $1.000000000e+00, v6  }
0x59: {  	(erf) = vrcp.f32 v4  }
0x5a: {  	(erf) = vrcp.f32 v52;
	_ =	sdelay $0x5  }
0x5b: {  	v53 =	vmul.f32 v3, v3  }
0x5c: {  	v0 =	vadd.f32 v3, v0;
	v54 =	vmul.f32 v5, v5;
	v55 =	vpop (erf)  }
0x5d: {  	v2 =	vadd.f32 $9.999999710e-10, v2;
	v1 =	vmul.f32 v53, v3;
	v56 =	vmul.f32 v55, v55;
	v7 =	vpop (erf)  }
0x5e: {  	v0 =	vadd.f32 v5, v0;
	v4 =	vmul.f32 v54, v5;
	v57 =	vmul.f32 v7, v7;
	v8 =	vpop (erf)  }
0x5f: {  	v1 =	vadd.f32 $9.999999710e-10, v1;
	v3 =	vmul.f32 v56, v55;
	v9 =	vmul.f32 v8, v8  }
0x60: {  	[tilespmem:s5+$0x800] =	vst v2;
	v58 =	vadd.f32 $9.999999710e-10, v4;
	v0 =	vadd.f32 v55, v0;
	v59 =	vmul.f32 v57, v7  }
0x61: {  	[tilespmem:s10+$0x800] =	vst v1;
	v60 =	vadd.f32 $9.999999710e-10, v3;
	v61 =	vmul.f32 v9, v8  }
0x62: {  	[tilespmem:s18+$0x800] =	vst v58;
	v0 =	vadd.f32 v7, v0;
	v62 =	vadd.f32 $9.999999710e-10, v59  }
0x63: {  	[tilespmem:s24+$0x800] =	vst v60;
	v63 =	vadd.f32 $9.999999710e-10, v61  }
0x64: {  	v0 =	vadd.f32 v8, v0;
	[tilespmem:s20+$0x800] =	vst v62  }
0x65: {  	[tilespmem:s25+$0x800] =	vst v63  }
0x66: {  	s28 =	simm.s32 $0x0;
	s8 =	rddreg [dreg:$0x9];
	s30 =	simm.s32 $0x15100;
	[tilespmem:$0x15100] =	vst v0  }
0x67: {  	[hbm4b:s8+s28] =	stream.linear.scatter [tilespmem:s30], [sflag:$0x7], $0x80, $0x38;
	[tilespmem:$0x19240] =	vst v63  }
0x68: {  	s8 =	simm.s32 $0x7  }
0x69: {  	_ =	swait.ge [sflag:s8], $0x80  }
0x6a: {  	[sflag:s8] =	ssyncset.done $0x0  }
0x6b: {  	s5 =	simm.s32 $0x40;
	s10 =	simm.s32 $0x0;
	[sflag:s8] =	ssyncadd.s32 $0xFFFFFF80  }
.LBB2_4:
0x6c: {  	p2 =	sne.s32 s5, $0x8140;
	[tilespmem:s10+$0x11000] =	vst v10;
	s10 =	smov.u32 s5;
	s5 =	sadd.s32 $0x40, s5  }
.Ltmp3:
0x6d: {  	(pc) =	sbr.rel @p2 .LBB2_4-.Ltmp3, $2  }
0x6e: {  	_ =	sdelay $0x2  }
0x6f: {  	s10 =	sshra.s32 s10, $0x2  }
0x70: {  	[tilespmem:s10+$0x11000] =	vst v10;
	s5 =	rddreg [dreg:$0xa];
	s20 =	simm.s32 $0x11000  }
0x71: {  	[spmem:s5] =	stream.linear.scatter [tilespmem:s20], [sflag:$0x7], $0x2060, $0x38;
	[tilespmem:$0x19240] =	vst v63  }
0x72: {  	_ =	swait.ge [sflag:s8], $0x2060  }
0x73: {  	s10 =	simm.s32 @p1 $0x11000;
	s18 =	simm.s32 @p1 $0x7;
	[sflag:s8] =	ssyncset.done $0x0  }
0x74: {  	s5 =	simm.s32 @p1 $0x0;
	[sflag:s8] =	ssyncadd.s32 $0xFFFFDFA0;
	s8 =	rddreg [dreg:$0xd]  }
0x75: {  	[tilespmem:s10], [sflag:$0x7] =	stream.linear.gather @p1 [hbm4b:s8+s5], $0x1E60, $0x38;
	[tilespmem:$0x19240] =	vst v63  }
0x76: {  	_ =	swait.ge @p1 [sflag:s18], $0x1E60  }
0x77: {  	[sflag:s18] =	ssyncset.done @p1 $0x0  }
0x78: {  	s19 =	simm.s32 @p1 $0x12E60;
	s8 =	rddreg [dreg:$0xe];
	[sflag:s18] =	ssyncadd.s32 @p1 $0xFFFFE1A0  }
0x79: {  	[tilespmem:s19], [sflag:$0x7] =	stream.linear.gather @p1 [hbm4b:s8+s5], $0x2, $0x38;
	[tilespmem:$0x19240] =	vst v63  }
0x7a: {  	_ =	swait.ge @p1 [sflag:s18], $0x2  }
0x7b: {  	[sflag:s18] =	ssyncset.done @p1 $0x0  }
0x7c: {  	s5 =	rddreg [dreg:$0xf];
	[sflag:s18] =	ssyncadd.s32 @p1 $0xFFFFFFFE  }
0x7d: {  	[spmem:s5] =	stream.linear.scatter @p1 [tilespmem:s10], [sflag:$0x7], $0x1E60, $0x38;
	[tilespmem:$0x19240] =	vst v63  }
0x7e: {  	_ =	swait.ge @p1 [sflag:s18], $0x1E60  }
0x7f: {  	[sflag:s18] =	ssyncset.done @p1 $0x0  }
0x80: {  	s5 =	rddreg [dreg:$0x10];
	[sflag:s18] =	ssyncadd.s32 @p1 $0xFFFFE1A0  }
0x81: {  	[spmem:s5] =	stream.linear.scatter @p1 [tilespmem:s19], [sflag:$0x7], $0x2, $0x38;
	[tilespmem:$0x19240] =	vst v63  }
0x82: {  	_ =	swait.ge @p1 [sflag:s18], $0x2  }
0x83: {  	s10 =	simm.s32 @!p1 $0x11000;
	[sflag:s18] =	ssyncset.done @p1 $0x0  }
0x84: {  	s5 =	simm.s32 @!p1 $0x0;
	s8 =	rddreg [dreg:$0xb];
	[sflag:s18] =	ssyncadd.s32 @p1 $0xFFFFFFFE  }
0x85: {  	[tilespmem:s10], [sflag:$0x7] =	stream.linear.gather @!p1 [hbm4b:s8+s5], $0x2060, $0x38;
	[tilespmem:$0x19240] =	vst v63  }
0x86: {  	s5 =	simm.s32 @!p1 $0x7  }
0x87: {  	_ =	swait.ge @!p1 [sflag:s5], $0x2060  }
0x88: {  	[sflag:s5] =	ssyncset.done @!p1 $0x0  }
0x89: {  	s8 =	rddreg [dreg:$0xc];
	[sflag:s5] =	ssyncadd.s32 @!p1 $0xFFFFDFA0  }
0x8a: {  	[spmem:s8] =	stream.linear.scatter @!p1 [tilespmem:s10], [sflag:$0x7], $0x2060, $0x38;
	[tilespmem:$0x19240] =	vst v63  }
0x8b: {  	_ =	swait.ge @!p1 [sflag:s5], $0x2060  }
0x8c: {  	[sflag:s5] =	ssyncset.done @!p1 $0x0  }
0x8d: {  	[sflag:s5] =	ssyncadd.s32 @!p1 $0xFFFFDFA0  }
0x8e: {  	[bflag:$0x0] =	sbarrier.arrive $0xFFFF  }
0x8f: {  	s25 =	simm.s32 $0x1000;
	s20 =	simm.s32 $0x0;
	s24 =	rddreg [dreg:$0x11]  }
0x90: {  	[tilespmem:s25], [sflag:$0x1] =	stream.linear.gather [hbm4b:s24+s20], $0x2000, $0x38;
	[tilespmem:$0x19240] =	vst v63  }
0x91: {  	s10 =	simm.s32 $0x800;
	s28 =	rddreg [dreg:$0x12]  }
0x92: {  	[tilespmem:s21], [sflag:$0x1] =	stream.strided.gather [hbm4b:s28+s0], $0x2000, s2, s0, $0x38;
	[tilespmem:$0x19240] =	vst v63  }
0x93: {  	s5 =	simm.s32 $0x0;
	s30 =	rddreg [dreg:$0x13];
	s25 =	simm.s32 $0x880  }
0x94: {  	[tilespmem:s22], [sflag:$0x1] =	stream.linear.gather [hbm4b:s30+s20], $0x2000, $0x38;
	[tilespmem:$0x19240] =	vst v63  }
.LBB2_6:
0x95: {  	_ =	swait.ge [sflag:s23], $0x2000  }
0x96: {  	[sflag:s23] =	ssyncset.done $0x0  }
0x97: {  	[sflag:s23] =	ssyncadd.s32 $0xFFFFE000  }
0x98: {  	_ =	swait.ge [sflag:s23], $0x2000  }
0x99: {  	[sflag:s23] =	ssyncset.done $0x0  }
0x9a: {  	[sflag:s23] =	ssyncadd.s32 $0xFFFFE000  }
0x9b: {  	_ =	swait.ge [sflag:s23], $0x2000  }
0x9c: {  	s18 =	sshllo.u32 s5, $0x1;
	p2 =	seq.s32 s5, $0x0;
	[sflag:s23] =	ssyncset.done $0x0  }
0x9d: {  	s19 =	simm.s32 @!p2 $0x6;
	s18 =	sshll.u32 s18, $0x6;
	[sflag:s23] =	ssyncadd.s32 $0xFFFFE000  }
0x9e: {  	[tilespmem:s31], [sflag:$0x3] =	stream.indirect.gather [spmem:s4], $0x1, s22, s29, $0xb8;
	[tilespmem:$0x19240] =	vst v63  }
0x9f: {  	s8 =	simm.s32 $0x9000;
	s18 =	sadd.s32 s17, s18;
	_ =	swait.ge @!p2 [sflag:s19], $0x2000  }
0xa0: {  	s24 =	sshll.u32 s18, $0x4;
	s18 =	sshll.u32 s18, $0x5;
	[sflag:s19] =	ssyncset.done @!p2 $0x0  }
0xa1: {  	s28 =	sadd.s32 s6, s24;
	s18 =	sand.u32 $0x1FFFF800, s18;
	[sflag:s19] =	ssyncadd.s32 @!p2 $0xFFFFE000  }
0xa2: {  	[tilespmem:s8], [sflag:$0x2] =	stream.linear.gather [hbm4b:s28+s20], $0x2000, $0x38;
	[tilespmem:$0x19240] =	vst v63  }
0xa3: {  	s18 =	sadd.s32 s1, s18;
	s28 =	sand.u32 $0x1FFFFC00, s24  }
0xa4: {  	[tilespmem:s9], [sflag:$0x2] =	stream.strided.gather [hbm4b:s18+s0], $0x2000, s2, s0, $0x38;
	[tilespmem:$0x19240] =	vst v63  }
0xa5: {  	s18 =	sadd.s32 s7, s28  }
0xa6: {  	[tilespmem:s11], [sflag:$0x2] =	stream.linear.gather [hbm4b:s18+s20], $0x2000, $0x38;
	[tilespmem:$0x19240] =	vst v63  }
0xa7: {  	_ =	swait.ge [sflag:s12], $0x2000  }
0xa8: {  	[sflag:s12] =	ssyncset.done $0x0  }
0xa9: {  	s30 =	simm.s32 $0x0;
	[sflag:s12] =	ssyncadd.s32 $0xFFFFE000  }
0xaa: {  	v9 =	vld [tilespmem:s30+$0x1000]  }
0xab: {  	v10 =	vld [tilespmem:s30+$0x1010]  }
0xac: {  	v8 =	vld [tilespmem:s30+$0x1020]  }
0xad: {  	v11 =	vld [tilespmem:s30+$0x1030]  }
0xae: {  	v6 =	vld [tilespmem:s30+$0x1040]  }
0xaf: {  	v7 =	vld [tilespmem:s30+$0x1050]  }
0xb0: {  	v4 =	vld [tilespmem:s30+$0x1060]  }
0xb1: {  	v5 =	vld [tilespmem:s30+$0x1070]  }
0xb2: {  	v2 =	vld [tilespmem:s30+$0x1080]  }
0xb3: {  	v3 =	vld [tilespmem:s30+$0x1090]  }
0xb4: {  	v0 =	vld [tilespmem:s30+$0x10A0]  }
0xb5: {  	v1 =	vld [tilespmem:s30+$0x10B0]  }
0xb6: {  	v63 =	vld [tilespmem:s30+$0x10C0]  }
0xb7: {  	v62 =	vld [tilespmem:s30+$0x10D0]  }
0xb8: {  	v61 =	vld [tilespmem:s30+$0x10E0]  }
0xb9: {  	v60 =	vld [tilespmem:s30+$0x10F0]  }
0xba: {  	v59 =	vld [tilespmem:s30+$0x1100]  }
0xbb: {  	v58 =	vld [tilespmem:s30+$0x1110]  }
0xbc: {  	v56 =	vld [tilespmem:s30+$0x1120]  }
0xbd: {  	v55 =	vld [tilespmem:s30+$0x1130]  }
0xbe: {  	v54 =	vld [tilespmem:s30+$0x1140]  }
0xbf: {  	v53 =	vld [tilespmem:s30+$0x1150]  }
0xc0: {  	v52 =	vld [tilespmem:s30+$0x1160]  }
0xc1: {  	v51 =	vld [tilespmem:s30+$0x1170]  }
0xc2: {  	v50 =	vld [tilespmem:s30+$0x1180]  }
0xc3: {  	v49 =	vld [tilespmem:s30+$0x1190]  }
0xc4: {  	v48 =	vld [tilespmem:s30+$0x11A0]  }
0xc5: {  	v47 =	vld [tilespmem:s30+$0x11B0]  }
0xc6: {  	v46 =	vld [tilespmem:s30+$0x11C0]  }
0xc7: {  	v45 =	vld [tilespmem:s30+$0x11D0]  }
0xc8: {  	v44 =	vld [tilespmem:s30+$0x11E0]  }
0xc9: {  	v43 =	vld [tilespmem:s30+$0x11F0]  }
0xca: {  	v42 =	vld [tilespmem:s30+$0x1200]  }
0xcb: {  	v41 =	vld [tilespmem:s30+$0x1210]  }
0xcc: {  	v40 =	vld [tilespmem:s30+$0x1220]  }
0xcd: {  	v39 =	vld [tilespmem:s30+$0x1230]  }
0xce: {  	v38 =	vld [tilespmem:s30+$0x1240]  }
0xcf: {  	v12 =	vld [tilespmem:s30+$0x1350]  }
0xd0: {  	v37 =	vld [tilespmem:s30+$0x1250]  }
0xd1: {  	v36 =	vld [tilespmem:s30+$0x1260]  }
0xd2: {  	v35 =	vld [tilespmem:s30+$0x1270]  }
0xd3: {  	v34 =	vld [tilespmem:s30+$0x1280]  }
0xd4: {  	[tilespmem:$0x1FFC0] =	vst v12;
	v12 =	vld [tilespmem:s30+$0x1360]  }
0xd5: {  	v33 =	vld [tilespmem:s30+$0x1290]  }
0xd6: {  	v32 =	vld [tilespmem:s30+$0x12A0]  }
0xd7: {  	v31 =	vld [tilespmem:s30+$0x12B0]  }
0xd8: {  	v30 =	vld [tilespmem:s30+$0x12C0]  }
0xd9: {  	[tilespmem:$0x1FFD0] =	vst v12;
	v12 =	vld [tilespmem:s30+$0x1370]  }
0xda: {  	v29 =	vld [tilespmem:s30+$0x12D0]  }
0xdb: {  	v28 =	vld [tilespmem:s30+$0x12E0]  }
0xdc: {  	v27 =	vld [tilespmem:s30+$0x12F0]  }
0xdd: {  	v26 =	vld [tilespmem:s30+$0x1300]  }
0xde: {  	[tilespmem:$0x1FFE0] =	vst v12;
	v12 =	vld [tilespmem:s30+$0x1380]  }
0xdf: {  	v25 =	vld [tilespmem:s30+$0x1310]  }
0xe0: {  	v23 =	vld [tilespmem:s30+$0x1320]  }
0xe1: {  	v22 =	vld [tilespmem:s30+$0x1330]  }
0xe2: {  	v21 =	vld [tilespmem:s30+$0x1340]  }
0xe3: {  	s24 =	smov.u32 s10;
	s18 =	simm.s32 $0x1000;
	v24 =	vld [tilespmem:s10+$0x0];
	[tilespmem:$0x1FFF0] =	vst v12  }
.LBB2_7:
0xe4: {  	_ = 	snop  }
0xe5: {  	v12 =	vld [tilespmem:s30+$0x1390]  }
0xe6: {  	v13 =	vld [tilespmem:s30+$0x7010]  }
0xe7: {  	v14 =	vld [tilespmem:s30+$0x7000]  }
0xe8: {  	v16 =	vimm.s32 $0x1;
	v17 =	vld [tilespmem:s30+$0x7020];
	v18 =	vimm.s32 $0x2;
	v15 =	vperm.xlane v24, v15  }
0xe9: {  	v20 =	vld [tilespmem:s30+$0x7050];
	v16 =	vperm.xlane v24, v16;
	v18 =	vperm.xlane v24, v18  }
0xea: {  	[tilespmem:$0x1FFB0] =	vst v12;
	v12 =	vld [tilespmem:s30+$0x7030];
	v9 =	vmul.f32 v9, v15;
	v10 =	vmul.f32 v10, v15  }
0xeb: {  	v57 =	vld [tilespmem:s30+$0x7070];
	v8 =	vmul.f32 v8, v15;
	v11 =	vmul.f32 v11, v15  }
0xec: {  	v15 =	vld [tilespmem:s30+$0x7040];
	v6 =	vmul.f32 v6, v16;
	v10 =	vmul.f32 v13, v10  }
0xed: {  	v7 =	vmul.f32 v7, v16;
	v9 =	vmul.f32 v14, v9;
	v13 =	vld [tilespmem:s30+$0x7060]  }
0xee: {  	v5 =	vmul.f32 v5, v16;
	v8 =	vmul.f32 v17, v8;
	[tilespmem:s30+$0x7010] =	vst v10;
	v10 =	vld [tilespmem:s30+$0x7080]  }
0xef: {  	v7 =	vmul.f32 v20, v7;
	v11 =	vmul.f32 v12, v11;
	v12 =	vld [tilespmem:s30+$0x70B0];
	[tilespmem:s30+$0x7000] =	vst v9  }
0xf0: {  	v4 =	vmul.f32 v4, v16;
	v5 =	vmul.f32 v57, v5;
	v9 =	vld [tilespmem:s30+$0x7090];
	[tilespmem:s30+$0x7020] =	vst v8  }
0xf1: {  	v19 =	vimm.s32 $0x3;
	v2 =	vmul.f32 v2, v18;
	v8 =	vld [tilespmem:s30+$0x70A0];
	[tilespmem:s30+$0x7050] =	vst v7;
	v6 =	vmul.f32 v15, v6  }
0xf2: {  	v19 =	vperm.xlane v24, v19;
	v7 =	vld [tilespmem:s30+$0x70C0];
	[tilespmem:s30+$0x7070] =	vst v5;
	v4 =	vmul.f32 v13, v4  }
0xf3: {  	v3 =	vmul.f32 v3, v18;
	[tilespmem:s30+$0x7040] =	vst v6;
	v6 =	vld [tilespmem:s30+$0x70D0];
	v2 =	vmul.f32 v10, v2  }
0xf4: {  	v0 =	vmul.f32 v0, v18;
	v1 =	vmul.f32 v1, v18;
	[tilespmem:s30+$0x7060] =	vst v4  }
0xf5: {  	v3 =	vmul.f32 v9, v3;
	v4 =	vld [tilespmem:s30+$0x70E0];
	[tilespmem:s30+$0x7080] =	vst v2;
	v2 =	vmul.f32 v63, v19  }
0xf6: {  	[tilespmem:s30+$0x7030] =	vst v11;
	v11 =	vld [tilespmem:s30+$0x70F0];
	v5 =	vmul.f32 v8, v0;
	v9 =	vmul.f32 v62, v19  }
0xf7: {  	v8 =	vmul.f32 v12, v1;
	[tilespmem:s30+$0x7090] =	vst v3;
	v2 =	vmul.f32 v7, v2  }
0xf8: {  	v3 =	vmul.f32 v61, v19;
	[tilespmem:s30+$0x70A0] =	vst v5;
	v5 =	vmul.f32 v6, v9;
	v6 =	vld [tilespmem:s30+$0x7110]  }
0xf9: {  	v10 =	vmul.f32 v60, v19;
	v7 =	vld [tilespmem:s30+$0x7100];
	[tilespmem:s30+$0x70C0] =	vst v2;
	v2 =	vimm.s32 $0x4  }
0xfa: {  	[tilespmem:s30+$0x70B0] =	vst v8;
	v8 =	vimm.s32 $0x5;
	v9 =	vld [tilespmem:s30+$0x7120];
	v3 =	vmul.f32 v4, v3;
	v2 =	vperm.xlane v24, v2  }
0xfb: {  	v12 =	vld [tilespmem:s30+$0x7130];
	v8 =	vperm.xlane v24, v8;
	v4 =	vmul.f32 v11, v10;
	v10 =	vimm.s32 $0x6  }
0xfc: {  	v10 =	vperm.xlane v24, v10;
	[tilespmem:s30+$0x70E0] =	vst v3;
	v3 =	vmul.f32 v59, v2  }
0xfd: {  	v14 =	vld [tilespmem:s30+$0x7150];
	[tilespmem:s30+$0x70F0] =	vst v4;
	v13 =	vmul.f32 v58, v2;
	v4 =	vmul.f32 v56, v2  }
0xfe: {  	v15 =	vld [tilespmem:s30+$0x7140];
	v2 =	vmul.f32 v55, v2;
	v3 =	vmul.f32 v7, v3  }
0xff: {  	[tilespmem:s30+$0x70D0] =	vst v5;
	v5 =	vld [tilespmem:s30+$0x7170];
	v6 =	vmul.f32 v6, v13;
	v4 =	vmul.f32 v9, v4  }
0x100: {  	v7 =	vld [tilespmem:s30+$0x7160];
	v2 =	vmul.f32 v12, v2;
	v12 =	vmul.f32 v53, v8;
	[tilespmem:s30+$0x7100] =	vst v3  }
0x101: {  	v13 =	vld [tilespmem:s30+$0x7190];
	v3 =	vmul.f32 v54, v8;
	[tilespmem:s30+$0x7110] =	vst v6;
	v6 =	vmul.f32 v52, v8  }
0x102: {  	v11 =	vimm.s32 $0x7;
	v8 =	vmul.f32 v51, v8;
	[tilespmem:s30+$0x7120] =	vst v4;
	v4 =	vmul.f32 v14, v12;
	v12 =	vld [tilespmem:s30+$0x71A0]  }
0x103: {  	v11 =	vperm.xlane v24, v11;
	v9 =	vld [tilespmem:s30+$0x71B0];
	v3 =	vmul.f32 v15, v3  }
0x104: {  	v5 =	vmul.f32 v5, v8;
	[tilespmem:s30+$0x7150] =	vst v4;
	v4 =	vmul.f32 v48, v10  }
0x105: {  	[tilespmem:s30+$0x7130] =	vst v2;
	v14 =	vld [tilespmem:s30+$0x71C0];
	v2 =	vmul.f32 v7, v6;
	v7 =	vmul.f32 v49, v10  }
0x106: {  	v16 =	vld [tilespmem:s30+$0x7180];
	[tilespmem:s30+$0x7140] =	vst v3;
	v3 =	vmul.f32 v50, v10;
	v10 =	vmul.f32 v47, v10  }
0x107: {  	v7 =	vmul.f32 v13, v7;
	v13 =	vld [tilespmem:s30+$0x71E0];
	v4 =	vmul.f32 v12, v4  }
0x108: {  	v6 =	vld [tilespmem:s30+$0x71F0];
	[tilespmem:s30+$0x7170] =	vst v5;
	v5 =	vmul.f32 v9, v10;
	v9 =	vmul.f32 v46, v11  }
0x109: {  	v8 =	vld [tilespmem:s30+$0x71D0];
	[tilespmem:s30+$0x7190] =	vst v7  }
0x10a: {  	v17 =	vld [tilespmem:s30+$0x7240];
	v7 =	vmul.f32 v44, v11;
	[tilespmem:s30+$0x71A0] =	vst v4;
	v4 =	vmul.f32 v14, v9  }
0x10b: {  	v10 =	vmul.f32 v45, v11;
	v11 =	vmul.f32 v43, v11;
	v9 =	vld [tilespmem:s30+$0x7210];
	[tilespmem:s30+$0x71B0] =	vst v5  }
0x10c: {  	v5 =	vmul.f32 v13, v7;
	v7 =	vld [tilespmem:s30+$0x7200];
	[tilespmem:s30+$0x71C0] =	vst v4;
	v4 =	vimm.s32 $0x8  }
0x10d: {  	v6 =	vmul.f32 v6, v11;
	v11 =	vld [tilespmem:s30+$0x7220];
	v4 =	vperm.xlane v24, v4  }
0x10e: {  	v12 =	vld [tilespmem:s30+$0x7230];
	v3 =	vmul.f32 v16, v3;
	v8 =	vmul.f32 v8, v10;
	v10 =	vimm.s32 $0x9  }
0x10f: {  	v20 =	vld [tilespmem:$0x1FFE0];
	v10 =	vperm.xlane v24, v10;
	[tilespmem:s30+$0x71E0] =	vst v5;
	v5 =	vmul.f32 v42, v4  }
0x110: {  	v16 =	vld [tilespmem:s30+$0x7250];
	[tilespmem:s30+$0x71F0] =	vst v6;
	v15 =	vmul.f32 v41, v4;
	v6 =	vmul.f32 v40, v4  }
0x111: {  	v0 =	vld [tilespmem:s30+$0x13A0];
	v4 =	vmul.f32 v39, v4;
	v5 =	vmul.f32 v7, v5  }
0x112: {  	v59 =	vld [tilespmem:s30+$0x7280];
	[tilespmem:s30+$0x71D0] =	vst v8;
	v7 =	vmul.f32 v9, v15;
	v6 =	vmul.f32 v11, v6  }
0x113: {  	v14 =	vimm.s32 $0xB;
	v9 =	vld [tilespmem:s30+$0x7260];
	v4 =	vmul.f32 v12, v4;
	v12 =	vmul.f32 v37, v10;
	[tilespmem:s30+$0x7200] =	vst v5  }
0x114: {  	v14 =	vperm.xlane v24, v14;
	v8 =	vld [tilespmem:s30+$0x7270];
	v13 =	vimm.s32 $0xA;
	v5 =	vmul.f32 v38, v10;
	[tilespmem:s30+$0x7210] =	vst v7  }
0x115: {  	v13 =	vperm.xlane v24, v13;
	v15 =	vld [tilespmem:s30+$0x7290];
	[tilespmem:s30+$0x7220] =	vst v6;
	v6 =	vmul.f32 v16, v12  }
0x116: {  	v7 =	vmul.f32 v36, v10;
	v12 =	vld [tilespmem:s30+$0x72A0];
	[tilespmem:s30+$0x7230] =	vst v4;
	v5 =	vmul.f32 v17, v5  }
0x117: {  	v1 =	vld [tilespmem:s30+$0x13B0];
	v10 =	vmul.f32 v35, v10;
	[tilespmem:s30+$0x7250] =	vst v6;
	v6 =	vmul.f32 v32, v13  }
0x118: {  	v11 =	vld [tilespmem:s30+$0x72B0];
	v4 =	vmul.f32 v9, v7;
	[tilespmem:s30+$0x7240] =	vst v5;
	v5 =	vmul.f32 v34, v13  }
0x119: {  	v16 =	vld [tilespmem:s30+$0x72C0];
	v7 =	vmul.f32 v8, v10;
	v9 =	vmul.f32 v33, v13  }
0x11a: {  	v10 =	vld [tilespmem:s30+$0x72D0];
	v13 =	vmul.f32 v31, v13;
	[tilespmem:s30+$0x7260] =	vst v4;
	v4 =	vmul.f32 v59, v5  }
0x11b: {  	v8 =	vld [tilespmem:s30+$0x72F0];
	[tilespmem:s30+$0x7270] =	vst v7;
	v6 =	vmul.f32 v12, v6;
	v5 =	vmul.f32 v15, v9  }
0x11c: {  	v12 =	vmul.f32 v29, v14;
	v9 =	vld [tilespmem:s30+$0x72E0];
	[tilespmem:s30+$0x7280] =	vst v4;
	v4 =	vmul.f32 v30, v14  }
0x11d: {  	v60 =	vld [tilespmem:s30+$0x7350];
	v7 =	vmul.f32 v11, v13;
	[tilespmem:s30+$0x7290] =	vst v5;
	v5 =	vmul.f32 v28, v14  }
0x11e: {  	v62 =	vld [tilespmem:s30+$0x73F0];
	[tilespmem:s30+$0x72A0] =	vst v6;
	v14 =	vmul.f32 v27, v14;
	v4 =	vmul.f32 v16, v4  }
0x11f: {  	v6 =	vmul.f32 v10, v12;
	v10 =	vld [tilespmem:s30+$0x7310];
	[tilespmem:s30+$0x72B0] =	vst v7  }
0x120: {  	v7 =	vmul.f32 v8, v14;
	v8 =	vld [tilespmem:s30+$0x7300];
	[tilespmem:s30+$0x72C0] =	vst v4;
	v4 =	vimm.s32 $0xC  }
0x121: {  	v61 =	vld [tilespmem:s30+$0x7340];
	v5 =	vmul.f32 v9, v5;
	v4 =	vperm.xlane v24, v4  }
0x122: {  	v63 =	vld [tilespmem:s30+$0x73D0];
	[tilespmem:s30+$0x7160] =	vst v2  }
0x123: {  	v2 =	vld [tilespmem:s30+$0x13C0];
	[tilespmem:s30+$0x72E0] =	vst v5;
	v5 =	vmul.f32 v26, v4;
	v17 =	vmul.f32 v25, v4  }
0x124: {  	v15 =	vld [tilespmem:s30+$0x7330]  }
0x125: {  	[tilespmem:s30+$0x7180] =	vst v3;
	v3 =	vld [tilespmem:s30+$0x13D0];
	v9 =	vimm.s32 $0xD;
	v5 =	vmul.f32 v8, v5;
	v8 =	vmul.f32 v10, v17  }
0x126: {  	v12 =	vld [tilespmem:s30+$0x7320];
	v9 =	vperm.xlane v24, v9;
	[tilespmem:s30+$0x72F0] =	vst v7  }
0x127: {  	v7 =	vmul.f32 v23, v4;
	v4 =	vmul.f32 v22, v4;
	[tilespmem:s30+$0x7310] =	vst v8;
	v8 =	vld [tilespmem:$0x1FFD0]  }
0x128: {  	v10 =	vld [tilespmem:s30+$0x7360]  }
0x129: {  	v4 =	vmul.f32 v15, v4;
	v15 =	vld [tilespmem:$0x1FFC0];
	[tilespmem:s30+$0x7300] =	vst v5;
	v5 =	vmul.f32 v21, v9  }
0x12a: {  	v11 =	vld [tilespmem:s30+$0x13E0]  }
0x12b: {  	v13 =	vld [tilespmem:s30+$0x13F0];
	v5 =	vmul.f32 v61, v5  }
0x12c: {  	[tilespmem:s30+$0x72D0] =	vst v6;
	v6 =	vld [tilespmem:s30+$0x7370];
	v8 =	vmul.f32 v8, v9  }
0x12d: {  	v7 =	vmul.f32 v12, v7;
	[tilespmem:s30+$0x7340] =	vst v5;
	v5 =	vld [tilespmem:$0x1FFF0]  }
0x12e: {  	[tilespmem:s30+$0x7330] =	vst v4;
	v15 =	vmul.f32 v15, v9;
	v4 =	vmul.f32 v10, v8;
	v8 =	vld [tilespmem:$0x1FFB0]  }
0x12f: {  	v14 =	vimm.s32 $0xE;
	v9 =	vmul.f32 v20, v9;
	v20 =	vld [tilespmem:s30+$0x7380]  }
0x130: {  	v14 =	vperm.xlane v24, v14;
	v17 =	vld [tilespmem:s30+$0x7390];
	[tilespmem:s30+$0x7320] =	vst v7;
	v7 =	vmul.f32 v60, v15  }
0x131: {  	v16 =	vimm.s32 $0xF;
	v15 =	vld [tilespmem:s30+$0x73A0]  }
0x132: {  	v16 =	vperm.xlane v24, v16;
	v12 =	vld [tilespmem:s30+$0x73B0];
	[tilespmem:s30+$0x7350] =	vst v7;
	v5 =	vmul.f32 v5, v14  }
0x133: {  	s19 =	sshra.s32 s18, $0x2;
	v6 =	vmul.f32 v6, v9;
	v7 =	vld [tilespmem:s30+$0x73C0];
	[tilespmem:s30+$0x7360] =	vst v4;
	v8 =	vmul.f32 v8, v14  }
0x134: {  	v0 =	vmul.f32 v0, v14;
	v9 =	vld [tilespmem:s19+$0x1000];
	v4 =	vmul.f32 v20, v5  }
0x135: {  	v1 =	vmul.f32 v1, v14;
	[tilespmem:s30+$0x7370] =	vst v6;
	v14 =	vld [tilespmem:s30+$0x73E0];
	v5 =	vmul.f32 v17, v8  }
0x136: {  	v2 =	vmul.f32 v2, v16;
	v0 =	vmul.f32 v15, v0;
	v10 =	vld [tilespmem:s19+$0x1010];
	[tilespmem:s30+$0x7380] =	vst v4  }
0x137: {  	v3 =	vmul.f32 v3, v16;
	v1 =	vmul.f32 v12, v1;
	v8 =	vld [tilespmem:s19+$0x1020];
	[tilespmem:s30+$0x7390] =	vst v5  }
0x138: {  	v4 =	vmul.f32 v11, v16;
	v11 =	vld [tilespmem:s19+$0x1030];
	[tilespmem:s30+$0x73A0] =	vst v0;
	v0 =	vmul.f32 v7, v2  }
0x139: {  	v5 =	vmul.f32 v13, v16;
	v2 =	vmul.f32 v63, v3;
	v6 =	vld [tilespmem:s19+$0x1040];
	[tilespmem:s30+$0x73B0] =	vst v1  }
0x13a: {  	v1 =	vmul.f32 v14, v4;
	v7 =	vld [tilespmem:s19+$0x1050];
	[tilespmem:s30+$0x73C0] =	vst v0  }
0x13b: {  	v3 =	vmul.f32 v62, v5;
	v4 =	vld [tilespmem:s19+$0x1060];
	[tilespmem:s30+$0x73D0] =	vst v2  }
0x13c: {  	v5 =	vld [tilespmem:s19+$0x1070];
	[tilespmem:s30+$0x73E0] =	vst v1  }
0x13d: {  	v2 =	vld [tilespmem:s19+$0x1080];
	[tilespmem:s30+$0x73F0] =	vst v3;
	s30 =	smov.u32 s19  }
0x13e: {  	v3 =	vld [tilespmem:s30+$0x1090]  }
0x13f: {  	v0 =	vld [tilespmem:s30+$0x10A0]  }
0x140: {  	v1 =	vld [tilespmem:s30+$0x10B0]  }
0x141: {  	v63 =	vld [tilespmem:s30+$0x10C0]  }
0x142: {  	v62 =	vld [tilespmem:s30+$0x10D0]  }
0x143: {  	v61 =	vld [tilespmem:s30+$0x10E0]  }
0x144: {  	v60 =	vld [tilespmem:s30+$0x10F0]  }
0x145: {  	v59 =	vld [tilespmem:s30+$0x1100]  }
0x146: {  	v58 =	vld [tilespmem:s30+$0x1110]  }
0x147: {  	v56 =	vld [tilespmem:s30+$0x1120]  }
0x148: {  	v55 =	vld [tilespmem:s30+$0x1130]  }
0x149: {  	v54 =	vld [tilespmem:s30+$0x1140]  }
0x14a: {  	v53 =	vld [tilespmem:s30+$0x1150]  }
0x14b: {  	v52 =	vld [tilespmem:s30+$0x1160]  }
0x14c: {  	v51 =	vld [tilespmem:s30+$0x1170]  }
0x14d: {  	v50 =	vld [tilespmem:s30+$0x1180]  }
0x14e: {  	v49 =	vld [tilespmem:s30+$0x1190]  }
0x14f: {  	v48 =	vld [tilespmem:s30+$0x11A0]  }
0x150: {  	v47 =	vld [tilespmem:s30+$0x11B0]  }
0x151: {  	v46 =	vld [tilespmem:s30+$0x11C0]  }
0x152: {  	v45 =	vld [tilespmem:s30+$0x11D0]  }
0x153: {  	v44 =	vld [tilespmem:s30+$0x11E0]  }
0x154: {  	v43 =	vld [tilespmem:s30+$0x11F0]  }
0x155: {  	v42 =	vld [tilespmem:s30+$0x1200]  }
0x156: {  	v41 =	vld [tilespmem:s30+$0x1210]  }
0x157: {  	v40 =	vld [tilespmem:s30+$0x1220]  }
0x158: {  	v39 =	vld [tilespmem:s30+$0x1230]  }
0x159: {  	v38 =	vld [tilespmem:s30+$0x1240]  }
0x15a: {  	v12 =	vld [tilespmem:s30+$0x1350]  }
0x15b: {  	v37 =	vld [tilespmem:s30+$0x1250]  }
0x15c: {  	v36 =	vld [tilespmem:s30+$0x1260]  }
0x15d: {  	v35 =	vld [tilespmem:s30+$0x1270]  }
0x15e: {  	v34 =	vld [tilespmem:s30+$0x1280]  }
0x15f: {  	[tilespmem:$0x1FFC0] =	vst v12;
	v12 =	vld [tilespmem:s30+$0x1360]  }
0x160: {  	v33 =	vld [tilespmem:s30+$0x1290]  }
0x161: {  	v32 =	vld [tilespmem:s30+$0x12A0]  }
0x162: {  	v31 =	vld [tilespmem:s30+$0x12B0]  }
0x163: {  	v30 =	vld [tilespmem:s30+$0x12C0]  }
0x164: {  	[tilespmem:$0x1FFD0] =	vst v12;
	v12 =	vld [tilespmem:s30+$0x1370]  }
0x165: {  	v29 =	vld [tilespmem:s30+$0x12D0]  }
0x166: {  	v28 =	vld [tilespmem:s30+$0x12E0]  }
0x167: {  	v27 =	vld [tilespmem:s30+$0x12F0]  }
0x168: {  	v26 =	vld [tilespmem:s30+$0x1300]  }
0x169: {  	p2 =	sne.s32 s18, $0x7000;
	[tilespmem:$0x1FFE0] =	vst v12;
	v12 =	vld [tilespmem:s30+$0x1380]  }
.Ltmp4:
0x16a: {  	v25 =	vld [tilespmem:s30+$0x1310];
	(pc) =	sbr.rel @p2 .LBB2_7-.Ltmp4, $4  }
0x16b: {  	v23 =	vld [tilespmem:s30+$0x1320]  }
0x16c: {  	v22 =	vld [tilespmem:s30+$0x1330]  }
0x16d: {  	s24 =	sadd.s32 $0x10, s24;
	v21 =	vld [tilespmem:s30+$0x1340]  }
0x16e: {  	s18 =	sadd.s32 $0x1000, s18;
	v15 =	vimm.s32 $0x0;
	v24 =	vld [tilespmem:s24+$0x0];
	[tilespmem:$0x1FFF0] =	vst v12  }
0x16f: {  	_ =	sdelay $0x2  }
0x170: {  	v14 =	vld [tilespmem:s30+$0x7010];
	v16 =	vimm.s32 $0x0  }
0x171: {  	v16 =	vperm.xlane v24, v16;
	_ =	sdelay $0x1  }
0x172: {  	v15 =	vld [tilespmem:s30+$0x7000];
	v10 =	vmul.f32 v10, v16  }
0x173: {  	v17 =	vld [tilespmem:s30+$0x7020]  }
0x174: {  	v10 =	vmul.f32 v14, v10;
	_ =	sdelay $0x1  }
0x175: {  	v18 =	vld [tilespmem:s30+$0x7070];
	v9 =	vmul.f32 v9, v16;
	v8 =	vmul.f32 v8, v16;
	[tilespmem:s30+$0x7010] =	vst v10;
	v10 =	vimm.s32 $0x1  }
0x176: {  	v10 =	vperm.xlane v24, v10  }
0x177: {  	v19 =	vld [tilespmem:s30+$0x7050];
	v9 =	vmul.f32 v15, v9;
	v8 =	vmul.f32 v17, v8  }
0x178: {  	v13 =	vld [tilespmem:s30+$0x7030];
	v6 =	vmul.f32 v6, v10;
	v5 =	vmul.f32 v5, v10  }
0x179: {  	[tilespmem:s30+$0x7020] =	vst v8;
	v8 =	vld [tilespmem:s30+$0x70A0];
	v7 =	vmul.f32 v7, v10;
	v4 =	vmul.f32 v4, v10;
	v10 =	vimm.s32 $0x2  }
0x17a: {  	v15 =	vld [tilespmem:s30+$0x7060];
	v10 =	vperm.xlane v24, v10;
	v5 =	vmul.f32 v18, v5  }
0x17b: {  	[tilespmem:s30+$0x7000] =	vst v9;
	v9 =	vmul.f32 v11, v16  }
0x17c: {  	v57 =	vld [tilespmem:s30+$0x70B0];
	v7 =	vmul.f32 v19, v7;
	[tilespmem:s30+$0x7070] =	vst v5;
	v5 =	vmul.f32 v0, v10  }
0x17d: {  	v11 =	vld [tilespmem:s30+$0x7090]  }
0x17e: {  	v9 =	vmul.f32 v13, v9;
	[tilespmem:s30+$0x7050] =	vst v7;
	v7 =	vld [tilespmem:s30+$0x70C0];
	v5 =	vmul.f32 v8, v5;
	v8 =	vimm.s32 $0x3  }
0x17f: {  	v4 =	vmul.f32 v15, v4;
	v8 =	vperm.xlane v24, v8  }
0x180: {  	v20 =	vld [tilespmem:s30+$0x7040];
	v3 =	vmul.f32 v3, v10;
	v1 =	vmul.f32 v1, v10  }
0x181: {  	[tilespmem:s30+$0x7030] =	vst v9;
	v9 =	vld [tilespmem:s30+$0x70F0];
	v2 =	vmul.f32 v2, v10;
	v10 =	vmul.f32 v63, v8  }
0x182: {  	v3 =	vmul.f32 v11, v3;
	v1 =	vmul.f32 v57, v1  }
0x183: {  	v11 =	vmul.f32 v62, v8;
	v7 =	vmul.f32 v7, v10  }
0x184: {  	[tilespmem:s30+$0x7060] =	vst v4;
	v4 =	vld [tilespmem:s30+$0x70E0];
	v10 =	vmul.f32 v61, v8;
	v8 =	vmul.f32 v60, v8  }
0x185: {  	v6 =	vmul.f32 v20, v6  }
0x186: {  	[tilespmem:s30+$0x70B0] =	vst v1;
	v1 =	vld [tilespmem:s30+$0x7100];
	v8 =	vmul.f32 v9, v8;
	v9 =	vimm.s32 $0x4  }
0x187: {  	[tilespmem:s30+$0x7040] =	vst v6;
	v6 =	vld [tilespmem:s30+$0x70D0];
	v9 =	vperm.xlane v24, v9;
	_ =	sdelay $0x1  }
0x188: {  	v4 =	vmul.f32 v4, v10;
	v10 =	vmul.f32 v59, v9  }
0x189: {  	[tilespmem:s30+$0x70A0] =	vst v5;
	v5 =	vld [tilespmem:s30+$0x7110]  }
0x18a: {  	[tilespmem:s30+$0x7090] =	vst v3;
	v3 =	vld [tilespmem:s30+$0x7130];
	v1 =	vmul.f32 v1, v10  }
0x18b: {  	v6 =	vmul.f32 v6, v11;
	[tilespmem:s30+$0x70F0] =	vst v8  }
0x18c: {  	v8 =	vld [tilespmem:s30+$0x7140];
	v11 =	vmul.f32 v58, v9;
	v58 =	vmul.f32 v56, v9;
	[tilespmem:s30+$0x7100] =	vst v1;
	v1 =	vimm.s32 $0x5  }
0x18d: {  	v9 =	vmul.f32 v55, v9;
	v1 =	vperm.xlane v24, v1  }
0x18e: {  	v5 =	vmul.f32 v5, v11  }
0x18f: {  	[tilespmem:s30+$0x70D0] =	vst v6;
	v3 =	vmul.f32 v3, v9;
	v9 =	vmul.f32 v54, v1  }
0x190: {  	[tilespmem:s30+$0x70E0] =	vst v4;
	v10 =	vld [tilespmem:s30+$0x7160]  }
0x191: {  	v6 =	vld [tilespmem:s30+$0x7170];
	[tilespmem:s30+$0x7110] =	vst v5;
	v8 =	vmul.f32 v8, v9  }
0x192: {  	v4 =	vld [tilespmem:s30+$0x7150];
	[tilespmem:s30+$0x7130] =	vst v3  }
0x193: {  	v5 =	vld [tilespmem:s30+$0x7180];
	v59 =	vmul.f32 v53, v1;
	v3 =	vmul.f32 v52, v1;
	[tilespmem:s30+$0x7140] =	vst v8;
	v8 =	vimm.s32 $0x6  }
0x194: {  	v11 =	vld [tilespmem:s30+$0x7190];
	v1 =	vmul.f32 v51, v1;
	v8 =	vperm.xlane v24, v8  }
0x195: {  	v3 =	vmul.f32 v10, v3  }
0x196: {  	v1 =	vmul.f32 v6, v1;
	v6 =	vmul.f32 v50, v8  }
0x197: {  	v57 =	vld [tilespmem:s30+$0x71B0];
	v4 =	vmul.f32 v4, v59;
	[tilespmem:s30+$0x7160] =	vst v3;
	v3 =	vmul.f32 v49, v8  }
0x198: {  	[tilespmem:s30+$0x70C0] =	vst v7;
	v7 =	vld [tilespmem:s30+$0x7120];
	v5 =	vmul.f32 v5, v6  }
0x199: {  	[tilespmem:s30+$0x7150] =	vst v4;
	v4 =	vld [tilespmem:s30+$0x71C0];
	v11 =	vmul.f32 v11, v3;
	v3 =	vimm.s32 $0x7  }
0x19a: {  	[tilespmem:s30+$0x7180] =	vst v5;
	v5 =	vperm.xlane v24, v3  }
0x19b: {  	v6 =	vmul.f32 v48, v8;
	v8 =	vmul.f32 v47, v8  }
0x19c: {  	v9 =	vld [tilespmem:s30+$0x71F0];
	[tilespmem:s30+$0x7190] =	vst v11;
	v11 =	vmul.f32 v46, v5  }
0x19d: {  	v7 =	vmul.f32 v7, v58;
	v8 =	vmul.f32 v57, v8  }
0x19e: {  	v61 =	vmul.f32 v45, v5;
	v4 =	vmul.f32 v4, v11  }
0x19f: {  	[tilespmem:s30+$0x7120] =	vst v7;
	v7 =	vld [tilespmem:s30+$0x71A0];
	v11 =	vmul.f32 v44, v5;
	v5 =	vmul.f32 v43, v5;
	_ =	sdelay $0x1  }
0x1a0: {  	[tilespmem:s30+$0x71B0] =	vst v8;
	v8 =	vld [tilespmem:s30+$0x7200];
	v5 =	vmul.f32 v9, v5;
	v9 =	vimm.s32 $0x8  }
0x1a1: {  	v9 =	vperm.xlane v24, v9;
	_ =	sdelay $0x1  }
0x1a2: {  	v6 =	vmul.f32 v7, v6;
	v62 =	vmul.f32 v42, v9  }
0x1a3: {  	v10 =	vld [tilespmem:s30+$0x71E0]  }
0x1a4: {  	v7 =	vld [tilespmem:s30+$0x7230];
	[tilespmem:s30+$0x71A0] =	vst v6;
	v8 =	vmul.f32 v8, v62  }
0x1a5: {  	v6 =	vld [tilespmem:s30+$0x7210];
	[tilespmem:s30+$0x71F0] =	vst v5  }
0x1a6: {  	v5 =	vld [tilespmem:s30+$0x7240];
	v63 =	vmul.f32 v41, v9;
	v43 =	vmul.f32 v40, v9;
	[tilespmem:s30+$0x7200] =	vst v8;
	v8 =	vimm.s32 $0x9  }
0x1a7: {  	v17 =	vld [tilespmem:s30+$0x7080];
	v9 =	vmul.f32 v39, v9;
	v8 =	vperm.xlane v24, v8;
	_ =	sdelay $0x1  }
0x1a8: {  	v7 =	vmul.f32 v7, v9;
	v9 =	vmul.f32 v38, v8  }
0x1a9: {  	v12 =	vld [tilespmem:s30+$0x1390];
	v6 =	vmul.f32 v6, v63  }
0x1aa: {  	v10 =	vmul.f32 v10, v11;
	v11 =	vld [tilespmem:s30+$0x7270];
	v5 =	vmul.f32 v5, v9  }
0x1ab: {  	v0 =	vld [tilespmem:s30+$0x13B0];
	v19 =	vmul.f32 v17, v2;
	[tilespmem:s30+$0x7210] =	vst v6  }
0x1ac: {  	v6 =	vld [tilespmem:s30+$0x7280];
	v45 =	vmul.f32 v37, v8;
	v9 =	vmul.f32 v36, v8;
	[tilespmem:s30+$0x7240] =	vst v5;
	v5 =	vimm.s32 $0xA  }
0x1ad: {  	v2 =	vld [tilespmem:s30+$0x13A0];
	v8 =	vmul.f32 v35, v8;
	v5 =	vperm.xlane v24, v5  }
0x1ae: {  	v60 =	vld [tilespmem:s30+$0x71D0]  }
0x1af: {  	[tilespmem:s30+$0x71C0] =	vst v4;
	v4 =	vld [tilespmem:s30+$0x7220];
	v8 =	vmul.f32 v11, v8;
	v11 =	vmul.f32 v34, v5  }
0x1b0: {  	v42 =	vld [tilespmem:s30+$0x72B0]  }
0x1b1: {  	v55 =	vld [tilespmem:s30+$0x7360];
	v6 =	vmul.f32 v6, v11  }
0x1b2: {  	v56 =	vld [tilespmem:s30+$0x73B0];
	v47 =	vmul.f32 v33, v5  }
0x1b3: {  	v41 =	vld [tilespmem:s30+$0x7260];
	v11 =	vmul.f32 v32, v5;
	v5 =	vmul.f32 v31, v5;
	[tilespmem:s30+$0x7280] =	vst v6;
	v6 =	vimm.s32 $0xB  }
0x1b4: {  	[tilespmem:s30+$0x7230] =	vst v7;
	v7 =	vld [tilespmem:s30+$0x72F0];
	v6 =	vperm.xlane v24, v6  }
0x1b5: {  	v58 =	vld [tilespmem:s30+$0x7390];
	v4 =	vmul.f32 v4, v43;
	v5 =	vmul.f32 v42, v5  }
0x1b6: {  	[tilespmem:s30+$0x71E0] =	vst v10;
	v10 =	vld [tilespmem:s30+$0x7250];
	v49 =	vmul.f32 v30, v6;
	v50 =	vmul.f32 v29, v6  }
0x1b7: {  	v52 =	vld [tilespmem:s30+$0x7370];
	v51 =	vmul.f32 v28, v6;
	v6 =	vmul.f32 v27, v6  }
0x1b8: {  	[tilespmem:s30+$0x7220] =	vst v4;
	v4 =	vld [tilespmem:s30+$0x72A0];
	v9 =	vmul.f32 v41, v9  }
0x1b9: {  	[tilespmem:s30+$0x72B0] =	vst v5;
	v5 =	vld [tilespmem:s30+$0x7300];
	v6 =	vmul.f32 v7, v6;
	v7 =	vimm.s32 $0xC  }
0x1ba: {  	[tilespmem:s30+$0x7260] =	vst v9;
	v9 =	vld [tilespmem:s30+$0x72E0];
	v7 =	vperm.xlane v24, v7  }
0x1bb: {  	v59 =	vld [tilespmem:$0x1FFC0];
	v10 =	vmul.f32 v10, v45  }
0x1bc: {  	[tilespmem:s30+$0x7170] =	vst v1;
	v1 =	vld [tilespmem:s30+$0x13C0];
	v53 =	vmul.f32 v26, v7  }
0x1bd: {  	[tilespmem:s30+$0x7250] =	vst v10;
	v10 =	vld [tilespmem:s30+$0x72C0]  }
0x1be: {  	v4 =	vmul.f32 v4, v11;
	v11 =	vld [tilespmem:s30+$0x7330];
	v5 =	vmul.f32 v5, v53  }
0x1bf: {  	v44 =	vld [tilespmem:s30+$0x7290];
	v9 =	vmul.f32 v9, v51;
	[tilespmem:s30+$0x72F0] =	vst v6  }
0x1c0: {  	v6 =	vld [tilespmem:s30+$0x7340];
	v54 =	vmul.f32 v25, v7;
	v57 =	vmul.f32 v23, v7;
	[tilespmem:s30+$0x7300] =	vst v5;
	v5 =	vimm.s32 $0xD  }
0x1c1: {  	[tilespmem:s30+$0x72A0] =	vst v4;
	v4 =	vld [tilespmem:s30+$0x7310];
	v7 =	vmul.f32 v22, v7;
	v5 =	vperm.xlane v24, v5  }
0x1c2: {  	[tilespmem:s30+$0x7080] =	vst v19;
	v46 =	vld [tilespmem:s30+$0x72D0];
	v13 =	vmul.f32 v60, v61;
	v10 =	vmul.f32 v10, v49  }
0x1c3: {  	[tilespmem:s30+$0x72E0] =	vst v9;
	v9 =	vld [tilespmem:s30+$0x7350];
	v7 =	vmul.f32 v11, v7;
	v11 =	vmul.f32 v21, v5  }
0x1c4: {  	[tilespmem:s30+$0x72C0] =	vst v10;
	v10 =	vld [tilespmem:s30+$0x7320]  }
0x1c5: {  	[tilespmem:s30+$0x71D0] =	vst v13;
	v13 =	vmul.f32 v44, v47;
	v6 =	vmul.f32 v6, v11;
	v11 =	vld [tilespmem:$0x1FFD0]  }
0x1c6: {  	v61 =	vld [tilespmem:$0x1FFE0];
	[tilespmem:s30+$0x7270] =	vst v8;
	v4 =	vmul.f32 v4, v54;
	v18 =	vmul.f32 v59, v5  }
0x1c7: {  	v62 =	vld [tilespmem:$0x1FFF0];
	[tilespmem:s30+$0x7290] =	vst v13  }
0x1c8: {  	v48 =	vld [tilespmem:s30+$0x13F0];
	[tilespmem:s30+$0x7310] =	vst v4;
	v9 =	vmul.f32 v9, v18  }
0x1c9: {  	v15 =	vmul.f32 v46, v50;
	v10 =	vmul.f32 v10, v57;
	v4 =	vld [tilespmem:s30+$0x7380];
	[tilespmem:s30+$0x7340] =	vst v6;
	v6 =	vimm.s32 $0xE  }
0x1ca: {  	v3 =	vld [tilespmem:s30+$0x13D0];
	[tilespmem:s30+$0x7350] =	vst v9;
	v9 =	vimm.s32 $0xF;
	v6 =	vperm.xlane v24, v6;
	v11 =	vmul.f32 v11, v5  }
0x1cb: {  	[tilespmem:s30+$0x7320] =	vst v10;
	v10 =	vld [tilespmem:s30+$0x73A0];
	v9 =	vperm.xlane v24, v9;
	v5 =	vmul.f32 v61, v5  }
0x1cc: {  	v60 =	vld [tilespmem:s30+$0x73D0];
	[tilespmem:s30+$0x72D0] =	vst v15;
	v15 =	vmul.f32 v62, v6;
	v11 =	vmul.f32 v55, v11  }
0x1cd: {  	v63 =	vld [tilespmem:s30+$0x73C0];
	[tilespmem:s30+$0x7330] =	vst v7;
	v12 =	vmul.f32 v12, v6;
	v5 =	vmul.f32 v52, v5  }
0x1ce: {  	v8 =	vld [tilespmem:s30+$0x13E0];
	v2 =	vmul.f32 v2, v6;
	v4 =	vmul.f32 v4, v15;
	[tilespmem:s30+$0x7360] =	vst v11  }
0x1cf: {  	v7 =	vld [tilespmem:s30+$0x73F0];
	v0 =	vmul.f32 v0, v6;
	v6 =	vmul.f32 v58, v12;
	[tilespmem:s30+$0x7370] =	vst v5  }
0x1d0: {  	v1 =	vmul.f32 v1, v9;
	v2 =	vmul.f32 v10, v2;
	v11 =	vld [tilespmem:s30+$0x73E0];
	[tilespmem:s30+$0x7380] =	vst v4  }
0x1d1: {  	v3 =	vmul.f32 v3, v9;
	v0 =	vmul.f32 v56, v0;
	[tilespmem:s30+$0x7390] =	vst v6  }
0x1d2: {  	v1 =	vmul.f32 v63, v1;
	[tilespmem:s30+$0x73A0] =	vst v2;
	v2 =	vmul.f32 v48, v9  }
0x1d3: {  	v3 =	vmul.f32 v60, v3;
	v4 =	vmul.f32 v8, v9;
	[tilespmem:s30+$0x73B0] =	vst v0  }
0x1d4: {  	[tilespmem:s30+$0x73C0] =	vst v1;
	v1 =	vmul.f32 v7, v2  }
0x1d5: {  	[tilespmem:s30+$0x73D0] =	vst v3;
	v0 =	vmul.f32 v11, v4  }
0x1d6: {  	[tilespmem:s30+$0x73F0] =	vst v1  }
0x1d7: {  	[tilespmem:s30+$0x73E0] =	vst v0  }
0x1d8: {  	[spmem:s3] =	stream.indirect.scatter.add.f32 [tilespmem:s31], [sflag:$0x5], $0x1, s21, s29, $0xb8;
	[tilespmem:$0x19240] =	vst v63  }
0x1d9: {  	_ =	swait.ge [sflag:s13], $0x2000  }
0x1da: {  	[sflag:s13] =	ssyncset.done $0x0  }
0x1db: {  	[sflag:s13] =	ssyncadd.s32 $0xFFFFE000  }
0x1dc: {  	_ =	swait.ge [sflag:s13], $0x2000  }
0x1dd: {  	[sflag:s13] =	ssyncset.done $0x0  }
0x1de: {  	[sflag:s13] =	ssyncadd.s32 $0xFFFFE000  }
0x1df: {  	p2 =	seq.s32 s5, $0x7;
	_ =	swait.ge [sflag:s13], $0x2000  }
0x1e0: {  	s18 =	sshll.u32 @!p2 s5, $0x7;
	[sflag:s13] =	ssyncset.done $0x0  }
0x1e1: {  	s28 =	simm.s32 @!p2 $0x1000;
	s18 =	sadd.s32 @!p2 s18, s26;
	[sflag:s13] =	ssyncadd.s32 $0xFFFFE000  }
0x1e2: {  	[tilespmem:s14], [sflag:$0x4] =	stream.indirect.gather [spmem:s4], $0x1, s11, s29, $0xb8;
	[tilespmem:$0x19240] =	vst v63  }
0x1e3: {  	s8 =	simm.s32 @!p2 $0x3000;
	s19 =	sshll.u32 @!p2 s18, $0x4;
	_ =	swait.ge [sflag:s15], $0x2000  }
0x1e4: {  	s18 =	sshll.u32 @!p2 s18, $0x5;
	s24 =	sadd.s32 @!p2 s6, s19;
	[sflag:s15] =	ssyncset.done $0x0  }
0x1e5: {  	s18 =	sand.u32 @!p2 $0x1FFFF000, s18;
	s30 =	simm.s32 @!p2 $0x0;
	[sflag:s15] =	ssyncadd.s32 $0xFFFFE000  }
0x1e6: {  	[tilespmem:s28], [sflag:$0x1] =	stream.linear.gather @!p2 [hbm4b:s24+s30], $0x2000, $0x38;
	[tilespmem:$0x19240] =	vst v63  }
0x1e7: {  	s18 =	sadd.s32 @!p2 s1, s18;
	s24 =	simm.s32 @!p2 $0x80;
	s28 =	simm.s32 @!p2 $0x100  }
0x1e8: {  	[tilespmem:s8], [sflag:$0x1] =	stream.strided.gather @!p2 [hbm4b:s18+s24], $0x2000, s28, s24, $0x38;
	[tilespmem:$0x19240] =	vst v63  }
0x1e9: {  	s8 =	sand.u32 @!p2 $0x1FFFF800, s19  }
0x1ea: {  	s18 =	simm.s32 @!p2 $0x5000;
	s8 =	sadd.s32 @!p2 s7, s8  }
0x1eb: {  	[tilespmem:s18], [sflag:$0x1] =	stream.linear.gather @!p2 [hbm4b:s8+s30], $0x2000, $0x38;
	[tilespmem:$0x19240] =	vst v63  }
0x1ec: {  	_ =	swait.ge [sflag:s16], $0x2000  }
0x1ed: {  	[sflag:s16] =	ssyncset.done $0x0  }
0x1ee: {  	s30 =	simm.s32 $0x0;
	[sflag:s16] =	ssyncadd.s32 $0xFFFFE000  }
0x1ef: {  	v9 =	vld [tilespmem:s30+$0x9000]  }
0x1f0: {  	v10 =	vld [tilespmem:s30+$0x9010]  }
0x1f1: {  	v8 =	vld [tilespmem:s30+$0x9020]  }
0x1f2: {  	v11 =	vld [tilespmem:s30+$0x9030]  }
0x1f3: {  	v6 =	vld [tilespmem:s30+$0x9040]  }
0x1f4: {  	v7 =	vld [tilespmem:s30+$0x9050]  }
0x1f5: {  	v4 =	vld [tilespmem:s30+$0x9060]  }
0x1f6: {  	v5 =	vld [tilespmem:s30+$0x9070]  }
0x1f7: {  	v2 =	vld [tilespmem:s30+$0x9080]  }
0x1f8: {  	v3 =	vld [tilespmem:s30+$0x9090]  }
0x1f9: {  	v0 =	vld [tilespmem:s30+$0x90A0]  }
0x1fa: {  	v1 =	vld [tilespmem:s30+$0x90B0]  }
0x1fb: {  	v63 =	vld [tilespmem:s30+$0x90C0]  }
0x1fc: {  	v62 =	vld [tilespmem:s30+$0x90D0]  }
0x1fd: {  	v61 =	vld [tilespmem:s30+$0x90E0]  }
0x1fe: {  	v60 =	vld [tilespmem:s30+$0x90F0]  }
0x1ff: {  	v59 =	vld [tilespmem:s30+$0x9100]  }
0x200: {  	v58 =	vld [tilespmem:s30+$0x9110]  }
0x201: {  	v55 =	vld [tilespmem:s30+$0x9120]  }
0x202: {  	v56 =	vld [tilespmem:s30+$0x9130]  }
0x203: {  	v54 =	vld [tilespmem:s30+$0x9140]  }
0x204: {  	v53 =	vld [tilespmem:s30+$0x9150]  }
0x205: {  	v51 =	vld [tilespmem:s30+$0x9160]  }
0x206: {  	v52 =	vld [tilespmem:s30+$0x9170]  }
0x207: {  	v50 =	vld [tilespmem:s30+$0x9180]  }
0x208: {  	v49 =	vld [tilespmem:s30+$0x9190]  }
0x209: {  	v47 =	vld [tilespmem:s30+$0x91A0]  }
0x20a: {  	v48 =	vld [tilespmem:s30+$0x91B0]  }
0x20b: {  	v46 =	vld [tilespmem:s30+$0x91C0]  }
0x20c: {  	v45 =	vld [tilespmem:s30+$0x91D0]  }
0x20d: {  	v44 =	vld [tilespmem:s30+$0x91E0]  }
0x20e: {  	v43 =	vld [tilespmem:s30+$0x91F0]  }
0x20f: {  	v42 =	vld [tilespmem:s30+$0x9200]  }
0x210: {  	v41 =	vld [tilespmem:s30+$0x9210]  }
0x211: {  	v39 =	vld [tilespmem:s30+$0x9220]  }
0x212: {  	v40 =	vld [tilespmem:s30+$0x9230]  }
0x213: {  	v38 =	vld [tilespmem:s30+$0x9240]  }
0x214: {  	v37 =	vld [tilespmem:s30+$0x9250]  }
0x215: {  	v35 =	vld [tilespmem:s30+$0x9260]  }
0x216: {  	v36 =	vld [tilespmem:s30+$0x9270]  }
0x217: {  	v34 =	vld [tilespmem:s30+$0x9280]  }
0x218: {  	v33 =	vld [tilespmem:s30+$0x9290]  }
0x219: {  	v31 =	vld [tilespmem:s30+$0x92A0]  }
0x21a: {  	v32 =	vld [tilespmem:s30+$0x92B0]  }
0x21b: {  	v30 =	vld [tilespmem:s30+$0x92C0]  }
0x21c: {  	v29 =	vld [tilespmem:s30+$0x92D0]  }
0x21d: {  	v28 =	vld [tilespmem:s30+$0x92E0]  }
0x21e: {  	v27 =	vld [tilespmem:s30+$0x92F0]  }
0x21f: {  	v26 =	vld [tilespmem:s30+$0x9300]  }
0x220: {  	v17 =	vld [tilespmem:s30+$0x9350]  }
0x221: {  	v18 =	vld [tilespmem:s30+$0x9360]  }
0x222: {  	v19 =	vld [tilespmem:s30+$0x9370]  }
0x223: {  	v57 =	vld [tilespmem:s30+$0x9380]  }
0x224: {  	v25 =	vld [tilespmem:s30+$0x9310]  }
0x225: {  	v22 =	vld [tilespmem:s30+$0x9320];
	[tilespmem:$0x1FF70] =	vst v17  }
0x226: {  	v23 =	vld [tilespmem:s30+$0x9330];
	[tilespmem:$0x1FF80] =	vst v18  }
0x227: {  	v21 =	vld [tilespmem:s30+$0x9340];
	[tilespmem:$0x1FF90] =	vst v19  }
0x228: {  	s24 =	smov.u32 s25;
	s18 =	simm.s32 $0x1000;
	v24 =	vld [tilespmem:s25+$0x0];
	[tilespmem:$0x1FFA0] =	vst v57  }
.LBB2_9:
0x229: {  	_ = 	snop  }
0x22a: {  	v12 =	vld [tilespmem:s30+$0x9390]  }
0x22b: {  	v13 =	vld [tilespmem:s30+$0xF010]  }
0x22c: {  	v14 =	vld [tilespmem:s30+$0xF000];
	v15 =	vimm.s32 $0x0  }
0x22d: {  	v16 =	vimm.s32 $0x1;
	v17 =	vld [tilespmem:s30+$0xF020];
	v18 =	vimm.s32 $0x2;
	v15 =	vperm.xlane v24, v15  }
0x22e: {  	v57 =	vld [tilespmem:s30+$0xF070];
	v19 =	vimm.s32 $0x3;
	v16 =	vperm.xlane v24, v16;
	v18 =	vperm.xlane v24, v18  }
0x22f: {  	v20 =	vld [tilespmem:s30+$0xF050];
	v19 =	vperm.xlane v24, v19;
	v9 =	vmul.f32 v9, v15  }
0x230: {  	[tilespmem:$0x1FF60] =	vst v12;
	v12 =	vld [tilespmem:s30+$0xF030];
	v10 =	vmul.f32 v10, v15;
	v8 =	vmul.f32 v8, v15  }
0x231: {  	v11 =	vmul.f32 v11, v15;
	v15 =	vld [tilespmem:s30+$0xF040];
	v9 =	vmul.f32 v14, v9  }
0x232: {  	v7 =	vmul.f32 v7, v16;
	v10 =	vmul.f32 v13, v10;
	v13 =	vld [tilespmem:s30+$0xF060]  }
0x233: {  	v5 =	vmul.f32 v5, v16;
	v8 =	vmul.f32 v17, v8;
	[tilespmem:s30+$0xF000] =	vst v9;
	v9 =	vld [tilespmem:s30+$0xF090]  }
0x234: {  	v6 =	vmul.f32 v6, v16;
	v7 =	vmul.f32 v20, v7;
	[tilespmem:s30+$0xF010] =	vst v10;
	v10 =	vld [tilespmem:s30+$0xF080]  }
0x235: {  	v4 =	vmul.f32 v4, v16;
	v5 =	vmul.f32 v57, v5;
	[tilespmem:s30+$0xF020] =	vst v8;
	v8 =	vld [tilespmem:s30+$0xF0A0]  }
0x236: {  	v2 =	vmul.f32 v2, v18;
	v17 =	vld [tilespmem:s30+$0xF0B0];
	v11 =	vmul.f32 v12, v11;
	[tilespmem:s30+$0xF050] =	vst v7  }
0x237: {  	v3 =	vmul.f32 v3, v18;
	v7 =	vld [tilespmem:s30+$0xF0C0];
	[tilespmem:s30+$0xF070] =	vst v5;
	v6 =	vmul.f32 v15, v6  }
0x238: {  	v0 =	vmul.f32 v0, v18;
	[tilespmem:s30+$0xF030] =	vst v11;
	v11 =	vld [tilespmem:s30+$0xF0F0];
	v4 =	vmul.f32 v13, v4  }
0x239: {  	v1 =	vmul.f32 v1, v18;
	[tilespmem:s30+$0xF040] =	vst v6;
	v6 =	vld [tilespmem:s30+$0xF0D0];
	v2 =	vmul.f32 v10, v2  }
0x23a: {  	[tilespmem:s30+$0xF060] =	vst v4;
	v3 =	vmul.f32 v9, v3;
	v4 =	vld [tilespmem:s30+$0xF0E0];
	v5 =	vmul.f32 v8, v0  }
0x23b: {  	v8 =	vmul.f32 v17, v1;
	[tilespmem:s30+$0xF080] =	vst v2;
	v2 =	vmul.f32 v63, v19  }
0x23c: {  	v9 =	vmul.f32 v62, v19;
	v10 =	vmul.f32 v60, v19;
	[tilespmem:s30+$0xF090] =	vst v3  }
0x23d: {  	v60 =	vld [tilespmem:s30+$0xF130];
	v3 =	vmul.f32 v61, v19;
	[tilespmem:s30+$0xF0B0] =	vst v8;
	v8 =	vimm.s32 $0x5;
	v2 =	vmul.f32 v7, v2  }
0x23e: {  	[tilespmem:s30+$0xF0A0] =	vst v5;
	v5 =	vmul.f32 v6, v9;
	v6 =	vld [tilespmem:s30+$0xF110];
	v8 =	vperm.xlane v24, v8  }
0x23f: {  	v7 =	vld [tilespmem:s30+$0xF100];
	v3 =	vmul.f32 v4, v3;
	v4 =	vmul.f32 v11, v10;
	[tilespmem:s30+$0xF0C0] =	vst v2;
	v2 =	vimm.s32 $0x4  }
0x240: {  	v9 =	vld [tilespmem:s30+$0xF120];
	v10 =	vimm.s32 $0x6;
	v11 =	vimm.s32 $0x7;
	v2 =	vperm.xlane v24, v2  }
0x241: {  	v62 =	vld [tilespmem:s30+$0xF150];
	[tilespmem:s30+$0xF0D0] =	vst v5;
	v10 =	vperm.xlane v24, v10;
	v11 =	vperm.xlane v24, v11  }
0x242: {  	v63 =	vld [tilespmem:s30+$0xF140];
	[tilespmem:s30+$0xF0E0] =	vst v3;
	v3 =	vmul.f32 v59, v2;
	v61 =	vmul.f32 v58, v2  }
0x243: {  	v5 =	vld [tilespmem:s30+$0xF170];
	[tilespmem:s30+$0xF0F0] =	vst v4;
	v4 =	vmul.f32 v55, v2;
	v2 =	vmul.f32 v56, v2  }
0x244: {  	v3 =	vmul.f32 v7, v3;
	v6 =	vmul.f32 v6, v61;
	v7 =	vld [tilespmem:s30+$0xF160]  }
0x245: {  	v4 =	vmul.f32 v9, v4;
	v2 =	vmul.f32 v60, v2  }
0x246: {  	v57 =	vld [tilespmem:s30+$0xF1A0];
	[tilespmem:s30+$0xF100] =	vst v3;
	v3 =	vmul.f32 v54, v8;
	v54 =	vmul.f32 v53, v8  }
0x247: {  	v55 =	vld [tilespmem:s30+$0xF190];
	[tilespmem:s30+$0xF110] =	vst v6;
	v6 =	vmul.f32 v51, v8;
	v8 =	vmul.f32 v52, v8  }
0x248: {  	v9 =	vld [tilespmem:s30+$0xF1B0];
	[tilespmem:s30+$0xF120] =	vst v4;
	v3 =	vmul.f32 v63, v3;
	v4 =	vmul.f32 v62, v54  }
0x249: {  	v20 =	vld [tilespmem:$0x1FF90];
	[tilespmem:s30+$0xF130] =	vst v2;
	v5 =	vmul.f32 v5, v8;
	v2 =	vmul.f32 v7, v6  }
0x24a: {  	v58 =	vld [tilespmem:s30+$0xF1C0];
	v7 =	vmul.f32 v49, v10;
	[tilespmem:s30+$0xF150] =	vst v4;
	v4 =	vmul.f32 v47, v10  }
0x24b: {  	v0 =	vld [tilespmem:s30+$0x93A0];
	[tilespmem:s30+$0xF140] =	vst v3;
	v3 =	vmul.f32 v50, v10;
	v10 =	vmul.f32 v48, v10  }
0x24c: {  	v59 =	vld [tilespmem:s30+$0xF1E0];
	v7 =	vmul.f32 v55, v7;
	v4 =	vmul.f32 v57, v4  }
0x24d: {  	v1 =	vld [tilespmem:s30+$0x93B0];
	[tilespmem:s30+$0xF170] =	vst v5;
	v5 =	vmul.f32 v9, v10;
	v9 =	vmul.f32 v46, v11  }
0x24e: {  	v6 =	vld [tilespmem:s30+$0xF1F0];
	[tilespmem:s30+$0xF190] =	vst v7  }
0x24f: {  	v8 =	vld [tilespmem:s30+$0xF1D0];
	v62 =	vimm.s32 $0xB;
	v7 =	vmul.f32 v44, v11;
	[tilespmem:s30+$0xF1A0] =	vst v4;
	v4 =	vmul.f32 v58, v9  }
0x250: {  	v56 =	vld [tilespmem:s30+$0xF180];
	v61 =	vimm.s32 $0xA;
	v14 =	vperm.xlane v24, v62;
	v10 =	vmul.f32 v45, v11;
	[tilespmem:s30+$0xF1B0] =	vst v5  }
0x251: {  	v11 =	vmul.f32 v43, v11;
	v5 =	vmul.f32 v59, v7;
	v7 =	vld [tilespmem:s30+$0xF200];
	[tilespmem:s30+$0xF1C0] =	vst v4;
	v4 =	vimm.s32 $0x8  }
0x252: {  	v13 =	vperm.xlane v24, v61;
	v9 =	vld [tilespmem:s30+$0xF210];
	v4 =	vperm.xlane v24, v4  }
0x253: {  	v48 =	vmul.f32 v29, v14;
	v6 =	vmul.f32 v6, v11;
	v11 =	vld [tilespmem:s30+$0xF220]  }
0x254: {  	v60 =	vld [tilespmem:s30+$0xF230];
	v8 =	vmul.f32 v8, v10;
	v10 =	vimm.s32 $0x9;
	[tilespmem:s30+$0xF1E0] =	vst v5;
	v5 =	vmul.f32 v42, v4  }
0x255: {  	v10 =	vperm.xlane v24, v10;
	v63 =	vmul.f32 v41, v4;
	v42 =	vld [tilespmem:s30+$0xF240]  }
0x256: {  	[tilespmem:s30+$0xF1F0] =	vst v6;
	v41 =	vld [tilespmem:s30+$0xF250];
	v6 =	vmul.f32 v39, v4;
	v5 =	vmul.f32 v7, v5  }
0x257: {  	[tilespmem:s30+$0xF1D0] =	vst v8;
	v4 =	vmul.f32 v40, v4;
	v7 =	vmul.f32 v9, v63;
	v9 =	vld [tilespmem:s30+$0xF260]  }
0x258: {  	v8 =	vld [tilespmem:s30+$0xF270];
	v6 =	vmul.f32 v11, v6;
	[tilespmem:s30+$0xF200] =	vst v5;
	v5 =	vmul.f32 v38, v10  }
0x259: {  	v45 =	vld [tilespmem:s30+$0xF280];
	v43 =	vmul.f32 v37, v10;
	v4 =	vmul.f32 v60, v4;
	[tilespmem:s30+$0xF210] =	vst v7  }
0x25a: {  	v44 =	vld [tilespmem:s30+$0xF290];
	v7 =	vmul.f32 v35, v10;
	[tilespmem:s30+$0xF220] =	vst v6;
	v5 =	vmul.f32 v42, v5  }
0x25b: {  	v46 =	vld [tilespmem:s30+$0xF2A0];
	v10 =	vmul.f32 v36, v10;
	[tilespmem:s30+$0xF230] =	vst v4;
	v6 =	vmul.f32 v41, v43  }
0x25c: {  	v11 =	vld [tilespmem:s30+$0xF2B0];
	v4 =	vmul.f32 v9, v7;
	[tilespmem:s30+$0xF240] =	vst v5;
	v5 =	vmul.f32 v34, v13  }
0x25d: {  	v47 =	vld [tilespmem:s30+$0xF2C0];
	v7 =	vmul.f32 v8, v10;
	v9 =	vmul.f32 v33, v13;
	[tilespmem:s30+$0xF250] =	vst v6  }
0x25e: {  	v10 =	vld [tilespmem:s30+$0xF2D0];
	v6 =	vmul.f32 v31, v13;
	[tilespmem:s30+$0xF260] =	vst v4;
	v4 =	vmul.f32 v45, v5  }
0x25f: {  	v8 =	vld [tilespmem:s30+$0xF2F0];
	v13 =	vmul.f32 v32, v13;
	[tilespmem:s30+$0xF270] =	vst v7;
	v5 =	vmul.f32 v44, v9  }
0x260: {  	v6 =	vmul.f32 v46, v6;
	v9 =	vld [tilespmem:s30+$0xF2E0];
	[tilespmem:s30+$0xF280] =	vst v4;
	v4 =	vmul.f32 v30, v14  }
0x261: {  	v61 =	vld [tilespmem:s30+$0xF3F0];
	v7 =	vmul.f32 v11, v13;
	[tilespmem:s30+$0xF290] =	vst v5;
	v5 =	vmul.f32 v28, v14  }
0x262: {  	v51 =	vld [tilespmem:s30+$0xF320];
	[tilespmem:s30+$0xF2A0] =	vst v6;
	v14 =	vmul.f32 v27, v14;
	v4 =	vmul.f32 v47, v4  }
0x263: {  	v6 =	vmul.f32 v10, v48;
	v10 =	vld [tilespmem:s30+$0xF310];
	[tilespmem:s30+$0xF2B0] =	vst v7  }
0x264: {  	v7 =	vmul.f32 v8, v14;
	v8 =	vld [tilespmem:s30+$0xF300];
	[tilespmem:s30+$0xF2C0] =	vst v4;
	v4 =	vimm.s32 $0xC  }
0x265: {  	v49 =	vld [tilespmem:s30+$0x93F0];
	v5 =	vmul.f32 v9, v5;
	v4 =	vperm.xlane v24, v4  }
0x266: {  	v62 =	vld [tilespmem:s30+$0xF3D0]  }
0x267: {  	v50 =	vld [tilespmem:s30+$0xF330];
	[tilespmem:s30+$0xF2E0] =	vst v5;
	v5 =	vmul.f32 v26, v4;
	v54 =	vmul.f32 v25, v4  }
0x268: {  	[tilespmem:s30+$0xF160] =	vst v2;
	v2 =	vld [tilespmem:s30+$0x93C0]  }
0x269: {  	v55 =	vld [tilespmem:s30+$0xF350];
	v5 =	vmul.f32 v8, v5;
	v8 =	vmul.f32 v10, v54  }
0x26a: {  	v3 =	vmul.f32 v56, v3;
	v56 =	vld [tilespmem:s30+$0xF340];
	v9 =	vimm.s32 $0xD  }
0x26b: {  	v9 =	vperm.xlane v24, v9;
	[tilespmem:s30+$0xF310] =	vst v8;
	v8 =	vld [tilespmem:$0x1FF80]  }
0x26c: {  	v58 =	vld [tilespmem:$0x1FF70]  }
0x26d: {  	v10 =	vld [tilespmem:s30+$0xF360];
	[tilespmem:s30+$0xF300] =	vst v5;
	v5 =	vmul.f32 v21, v9  }
0x26e: {  	v57 =	vld [tilespmem:s30+$0xF3B0];
	[tilespmem:s30+$0xF2F0] =	vst v7;
	v7 =	vmul.f32 v22, v4;
	v4 =	vmul.f32 v23, v4  }
0x26f: {  	[tilespmem:s30+$0xF180] =	vst v3;
	v3 =	vld [tilespmem:s30+$0x93D0];
	v5 =	vmul.f32 v56, v5  }
0x270: {  	[tilespmem:s30+$0xF2D0] =	vst v6;
	v6 =	vld [tilespmem:s30+$0xF370];
	v4 =	vmul.f32 v50, v4;
	v8 =	vmul.f32 v8, v9  }
0x271: {  	[tilespmem:s30+$0xF340] =	vst v5;
	v5 =	vld [tilespmem:$0x1FFA0]  }
0x272: {  	v15 =	vmul.f32 v58, v9;
	[tilespmem:s30+$0xF330] =	vst v4;
	v4 =	vmul.f32 v10, v8;
	v8 =	vld [tilespmem:$0x1FF60]  }
0x273: {  	v52 =	vimm.s32 $0xE;
	v7 =	vmul.f32 v51, v7;
	v9 =	vmul.f32 v20, v9;
	v20 =	vld [tilespmem:s30+$0xF380]  }
0x274: {  	v59 =	vld [tilespmem:s30+$0xF390];
	v14 =	vperm.xlane v24, v52  }
0x275: {  	v53 =	vimm.s32 $0xF;
	v60 =	vld [tilespmem:s30+$0xF3A0];
	[tilespmem:s30+$0xF320] =	vst v7;
	v7 =	vmul.f32 v55, v15  }
0x276: {  	v16 =	vperm.xlane v24, v53;
	v11 =	vld [tilespmem:s30+$0x93E0];
	v5 =	vmul.f32 v5, v14  }
0x277: {  	[tilespmem:s30+$0xF350] =	vst v7;
	v7 =	vld [tilespmem:s30+$0xF3C0];
	v6 =	vmul.f32 v6, v9;
	v8 =	vmul.f32 v8, v14  }
0x278: {  	s8 =	sshra.s32 s18, $0x2;
	v63 =	vld [tilespmem:s30+$0xF3E0];
	v0 =	vmul.f32 v0, v14;
	[tilespmem:s30+$0xF360] =	vst v4;
	v4 =	vmul.f32 v20, v5  }
0x279: {  	v1 =	vmul.f32 v1, v14;
	v9 =	vld [tilespmem:s8+$0x9000];
	[tilespmem:s30+$0xF370] =	vst v6;
	v5 =	vmul.f32 v59, v8  }
0x27a: {  	v2 =	vmul.f32 v2, v16;
	v0 =	vmul.f32 v60, v0;
	v10 =	vld [tilespmem:s8+$0x9010];
	[tilespmem:s30+$0xF380] =	vst v4  }
0x27b: {  	v3 =	vmul.f32 v3, v16;
	v1 =	vmul.f32 v57, v1;
	v8 =	vld [tilespmem:s8+$0x9020];
	[tilespmem:s30+$0xF390] =	vst v5  }
0x27c: {  	v4 =	vmul.f32 v11, v16;
	v11 =	vld [tilespmem:s8+$0x9030];
	[tilespmem:s30+$0xF3A0] =	vst v0;
	v0 =	vmul.f32 v7, v2  }
0x27d: {  	v5 =	vmul.f32 v49, v16;
	v2 =	vmul.f32 v62, v3;
	v6 =	vld [tilespmem:s8+$0x9040];
	[tilespmem:s30+$0xF3B0] =	vst v1  }
0x27e: {  	v1 =	vmul.f32 v63, v4;
	v7 =	vld [tilespmem:s8+$0x9050];
	[tilespmem:s30+$0xF3C0] =	vst v0  }
0x27f: {  	v3 =	vmul.f32 v61, v5;
	v4 =	vld [tilespmem:s8+$0x9060];
	[tilespmem:s30+$0xF3D0] =	vst v2  }
0x280: {  	v5 =	vld [tilespmem:s8+$0x9070];
	[tilespmem:s30+$0xF3E0] =	vst v1  }
0x281: {  	v2 =	vld [tilespmem:s8+$0x9080];
	[tilespmem:s30+$0xF3F0] =	vst v3;
	s30 =	smov.u32 s8  }
0x282: {  	v3 =	vld [tilespmem:s30+$0x9090]  }
0x283: {  	v0 =	vld [tilespmem:s30+$0x90A0]  }
0x284: {  	v1 =	vld [tilespmem:s30+$0x90B0]  }
0x285: {  	v63 =	vld [tilespmem:s30+$0x90C0]  }
0x286: {  	v62 =	vld [tilespmem:s30+$0x90D0]  }
0x287: {  	v61 =	vld [tilespmem:s30+$0x90E0]  }
0x288: {  	v60 =	vld [tilespmem:s30+$0x90F0]  }
0x289: {  	v59 =	vld [tilespmem:s30+$0x9100]  }
0x28a: {  	v58 =	vld [tilespmem:s30+$0x9110]  }
0x28b: {  	v55 =	vld [tilespmem:s30+$0x9120]  }
0x28c: {  	v56 =	vld [tilespmem:s30+$0x9130]  }
0x28d: {  	v54 =	vld [tilespmem:s30+$0x9140]  }
0x28e: {  	v53 =	vld [tilespmem:s30+$0x9150]  }
0x28f: {  	v51 =	vld [tilespmem:s30+$0x9160]  }
0x290: {  	v52 =	vld [tilespmem:s30+$0x9170]  }
0x291: {  	v50 =	vld [tilespmem:s30+$0x9180]  }
0x292: {  	v49 =	vld [tilespmem:s30+$0x9190]  }
0x293: {  	v47 =	vld [tilespmem:s30+$0x91A0]  }
0x294: {  	v48 =	vld [tilespmem:s30+$0x91B0]  }
0x295: {  	v46 =	vld [tilespmem:s30+$0x91C0]  }
0x296: {  	v45 =	vld [tilespmem:s30+$0x91D0]  }
0x297: {  	v44 =	vld [tilespmem:s30+$0x91E0]  }
0x298: {  	v43 =	vld [tilespmem:s30+$0x91F0]  }
0x299: {  	v42 =	vld [tilespmem:s30+$0x9200]  }
0x29a: {  	v41 =	vld [tilespmem:s30+$0x9210]  }
0x29b: {  	v39 =	vld [tilespmem:s30+$0x9220]  }
0x29c: {  	v40 =	vld [tilespmem:s30+$0x9230]  }
0x29d: {  	v38 =	vld [tilespmem:s30+$0x9240]  }
0x29e: {  	v37 =	vld [tilespmem:s30+$0x9250]  }
0x29f: {  	v35 =	vld [tilespmem:s30+$0x9260]  }
0x2a0: {  	v36 =	vld [tilespmem:s30+$0x9270]  }
0x2a1: {  	v34 =	vld [tilespmem:s30+$0x9280]  }
0x2a2: {  	v33 =	vld [tilespmem:s30+$0x9290]  }
0x2a3: {  	v31 =	vld [tilespmem:s30+$0x92A0]  }
0x2a4: {  	v32 =	vld [tilespmem:s30+$0x92B0]  }
0x2a5: {  	v30 =	vld [tilespmem:s30+$0x92C0]  }
0x2a6: {  	v29 =	vld [tilespmem:s30+$0x92D0]  }
0x2a7: {  	v28 =	vld [tilespmem:s30+$0x92E0]  }
0x2a8: {  	v27 =	vld [tilespmem:s30+$0x92F0]  }
0x2a9: {  	v26 =	vld [tilespmem:s30+$0x9300]  }
0x2aa: {  	v17 =	vld [tilespmem:s30+$0x9350]  }
0x2ab: {  	v18 =	vld [tilespmem:s30+$0x9360]  }
0x2ac: {  	v19 =	vld [tilespmem:s30+$0x9370]  }
0x2ad: {  	p2 =	sne.s32 s18, $0x7000;
	v57 =	vld [tilespmem:s30+$0x9380]  }
.Ltmp5:
0x2ae: {  	v25 =	vld [tilespmem:s30+$0x9310];
	(pc) =	sbr.rel @p2 .LBB2_9-.Ltmp5, $4  }
0x2af: {  	v22 =	vld [tilespmem:s30+$0x9320];
	[tilespmem:$0x1FF70] =	vst v17  }
0x2b0: {  	v23 =	vld [tilespmem:s30+$0x9330];
	[tilespmem:$0x1FF80] =	vst v18  }
0x2b1: {  	s24 =	sadd.s32 $0x10, s24;
	v21 =	vld [tilespmem:s30+$0x9340];
	[tilespmem:$0x1FF90] =	vst v19  }
0x2b2: {  	s18 =	sadd.s32 $0x1000, s18;
	v24 =	vld [tilespmem:s24+$0x0];
	[tilespmem:$0x1FFA0] =	vst v57  }
0x2b3: {  	_ =	sdelay $0x2  }
0x2b4: {  	v14 =	vld [tilespmem:s30+$0xF010];
	v16 =	vimm.s32 $0x0  }
0x2b5: {  	v16 =	vperm.xlane v24, v16;
	_ =	sdelay $0x1  }
0x2b6: {  	v10 =	vmul.f32 v10, v16  }
0x2b7: {  	v15 =	vld [tilespmem:s30+$0xF000]  }
0x2b8: {  	v17 =	vld [tilespmem:s30+$0xF020];
	v10 =	vmul.f32 v14, v10;
	_ =	sdelay $0x1  }
0x2b9: {  	v20 =	vld [tilespmem:s30+$0xF040];
	v9 =	vmul.f32 v9, v16;
	[tilespmem:s30+$0xF010] =	vst v10;
	v10 =	vimm.s32 $0x1  }
0x2ba: {  	v13 =	vld [tilespmem:s30+$0xF030];
	v8 =	vmul.f32 v8, v16;
	v10 =	vperm.xlane v24, v10  }
0x2bb: {  	v19 =	vld [tilespmem:s30+$0xF050];
	v9 =	vmul.f32 v15, v9  }
0x2bc: {  	v18 =	vld [tilespmem:s30+$0xF070];
	v8 =	vmul.f32 v17, v8;
	v6 =	vmul.f32 v6, v10  }
0x2bd: {  	v15 =	vld [tilespmem:s30+$0xF060];
	[tilespmem:s30+$0xF000] =	vst v9;
	v9 =	vmul.f32 v11, v16;
	v7 =	vmul.f32 v7, v10  }
0x2be: {  	[tilespmem:s30+$0xF020] =	vst v8;
	v8 =	vld [tilespmem:s30+$0xF0A0];
	v4 =	vmul.f32 v4, v10;
	v6 =	vmul.f32 v20, v6;
	v20 =	vimm.s32 $0x2  }
0x2bf: {  	v57 =	vld [tilespmem:s30+$0xF0B0];
	v5 =	vmul.f32 v5, v10;
	v10 =	vperm.xlane v24, v20  }
0x2c0: {  	v9 =	vmul.f32 v13, v9;
	v7 =	vmul.f32 v19, v7  }
0x2c1: {  	v5 =	vmul.f32 v18, v5;
	v19 =	vmul.f32 v0, v10  }
0x2c2: {  	[tilespmem:s30+$0xF030] =	vst v9;
	v4 =	vmul.f32 v15, v4;
	v20 =	vimm.s32 $0x3;
	v1 =	vmul.f32 v1, v10  }
0x2c3: {  	v9 =	vld [tilespmem:s30+$0xF0F0];
	[tilespmem:s30+$0xF070] =	vst v5;
	v5 =	vmul.f32 v8, v19;
	v8 =	vperm.xlane v24, v20  }
0x2c4: {  	[tilespmem:s30+$0xF050] =	vst v7;
	v7 =	vld [tilespmem:s30+$0xF0C0];
	v1 =	vmul.f32 v57, v1  }
0x2c5: {  	[tilespmem:s30+$0xF060] =	vst v4;
	v4 =	vld [tilespmem:s30+$0xF0E0];
	v57 =	vmul.f32 v63, v8;
	v62 =	vmul.f32 v62, v8  }
0x2c6: {  	v18 =	vmul.f32 v61, v8;
	v8 =	vmul.f32 v60, v8  }
0x2c7: {  	v20 =	vimm.s32 $0x4;
	v63 =	vld [tilespmem:s30+$0xF100]  }
0x2c8: {  	[tilespmem:s30+$0xF0A0] =	vst v5;
	v5 =	vld [tilespmem:s30+$0xF110];
	v8 =	vmul.f32 v9, v8;
	v9 =	vperm.xlane v24, v20  }
0x2c9: {  	v19 =	vld [tilespmem:s30+$0xF120];
	v7 =	vmul.f32 v7, v57  }
0x2ca: {  	v14 =	vld [tilespmem:s30+$0xF080];
	v4 =	vmul.f32 v4, v18;
	v18 =	vimm.s32 $0x5;
	v59 =	vmul.f32 v59, v9  }
0x2cb: {  	v60 =	vld [tilespmem:s30+$0xF140];
	[tilespmem:s30+$0xF0C0] =	vst v7;
	v61 =	vmul.f32 v58, v9;
	v7 =	vperm.xlane v24, v18  }
0x2cc: {  	v11 =	vld [tilespmem:s30+$0xF090];
	[tilespmem:s30+$0xF0B0] =	vst v1;
	v1 =	vmul.f32 v63, v59;
	v63 =	vmul.f32 v55, v9  }
0x2cd: {  	v2 =	vmul.f32 v2, v10;
	v5 =	vmul.f32 v5, v61  }
0x2ce: {  	[tilespmem:s30+$0xF100] =	vst v1;
	v1 =	vmul.f32 v19, v63;
	v19 =	vmul.f32 v54, v7  }
0x2cf: {  	v3 =	vmul.f32 v3, v10  }
0x2d0: {  	v13 =	vmul.f32 v14, v2;
	[tilespmem:s30+$0xF110] =	vst v5;
	v5 =	vld [tilespmem:s30+$0xF180];
	v20 =	vmul.f32 v60, v19;
	v60 =	vimm.s32 $0x6  }
0x2d1: {  	v3 =	vmul.f32 v11, v3;
	v11 =	vld [tilespmem:s30+$0xF190];
	[tilespmem:s30+$0xF0F0] =	vst v8;
	v8 =	vperm.xlane v24, v60  }
0x2d2: {  	[tilespmem:s30+$0xF040] =	vst v6;
	v6 =	vld [tilespmem:s30+$0xF0D0]  }
0x2d3: {  	[tilespmem:s30+$0xF080] =	vst v13;
	v13 =	vld [tilespmem:s30+$0xF1B0];
	v63 =	vmul.f32 v50, v8  }
0x2d4: {  	[tilespmem:s30+$0xF140] =	vst v20;
	v19 =	vmul.f32 v49, v8;
	v20 =	vmul.f32 v47, v8  }
0x2d5: {  	[tilespmem:s30+$0xF0E0] =	vst v4;
	v61 =	vld [tilespmem:s30+$0xF1C0];
	v8 =	vmul.f32 v48, v8;
	v47 =	vimm.s32 $0x7;
	v4 =	vmul.f32 v5, v63  }
0x2d6: {  	v57 =	vld [tilespmem:s30+$0xF150];
	v5 =	vmul.f32 v11, v19;
	v11 =	vperm.xlane v24, v47  }
0x2d7: {  	v6 =	vmul.f32 v6, v62;
	v59 =	vld [tilespmem:s30+$0xF1D0]  }
0x2d8: {  	[tilespmem:s30+$0xF090] =	vst v3;
	v3 =	vld [tilespmem:s30+$0xF130];
	v8 =	vmul.f32 v13, v8;
	v13 =	vmul.f32 v46, v11  }
0x2d9: {  	v62 =	vld [tilespmem:s30+$0xF160];
	v9 =	vmul.f32 v56, v9;
	v54 =	vmul.f32 v53, v7  }
0x2da: {  	v55 =	vld [tilespmem:s30+$0xF1F0];
	v10 =	vmul.f32 v61, v13;
	v13 =	vmul.f32 v45, v11  }
0x2db: {  	[tilespmem:s30+$0xF0D0] =	vst v6;
	v6 =	vld [tilespmem:s30+$0xF170];
	v58 =	vmul.f32 v52, v7;
	v56 =	vmul.f32 v57, v54  }
0x2dc: {  	v18 =	vld [tilespmem:s30+$0xF1E0];
	v57 =	vmul.f32 v51, v7;
	v7 =	vmul.f32 v59, v13  }
0x2dd: {  	v13 =	vmul.f32 v44, v11;
	v11 =	vmul.f32 v43, v11  }
0x2de: {  	v3 =	vmul.f32 v3, v9;
	v53 =	vimm.s32 $0x8;
	v50 =	vld [tilespmem:s30+$0xF200]  }
0x2df: {  	v9 =	vmul.f32 v55, v11;
	v11 =	vperm.xlane v24, v53  }
0x2e0: {  	v12 =	vld [tilespmem:s30+$0x9390];
	[tilespmem:s30+$0xF120] =	vst v1;
	v1 =	vmul.f32 v62, v57;
	v62 =	vmul.f32 v6, v58  }
0x2e1: {  	v57 =	vimm.s32 $0x9;
	v6 =	vmul.f32 v18, v13;
	v55 =	vld [tilespmem:s30+$0xF240];
	v13 =	vmul.f32 v42, v11  }
0x2e2: {  	v51 =	vld [tilespmem:s30+$0xF220];
	[tilespmem:s30+$0xF1C0] =	vst v10;
	v10 =	vperm.xlane v24, v57  }
0x2e3: {  	[tilespmem:s30+$0xF1B0] =	vst v8;
	v8 =	vmul.f32 v50, v13;
	v13 =	vld [tilespmem:s30+$0xF260]  }
0x2e4: {  	v14 =	vld [tilespmem:s30+$0xF1A0];
	v59 =	vmul.f32 v38, v10  }
0x2e5: {  	v17 =	vld [tilespmem:s30+$0xF3B0];
	[tilespmem:s30+$0xF150] =	vst v56;
	v63 =	vmul.f32 v35, v10  }
0x2e6: {  	v15 =	vld [tilespmem:s30+$0xF2B0];
	[tilespmem:s30+$0xF1F0] =	vst v9;
	v56 =	vmul.f32 v39, v11;
	v9 =	vmul.f32 v55, v59  }
0x2e7: {  	v0 =	vld [tilespmem:s30+$0x93B0];
	[tilespmem:s30+$0xF200] =	vst v8  }
0x2e8: {  	v54 =	vld [tilespmem:s30+$0xF250];
	v8 =	vmul.f32 v51, v56;
	[tilespmem:s30+$0xF240] =	vst v9;
	v9 =	vmul.f32 v13, v63;
	v13 =	vimm.s32 $0xA  }
0x2e9: {  	v2 =	vld [tilespmem:s30+$0x93A0];
	[tilespmem:s30+$0xF180] =	vst v4;
	v4 =	vmul.f32 v14, v20;
	v38 =	vimm.s32 $0xB;
	v13 =	vperm.xlane v24, v13  }
0x2ea: {  	v52 =	vld [tilespmem:s30+$0xF270];
	v61 =	vmul.f32 v37, v10;
	[tilespmem:s30+$0xF220] =	vst v8;
	v8 =	vperm.xlane v24, v38  }
0x2eb: {  	v19 =	vld [tilespmem:s30+$0xF2C0];
	v20 =	vmul.f32 v34, v13;
	v35 =	vmul.f32 v33, v13  }
0x2ec: {  	v48 =	vld [tilespmem:s30+$0xF230];
	v37 =	vmul.f32 v31, v13;
	v13 =	vmul.f32 v32, v13  }
0x2ed: {  	v18 =	vld [tilespmem:s30+$0xF2D0];
	[tilespmem:s30+$0xF1E0] =	vst v6;
	v6 =	vmul.f32 v54, v61  }
0x2ee: {  	[tilespmem:s30+$0xF130] =	vst v3;
	v3 =	vld [tilespmem:s30+$0x93D0];
	v13 =	vmul.f32 v15, v13;
	v15 =	vmul.f32 v30, v8  }
0x2ef: {  	v60 =	vld [tilespmem:s30+$0xF2A0];
	[tilespmem:s30+$0xF170] =	vst v62;
	v14 =	vmul.f32 v41, v11;
	v11 =	vmul.f32 v40, v11  }
0x2f0: {  	v62 =	vld [tilespmem:s30+$0xF2F0];
	[tilespmem:s30+$0xF250] =	vst v6;
	v6 =	vmul.f32 v19, v15;
	v15 =	vmul.f32 v29, v8  }
0x2f1: {  	v49 =	vld [tilespmem:s30+$0xF210];
	[tilespmem:s30+$0xF160] =	vst v1  }
0x2f2: {  	[tilespmem:s30+$0xF190] =	vst v5;
	v5 =	vmul.f32 v48, v11;
	v34 =	vld [tilespmem:s30+$0xF2E0];
	v11 =	vmul.f32 v18, v15  }
0x2f3: {  	v58 =	vld [tilespmem:s30+$0xF280];
	[tilespmem:s30+$0xF1A0] =	vst v4;
	v15 =	vmul.f32 v28, v8;
	v8 =	vmul.f32 v27, v8  }
0x2f4: {  	v43 =	vimm.s32 $0xC;
	v10 =	vmul.f32 v36, v10;
	[tilespmem:s30+$0xF2B0] =	vst v13;
	v13 =	vld [tilespmem:s30+$0xF300]  }
0x2f5: {  	v1 =	vld [tilespmem:s30+$0x93C0];
	[tilespmem:s30+$0xF230] =	vst v5;
	v5 =	vmul.f32 v62, v8;
	v8 =	vperm.xlane v24, v43  }
0x2f6: {  	v45 =	vld [tilespmem:s30+$0xF340];
	[tilespmem:s30+$0xF1D0] =	vst v7;
	v7 =	vmul.f32 v52, v10;
	v4 =	vmul.f32 v49, v14  }
0x2f7: {  	v14 =	vld [tilespmem:s30+$0xF290];
	[tilespmem:s30+$0xF260] =	vst v9;
	v9 =	vmul.f32 v34, v15;
	v15 =	vmul.f32 v26, v8  }
0x2f8: {  	v41 =	vld [tilespmem:s30+$0xF320]  }
0x2f9: {  	v44 =	vld [tilespmem:s30+$0xF350];
	[tilespmem:s30+$0xF270] =	vst v7;
	v13 =	vmul.f32 v13, v15  }
0x2fa: {  	v53 =	vld [tilespmem:$0x1FF90];
	[tilespmem:s30+$0xF210] =	vst v4;
	v4 =	vmul.f32 v58, v20  }
0x2fb: {  	v40 =	vld [tilespmem:s30+$0xF310];
	[tilespmem:s30+$0xF300] =	vst v13;
	v13 =	vmul.f32 v22, v8  }
0x2fc: {  	v49 =	vld [tilespmem:$0x1FF70];
	v10 =	vmul.f32 v14, v35;
	[tilespmem:s30+$0xF280] =	vst v4  }
0x2fd: {  	v39 =	vld [tilespmem:s30+$0xF330];
	v4 =	vmul.f32 v60, v37;
	[tilespmem:s30+$0xF2C0] =	vst v6;
	v6 =	vmul.f32 v41, v13;
	v13 =	vimm.s32 $0xD  }
0x2fe: {  	v51 =	vld [tilespmem:$0x1FF80];
	[tilespmem:s30+$0xF290] =	vst v10;
	v13 =	vperm.xlane v24, v13  }
0x2ff: {  	v42 =	vld [tilespmem:s30+$0xF370];
	[tilespmem:s30+$0xF2A0] =	vst v4;
	v16 =	vmul.f32 v25, v8  }
0x300: {  	[tilespmem:s30+$0xF2D0] =	vst v11;
	v15 =	vld [tilespmem:s30+$0xF360];
	v8 =	vmul.f32 v23, v8;
	v47 =	vmul.f32 v21, v13  }
0x301: {  	v56 =	vld [tilespmem:$0x1FFA0];
	[tilespmem:s30+$0xF2E0] =	vst v9;
	v4 =	vmul.f32 v40, v16;
	v10 =	vmul.f32 v49, v13  }
0x302: {  	v46 =	vld [tilespmem:s30+$0xF380];
	[tilespmem:s30+$0xF2F0] =	vst v5;
	v8 =	vmul.f32 v39, v8;
	v5 =	vmul.f32 v45, v47  }
0x303: {  	v36 =	vld [tilespmem:s30+$0x93E0];
	v52 =	vimm.s32 $0xE;
	[tilespmem:s30+$0xF310] =	vst v4;
	v9 =	vmul.f32 v44, v10;
	v10 =	vmul.f32 v51, v13  }
0x304: {  	v16 =	vld [tilespmem:s30+$0xF390];
	v13 =	vmul.f32 v53, v13;
	[tilespmem:s30+$0xF340] =	vst v5;
	v5 =	vperm.xlane v24, v52  }
0x305: {  	v48 =	vld [tilespmem:s30+$0xF3A0];
	[tilespmem:s30+$0xF320] =	vst v6;
	v10 =	vmul.f32 v15, v10  }
0x306: {  	v57 =	vimm.s32 $0xF;
	v54 =	vld [tilespmem:s30+$0xF3D0];
	[tilespmem:s30+$0xF330] =	vst v8;
	v55 =	vmul.f32 v42, v13;
	v11 =	vmul.f32 v56, v5  }
0x307: {  	v13 =	vld [tilespmem:s30+$0xF3C0];
	[tilespmem:s30+$0xF360] =	vst v10;
	v10 =	vperm.xlane v24, v57;
	v12 =	vmul.f32 v12, v5  }
0x308: {  	v14 =	vld [tilespmem:s30+$0x93F0];
	[tilespmem:s30+$0xF350] =	vst v9;
	v2 =	vmul.f32 v2, v5;
	v4 =	vmul.f32 v46, v11  }
0x309: {  	v58 =	vld [tilespmem:s30+$0xF3E0];
	v0 =	vmul.f32 v0, v5;
	[tilespmem:s30+$0xF370] =	vst v55;
	v59 =	vmul.f32 v16, v12  }
0x30a: {  	v50 =	vld [tilespmem:s30+$0xF3F0];
	v2 =	vmul.f32 v48, v2;
	v1 =	vmul.f32 v1, v10;
	[tilespmem:s30+$0xF380] =	vst v4  }
0x30b: {  	v0 =	vmul.f32 v17, v0;
	v3 =	vmul.f32 v3, v10;
	[tilespmem:s30+$0xF390] =	vst v59  }
0x30c: {  	s5 =	sadd.s32 $0x1, s5;
	v60 =	vmul.f32 v36, v10;
	[tilespmem:s30+$0xF3A0] =	vst v2;
	v1 =	vmul.f32 v13, v1  }
0x30d: {  	p2 =	sne.s32 s5, $0x8;
	v61 =	vmul.f32 v14, v10;
	v3 =	vmul.f32 v54, v3;
	[tilespmem:s30+$0xF3B0] =	vst v0  }
.Ltmp6:
0x30e: {  	v62 =	vmul.f32 v58, v60;
	[tilespmem:s30+$0xF3C0] =	vst v1;
	(pc) =	sbr.rel @p2 .LBB2_6-.Ltmp6, $4  }
0x30f: {  	v63 =	vmul.f32 v50, v61;
	[tilespmem:s30+$0xF3D0] =	vst v3  }
0x310: {  	[tilespmem:s30+$0xF3E0] =	vst v62  }
0x311: {  	s10 =	sadd.s32 $0x100, s10;
	s25 =	sadd.s32 $0x100, s25;
	[tilespmem:s30+$0xF3F0] =	vst v63  }
0x312: {  	v15 =	vimm.s32 $0x0;
	[spmem:s3] =	stream.indirect.scatter.add.f32 [tilespmem:s14], [sflag:$0x6], $0x1, s9, s29, $0xb8;
	[tilespmem:$0x19240] =	vst v63  }
0x313: {  	s5 =	simm.s32 $0x6  }
0x314: {  	_ =	swait.ge [sflag:s5], $0x2000  }
0x315: {  	[sflag:s5] =	ssyncset.done $0x0  }
0x316: {  	[sflag:s5] =	ssyncadd.s32 $0xFFFFE000  }
0x317: {  	s8 =	simm.s32 $0x11000;
	[bflag:$0x0] =	sbarrier.arrive $0xFFFF  }
.Ltmp7:
0x318: {  	s19 =	simm.s32 $0x7;
	s30 =	rddreg [dreg:$0xa];
	(pc) =	sbr.rel @p0 .LBB2_20-.Ltmp7, $4  }
0x319: {  	[tilespmem:s8], [sflag:$0x7] =	stream.linear.gather [spmem:s30], $0x2060, $0x38;
	[tilespmem:$0x19240] =	vst v63  }
0x31a: {  	_ =	swait.ge [sflag:s19], $0x2060  }
0x31b: {  	[sflag:s19] =	ssyncset.done $0x0  }
0x31c: {  	s18 =	simm.s32 $0x0;
	v10 =	vimm.f32 $0.0e+00;
	s10 =	rddreg [dreg:$0x19];
	[sflag:s19] =	ssyncadd.s32 $0xFFFFDFA0  }
.Ltmp8:
0x31d: {  	(pc) =	sbr.rel @!p1 .LBB2_13-.Ltmp8, $1  }
0x31e: {  	_ =	sdelay $0x3  }
0x31f: {  	s5 =	simm.s32 $0x40;
	s10 =	simm.s32 $0x0  }
.LBB2_15:
0x320: {  	p2 =	sne.s32 s5, $0x8140;
	[tilespmem:s10+$0x13080] =	vst v10;
	s8 =	smov.u32 s5;
	s5 =	sadd.s32 $0x40, s5  }
.Ltmp9:
0x321: {  	(pc) =	sbr.rel @p2 .LBB2_15-.Ltmp9, $2  }
0x322: {  	_ =	sdelay $0x2  }
0x323: {  	s10 =	sshra.s32 s8, $0x2  }
0x324: {  	[tilespmem:s10+$0x13080] =	vst v10;
	s5 =	rddreg [dreg:$0x15];
	s8 =	simm.s32 $0x13080  }
0x325: {  	[tilespmem:s8], [sflag:$0x7] =	stream.linear.gather [hbm4b:s5+s18], $0x1E60, $0x38;
	[tilespmem:$0x19240] =	vst v63  }
0x326: {  	_ =	swait.ge [sflag:s19], $0x1E60  }
0x327: {  	s30 =	simm.s32 $0x14EE0;
	[sflag:s19] =	ssyncset.done $0x0  }
.Ltmp10:
0x328: {  	s28 =	rddreg [dreg:$0x16];
	[sflag:s19] =	ssyncadd.s32 $0xFFFFE1A0;
	(pc) =	sbr.rel .LBB2_17-.Ltmp10, $4  }
0x329: {  	[tilespmem:s30], [sflag:$0x7] =	stream.linear.gather [hbm4b:s28+s18], $0x2, $0x38;
	[tilespmem:$0x19240] =	vst v63  }
0x32a: {  	_ =	swait.ge [sflag:s19], $0x2  }
0x32b: {  	[sflag:s19] =	ssyncset.done $0x0  }
0x32c: {  	[sflag:s19] =	ssyncadd.s32 $0xFFFFFFFE  }
.LBB2_13:
0x32d: {  	s5 =	rddreg [dreg:$0x14];
	s8 =	simm.s32 $0x13080  }
0x32e: {  	[tilespmem:s8], [sflag:$0x7] =	stream.linear.gather [hbm4b:s5+s18], $0x2060, $0x38;
	[tilespmem:$0x19240] =	vst v63  }
0x32f: {  	_ =	swait.ge [sflag:s19], $0x2060  }
0x330: {  	[sflag:s19] =	ssyncset.done $0x0  }
0x331: {  	[sflag:s19] =	ssyncadd.s32 $0xFFFFDFA0  }
.LBB2_17:
0x332: {  	s5 =	simm.s32 $0x0  }
0x333: {  	s10 =	simm.s32 $0x40;
	v0 =	vld [tilespmem:s5+$0x13080]  }
.LBB2_18:
0x334: {  	p2 =	sne.s32 s10, $0x8140;
	v1 =	vld [tilespmem:s5+$0x11000];
	_ =	sdelay $0x2  }
.Ltmp11:
0x335: {  	(pc) =	sbr.rel @p2 .LBB2_18-.Ltmp11, $4  }
0x336: {  	_ = 	snop  }
0x337: {  	v1 =	vsub.f32 v1, v0  }
0x338: {  	s8 =	sshra.s32 s10, $0x2  }
0x339: {  	s10 =	sadd.s32 $0x40, s10;
	v0 =	vld [tilespmem:s8+$0x13080];
	[tilespmem:s5+$0x11000] =	vst v1;
	s5 =	smov.u32 s8  }
0x33a: {  	v1 =	vld [tilespmem:s5+$0x11000];
	_ =	sdelay $0x2  }
.Ltmp12:
0x33b: {  	_ = 	snop;
	(pc) =	sbr.rel .LBB2_20-.Ltmp12, $3  }
0x33c: {  	_ = 	snop  }
0x33d: {  	v0 =	vsub.f32 v1, v0;
	_ =	sdelay $0x1  }
0x33e: {  	s10 =	rddreg [dreg:$0x19];
	[tilespmem:s5+$0x11000] =	vst v0  }
.LBB2_21:
0x33f: {  	_ =	sfence.sel $0x180000  }
0x340: {  	[bflag:$0x0] =	sbarrier.arrive $0xFFFF  }
0x341: {  	_ =	strace $0x90000047  }
0x342: {  	s0 =	stileid.u32;
	[bflag:$0x2] =	sbarrier.arrive $0xFFFF  }
0x343: {  	p0 =	sne.s32 s0, $0x0;
	s0 =	rddreg [dreg:$0x7]  }
0x344: {  	s0 =	sadd.s32 @!p0 $0x100000, s0  }
0x345: {  	[sflag:s0] =	ssyncadd.tile.s32 @!p0 $0x1;
	_ =	shalt  }
.Lfunc_end2:
_tile_overlayer_lowered:
.L_overlay_start_2:
0x346: {  	(tag) =	ssettag $0x2  }
0x347: {  	s0 =	rddreg [dreg:$0x0];
	s2 =	stileid.u32  }
0x348: {  	s1 =	rddreg [dreg:$0x1];
	p0 =	sne.s32 s2, $0x0  }
0x349: {  	s3 =	rddreg [dreg:$0x2];
	[bflag:$0x3] =	sbarrier.arrive $0xFFFF;
	s2 =	simm.s32 @!p0 $0x1C07  }
0x34a: {  	[timem:s3], [sflag:s2] =	dma.local @!p0 [hbm:s0], s1  }
0x34b: {  	s0 =	simm.s32 @!p0 $0x7  }
0x34c: {  	_ =	swait.ge @!p0 [sflag:s0], s1  }
0x34d: {  	s1 =	ssub.s32 @!p0 $0x0, s1;
	[sflag:s0] =	ssyncset.done @!p0 $0x0  }
0x34e: {  	[sflag:s0] =	ssyncadd.s32 @!p0 s1  }
0x34f: {  	[bflag:$0x3] =	sbarrier.arrive $0xFFFF  }
0x350: {  	_ =	shalt  }

</sc_bundles>
